<compile_context>
chip_gen: v7x
topology: tpu7x:2x2x1
jax: 0.10.2.dev20260603
libtpu: 0.0.44.dev20260713+nightly
codegen_flags: <defaults>
</compile_context>

<pallas_src>
import functools

import jax
import jax.numpy as jnp
from jax import lax
from jax.experimental import pallas as pl
from jax.experimental.pallas import tpu as pltpu
from jax.experimental.pallas import tpu_sc as plsc

N_NODES = 50000
E = 800000
D = 64
NC = 2
NS = 16
L = 16

NB = 51200
SL = NB // NS
EPT = E // NS
CH = 2000
NCHUNK = EPT // CH
NSLOT = 4

_mesh = plsc.VectorSubcoreMesh(
    core_axis_name="c", subcore_axis_name="s", num_cores=NC, num_subcores=NS)
_sc_params = pltpu.CompilerParams(needs_layout_passes=False)


def _unrolled_fori(n, unroll, body):
    assert n % unroll == 0

    def outer(j, _):
        for u in range(unroll):
            body(j * unroll + u)
        return 0

    lax.fori_loop(0, n // unroll, outer, 0)


def _rsqrt16(x):
    i = plsc.bitcast(x, jnp.int32)
    i = 0x5F3759DF - lax.shift_right_logical(i, 1)
    y = plsc.bitcast(i, jnp.float32)
    for _ in range(3):
        y = y * (1.5 - 0.5 * x * y * y)
    return jnp.where(x > 0.0, y, 0.0)


_RSB = 10000


def _rowsums_body(ut_ref, it_ref, su_ref, si_ref):
    ones_d = jnp.ones((D,), jnp.float32)
    su_ref[0, 0, :] = jnp.matmul(ut_ref[...], ones_d)
    si_ref[0, 0, :] = jnp.matmul(it_ref[...], ones_d)


_rowsums = pl.pallas_call(
    _rowsums_body,
    grid=(N_NODES // _RSB,),
    in_specs=[
        pl.BlockSpec((_RSB, D), lambda g: (g, 0)),
        pl.BlockSpec((_RSB, D), lambda g: (g, 0)),
    ],
    out_specs=[
        pl.BlockSpec((1, 1, _RSB), lambda g: (g, 0, 0)),
        pl.BlockSpec((1, 1, _RSB), lambda g: (g, 0, 0)),
    ],
    out_shape=[
        jax.ShapeDtypeStruct((N_NODES // _RSB, 1, _RSB), jnp.float32),
        jax.ShapeDtypeStruct((N_NODES // _RSB, 1, _RSB), jnp.float32),
    ],
)


@functools.partial(
    pl.kernel,
    out_type=jax.ShapeDtypeStruct((2 * E,), jnp.float32),
    mesh=_mesh,
    compiler_params=_sc_params,
    scratch_types=[
        pltpu.VMEM((NB,), jnp.float32),
        pltpu.VMEM((NB,), jnp.float32),
        pltpu.VMEM((2 * CH,), jnp.int32),
        pltpu.VMEM((2 * CH,), jnp.int32),
        pltpu.VMEM((2 * CH,), jnp.float32),
        pltpu.VMEM((SL,), jnp.float32),
        pltpu.VMEM_SHARED((NSLOT * NB,), jnp.float32),
        pltpu.SemaphoreType.DMA,
        pltpu.SemaphoreType.DMA,
        pltpu.SemaphoreType.DMA,
        pltpu.SemaphoreType.DMA,
    ],
)
def _fused(tab2, ft, ef_hbm, o2_hbm,
           bufA, bufB, fch, tch, och, gsl, sp,
           sin0, sin1, sout0, sout1):
    c = lax.axis_index("c")
    s = lax.axis_index("s")
    base0 = s * EPT
    zeros16 = jnp.zeros((L,), jnp.float32)
    ones16 = jnp.ones((L,), jnp.float32)

    def zbody(i):
        bufA[pl.ds(i * L, L)] = zeros16

    _unrolled_fori(NB // L, 8, zbody)

    def _h_start(k, buf, sem):
        pltpu.make_async_copy(
            ef_hbm.at[pl.ds(E + base0 + k * CH, CH)],
            fch.at[pl.ds(buf * CH, CH)], sem).start()

    def _h_wait(k, buf, sem):
        pltpu.make_async_copy(
            ef_hbm.at[pl.ds(E + base0 + k * CH, CH)],
            fch.at[pl.ds(buf * CH, CH)], sem).wait()

    def _h_compute(buf):
        def body(i):
            plsc.addupdate_scatter(
                bufA, [fch[pl.ds(buf * CH + i * L, L)]], ones16)

        _unrolled_fori(CH // L, 5, body)

    _h_start(0, 0, sin0)
    _h_start(1, 1, sin1)

    def h_pair(j, _):
        k0 = j * 2
        _h_wait(k0, 0, sin0)
        _h_compute(0)

        @pl.when(k0 + 2 < NCHUNK)
        def _():
            _h_start(k0 + 2, 0, sin0)

        _h_wait(k0 + 1, 1, sin1)
        _h_compute(1)

        @pl.when(k0 + 3 < NCHUNK)
        def _():
            _h_start(k0 + 3, 1, sin1)

        return 0

    lax.fori_loop(0, (NCHUNK - 1) // 2, h_pair, 0)
    _h_wait(NCHUNK - 1, 0, sin0)
    _h_compute(0)

    for r in range(NS // NSLOT):
        @pl.when((s >= NSLOT * r) & (s < NSLOT * (r + 1)))
        def _():
            pltpu.sync_copy(bufA, sp.at[pl.ds((s - NSLOT * r) * NB, NB)])

        plsc.subcore_barrier()
        for j in range(NSLOT):
            pltpu.sync_copy(sp.at[pl.ds(j * NB + s * SL, SL)], gsl)
            first = (r == 0 and j == 0)

            def abody(i, first=first):
                sl = pl.ds(i * L, L)
                if first:
                    och[sl] = gsl[sl]
                else:
                    och[sl] = och[sl] + gsl[sl]

            _unrolled_fori(SL // L, 8, abody)
        plsc.subcore_barrier()

    def dbody(i):
        sl = pl.ds(i * L, L)
        och[sl] = _rsqrt16(och[sl])

    _unrolled_fori(SL // L, 4, dbody)

    pltpu.sync_copy(tab2.at[pl.ds(c * N_NODES, N_NODES)],
                    bufB.at[pl.ds(0, N_NODES)])
    pltpu.sync_copy(ft.at[pl.ds(c * NB + s * SL, SL)], fch.at[pl.ds(0, SL)])

    def gbody(i):
        sl = pl.ds(i * L, L)
        gsl[sl] = och[sl] * plsc.load_gather(bufB, [fch[sl]])

    _unrolled_fori(SL // L, 5, gbody)
    pltpu.sync_copy(och.at[pl.ds(0, SL)], sp.at[pl.ds(s * SL, SL)])
    pltpu.sync_copy(gsl, sp.at[pl.ds(NB + s * SL, SL)])
    plsc.subcore_barrier()

    pltpu.sync_copy(sp.at[pl.ds(0, NB)], bufA)
    pltpu.sync_copy(sp.at[pl.ds(NB, NB)], bufB)
    obase0 = c * E + base0

    def _start_in(k, buf, sem):
        pltpu.make_async_copy(
            ef_hbm.at[pl.ds(base0 + k * CH, CH)],
            fch.at[pl.ds(buf * CH, CH)], sem).start()
        pltpu.make_async_copy(
            ef_hbm.at[pl.ds(E + base0 + k * CH, CH)],
            tch.at[pl.ds(buf * CH, CH)], sem).start()

    def _wait_in(k, buf, sem):
        pltpu.make_async_copy(
            ef_hbm.at[pl.ds(base0 + k * CH, CH)],
            fch.at[pl.ds(buf * CH, CH)], sem).wait()
        pltpu.make_async_copy(
            ef_hbm.at[pl.ds(E + base0 + k * CH, CH)],
            tch.at[pl.ds(buf * CH, CH)], sem).wait()

    def _start_out(k, buf, sem):
        pltpu.make_async_copy(
            och.at[pl.ds(buf * CH, CH)],
            o2_hbm.at[pl.ds(obase0 + k * CH, CH)], sem).start()

    def _wait_out(k, buf, sem):
        pltpu.make_async_copy(
            och.at[pl.ds(buf * CH, CH)],
            o2_hbm.at[pl.ds(obase0 + k * CH, CH)], sem).wait()

    def _compute(buf):
        def body(i):
            sl = pl.ds(buf * CH + i * L, L)
            och[sl] = (plsc.load_gather(bufB, [fch[sl]])
                       * plsc.load_gather(bufA, [tch[sl]]))

        _unrolled_fori(CH // L, 5, body)

    _start_in(0, 0, sin0)
    _start_in(1, 1, sin1)

    def pair(j, _):
        k0 = j * 2

        @pl.when(j > 0)
        def _():
            _wait_out(k0 - 2, 0, sout0)

        _wait_in(k0, 0, sin0)
        _compute(0)
        _start_out(k0, 0, sout0)

        @pl.when(k0 + 2 < NCHUNK)
        def _():
            _start_in(k0 + 2, 0, sin0)

        @pl.when(j > 0)
        def _():
            _wait_out(k0 - 1, 1, sout1)

        _wait_in(k0 + 1, 1, sin1)
        _compute(1)
        _start_out(k0 + 1, 1, sout1)

        @pl.when(k0 + 3 < NCHUNK)
        def _():
            _start_in(k0 + 3, 1, sin1)

        return 0

    lax.fori_loop(0, (NCHUNK - 1) // 2, pair, 0)
    k_last = NCHUNK - 1
    _wait_out(k_last - 2, 0, sout0)
    _wait_out(k_last - 1, 1, sout1)
    _wait_in(k_last, 0, sin0)
    _compute(0)
    _start_out(k_last, 0, sout0)
    _wait_out(k_last, 0, sout0)


@jax.jit
def kernel(edge_index, user_table, item_table):
    ef = edge_index.reshape(2 * E)

    su3, si3 = _rowsums(user_table, item_table)
    tab2 = jnp.concatenate([su3.reshape(N_NODES), si3.reshape(N_NODES)])
    ft = jnp.concatenate([ef[:NB], ef[E:E + NB]])
    o2 = _fused(tab2, ft, ef)
    return (o2[:E], o2[E:])

# --- scband reference (transcript-rebuilt; emitter-appended) ---
"""Pipeline reference for scband-rec-sys-gnn-10436770529611 (READ-ONLY COPY).

The authoritative reference and input builder live on the scoring server;
editing this copy changes nothing except your own understanding.
"""

import jax, jax.numpy as jnp
import numpy as np

NUM_USERS = 50000
NUM_ITEMS = 50000
LATENT_DIM = 64
NUM_EDGES = 800000
NUM_LAYERS = 1


def setup_inputs(seed: int = 0) -> dict:
    key = jax.random.key(seed)
    k1, k2, k3 = jax.random.split(key, 3)
    edge_index = jax.random.randint(k1, (2, NUM_EDGES), 0, 50000)
    user_table = jax.random.normal(k2, (NUM_USERS, LATENT_DIM), dtype=jnp.float32)
    item_table = jax.random.normal(k3, (NUM_ITEMS, LATENT_DIM), dtype=jnp.float32)
    return {"edge_index": edge_index, "user_table": user_table, "item_table": item_table}


def _lightgcn_conv(x, from_, to_, num_nodes):
    # deg = bincount(to_); deg_inv_sqrt with inf->0; norm per edge
    deg = jnp.bincount(to_, length=num_nodes)
    deg_inv_sqrt = deg.astype(jnp.float32) ** -0.5
    deg_inv_sqrt = jnp.where(jnp.isinf(deg_inv_sqrt), 0.0, deg_inv_sqrt)
    norm = deg_inv_sqrt[from_] * deg_inv_sqrt[to_]
    # propagate: matmul(norm.view(-1,1) * x[row], ones(d)) with row = edge_index[0]
    ones_d = jnp.ones((x.shape[1],), dtype=x.dtype)
    return jnp.matmul(norm[:, None] * x[from_], ones_d)


def reference(edge_index, user_table, item_table):
    from_ = edge_index[0]
    to_ = edge_index[1]
    user_emb = jnp.take(user_table, from_, axis=0)
    item_emb = jnp.take(item_table, to_, axis=0)
    for _ in range(NUM_LAYERS):
        user_emb = _lightgcn_conv(user_emb, from_, to_, NUM_USERS)
        item_emb = _lightgcn_conv(item_emb, from_, to_, NUM_ITEMS)
    return (user_emb, item_emb)

if __name__ == "__main__":
    import jax
    _d = setup_inputs()
    print(jax.jit(kernel)(*tuple(_d.values())))

</pallas_src>

<mosaic_0001>
#map = affine_map<(d0, d1) -> (0)>
module attributes {stable_mosaic.version = 14 : i64} {
  func.func @_fused(%arg0: i32, %arg1: i32, %arg2: memref<100000xf32, #tpu.memory_space<hbm>>, %arg3: memref<102400xi32, #tpu.memory_space<hbm>>, %arg4: memref<1600000xi32, #tpu.memory_space<hbm>>, %arg5: memref<1600000xf32, #tpu.memory_space<hbm>>, %arg6: memref<51200xf32, #tpu.memory_space<vmem>>, %arg7: memref<51200xf32, #tpu.memory_space<vmem>>, %arg8: memref<4000xi32, #tpu.memory_space<vmem>>, %arg9: memref<4000xi32, #tpu.memory_space<vmem>>, %arg10: memref<4000xf32, #tpu.memory_space<vmem>>, %arg11: memref<3200xf32, #tpu.memory_space<vmem>>, %arg12: memref<204800xf32, #tpu.memory_space<vmem_shared>>, %arg13: memref<!tpu.dma_semaphore, #tpu.memory_space<semaphore_mem>>, %arg14: memref<!tpu.dma_semaphore, #tpu.memory_space<semaphore_mem>>, %arg15: memref<!tpu.dma_semaphore, #tpu.memory_space<semaphore_mem>>, %arg16: memref<!tpu.dma_semaphore, #tpu.memory_space<semaphore_mem>>) attributes {dimension_semantics = [#tpu.dimension_semantics<core_parallel>, #tpu.dimension_semantics<subcore_parallel>], iteration_bounds = array<i64: 2, 16>, scalar_prefetch = 0 : i64, scratch_operands = 11 : i64, tpu.core_type = #tpu.core_type<sc_vector_subcore>, window_params = [{transform_indices = #map}, {transform_indices = #map}, {transform_indices = #map}, {transform_indices = #map}]} {
    %mul3A = arith.constant 50000 : i32
    %mul3A_0 = arith.muli %arg1, %mul3A : i32
    %broadcast_in_dim3A = arith.constant 0.000000e+00 : f32
    %broadcast_in_dim3A_1 = vector.broadcast %broadcast_in_dim3A : f32 to vector<16xf32>
    %broadcast_in_dim3A_2 = arith.constant 1.000000e+00 : f32
    %broadcast_in_dim3A_3 = vector.broadcast %broadcast_in_dim3A_2 : f32 to vector<16xf32>
    %scan3A = arith.constant 0 : i32
    %scan3A_4 = arith.constant 0 : i32
    %scan3A_5 = arith.constant 400 : i32
    %scan3A_6 = arith.addi %scan3A_4, %scan3A_5 : i32
    %scan3A_7 = arith.constant 1 : i32
    %scan3A_8 = scf.for %scan3A_392 = %scan3A_4 to %scan3A_6 step %scan3A_7 iter_args(%scan3A_393 = %scan3A) -> (i32)  : i32 {
      %mul3A_394 = arith.constant 8 : i32
      %mul3A_395 = arith.muli %scan3A_392, %mul3A_394 : i32
      %add3A_396 = arith.constant 0 : i32
      %add3A_397 = arith.addi %mul3A_395, %add3A_396 : i32
      %mul3A_398 = arith.constant 16 : i32
      %mul3A_399 = arith.muli %add3A_397, %mul3A_398 : i32
      %swap3A = arith.index_cast %mul3A_399 : i32 to index
      %swap3A_400 = tpu.vector_load %arg6[%swap3A] {strides = array<i32>} : memref<51200xf32, #tpu.memory_space<vmem>>, vector<16xf32>,
      tpu.vector_store %arg6[%swap3A], %broadcast_in_dim3A_1 {strides = array<i32>} : memref<51200xf32, #tpu.memory_space<vmem>>, vector<16xf32>,
      %mul3A_401 = arith.constant 8 : i32
      %mul3A_402 = arith.muli %scan3A_392, %mul3A_401 : i32
      %add3A_403 = arith.constant 1 : i32
      %add3A_404 = arith.addi %mul3A_402, %add3A_403 : i32
      %mul3A_405 = arith.constant 16 : i32
      %mul3A_406 = arith.muli %add3A_404, %mul3A_405 : i32
      %swap3A_407 = arith.index_cast %mul3A_406 : i32 to index
      %swap3A_408 = tpu.vector_load %arg6[%swap3A_407] {strides = array<i32>} : memref<51200xf32, #tpu.memory_space<vmem>>, vector<16xf32>,
      tpu.vector_store %arg6[%swap3A_407], %broadcast_in_dim3A_1 {strides = array<i32>} : memref<51200xf32, #tpu.memory_space<vmem>>, vector<16xf32>,
      %mul3A_409 = arith.constant 8 : i32
      %mul3A_410 = arith.muli %scan3A_392, %mul3A_409 : i32
      %add3A_411 = arith.constant 2 : i32
      %add3A_412 = arith.addi %mul3A_410, %add3A_411 : i32
      %mul3A_413 = arith.constant 16 : i32
      %mul3A_414 = arith.muli %add3A_412, %mul3A_413 : i32
      %swap3A_415 = arith.index_cast %mul3A_414 : i32 to index
      %swap3A_416 = tpu.vector_load %arg6[%swap3A_415] {strides = array<i32>} : memref<51200xf32, #tpu.memory_space<vmem>>, vector<16xf32>,
      tpu.vector_store %arg6[%swap3A_415], %broadcast_in_dim3A_1 {strides = array<i32>} : memref<51200xf32, #tpu.memory_space<vmem>>, vector<16xf32>,
      %mul3A_417 = arith.constant 8 : i32
      %mul3A_418 = arith.muli %scan3A_392, %mul3A_417 : i32
      %add3A_419 = arith.constant 3 : i32
      %add3A_420 = arith.addi %mul3A_418, %add3A_419 : i32
      %mul3A_421 = arith.constant 16 : i32
      %mul3A_422 = arith.muli %add3A_420, %mul3A_421 : i32
      %swap3A_423 = arith.index_cast %mul3A_422 : i32 to index
      %swap3A_424 = tpu.vector_load %arg6[%swap3A_423] {strides = array<i32>} : memref<51200xf32, #tpu.memory_space<vmem>>, vector<16xf32>,
      tpu.vector_store %arg6[%swap3A_423], %broadcast_in_dim3A_1 {strides = array<i32>} : memref<51200xf32, #tpu.memory_space<vmem>>, vector<16xf32>,
      %mul3A_425 = arith.constant 8 : i32
      %mul3A_426 = arith.muli %scan3A_392, %mul3A_425 : i32
      %add3A_427 = arith.constant 4 : i32
      %add3A_428 = arith.addi %mul3A_426, %add3A_427 : i32
      %mul3A_429 = arith.constant 16 : i32
      %mul3A_430 = arith.muli %add3A_428, %mul3A_429 : i32
      %swap3A_431 = arith.index_cast %mul3A_430 : i32 to index
      %swap3A_432 = tpu.vector_load %arg6[%swap3A_431] {strides = array<i32>} : memref<51200xf32, #tpu.memory_space<vmem>>, vector<16xf32>,
      tpu.vector_store %arg6[%swap3A_431], %broadcast_in_dim3A_1 {strides = array<i32>} : memref<51200xf32, #tpu.memory_space<vmem>>, vector<16xf32>,
      %mul3A_433 = arith.constant 8 : i32
      %mul3A_434 = arith.muli %scan3A_392, %mul3A_433 : i32
      %add3A_435 = arith.constant 5 : i32
      %add3A_436 = arith.addi %mul3A_434, %add3A_435 : i32
      %mul3A_437 = arith.constant 16 : i32
      %mul3A_438 = arith.muli %add3A_436, %mul3A_437 : i32
      %swap3A_439 = arith.index_cast %mul3A_438 : i32 to index
      %swap3A_440 = tpu.vector_load %arg6[%swap3A_439] {strides = array<i32>} : memref<51200xf32, #tpu.memory_space<vmem>>, vector<16xf32>,
      tpu.vector_store %arg6[%swap3A_439], %broadcast_in_dim3A_1 {strides = array<i32>} : memref<51200xf32, #tpu.memory_space<vmem>>, vector<16xf32>,
      %mul3A_441 = arith.constant 8 : i32
      %mul3A_442 = arith.muli %scan3A_392, %mul3A_441 : i32
      %add3A_443 = arith.constant 6 : i32
      %add3A_444 = arith.addi %mul3A_442, %add3A_443 : i32
      %mul3A_445 = arith.constant 16 : i32
      %mul3A_446 = arith.muli %add3A_444, %mul3A_445 : i32
      %swap3A_447 = arith.index_cast %mul3A_446 : i32 to index
      %swap3A_448 = tpu.vector_load %arg6[%swap3A_447] {strides = array<i32>} : memref<51200xf32, #tpu.memory_space<vmem>>, vector<16xf32>,
      tpu.vector_store %arg6[%swap3A_447], %broadcast_in_dim3A_1 {strides = array<i32>} : memref<51200xf32, #tpu.memory_space<vmem>>, vector<16xf32>,
      %mul3A_449 = arith.constant 8 : i32
      %mul3A_450 = arith.muli %scan3A_392, %mul3A_449 : i32
      %add3A_451 = arith.constant 7 : i32
      %add3A_452 = arith.addi %mul3A_450, %add3A_451 : i32
      %mul3A_453 = arith.constant 16 : i32
      %mul3A_454 = arith.muli %add3A_452, %mul3A_453 : i32
      %swap3A_455 = arith.index_cast %mul3A_454 : i32 to index
      %swap3A_456 = tpu.vector_load %arg6[%swap3A_455] {strides = array<i32>} : memref<51200xf32, #tpu.memory_space<vmem>>, vector<16xf32>,
      tpu.vector_store %arg6[%swap3A_455], %broadcast_in_dim3A_1 {strides = array<i32>} : memref<51200xf32, #tpu.memory_space<vmem>>, vector<16xf32>,
      %scan3A_457 = arith.constant 0 : i32
      scf.yield %scan3A_457 : i32
    }
    %scan3A_9 = arith.constant 400 : i32
    %add3A = arith.constant 800000 : i32
    %add3A_10 = arith.addi %add3A, %mul3A_0 : i32
    %add3A_11 = arith.constant 0 : i32
    %add3A_12 = arith.addi %add3A_10, %add3A_11 : i32
    %dma_start3A = arith.constant 0 : i32
    %dma_start3A_13 = tpu.memref_slice %arg8[%dma_start3A] : memref<4000xi32, #tpu.memory_space<vmem>> -> memref<2000xi32, #tpu.memory_space<vmem>>
    %dma_start3A_14 = tpu.memref_slice %arg4[%add3A_12] : memref<1600000xi32, #tpu.memory_space<hbm>> -> memref<2000xi32, #tpu.memory_space<hbm>>
    %dma_start3A_15 = arith.constant 0 : i32
    %dma_start3A_16 = tpu.memref_slice %arg8[%dma_start3A_15] : memref<4000xi32, #tpu.memory_space<vmem>> -> memref<2000xi32, #tpu.memory_space<vmem>>
    %dma_start3A_17 = tpu.memref_slice %arg4[%add3A_12] : memref<1600000xi32, #tpu.memory_space<hbm>> -> memref<2000xi32, #tpu.memory_space<hbm>>
    tpu.enqueue_dma source(%dma_start3A_17 : memref<2000xi32, #tpu.memory_space<hbm>>) target(%dma_start3A_16 : memref<2000xi32, #tpu.memory_space<vmem>>) target_semaphore(%arg13 : memref<!tpu.dma_semaphore, #tpu.memory_space<semaphore_mem>>)
    %add3A_18 = arith.constant 800000 : i32
    %add3A_19 = arith.addi %add3A_18, %mul3A_0 : i32
    %add3A_20 = arith.constant 2000 : i32
    %add3A_21 = arith.addi %add3A_19, %add3A_20 : i32
    %dma_start3A_22 = arith.constant 2000 : i32
    %dma_start3A_23 = tpu.memref_slice %arg8[%dma_start3A_22] : memref<4000xi32, #tpu.memory_space<vmem>> -> memref<2000xi32, #tpu.memory_space<vmem>>
    %dma_start3A_24 = tpu.memref_slice %arg4[%add3A_21] : memref<1600000xi32, #tpu.memory_space<hbm>> -> memref<2000xi32, #tpu.memory_space<hbm>>
    %dma_start3A_25 = arith.constant 2000 : i32
    %dma_start3A_26 = tpu.memref_slice %arg8[%dma_start3A_25] : memref<4000xi32, #tpu.memory_space<vmem>> -> memref<2000xi32, #tpu.memory_space<vmem>>
    %dma_start3A_27 = tpu.memref_slice %arg4[%add3A_21] : memref<1600000xi32, #tpu.memory_space<hbm>> -> memref<2000xi32, #tpu.memory_space<hbm>>
    tpu.enqueue_dma source(%dma_start3A_27 : memref<2000xi32, #tpu.memory_space<hbm>>) target(%dma_start3A_26 : memref<2000xi32, #tpu.memory_space<vmem>>) target_semaphore(%arg14 : memref<!tpu.dma_semaphore, #tpu.memory_space<semaphore_mem>>)
    %scan3A_28 = arith.constant 0 : i32
    %scan3A_29 = arith.constant 0 : i32
    %scan3A_30 = arith.constant 12 : i32
    %scan3A_31 = arith.addi %scan3A_29, %scan3A_30 : i32
    %scan3A_32 = arith.constant 1 : i32
    %scan3A_33 = scf.for %scan3A_392 = %scan3A_29 to %scan3A_31 step %scan3A_32 iter_args(%scan3A_393 = %scan3A_28) -> (i32)  : i32 {
      %mul3A_394 = arith.constant 2 : i32
      %mul3A_395 = arith.muli %scan3A_392, %mul3A_394 : i32
      %add3A_396 = arith.constant 800000 : i32
      %add3A_397 = arith.addi %add3A_396, %mul3A_0 : i32
      %mul3A_398 = arith.constant 2000 : i32
      %mul3A_399 = arith.muli %mul3A_395, %mul3A_398 : i32
      %add3A_400 = arith.addi %add3A_397, %mul3A_399 : i32
      %dma_wait3A_401 = arith.constant 0 : i32
      %dma_wait3A_402 = tpu.memref_slice %arg8[%dma_wait3A_401] : memref<4000xi32, #tpu.memory_space<vmem>> -> memref<2000xi32, #tpu.memory_space<vmem>>
      %dma_wait3A_403 = tpu.memref_slice %arg4[%add3A_400] : memref<1600000xi32, #tpu.memory_space<hbm>> -> memref<2000xi32, #tpu.memory_space<hbm>>
      %dma_wait3A_404 = arith.constant 0 : i32
      %dma_wait3A_405 = tpu.memref_slice %arg8[%dma_wait3A_404] : memref<4000xi32, #tpu.memory_space<vmem>> -> memref<2000xi32, #tpu.memory_space<vmem>>
      %dma_wait3A_406 = tpu.memref_slice %arg4[%add3A_400] : memref<1600000xi32, #tpu.memory_space<hbm>> -> memref<2000xi32, #tpu.memory_space<hbm>>
      tpu.wait_dma2 semaphore(%arg13 : memref<!tpu.dma_semaphore, #tpu.memory_space<semaphore_mem>>) src(%dma_wait3A_406 : memref<2000xi32, #tpu.memory_space<hbm>>) dst(%dma_wait3A_405 : memref<2000xi32, #tpu.memory_space<vmem>>)
      %scan3A_407 = arith.constant 0 : i32
      %scan3A_408 = arith.constant 0 : i32
      %scan3A_409 = arith.constant 25 : i32
      %scan3A_410 = arith.addi %scan3A_408, %scan3A_409 : i32
      %scan3A_411 = arith.constant 1 : i32
      %scan3A_412 = scf.for %scan3A_449 = %scan3A_408 to %scan3A_410 step %scan3A_411 iter_args(%scan3A_450 = %scan3A_407) -> (i32)  : i32 {
        %mul3A_451 = arith.constant 5 : i32
        %mul3A_452 = arith.muli %scan3A_449, %mul3A_451 : i32
        %add3A_453 = arith.constant 0 : i32
        %add3A_454 = arith.addi %mul3A_452, %add3A_453 : i32
        %mul3A_455 = arith.constant 16 : i32
        %mul3A_456 = arith.muli %add3A_454, %mul3A_455 : i32
        %add3A_457 = arith.constant 0 : i32
        %add3A_458 = arith.addi %add3A_457, %mul3A_456 : i32
        %get3A = arith.index_cast %add3A_458 : i32 to index
        %get3A_459 = tpu.vector_load %arg8[%get3A] {strides = array<i32>} : memref<4000xi32, #tpu.memory_space<vmem>>, vector<16xi32>,
        tpu.vector_store_idx %arg6[%get3A_459], %broadcast_in_dim3A_3 {add = true} : memref<51200xf32, #tpu.memory_space<vmem>>[vector<16xi32>], vector<16xf32>,
        %mul3A_460 = arith.constant 5 : i32
        %mul3A_461 = arith.muli %scan3A_449, %mul3A_460 : i32
        %add3A_462 = arith.constant 1 : i32
        %add3A_463 = arith.addi %mul3A_461, %add3A_462 : i32
        %mul3A_464 = arith.constant 16 : i32
        %mul3A_465 = arith.muli %add3A_463, %mul3A_464 : i32
        %add3A_466 = arith.constant 0 : i32
        %add3A_467 = arith.addi %add3A_466, %mul3A_465 : i32
        %get3A_468 = arith.index_cast %add3A_467 : i32 to index
        %get3A_469 = tpu.vector_load %arg8[%get3A_468] {strides = array<i32>} : memref<4000xi32, #tpu.memory_space<vmem>>, vector<16xi32>,
        tpu.vector_store_idx %arg6[%get3A_469], %broadcast_in_dim3A_3 {add = true} : memref<51200xf32, #tpu.memory_space<vmem>>[vector<16xi32>], vector<16xf32>,
        %mul3A_470 = arith.constant 5 : i32
        %mul3A_471 = arith.muli %scan3A_449, %mul3A_470 : i32
        %add3A_472 = arith.constant 2 : i32
        %add3A_473 = arith.addi %mul3A_471, %add3A_472 : i32
        %mul3A_474 = arith.constant 16 : i32
        %mul3A_475 = arith.muli %add3A_473, %mul3A_474 : i32
        %add3A_476 = arith.constant 0 : i32
        %add3A_477 = arith.addi %add3A_476, %mul3A_475 : i32
        %get3A_478 = arith.index_cast %add3A_477 : i32 to index
        %get3A_479 = tpu.vector_load %arg8[%get3A_478] {strides = array<i32>} : memref<4000xi32, #tpu.memory_space<vmem>>, vector<16xi32>,
        tpu.vector_store_idx %arg6[%get3A_479], %broadcast_in_dim3A_3 {add = true} : memref<51200xf32, #tpu.memory_space<vmem>>[vector<16xi32>], vector<16xf32>,
        %mul3A_480 = arith.constant 5 : i32
        %mul3A_481 = arith.muli %scan3A_449, %mul3A_480 : i32
        %add3A_482 = arith.constant 3 : i32
        %add3A_483 = arith.addi %mul3A_481, %add3A_482 : i32
        %mul3A_484 = arith.constant 16 : i32
        %mul3A_485 = arith.muli %add3A_483, %mul3A_484 : i32
        %add3A_486 = arith.constant 0 : i32
        %add3A_487 = arith.addi %add3A_486, %mul3A_485 : i32
        %get3A_488 = arith.index_cast %add3A_487 : i32 to index
        %get3A_489 = tpu.vector_load %arg8[%get3A_488] {strides = array<i32>} : memref<4000xi32, #tpu.memory_space<vmem>>, vector<16xi32>,
        tpu.vector_store_idx %arg6[%get3A_489], %broadcast_in_dim3A_3 {add = true} : memref<51200xf32, #tpu.memory_space<vmem>>[vector<16xi32>], vector<16xf32>,
        %mul3A_490 = arith.constant 5 : i32
        %mul3A_491 = arith.muli %scan3A_449, %mul3A_490 : i32
        %add3A_492 = arith.constant 4 : i32
        %add3A_493 = arith.addi %mul3A_491, %add3A_492 : i32
        %mul3A_494 = arith.constant 16 : i32
        %mul3A_495 = arith.muli %add3A_493, %mul3A_494 : i32
        %add3A_496 = arith.constant 0 : i32
        %add3A_497 = arith.addi %add3A_496, %mul3A_495 : i32
        %get3A_498 = arith.index_cast %add3A_497 : i32 to index
        %get3A_499 = tpu.vector_load %arg8[%get3A_498] {strides = array<i32>} : memref<4000xi32, #tpu.memory_space<vmem>>, vector<16xi32>,
        tpu.vector_store_idx %arg6[%get3A_499], %broadcast_in_dim3A_3 {add = true} : memref<51200xf32, #tpu.memory_space<vmem>>[vector<16xi32>], vector<16xf32>,
        %scan3A_500 = arith.constant 0 : i32
        scf.yield %scan3A_500 : i32
      }
      %scan3A_413 = arith.constant 25 : i32
      %add3A_414 = arith.constant 2 : i32
      %add3A_415 = arith.addi %mul3A_395, %add3A_414 : i32
      %lt3A_416 = arith.constant 25 : i32
      %lt3A_417 = arith.cmpi slt, %add3A_415, %lt3A_416 : i32
      %convert_element_type3A_418 = arith.extui %lt3A_417 : i1 to i32
      %cond3A_419 = arith.constant 0 : i32
      %cond3A_420 = arith.cmpi ne, %convert_element_type3A_418, %cond3A_419 : i32
      scf.if %cond3A_420 {
        %add3A_449 = arith.constant 2 : i32
        %add3A_450 = arith.addi %mul3A_395, %add3A_449 : i32
        %add3A_451 = arith.constant 800000 : i32
        %add3A_452 = arith.addi %add3A_451, %mul3A_0 : i32
        %mul3A_453 = arith.constant 2000 : i32
        %mul3A_454 = arith.muli %add3A_450, %mul3A_453 : i32
        %add3A_455 = arith.addi %add3A_452, %mul3A_454 : i32
        %dma_start3A_456 = arith.constant 0 : i32
        %dma_start3A_457 = tpu.memref_slice %arg8[%dma_start3A_456] : memref<4000xi32, #tpu.memory_space<vmem>> -> memref<2000xi32, #tpu.memory_space<vmem>>
        %dma_start3A_458 = tpu.memref_slice %arg4[%add3A_455] : memref<1600000xi32, #tpu.memory_space<hbm>> -> memref<2000xi32, #tpu.memory_space<hbm>>
        %dma_start3A_459 = arith.constant 0 : i32
        %dma_start3A_460 = tpu.memref_slice %arg8[%dma_start3A_459] : memref<4000xi32, #tpu.memory_space<vmem>> -> memref<2000xi32, #tpu.memory_space<vmem>>
        %dma_start3A_461 = tpu.memref_slice %arg4[%add3A_455] : memref<1600000xi32, #tpu.memory_space<hbm>> -> memref<2000xi32, #tpu.memory_space<hbm>>
        tpu.enqueue_dma source(%dma_start3A_461 : memref<2000xi32, #tpu.memory_space<hbm>>) target(%dma_start3A_460 : memref<2000xi32, #tpu.memory_space<vmem>>) target_semaphore(%arg13 : memref<!tpu.dma_semaphore, #tpu.memory_space<semaphore_mem>>)
      } else {
      }
      %add3A_421 = arith.constant 1 : i32
      %add3A_422 = arith.addi %mul3A_395, %add3A_421 : i32
      %add3A_423 = arith.constant 800000 : i32
      %add3A_424 = arith.addi %add3A_423, %mul3A_0 : i32
      %mul3A_425 = arith.constant 2000 : i32
      %mul3A_426 = arith.muli %add3A_422, %mul3A_425 : i32
      %add3A_427 = arith.addi %add3A_424, %mul3A_426 : i32
      %dma_wait3A_428 = arith.constant 2000 : i32
      %dma_wait3A_429 = tpu.memref_slice %arg8[%dma_wait3A_428] : memref<4000xi32, #tpu.memory_space<vmem>> -> memref<2000xi32, #tpu.memory_space<vmem>>
      %dma_wait3A_430 = tpu.memref_slice %arg4[%add3A_427] : memref<1600000xi32, #tpu.memory_space<hbm>> -> memref<2000xi32, #tpu.memory_space<hbm>>
      %dma_wait3A_431 = arith.constant 2000 : i32
      %dma_wait3A_432 = tpu.memref_slice %arg8[%dma_wait3A_431] : memref<4000xi32, #tpu.memory_space<vmem>> -> memref<2000xi32, #tpu.memory_space<vmem>>
      %dma_wait3A_433 = tpu.memref_slice %arg4[%add3A_427] : memref<1600000xi32, #tpu.memory_space<hbm>> -> memref<2000xi32, #tpu.memory_space<hbm>>
      tpu.wait_dma2 semaphore(%arg14 : memref<!tpu.dma_semaphore, #tpu.memory_space<semaphore_mem>>) src(%dma_wait3A_433 : memref<2000xi32, #tpu.memory_space<hbm>>) dst(%dma_wait3A_432 : memref<2000xi32, #tpu.memory_space<vmem>>)
      %scan3A_434 = arith.constant 0 : i32
      %scan3A_435 = arith.constant 0 : i32
      %scan3A_436 = arith.constant 25 : i32
      %scan3A_437 = arith.addi %scan3A_435, %scan3A_436 : i32
      %scan3A_438 = arith.constant 1 : i32
      %scan3A_439 = scf.for %scan3A_449 = %scan3A_435 to %scan3A_437 step %scan3A_438 iter_args(%scan3A_450 = %scan3A_434) -> (i32)  : i32 {
        %mul3A_451 = arith.constant 5 : i32
        %mul3A_452 = arith.muli %scan3A_449, %mul3A_451 : i32
        %add3A_453 = arith.constant 0 : i32
        %add3A_454 = arith.addi %mul3A_452, %add3A_453 : i32
        %mul3A_455 = arith.constant 16 : i32
        %mul3A_456 = arith.muli %add3A_454, %mul3A_455 : i32
        %add3A_457 = arith.constant 2000 : i32
        %add3A_458 = arith.addi %add3A_457, %mul3A_456 : i32
        %get3A = arith.index_cast %add3A_458 : i32 to index
        %get3A_459 = tpu.vector_load %arg8[%get3A] {strides = array<i32>} : memref<4000xi32, #tpu.memory_space<vmem>>, vector<16xi32>,
        tpu.vector_store_idx %arg6[%get3A_459], %broadcast_in_dim3A_3 {add = true} : memref<51200xf32, #tpu.memory_space<vmem>>[vector<16xi32>], vector<16xf32>,
        %mul3A_460 = arith.constant 5 : i32
        %mul3A_461 = arith.muli %scan3A_449, %mul3A_460 : i32
        %add3A_462 = arith.constant 1 : i32
        %add3A_463 = arith.addi %mul3A_461, %add3A_462 : i32
        %mul3A_464 = arith.constant 16 : i32
        %mul3A_465 = arith.muli %add3A_463, %mul3A_464 : i32
        %add3A_466 = arith.constant 2000 : i32
        %add3A_467 = arith.addi %add3A_466, %mul3A_465 : i32
        %get3A_468 = arith.index_cast %add3A_467 : i32 to index
        %get3A_469 = tpu.vector_load %arg8[%get3A_468] {strides = array<i32>} : memref<4000xi32, #tpu.memory_space<vmem>>, vector<16xi32>,
        tpu.vector_store_idx %arg6[%get3A_469], %broadcast_in_dim3A_3 {add = true} : memref<51200xf32, #tpu.memory_space<vmem>>[vector<16xi32>], vector<16xf32>,
        %mul3A_470 = arith.constant 5 : i32
        %mul3A_471 = arith.muli %scan3A_449, %mul3A_470 : i32
        %add3A_472 = arith.constant 2 : i32
        %add3A_473 = arith.addi %mul3A_471, %add3A_472 : i32
        %mul3A_474 = arith.constant 16 : i32
        %mul3A_475 = arith.muli %add3A_473, %mul3A_474 : i32
        %add3A_476 = arith.constant 2000 : i32
        %add3A_477 = arith.addi %add3A_476, %mul3A_475 : i32
        %get3A_478 = arith.index_cast %add3A_477 : i32 to index
        %get3A_479 = tpu.vector_load %arg8[%get3A_478] {strides = array<i32>} : memref<4000xi32, #tpu.memory_space<vmem>>, vector<16xi32>,
        tpu.vector_store_idx %arg6[%get3A_479], %broadcast_in_dim3A_3 {add = true} : memref<51200xf32, #tpu.memory_space<vmem>>[vector<16xi32>], vector<16xf32>,
        %mul3A_480 = arith.constant 5 : i32
        %mul3A_481 = arith.muli %scan3A_449, %mul3A_480 : i32
        %add3A_482 = arith.constant 3 : i32
        %add3A_483 = arith.addi %mul3A_481, %add3A_482 : i32
        %mul3A_484 = arith.constant 16 : i32
        %mul3A_485 = arith.muli %add3A_483, %mul3A_484 : i32
        %add3A_486 = arith.constant 2000 : i32
        %add3A_487 = arith.addi %add3A_486, %mul3A_485 : i32
        %get3A_488 = arith.index_cast %add3A_487 : i32 to index
        %get3A_489 = tpu.vector_load %arg8[%get3A_488] {strides = array<i32>} : memref<4000xi32, #tpu.memory_space<vmem>>, vector<16xi32>,
        tpu.vector_store_idx %arg6[%get3A_489], %broadcast_in_dim3A_3 {add = true} : memref<51200xf32, #tpu.memory_space<vmem>>[vector<16xi32>], vector<16xf32>,
        %mul3A_490 = arith.constant 5 : i32
        %mul3A_491 = arith.muli %scan3A_449, %mul3A_490 : i32
        %add3A_492 = arith.constant 4 : i32
        %add3A_493 = arith.addi %mul3A_491, %add3A_492 : i32
        %mul3A_494 = arith.constant 16 : i32
        %mul3A_495 = arith.muli %add3A_493, %mul3A_494 : i32
        %add3A_496 = arith.constant 2000 : i32
        %add3A_497 = arith.addi %add3A_496, %mul3A_495 : i32
        %get3A_498 = arith.index_cast %add3A_497 : i32 to index
        %get3A_499 = tpu.vector_load %arg8[%get3A_498] {strides = array<i32>} : memref<4000xi32, #tpu.memory_space<vmem>>, vector<16xi32>,
        tpu.vector_store_idx %arg6[%get3A_499], %broadcast_in_dim3A_3 {add = true} : memref<51200xf32, #tpu.memory_space<vmem>>[vector<16xi32>], vector<16xf32>,
        %scan3A_500 = arith.constant 0 : i32
        scf.yield %scan3A_500 : i32
      }
      %scan3A_440 = arith.constant 25 : i32
      %add3A_441 = arith.constant 3 : i32
      %add3A_442 = arith.addi %mul3A_395, %add3A_441 : i32
      %lt3A_443 = arith.constant 25 : i32
      %lt3A_444 = arith.cmpi slt, %add3A_442, %lt3A_443 : i32
      %convert_element_type3A_445 = arith.extui %lt3A_444 : i1 to i32
      %cond3A_446 = arith.constant 0 : i32
      %cond3A_447 = arith.cmpi ne, %convert_element_type3A_445, %cond3A_446 : i32
      scf.if %cond3A_447 {
        %add3A_449 = arith.constant 3 : i32
        %add3A_450 = arith.addi %mul3A_395, %add3A_449 : i32
        %add3A_451 = arith.constant 800000 : i32
        %add3A_452 = arith.addi %add3A_451, %mul3A_0 : i32
        %mul3A_453 = arith.constant 2000 : i32
        %mul3A_454 = arith.muli %add3A_450, %mul3A_453 : i32
        %add3A_455 = arith.addi %add3A_452, %mul3A_454 : i32
        %dma_start3A_456 = arith.constant 2000 : i32
        %dma_start3A_457 = tpu.memref_slice %arg8[%dma_start3A_456] : memref<4000xi32, #tpu.memory_space<vmem>> -> memref<2000xi32, #tpu.memory_space<vmem>>
        %dma_start3A_458 = tpu.memref_slice %arg4[%add3A_455] : memref<1600000xi32, #tpu.memory_space<hbm>> -> memref<2000xi32, #tpu.memory_space<hbm>>
        %dma_start3A_459 = arith.constant 2000 : i32
        %dma_start3A_460 = tpu.memref_slice %arg8[%dma_start3A_459] : memref<4000xi32, #tpu.memory_space<vmem>> -> memref<2000xi32, #tpu.memory_space<vmem>>
        %dma_start3A_461 = tpu.memref_slice %arg4[%add3A_455] : memref<1600000xi32, #tpu.memory_space<hbm>> -> memref<2000xi32, #tpu.memory_space<hbm>>
        tpu.enqueue_dma source(%dma_start3A_461 : memref<2000xi32, #tpu.memory_space<hbm>>) target(%dma_start3A_460 : memref<2000xi32, #tpu.memory_space<vmem>>) target_semaphore(%arg14 : memref<!tpu.dma_semaphore, #tpu.memory_space<semaphore_mem>>)
      } else {
      }
      %scan3A_448 = arith.constant 0 : i32
      scf.yield %scan3A_448 : i32
    }
    %scan3A_34 = arith.constant 12 : i32
    %add3A_35 = arith.constant 800000 : i32
    %add3A_36 = arith.addi %add3A_35, %mul3A_0 : i32
    %add3A_37 = arith.constant 48000 : i32
    %add3A_38 = arith.addi %add3A_36, %add3A_37 : i32
    %dma_wait3A = arith.constant 0 : i32
    %dma_wait3A_39 = tpu.memref_slice %arg8[%dma_wait3A] : memref<4000xi32, #tpu.memory_space<vmem>> -> memref<2000xi32, #tpu.memory_space<vmem>>
    %dma_wait3A_40 = tpu.memref_slice %arg4[%add3A_38] : memref<1600000xi32, #tpu.memory_space<hbm>> -> memref<2000xi32, #tpu.memory_space<hbm>>
    %dma_wait3A_41 = arith.constant 0 : i32
    %dma_wait3A_42 = tpu.memref_slice %arg8[%dma_wait3A_41] : memref<4000xi32, #tpu.memory_space<vmem>> -> memref<2000xi32, #tpu.memory_space<vmem>>
    %dma_wait3A_43 = tpu.memref_slice %arg4[%add3A_38] : memref<1600000xi32, #tpu.memory_space<hbm>> -> memref<2000xi32, #tpu.memory_space<hbm>>
    tpu.wait_dma2 semaphore(%arg13 : memref<!tpu.dma_semaphore, #tpu.memory_space<semaphore_mem>>) src(%dma_wait3A_43 : memref<2000xi32, #tpu.memory_space<hbm>>) dst(%dma_wait3A_42 : memref<2000xi32, #tpu.memory_space<vmem>>)
    %scan3A_44 = arith.constant 0 : i32
    %scan3A_45 = arith.constant 0 : i32
    %scan3A_46 = arith.constant 25 : i32
    %scan3A_47 = arith.addi %scan3A_45, %scan3A_46 : i32
    %scan3A_48 = arith.constant 1 : i32
    %scan3A_49 = scf.for %scan3A_392 = %scan3A_45 to %scan3A_47 step %scan3A_48 iter_args(%scan3A_393 = %scan3A_44) -> (i32)  : i32 {
      %mul3A_394 = arith.constant 5 : i32
      %mul3A_395 = arith.muli %scan3A_392, %mul3A_394 : i32
      %add3A_396 = arith.constant 0 : i32
      %add3A_397 = arith.addi %mul3A_395, %add3A_396 : i32
      %mul3A_398 = arith.constant 16 : i32
      %mul3A_399 = arith.muli %add3A_397, %mul3A_398 : i32
      %add3A_400 = arith.constant 0 : i32
      %add3A_401 = arith.addi %add3A_400, %mul3A_399 : i32
      %get3A = arith.index_cast %add3A_401 : i32 to index
      %get3A_402 = tpu.vector_load %arg8[%get3A] {strides = array<i32>} : memref<4000xi32, #tpu.memory_space<vmem>>, vector<16xi32>,
      tpu.vector_store_idx %arg6[%get3A_402], %broadcast_in_dim3A_3 {add = true} : memref<51200xf32, #tpu.memory_space<vmem>>[vector<16xi32>], vector<16xf32>,
      %mul3A_403 = arith.constant 5 : i32
      %mul3A_404 = arith.muli %scan3A_392, %mul3A_403 : i32
      %add3A_405 = arith.constant 1 : i32
      %add3A_406 = arith.addi %mul3A_404, %add3A_405 : i32
      %mul3A_407 = arith.constant 16 : i32
      %mul3A_408 = arith.muli %add3A_406, %mul3A_407 : i32
      %add3A_409 = arith.constant 0 : i32
      %add3A_410 = arith.addi %add3A_409, %mul3A_408 : i32
      %get3A_411 = arith.index_cast %add3A_410 : i32 to index
      %get3A_412 = tpu.vector_load %arg8[%get3A_411] {strides = array<i32>} : memref<4000xi32, #tpu.memory_space<vmem>>, vector<16xi32>,
      tpu.vector_store_idx %arg6[%get3A_412], %broadcast_in_dim3A_3 {add = true} : memref<51200xf32, #tpu.memory_space<vmem>>[vector<16xi32>], vector<16xf32>,
      %mul3A_413 = arith.constant 5 : i32
      %mul3A_414 = arith.muli %scan3A_392, %mul3A_413 : i32
      %add3A_415 = arith.constant 2 : i32
      %add3A_416 = arith.addi %mul3A_414, %add3A_415 : i32
      %mul3A_417 = arith.constant 16 : i32
      %mul3A_418 = arith.muli %add3A_416, %mul3A_417 : i32
      %add3A_419 = arith.constant 0 : i32
      %add3A_420 = arith.addi %add3A_419, %mul3A_418 : i32
      %get3A_421 = arith.index_cast %add3A_420 : i32 to index
      %get3A_422 = tpu.vector_load %arg8[%get3A_421] {strides = array<i32>} : memref<4000xi32, #tpu.memory_space<vmem>>, vector<16xi32>,
      tpu.vector_store_idx %arg6[%get3A_422], %broadcast_in_dim3A_3 {add = true} : memref<51200xf32, #tpu.memory_space<vmem>>[vector<16xi32>], vector<16xf32>,
      %mul3A_423 = arith.constant 5 : i32
      %mul3A_424 = arith.muli %scan3A_392, %mul3A_423 : i32
      %add3A_425 = arith.constant 3 : i32
      %add3A_426 = arith.addi %mul3A_424, %add3A_425 : i32
      %mul3A_427 = arith.constant 16 : i32
      %mul3A_428 = arith.muli %add3A_426, %mul3A_427 : i32
      %add3A_429 = arith.constant 0 : i32
      %add3A_430 = arith.addi %add3A_429, %mul3A_428 : i32
      %get3A_431 = arith.index_cast %add3A_430 : i32 to index
      %get3A_432 = tpu.vector_load %arg8[%get3A_431] {strides = array<i32>} : memref<4000xi32, #tpu.memory_space<vmem>>, vector<16xi32>,
      tpu.vector_store_idx %arg6[%get3A_432], %broadcast_in_dim3A_3 {add = true} : memref<51200xf32, #tpu.memory_space<vmem>>[vector<16xi32>], vector<16xf32>,
      %mul3A_433 = arith.constant 5 : i32
      %mul3A_434 = arith.muli %scan3A_392, %mul3A_433 : i32
      %add3A_435 = arith.constant 4 : i32
      %add3A_436 = arith.addi %mul3A_434, %add3A_435 : i32
      %mul3A_437 = arith.constant 16 : i32
      %mul3A_438 = arith.muli %add3A_436, %mul3A_437 : i32
      %add3A_439 = arith.constant 0 : i32
      %add3A_440 = arith.addi %add3A_439, %mul3A_438 : i32
      %get3A_441 = arith.index_cast %add3A_440 : i32 to index
      %get3A_442 = tpu.vector_load %arg8[%get3A_441] {strides = array<i32>} : memref<4000xi32, #tpu.memory_space<vmem>>, vector<16xi32>,
      tpu.vector_store_idx %arg6[%get3A_442], %broadcast_in_dim3A_3 {add = true} : memref<51200xf32, #tpu.memory_space<vmem>>[vector<16xi32>], vector<16xf32>,
      %scan3A_443 = arith.constant 0 : i32
      scf.yield %scan3A_443 : i32
    }
    %scan3A_50 = arith.constant 25 : i32
    %ge3A = arith.constant 0 : i32
    %ge3A_51 = arith.cmpi sge, %arg1, %ge3A : i32
    %lt3A = arith.constant 4 : i32
    %lt3A_52 = arith.cmpi slt, %arg1, %lt3A : i32
    %and3A = arith.andi %ge3A_51, %lt3A_52 : i1
    %convert_element_type3A = arith.extui %and3A : i1 to i32
    %cond3A = arith.constant 0 : i32
    %cond3A_53 = arith.cmpi ne, %convert_element_type3A, %cond3A : i32
    scf.if %cond3A_53 {
      %sub3A = arith.constant 0 : i32
      %sub3A_392 = arith.subi %arg1, %sub3A : i32
      %mul3A_393 = arith.constant 51200 : i32
      %mul3A_394 = arith.muli %sub3A_392, %mul3A_393 : i32
      "tpu.region"() ({
        %run_scoped3A = tpu.sem_alloc : memref<!tpu.dma_semaphore, #tpu.memory_space<semaphore_mem>>
        %dma_start3A_395 = tpu.memref_slice %arg12[%mul3A_394] : memref<204800xf32, #tpu.memory_space<vmem_shared>> -> memref<51200xf32, #tpu.memory_space<vmem_shared>>
        %dma_start3A_396 = tpu.memref_slice %arg12[%mul3A_394] : memref<204800xf32, #tpu.memory_space<vmem_shared>> -> memref<51200xf32, #tpu.memory_space<vmem_shared>>
        tpu.enqueue_dma source(%arg6 : memref<51200xf32, #tpu.memory_space<vmem>>) target(%dma_start3A_396 : memref<51200xf32, #tpu.memory_space<vmem_shared>>) target_semaphore(%run_scoped3A : memref<!tpu.dma_semaphore, #tpu.memory_space<semaphore_mem>>)
        %dma_wait3A_397 = tpu.memref_slice %arg12[%mul3A_394] : memref<204800xf32, #tpu.memory_space<vmem_shared>> -> memref<51200xf32, #tpu.memory_space<vmem_shared>>
        %dma_wait3A_398 = tpu.memref_slice %arg12[%mul3A_394] : memref<204800xf32, #tpu.memory_space<vmem_shared>> -> memref<51200xf32, #tpu.memory_space<vmem_shared>>
        tpu.wait_dma2 semaphore(%run_scoped3A : memref<!tpu.dma_semaphore, #tpu.memory_space<semaphore_mem>>) src(%arg6 : memref<51200xf32, #tpu.memory_space<vmem>>) dst(%dma_wait3A_398 : memref<51200xf32, #tpu.memory_space<vmem_shared>>)
        tpu.yield
      }) : () -> ()
    } else {
    }
    %barrier3A = arith.constant 0 : index
    tpu.barrier barrier_id(%barrier3A)
    %mul3A_54 = arith.constant 3200 : i32
    %mul3A_55 = arith.muli %arg1, %mul3A_54 : i32
    %add3A_56 = arith.constant 0 : i32
    %add3A_57 = arith.addi %add3A_56, %mul3A_55 : i32
    "tpu.region"() ({
      %run_scoped3A = tpu.sem_alloc : memref<!tpu.dma_semaphore, #tpu.memory_space<semaphore_mem>>
      %dma_start3A_392 = tpu.memref_slice %arg12[%add3A_57] : memref<204800xf32, #tpu.memory_space<vmem_shared>> -> memref<3200xf32, #tpu.memory_space<vmem_shared>>
      %dma_start3A_393 = tpu.memref_slice %arg12[%add3A_57] : memref<204800xf32, #tpu.memory_space<vmem_shared>> -> memref<3200xf32, #tpu.memory_space<vmem_shared>>
      tpu.enqueue_dma source(%dma_start3A_393 : memref<3200xf32, #tpu.memory_space<vmem_shared>>) target(%arg11 : memref<3200xf32, #tpu.memory_space<vmem>>) target_semaphore(%run_scoped3A : memref<!tpu.dma_semaphore, #tpu.memory_space<semaphore_mem>>)
      %dma_wait3A_394 = tpu.memref_slice %arg12[%add3A_57] : memref<204800xf32, #tpu.memory_space<vmem_shared>> -> memref<3200xf32, #tpu.memory_space<vmem_shared>>
      %dma_wait3A_395 = tpu.memref_slice %arg12[%add3A_57] : memref<204800xf32, #tpu.memory_space<vmem_shared>> -> memref<3200xf32, #tpu.memory_space<vmem_shared>>
      tpu.wait_dma2 semaphore(%run_scoped3A : memref<!tpu.dma_semaphore, #tpu.memory_space<semaphore_mem>>) src(%dma_wait3A_395 : memref<3200xf32, #tpu.memory_space<vmem_shared>>) dst(%arg11 : memref<3200xf32, #tpu.memory_space<vmem>>)
      tpu.yield
    }) : () -> ()
    %scan3A_58 = arith.constant 0 : i32
    %scan3A_59 = arith.constant 0 : i32
    %scan3A_60 = arith.constant 25 : i32
    %scan3A_61 = arith.addi %scan3A_59, %scan3A_60 : i32
    %scan3A_62 = arith.constant 1 : i32
    %scan3A_63 = scf.for %scan3A_392 = %scan3A_59 to %scan3A_61 step %scan3A_62 iter_args(%scan3A_393 = %scan3A_58) -> (i32)  : i32 {
      %mul3A_394 = arith.constant 8 : i32
      %mul3A_395 = arith.muli %scan3A_392, %mul3A_394 : i32
      %add3A_396 = arith.constant 0 : i32
      %add3A_397 = arith.addi %mul3A_395, %add3A_396 : i32
      %mul3A_398 = arith.constant 16 : i32
      %mul3A_399 = arith.muli %add3A_397, %mul3A_398 : i32
      %get3A = arith.index_cast %mul3A_399 : i32 to index
      %get3A_400 = tpu.vector_load %arg11[%get3A] {strides = array<i32>} : memref<3200xf32, #tpu.memory_space<vmem>>, vector<16xf32>,
      %swap3A = arith.index_cast %mul3A_399 : i32 to index
      %swap3A_401 = tpu.vector_load %arg10[%swap3A] {strides = array<i32>} : memref<4000xf32, #tpu.memory_space<vmem>>, vector<16xf32>,
      tpu.vector_store %arg10[%swap3A], %get3A_400 {strides = array<i32>} : memref<4000xf32, #tpu.memory_space<vmem>>, vector<16xf32>,
      %mul3A_402 = arith.constant 8 : i32
      %mul3A_403 = arith.muli %scan3A_392, %mul3A_402 : i32
      %add3A_404 = arith.constant 1 : i32
      %add3A_405 = arith.addi %mul3A_403, %add3A_404 : i32
      %mul3A_406 = arith.constant 16 : i32
      %mul3A_407 = arith.muli %add3A_405, %mul3A_406 : i32
      %get3A_408 = arith.index_cast %mul3A_407 : i32 to index
      %get3A_409 = tpu.vector_load %arg11[%get3A_408] {strides = array<i32>} : memref<3200xf32, #tpu.memory_space<vmem>>, vector<16xf32>,
      %swap3A_410 = arith.index_cast %mul3A_407 : i32 to index
      %swap3A_411 = tpu.vector_load %arg10[%swap3A_410] {strides = array<i32>} : memref<4000xf32, #tpu.memory_space<vmem>>, vector<16xf32>,
      tpu.vector_store %arg10[%swap3A_410], %get3A_409 {strides = array<i32>} : memref<4000xf32, #tpu.memory_space<vmem>>, vector<16xf32>,
      %mul3A_412 = arith.constant 8 : i32
      %mul3A_413 = arith.muli %scan3A_392, %mul3A_412 : i32
      %add3A_414 = arith.constant 2 : i32
      %add3A_415 = arith.addi %mul3A_413, %add3A_414 : i32
      %mul3A_416 = arith.constant 16 : i32
      %mul3A_417 = arith.muli %add3A_415, %mul3A_416 : i32
      %get3A_418 = arith.index_cast %mul3A_417 : i32 to index
      %get3A_419 = tpu.vector_load %arg11[%get3A_418] {strides = array<i32>} : memref<3200xf32, #tpu.memory_space<vmem>>, vector<16xf32>,
      %swap3A_420 = arith.index_cast %mul3A_417 : i32 to index
      %swap3A_421 = tpu.vector_load %arg10[%swap3A_420] {strides = array<i32>} : memref<4000xf32, #tpu.memory_space<vmem>>, vector<16xf32>,
      tpu.vector_store %arg10[%swap3A_420], %get3A_419 {strides = array<i32>} : memref<4000xf32, #tpu.memory_space<vmem>>, vector<16xf32>,
      %mul3A_422 = arith.constant 8 : i32
      %mul3A_423 = arith.muli %scan3A_392, %mul3A_422 : i32
      %add3A_424 = arith.constant 3 : i32
      %add3A_425 = arith.addi %mul3A_423, %add3A_424 : i32
      %mul3A_426 = arith.constant 16 : i32
      %mul3A_427 = arith.muli %add3A_425, %mul3A_426 : i32
      %get3A_428 = arith.index_cast %mul3A_427 : i32 to index
      %get3A_429 = tpu.vector_load %arg11[%get3A_428] {strides = array<i32>} : memref<3200xf32, #tpu.memory_space<vmem>>, vector<16xf32>,
      %swap3A_430 = arith.index_cast %mul3A_427 : i32 to index
      %swap3A_431 = tpu.vector_load %arg10[%swap3A_430] {strides = array<i32>} : memref<4000xf32, #tpu.memory_space<vmem>>, vector<16xf32>,
      tpu.vector_store %arg10[%swap3A_430], %get3A_429 {strides = array<i32>} : memref<4000xf32, #tpu.memory_space<vmem>>, vector<16xf32>,
      %mul3A_432 = arith.constant 8 : i32
      %mul3A_433 = arith.muli %scan3A_392, %mul3A_432 : i32
      %add3A_434 = arith.constant 4 : i32
      %add3A_435 = arith.addi %mul3A_433, %add3A_434 : i32
      %mul3A_436 = arith.constant 16 : i32
      %mul3A_437 = arith.muli %add3A_435, %mul3A_436 : i32
      %get3A_438 = arith.index_cast %mul3A_437 : i32 to index
      %get3A_439 = tpu.vector_load %arg11[%get3A_438] {strides = array<i32>} : memref<3200xf32, #tpu.memory_space<vmem>>, vector<16xf32>,
      %swap3A_440 = arith.index_cast %mul3A_437 : i32 to index
      %swap3A_441 = tpu.vector_load %arg10[%swap3A_440] {strides = array<i32>} : memref<4000xf32, #tpu.memory_space<vmem>>, vector<16xf32>,
      tpu.vector_store %arg10[%swap3A_440], %get3A_439 {strides = array<i32>} : memref<4000xf32, #tpu.memory_space<vmem>>, vector<16xf32>,
      %mul3A_442 = arith.constant 8 : i32
      %mul3A_443 = arith.muli %scan3A_392, %mul3A_442 : i32
      %add3A_444 = arith.constant 5 : i32
      %add3A_445 = arith.addi %mul3A_443, %add3A_444 : i32
      %mul3A_446 = arith.constant 16 : i32
      %mul3A_447 = arith.muli %add3A_445, %mul3A_446 : i32
      %get3A_448 = arith.index_cast %mul3A_447 : i32 to index
      %get3A_449 = tpu.vector_load %arg11[%get3A_448] {strides = array<i32>} : memref<3200xf32, #tpu.memory_space<vmem>>, vector<16xf32>,
      %swap3A_450 = arith.index_cast %mul3A_447 : i32 to index
      %swap3A_451 = tpu.vector_load %arg10[%swap3A_450] {strides = array<i32>} : memref<4000xf32, #tpu.memory_space<vmem>>, vector<16xf32>,
      tpu.vector_store %arg10[%swap3A_450], %get3A_449 {strides = array<i32>} : memref<4000xf32, #tpu.memory_space<vmem>>, vector<16xf32>,
      %mul3A_452 = arith.constant 8 : i32
      %mul3A_453 = arith.muli %scan3A_392, %mul3A_452 : i32
      %add3A_454 = arith.constant 6 : i32
      %add3A_455 = arith.addi %mul3A_453, %add3A_454 : i32
      %mul3A_456 = arith.constant 16 : i32
      %mul3A_457 = arith.muli %add3A_455, %mul3A_456 : i32
      %get3A_458 = arith.index_cast %mul3A_457 : i32 to index
      %get3A_459 = tpu.vector_load %arg11[%get3A_458] {strides = array<i32>} : memref<3200xf32, #tpu.memory_space<vmem>>, vector<16xf32>,
      %swap3A_460 = arith.index_cast %mul3A_457 : i32 to index
      %swap3A_461 = tpu.vector_load %arg10[%swap3A_460] {strides = array<i32>} : memref<4000xf32, #tpu.memory_space<vmem>>, vector<16xf32>,
      tpu.vector_store %arg10[%swap3A_460], %get3A_459 {strides = array<i32>} : memref<4000xf32, #tpu.memory_space<vmem>>, vector<16xf32>,
      %mul3A_462 = arith.constant 8 : i32
      %mul3A_463 = arith.muli %scan3A_392, %mul3A_462 : i32
      %add3A_464 = arith.constant 7 : i32
      %add3A_465 = arith.addi %mul3A_463, %add3A_464 : i32
      %mul3A_466 = arith.constant 16 : i32
      %mul3A_467 = arith.muli %add3A_465, %mul3A_466 : i32
      %get3A_468 = arith.index_cast %mul3A_467 : i32 to index
      %get3A_469 = tpu.vector_load %arg11[%get3A_468] {strides = array<i32>} : memref<3200xf32, #tpu.memory_space<vmem>>, vector<16xf32>,
      %swap3A_470 = arith.index_cast %mul3A_467 : i32 to index
      %swap3A_471 = tpu.vector_load %arg10[%swap3A_470] {strides = array<i32>} : memref<4000xf32, #tpu.memory_space<vmem>>, vector<16xf32>,
      tpu.vector_store %arg10[%swap3A_470], %get3A_469 {strides = array<i32>} : memref<4000xf32, #tpu.memory_space<vmem>>, vector<16xf32>,
      %scan3A_472 = arith.constant 0 : i32
      scf.yield %scan3A_472 : i32
    }
    %scan3A_64 = arith.constant 25 : i32
    %mul3A_65 = arith.constant 3200 : i32
    %mul3A_66 = arith.muli %arg1, %mul3A_65 : i32
    %add3A_67 = arith.constant 51200 : i32
    %add3A_68 = arith.addi %add3A_67, %mul3A_66 : i32
    "tpu.region"() ({
      %run_scoped3A = tpu.sem_alloc : memref<!tpu.dma_semaphore, #tpu.memory_space<semaphore_mem>>
      %dma_start3A_392 = tpu.memref_slice %arg12[%add3A_68] : memref<204800xf32, #tpu.memory_space<vmem_shared>> -> memref<3200xf32, #tpu.memory_space<vmem_shared>>
      %dma_start3A_393 = tpu.memref_slice %arg12[%add3A_68] : memref<204800xf32, #tpu.memory_space<vmem_shared>> -> memref<3200xf32, #tpu.memory_space<vmem_shared>>
      tpu.enqueue_dma source(%dma_start3A_393 : memref<3200xf32, #tpu.memory_space<vmem_shared>>) target(%arg11 : memref<3200xf32, #tpu.memory_space<vmem>>) target_semaphore(%run_scoped3A : memref<!tpu.dma_semaphore, #tpu.memory_space<semaphore_mem>>)
      %dma_wait3A_394 = tpu.memref_slice %arg12[%add3A_68] : memref<204800xf32, #tpu.memory_space<vmem_shared>> -> memref<3200xf32, #tpu.memory_space<vmem_shared>>
      %dma_wait3A_395 = tpu.memref_slice %arg12[%add3A_68] : memref<204800xf32, #tpu.memory_space<vmem_shared>> -> memref<3200xf32, #tpu.memory_space<vmem_shared>>
      tpu.wait_dma2 semaphore(%run_scoped3A : memref<!tpu.dma_semaphore, #tpu.memory_space<semaphore_mem>>) src(%dma_wait3A_395 : memref<3200xf32, #tpu.memory_space<vmem_shared>>) dst(%arg11 : memref<3200xf32, #tpu.memory_space<vmem>>)
      tpu.yield
    }) : () -> ()
    %scan3A_69 = arith.constant 0 : i32
    %scan3A_70 = arith.constant 0 : i32
    %scan3A_71 = arith.constant 25 : i32
    %scan3A_72 = arith.addi %scan3A_70, %scan3A_71 : i32
    %scan3A_73 = arith.constant 1 : i32
    %scan3A_74 = scf.for %scan3A_392 = %scan3A_70 to %scan3A_72 step %scan3A_73 iter_args(%scan3A_393 = %scan3A_69) -> (i32)  : i32 {
      %mul3A_394 = arith.constant 8 : i32
      %mul3A_395 = arith.muli %scan3A_392, %mul3A_394 : i32
      %add3A_396 = arith.constant 0 : i32
      %add3A_397 = arith.addi %mul3A_395, %add3A_396 : i32
      %mul3A_398 = arith.constant 16 : i32
      %mul3A_399 = arith.muli %add3A_397, %mul3A_398 : i32
      %get3A = arith.index_cast %mul3A_399 : i32 to index
      %get3A_400 = tpu.vector_load %arg10[%get3A] {strides = array<i32>} : memref<4000xf32, #tpu.memory_space<vmem>>, vector<16xf32>,
      %get3A_401 = arith.index_cast %mul3A_399 : i32 to index
      %get3A_402 = tpu.vector_load %arg11[%get3A_401] {strides = array<i32>} : memref<3200xf32, #tpu.memory_space<vmem>>, vector<16xf32>,
      %add3A_403 = arith.addf %get3A_400, %get3A_402 : vector<16xf32>
      %swap3A = arith.index_cast %mul3A_399 : i32 to index
      %swap3A_404 = tpu.vector_load %arg10[%swap3A] {strides = array<i32>} : memref<4000xf32, #tpu.memory_space<vmem>>, vector<16xf32>,
      tpu.vector_store %arg10[%swap3A], %add3A_403 {strides = array<i32>} : memref<4000xf32, #tpu.memory_space<vmem>>, vector<16xf32>,
      %mul3A_405 = arith.constant 8 : i32
      %mul3A_406 = arith.muli %scan3A_392, %mul3A_405 : i32
      %add3A_407 = arith.constant 1 : i32
      %add3A_408 = arith.addi %mul3A_406, %add3A_407 : i32
      %mul3A_409 = arith.constant 16 : i32
      %mul3A_410 = arith.muli %add3A_408, %mul3A_409 : i32
      %get3A_411 = arith.index_cast %mul3A_410 : i32 to index
      %get3A_412 = tpu.vector_load %arg10[%get3A_411] {strides = array<i32>} : memref<4000xf32, #tpu.memory_space<vmem>>, vector<16xf32>,
      %get3A_413 = arith.index_cast %mul3A_410 : i32 to index
      %get3A_414 = tpu.vector_load %arg11[%get3A_413] {strides = array<i32>} : memref<3200xf32, #tpu.memory_space<vmem>>, vector<16xf32>,
      %add3A_415 = arith.addf %get3A_412, %get3A_414 : vector<16xf32>
      %swap3A_416 = arith.index_cast %mul3A_410 : i32 to index
      %swap3A_417 = tpu.vector_load %arg10[%swap3A_416] {strides = array<i32>} : memref<4000xf32, #tpu.memory_space<vmem>>, vector<16xf32>,
      tpu.vector_store %arg10[%swap3A_416], %add3A_415 {strides = array<i32>} : memref<4000xf32, #tpu.memory_space<vmem>>, vector<16xf32>,
      %mul3A_418 = arith.constant 8 : i32
      %mul3A_419 = arith.muli %scan3A_392, %mul3A_418 : i32
      %add3A_420 = arith.constant 2 : i32
      %add3A_421 = arith.addi %mul3A_419, %add3A_420 : i32
      %mul3A_422 = arith.constant 16 : i32
      %mul3A_423 = arith.muli %add3A_421, %mul3A_422 : i32
      %get3A_424 = arith.index_cast %mul3A_423 : i32 to index
      %get3A_425 = tpu.vector_load %arg10[%get3A_424] {strides = array<i32>} : memref<4000xf32, #tpu.memory_space<vmem>>, vector<16xf32>,
      %get3A_426 = arith.index_cast %mul3A_423 : i32 to index
      %get3A_427 = tpu.vector_load %arg11[%get3A_426] {strides = array<i32>} : memref<3200xf32, #tpu.memory_space<vmem>>, vector<16xf32>,
      %add3A_428 = arith.addf %get3A_425, %get3A_427 : vector<16xf32>
      %swap3A_429 = arith.index_cast %mul3A_423 : i32 to index
      %swap3A_430 = tpu.vector_load %arg10[%swap3A_429] {strides = array<i32>} : memref<4000xf32, #tpu.memory_space<vmem>>, vector<16xf32>,
      tpu.vector_store %arg10[%swap3A_429], %add3A_428 {strides = array<i32>} : memref<4000xf32, #tpu.memory_space<vmem>>, vector<16xf32>,
      %mul3A_431 = arith.constant 8 : i32
      %mul3A_432 = arith.muli %scan3A_392, %mul3A_431 : i32
      %add3A_433 = arith.constant 3 : i32
      %add3A_434 = arith.addi %mul3A_432, %add3A_433 : i32
      %mul3A_435 = arith.constant 16 : i32
      %mul3A_436 = arith.muli %add3A_434, %mul3A_435 : i32
      %get3A_437 = arith.index_cast %mul3A_436 : i32 to index
      %get3A_438 = tpu.vector_load %arg10[%get3A_437] {strides = array<i32>} : memref<4000xf32, #tpu.memory_space<vmem>>, vector<16xf32>,
      %get3A_439 = arith.index_cast %mul3A_436 : i32 to index
      %get3A_440 = tpu.vector_load %arg11[%get3A_439] {strides = array<i32>} : memref<3200xf32, #tpu.memory_space<vmem>>, vector<16xf32>,
      %add3A_441 = arith.addf %get3A_438, %get3A_440 : vector<16xf32>
      %swap3A_442 = arith.index_cast %mul3A_436 : i32 to index
      %swap3A_443 = tpu.vector_load %arg10[%swap3A_442] {strides = array<i32>} : memref<4000xf32, #tpu.memory_space<vmem>>, vector<16xf32>,
      tpu.vector_store %arg10[%swap3A_442], %add3A_441 {strides = array<i32>} : memref<4000xf32, #tpu.memory_space<vmem>>, vector<16xf32>,
      %mul3A_444 = arith.constant 8 : i32
      %mul3A_445 = arith.muli %scan3A_392, %mul3A_444 : i32
      %add3A_446 = arith.constant 4 : i32
      %add3A_447 = arith.addi %mul3A_445, %add3A_446 : i32
      %mul3A_448 = arith.constant 16 : i32
      %mul3A_449 = arith.muli %add3A_447, %mul3A_448 : i32
      %get3A_450 = arith.index_cast %mul3A_449 : i32 to index
      %get3A_451 = tpu.vector_load %arg10[%get3A_450] {strides = array<i32>} : memref<4000xf32, #tpu.memory_space<vmem>>, vector<16xf32>,
      %get3A_452 = arith.index_cast %mul3A_449 : i32 to index
      %get3A_453 = tpu.vector_load %arg11[%get3A_452] {strides = array<i32>} : memref<3200xf32, #tpu.memory_space<vmem>>, vector<16xf32>,
      %add3A_454 = arith.addf %get3A_451, %get3A_453 : vector<16xf32>
      %swap3A_455 = arith.index_cast %mul3A_449 : i32 to index
      %swap3A_456 = tpu.vector_load %arg10[%swap3A_455] {strides = array<i32>} : memref<4000xf32, #tpu.memory_space<vmem>>, vector<16xf32>,
      tpu.vector_store %arg10[%swap3A_455], %add3A_454 {strides = array<i32>} : memref<4000xf32, #tpu.memory_space<vmem>>, vector<16xf32>,
      %mul3A_457 = arith.constant 8 : i32
      %mul3A_458 = arith.muli %scan3A_392, %mul3A_457 : i32
      %add3A_459 = arith.constant 5 : i32
      %add3A_460 = arith.addi %mul3A_458, %add3A_459 : i32
      %mul3A_461 = arith.constant 16 : i32
      %mul3A_462 = arith.muli %add3A_460, %mul3A_461 : i32
      %get3A_463 = arith.index_cast %mul3A_462 : i32 to index
      %get3A_464 = tpu.vector_load %arg10[%get3A_463] {strides = array<i32>} : memref<4000xf32, #tpu.memory_space<vmem>>, vector<16xf32>,
      %get3A_465 = arith.index_cast %mul3A_462 : i32 to index
      %get3A_466 = tpu.vector_load %arg11[%get3A_465] {strides = array<i32>} : memref<3200xf32, #tpu.memory_space<vmem>>, vector<16xf32>,
      %add3A_467 = arith.addf %get3A_464, %get3A_466 : vector<16xf32>
      %swap3A_468 = arith.index_cast %mul3A_462 : i32 to index
      %swap3A_469 = tpu.vector_load %arg10[%swap3A_468] {strides = array<i32>} : memref<4000xf32, #tpu.memory_space<vmem>>, vector<16xf32>,
      tpu.vector_store %arg10[%swap3A_468], %add3A_467 {strides = array<i32>} : memref<4000xf32, #tpu.memory_space<vmem>>, vector<16xf32>,
      %mul3A_470 = arith.constant 8 : i32
      %mul3A_471 = arith.muli %scan3A_392, %mul3A_470 : i32
      %add3A_472 = arith.constant 6 : i32
      %add3A_473 = arith.addi %mul3A_471, %add3A_472 : i32
      %mul3A_474 = arith.constant 16 : i32
      %mul3A_475 = arith.muli %add3A_473, %mul3A_474 : i32
      %get3A_476 = arith.index_cast %mul3A_475 : i32 to index
      %get3A_477 = tpu.vector_load %arg10[%get3A_476] {strides = array<i32>} : memref<4000xf32, #tpu.memory_space<vmem>>, vector<16xf32>,
      %get3A_478 = arith.index_cast %mul3A_475 : i32 to index
      %get3A_479 = tpu.vector_load %arg11[%get3A_478] {strides = array<i32>} : memref<3200xf32, #tpu.memory_space<vmem>>, vector<16xf32>,
      %add3A_480 = arith.addf %get3A_477, %get3A_479 : vector<16xf32>
      %swap3A_481 = arith.index_cast %mul3A_475 : i32 to index
      %swap3A_482 = tpu.vector_load %arg10[%swap3A_481] {strides = array<i32>} : memref<4000xf32, #tpu.memory_space<vmem>>, vector<16xf32>,
      tpu.vector_store %arg10[%swap3A_481], %add3A_480 {strides = array<i32>} : memref<4000xf32, #tpu.memory_space<vmem>>, vector<16xf32>,
      %mul3A_483 = arith.constant 8 : i32
      %mul3A_484 = arith.muli %scan3A_392, %mul3A_483 : i32
      %add3A_485 = arith.constant 7 : i32
      %add3A_486 = arith.addi %mul3A_484, %add3A_485 : i32
      %mul3A_487 = arith.constant 16 : i32
      %mul3A_488 = arith.muli %add3A_486, %mul3A_487 : i32
      %get3A_489 = arith.index_cast %mul3A_488 : i32 to index
      %get3A_490 = tpu.vector_load %arg10[%get3A_489] {strides = array<i32>} : memref<4000xf32, #tpu.memory_space<vmem>>, vector<16xf32>,
      %get3A_491 = arith.index_cast %mul3A_488 : i32 to index
      %get3A_492 = tpu.vector_load %arg11[%get3A_491] {strides = array<i32>} : memref<3200xf32, #tpu.memory_space<vmem>>, vector<16xf32>,
      %add3A_493 = arith.addf %get3A_490, %get3A_492 : vector<16xf32>
      %swap3A_494 = arith.index_cast %mul3A_488 : i32 to index
      %swap3A_495 = tpu.vector_load %arg10[%swap3A_494] {strides = array<i32>} : memref<4000xf32, #tpu.memory_space<vmem>>, vector<16xf32>,
      tpu.vector_store %arg10[%swap3A_494], %add3A_493 {strides = array<i32>} : memref<4000xf32, #tpu.memory_space<vmem>>, vector<16xf32>,
      %scan3A_496 = arith.constant 0 : i32
      scf.yield %scan3A_496 : i32
    }
    %scan3A_75 = arith.constant 25 : i32
    %mul3A_76 = arith.constant 3200 : i32
    %mul3A_77 = arith.muli %arg1, %mul3A_76 : i32
    %add3A_78 = arith.constant 102400 : i32
    %add3A_79 = arith.addi %add3A_78, %mul3A_77 : i32
    "tpu.region"() ({
      %run_scoped3A = tpu.sem_alloc : memref<!tpu.dma_semaphore, #tpu.memory_space<semaphore_mem>>
      %dma_start3A_392 = tpu.memref_slice %arg12[%add3A_79] : memref<204800xf32, #tpu.memory_space<vmem_shared>> -> memref<3200xf32, #tpu.memory_space<vmem_shared>>
      %dma_start3A_393 = tpu.memref_slice %arg12[%add3A_79] : memref<204800xf32, #tpu.memory_space<vmem_shared>> -> memref<3200xf32, #tpu.memory_space<vmem_shared>>
      tpu.enqueue_dma source(%dma_start3A_393 : memref<3200xf32, #tpu.memory_space<vmem_shared>>) target(%arg11 : memref<3200xf32, #tpu.memory_space<vmem>>) target_semaphore(%run_scoped3A : memref<!tpu.dma_semaphore, #tpu.memory_space<semaphore_mem>>)
      %dma_wait3A_394 = tpu.memref_slice %arg12[%add3A_79] : memref<204800xf32, #tpu.memory_space<vmem_shared>> -> memref<3200xf32, #tpu.memory_space<vmem_shared>>
      %dma_wait3A_395 = tpu.memref_slice %arg12[%add3A_79] : memref<204800xf32, #tpu.memory_space<vmem_shared>> -> memref<3200xf32, #tpu.memory_space<vmem_shared>>
      tpu.wait_dma2 semaphore(%run_scoped3A : memref<!tpu.dma_semaphore, #tpu.memory_space<semaphore_mem>>) src(%dma_wait3A_395 : memref<3200xf32, #tpu.memory_space<vmem_shared>>) dst(%arg11 : memref<3200xf32, #tpu.memory_space<vmem>>)
      tpu.yield
    }) : () -> ()
    %scan3A_80 = arith.constant 0 : i32
    %scan3A_81 = arith.constant 0 : i32
    %scan3A_82 = arith.constant 25 : i32
    %scan3A_83 = arith.addi %scan3A_81, %scan3A_82 : i32
    %scan3A_84 = arith.constant 1 : i32
    %scan3A_85 = scf.for %scan3A_392 = %scan3A_81 to %scan3A_83 step %scan3A_84 iter_args(%scan3A_393 = %scan3A_80) -> (i32)  : i32 {
      %mul3A_394 = arith.constant 8 : i32
      %mul3A_395 = arith.muli %scan3A_392, %mul3A_394 : i32
      %add3A_396 = arith.constant 0 : i32
      %add3A_397 = arith.addi %mul3A_395, %add3A_396 : i32
      %mul3A_398 = arith.constant 16 : i32
      %mul3A_399 = arith.muli %add3A_397, %mul3A_398 : i32
      %get3A = arith.index_cast %mul3A_399 : i32 to index
      %get3A_400 = tpu.vector_load %arg10[%get3A] {strides = array<i32>} : memref<4000xf32, #tpu.memory_space<vmem>>, vector<16xf32>,
      %get3A_401 = arith.index_cast %mul3A_399 : i32 to index
      %get3A_402 = tpu.vector_load %arg11[%get3A_401] {strides = array<i32>} : memref<3200xf32, #tpu.memory_space<vmem>>, vector<16xf32>,
      %add3A_403 = arith.addf %get3A_400, %get3A_402 : vector<16xf32>
      %swap3A = arith.index_cast %mul3A_399 : i32 to index
      %swap3A_404 = tpu.vector_load %arg10[%swap3A] {strides = array<i32>} : memref<4000xf32, #tpu.memory_space<vmem>>, vector<16xf32>,
      tpu.vector_store %arg10[%swap3A], %add3A_403 {strides = array<i32>} : memref<4000xf32, #tpu.memory_space<vmem>>, vector<16xf32>,
      %mul3A_405 = arith.constant 8 : i32
      %mul3A_406 = arith.muli %scan3A_392, %mul3A_405 : i32
      %add3A_407 = arith.constant 1 : i32
      %add3A_408 = arith.addi %mul3A_406, %add3A_407 : i32
      %mul3A_409 = arith.constant 16 : i32
      %mul3A_410 = arith.muli %add3A_408, %mul3A_409 : i32
      %get3A_411 = arith.index_cast %mul3A_410 : i32 to index
      %get3A_412 = tpu.vector_load %arg10[%get3A_411] {strides = array<i32>} : memref<4000xf32, #tpu.memory_space<vmem>>, vector<16xf32>,
      %get3A_413 = arith.index_cast %mul3A_410 : i32 to index
      %get3A_414 = tpu.vector_load %arg11[%get3A_413] {strides = array<i32>} : memref<3200xf32, #tpu.memory_space<vmem>>, vector<16xf32>,
      %add3A_415 = arith.addf %get3A_412, %get3A_414 : vector<16xf32>
      %swap3A_416 = arith.index_cast %mul3A_410 : i32 to index
      %swap3A_417 = tpu.vector_load %arg10[%swap3A_416] {strides = array<i32>} : memref<4000xf32, #tpu.memory_space<vmem>>, vector<16xf32>,
      tpu.vector_store %arg10[%swap3A_416], %add3A_415 {strides = array<i32>} : memref<4000xf32, #tpu.memory_space<vmem>>, vector<16xf32>,
      %mul3A_418 = arith.constant 8 : i32
      %mul3A_419 = arith.muli %scan3A_392, %mul3A_418 : i32
      %add3A_420 = arith.constant 2 : i32
      %add3A_421 = arith.addi %mul3A_419, %add3A_420 : i32
      %mul3A_422 = arith.constant 16 : i32
      %mul3A_423 = arith.muli %add3A_421, %mul3A_422 : i32
      %get3A_424 = arith.index_cast %mul3A_423 : i32 to index
      %get3A_425 = tpu.vector_load %arg10[%get3A_424] {strides = array<i32>} : memref<4000xf32, #tpu.memory_space<vmem>>, vector<16xf32>,
      %get3A_426 = arith.index_cast %mul3A_423 : i32 to index
      %get3A_427 = tpu.vector_load %arg11[%get3A_426] {strides = array<i32>} : memref<3200xf32, #tpu.memory_space<vmem>>, vector<16xf32>,
      %add3A_428 = arith.addf %get3A_425, %get3A_427 : vector<16xf32>
      %swap3A_429 = arith.index_cast %mul3A_423 : i32 to index
      %swap3A_430 = tpu.vector_load %arg10[%swap3A_429] {strides = array<i32>} : memref<4000xf32, #tpu.memory_space<vmem>>, vector<16xf32>,
      tpu.vector_store %arg10[%swap3A_429], %add3A_428 {strides = array<i32>} : memref<4000xf32, #tpu.memory_space<vmem>>, vector<16xf32>,
      %mul3A_431 = arith.constant 8 : i32
      %mul3A_432 = arith.muli %scan3A_392, %mul3A_431 : i32
      %add3A_433 = arith.constant 3 : i32
      %add3A_434 = arith.addi %mul3A_432, %add3A_433 : i32
      %mul3A_435 = arith.constant 16 : i32
      %mul3A_436 = arith.muli %add3A_434, %mul3A_435 : i32
      %get3A_437 = arith.index_cast %mul3A_436 : i32 to index
      %get3A_438 = tpu.vector_load %arg10[%get3A_437] {strides = array<i32>} : memref<4000xf32, #tpu.memory_space<vmem>>, vector<16xf32>,
      %get3A_439 = arith.index_cast %mul3A_436 : i32 to index
      %get3A_440 = tpu.vector_load %arg11[%get3A_439] {strides = array<i32>} : memref<3200xf32, #tpu.memory_space<vmem>>, vector<16xf32>,
      %add3A_441 = arith.addf %get3A_438, %get3A_440 : vector<16xf32>
      %swap3A_442 = arith.index_cast %mul3A_436 : i32 to index
      %swap3A_443 = tpu.vector_load %arg10[%swap3A_442] {strides = array<i32>} : memref<4000xf32, #tpu.memory_space<vmem>>, vector<16xf32>,
      tpu.vector_store %arg10[%swap3A_442], %add3A_441 {strides = array<i32>} : memref<4000xf32, #tpu.memory_space<vmem>>, vector<16xf32>,
      %mul3A_444 = arith.constant 8 : i32
      %mul3A_445 = arith.muli %scan3A_392, %mul3A_444 : i32
      %add3A_446 = arith.constant 4 : i32
      %add3A_447 = arith.addi %mul3A_445, %add3A_446 : i32
      %mul3A_448 = arith.constant 16 : i32
      %mul3A_449 = arith.muli %add3A_447, %mul3A_448 : i32
      %get3A_450 = arith.index_cast %mul3A_449 : i32 to index
      %get3A_451 = tpu.vector_load %arg10[%get3A_450] {strides = array<i32>} : memref<4000xf32, #tpu.memory_space<vmem>>, vector<16xf32>,
      %get3A_452 = arith.index_cast %mul3A_449 : i32 to index
      %get3A_453 = tpu.vector_load %arg11[%get3A_452] {strides = array<i32>} : memref<3200xf32, #tpu.memory_space<vmem>>, vector<16xf32>,
      %add3A_454 = arith.addf %get3A_451, %get3A_453 : vector<16xf32>
      %swap3A_455 = arith.index_cast %mul3A_449 : i32 to index
      %swap3A_456 = tpu.vector_load %arg10[%swap3A_455] {strides = array<i32>} : memref<4000xf32, #tpu.memory_space<vmem>>, vector<16xf32>,
      tpu.vector_store %arg10[%swap3A_455], %add3A_454 {strides = array<i32>} : memref<4000xf32, #tpu.memory_space<vmem>>, vector<16xf32>,
      %mul3A_457 = arith.constant 8 : i32
      %mul3A_458 = arith.muli %scan3A_392, %mul3A_457 : i32
      %add3A_459 = arith.constant 5 : i32
      %add3A_460 = arith.addi %mul3A_458, %add3A_459 : i32
      %mul3A_461 = arith.constant 16 : i32
      %mul3A_462 = arith.muli %add3A_460, %mul3A_461 : i32
      %get3A_463 = arith.index_cast %mul3A_462 : i32 to index
      %get3A_464 = tpu.vector_load %arg10[%get3A_463] {strides = array<i32>} : memref<4000xf32, #tpu.memory_space<vmem>>, vector<16xf32>,
      %get3A_465 = arith.index_cast %mul3A_462 : i32 to index
      %get3A_466 = tpu.vector_load %arg11[%get3A_465] {strides = array<i32>} : memref<3200xf32, #tpu.memory_space<vmem>>, vector<16xf32>,
      %add3A_467 = arith.addf %get3A_464, %get3A_466 : vector<16xf32>
      %swap3A_468 = arith.index_cast %mul3A_462 : i32 to index
      %swap3A_469 = tpu.vector_load %arg10[%swap3A_468] {strides = array<i32>} : memref<4000xf32, #tpu.memory_space<vmem>>, vector<16xf32>,
      tpu.vector_store %arg10[%swap3A_468], %add3A_467 {strides = array<i32>} : memref<4000xf32, #tpu.memory_space<vmem>>, vector<16xf32>,
      %mul3A_470 = arith.constant 8 : i32
      %mul3A_471 = arith.muli %scan3A_392, %mul3A_470 : i32
      %add3A_472 = arith.constant 6 : i32
      %add3A_473 = arith.addi %mul3A_471, %add3A_472 : i32
      %mul3A_474 = arith.constant 16 : i32
      %mul3A_475 = arith.muli %add3A_473, %mul3A_474 : i32
      %get3A_476 = arith.index_cast %mul3A_475 : i32 to index
      %get3A_477 = tpu.vector_load %arg10[%get3A_476] {strides = array<i32>} : memref<4000xf32, #tpu.memory_space<vmem>>, vector<16xf32>,
      %get3A_478 = arith.index_cast %mul3A_475 : i32 to index
      %get3A_479 = tpu.vector_load %arg11[%get3A_478] {strides = array<i32>} : memref<3200xf32, #tpu.memory_space<vmem>>, vector<16xf32>,
      %add3A_480 = arith.addf %get3A_477, %get3A_479 : vector<16xf32>
      %swap3A_481 = arith.index_cast %mul3A_475 : i32 to index
      %swap3A_482 = tpu.vector_load %arg10[%swap3A_481] {strides = array<i32>} : memref<4000xf32, #tpu.memory_space<vmem>>, vector<16xf32>,
      tpu.vector_store %arg10[%swap3A_481], %add3A_480 {strides = array<i32>} : memref<4000xf32, #tpu.memory_space<vmem>>, vector<16xf32>,
      %mul3A_483 = arith.constant 8 : i32
      %mul3A_484 = arith.muli %scan3A_392, %mul3A_483 : i32
      %add3A_485 = arith.constant 7 : i32
      %add3A_486 = arith.addi %mul3A_484, %add3A_485 : i32
      %mul3A_487 = arith.constant 16 : i32
      %mul3A_488 = arith.muli %add3A_486, %mul3A_487 : i32
      %get3A_489 = arith.index_cast %mul3A_488 : i32 to index
      %get3A_490 = tpu.vector_load %arg10[%get3A_489] {strides = array<i32>} : memref<4000xf32, #tpu.memory_space<vmem>>, vector<16xf32>,
      %get3A_491 = arith.index_cast %mul3A_488 : i32 to index
      %get3A_492 = tpu.vector_load %arg11[%get3A_491] {strides = array<i32>} : memref<3200xf32, #tpu.memory_space<vmem>>, vector<16xf32>,
      %add3A_493 = arith.addf %get3A_490, %get3A_492 : vector<16xf32>
      %swap3A_494 = arith.index_cast %mul3A_488 : i32 to index
      %swap3A_495 = tpu.vector_load %arg10[%swap3A_494] {strides = array<i32>} : memref<4000xf32, #tpu.memory_space<vmem>>, vector<16xf32>,
      tpu.vector_store %arg10[%swap3A_494], %add3A_493 {strides = array<i32>} : memref<4000xf32, #tpu.memory_space<vmem>>, vector<16xf32>,
      %scan3A_496 = arith.constant 0 : i32
      scf.yield %scan3A_496 : i32
    }
    %scan3A_86 = arith.constant 25 : i32
    %mul3A_87 = arith.constant 3200 : i32
    %mul3A_88 = arith.muli %arg1, %mul3A_87 : i32
    %add3A_89 = arith.constant 153600 : i32
    %add3A_90 = arith.addi %add3A_89, %mul3A_88 : i32
    "tpu.region"() ({
      %run_scoped3A = tpu.sem_alloc : memref<!tpu.dma_semaphore, #tpu.memory_space<semaphore_mem>>
      %dma_start3A_392 = tpu.memref_slice %arg12[%add3A_90] : memref<204800xf32, #tpu.memory_space<vmem_shared>> -> memref<3200xf32, #tpu.memory_space<vmem_shared>>
      %dma_start3A_393 = tpu.memref_slice %arg12[%add3A_90] : memref<204800xf32, #tpu.memory_space<vmem_shared>> -> memref<3200xf32, #tpu.memory_space<vmem_shared>>
      tpu.enqueue_dma source(%dma_start3A_393 : memref<3200xf32, #tpu.memory_space<vmem_shared>>) target(%arg11 : memref<3200xf32, #tpu.memory_space<vmem>>) target_semaphore(%run_scoped3A : memref<!tpu.dma_semaphore, #tpu.memory_space<semaphore_mem>>)
      %dma_wait3A_394 = tpu.memref_slice %arg12[%add3A_90] : memref<204800xf32, #tpu.memory_space<vmem_shared>> -> memref<3200xf32, #tpu.memory_space<vmem_shared>>
      %dma_wait3A_395 = tpu.memref_slice %arg12[%add3A_90] : memref<204800xf32, #tpu.memory_space<vmem_shared>> -> memref<3200xf32, #tpu.memory_space<vmem_shared>>
      tpu.wait_dma2 semaphore(%run_scoped3A : memref<!tpu.dma_semaphore, #tpu.memory_space<semaphore_mem>>) src(%dma_wait3A_395 : memref<3200xf32, #tpu.memory_space<vmem_shared>>) dst(%arg11 : memref<3200xf32, #tpu.memory_space<vmem>>)
      tpu.yield
    }) : () -> ()
    %scan3A_91 = arith.constant 0 : i32
    %scan3A_92 = arith.constant 0 : i32
    %scan3A_93 = arith.constant 25 : i32
    %scan3A_94 = arith.addi %scan3A_92, %scan3A_93 : i32
    %scan3A_95 = arith.constant 1 : i32
    %scan3A_96 = scf.for %scan3A_392 = %scan3A_92 to %scan3A_94 step %scan3A_95 iter_args(%scan3A_393 = %scan3A_91) -> (i32)  : i32 {
      %mul3A_394 = arith.constant 8 : i32
      %mul3A_395 = arith.muli %scan3A_392, %mul3A_394 : i32
      %add3A_396 = arith.constant 0 : i32
      %add3A_397 = arith.addi %mul3A_395, %add3A_396 : i32
      %mul3A_398 = arith.constant 16 : i32
      %mul3A_399 = arith.muli %add3A_397, %mul3A_398 : i32
      %get3A = arith.index_cast %mul3A_399 : i32 to index
      %get3A_400 = tpu.vector_load %arg10[%get3A] {strides = array<i32>} : memref<4000xf32, #tpu.memory_space<vmem>>, vector<16xf32>,
      %get3A_401 = arith.index_cast %mul3A_399 : i32 to index
      %get3A_402 = tpu.vector_load %arg11[%get3A_401] {strides = array<i32>} : memref<3200xf32, #tpu.memory_space<vmem>>, vector<16xf32>,
      %add3A_403 = arith.addf %get3A_400, %get3A_402 : vector<16xf32>
      %swap3A = arith.index_cast %mul3A_399 : i32 to index
      %swap3A_404 = tpu.vector_load %arg10[%swap3A] {strides = array<i32>} : memref<4000xf32, #tpu.memory_space<vmem>>, vector<16xf32>,
      tpu.vector_store %arg10[%swap3A], %add3A_403 {strides = array<i32>} : memref<4000xf32, #tpu.memory_space<vmem>>, vector<16xf32>,
      %mul3A_405 = arith.constant 8 : i32
      %mul3A_406 = arith.muli %scan3A_392, %mul3A_405 : i32
      %add3A_407 = arith.constant 1 : i32
      %add3A_408 = arith.addi %mul3A_406, %add3A_407 : i32
      %mul3A_409 = arith.constant 16 : i32
      %mul3A_410 = arith.muli %add3A_408, %mul3A_409 : i32
      %get3A_411 = arith.index_cast %mul3A_410 : i32 to index
      %get3A_412 = tpu.vector_load %arg10[%get3A_411] {strides = array<i32>} : memref<4000xf32, #tpu.memory_space<vmem>>, vector<16xf32>,
      %get3A_413 = arith.index_cast %mul3A_410 : i32 to index
      %get3A_414 = tpu.vector_load %arg11[%get3A_413] {strides = array<i32>} : memref<3200xf32, #tpu.memory_space<vmem>>, vector<16xf32>,
      %add3A_415 = arith.addf %get3A_412, %get3A_414 : vector<16xf32>
      %swap3A_416 = arith.index_cast %mul3A_410 : i32 to index
      %swap3A_417 = tpu.vector_load %arg10[%swap3A_416] {strides = array<i32>} : memref<4000xf32, #tpu.memory_space<vmem>>, vector<16xf32>,
      tpu.vector_store %arg10[%swap3A_416], %add3A_415 {strides = array<i32>} : memref<4000xf32, #tpu.memory_space<vmem>>, vector<16xf32>,
      %mul3A_418 = arith.constant 8 : i32
      %mul3A_419 = arith.muli %scan3A_392, %mul3A_418 : i32
      %add3A_420 = arith.constant 2 : i32
      %add3A_421 = arith.addi %mul3A_419, %add3A_420 : i32
      %mul3A_422 = arith.constant 16 : i32
      %mul3A_423 = arith.muli %add3A_421, %mul3A_422 : i32
      %get3A_424 = arith.index_cast %mul3A_423 : i32 to index
      %get3A_425 = tpu.vector_load %arg10[%get3A_424] {strides = array<i32>} : memref<4000xf32, #tpu.memory_space<vmem>>, vector<16xf32>,
      %get3A_426 = arith.index_cast %mul3A_423 : i32 to index
      %get3A_427 = tpu.vector_load %arg11[%get3A_426] {strides = array<i32>} : memref<3200xf32, #tpu.memory_space<vmem>>, vector<16xf32>,
      %add3A_428 = arith.addf %get3A_425, %get3A_427 : vector<16xf32>
      %swap3A_429 = arith.index_cast %mul3A_423 : i32 to index
      %swap3A_430 = tpu.vector_load %arg10[%swap3A_429] {strides = array<i32>} : memref<4000xf32, #tpu.memory_space<vmem>>, vector<16xf32>,
      tpu.vector_store %arg10[%swap3A_429], %add3A_428 {strides = array<i32>} : memref<4000xf32, #tpu.memory_space<vmem>>, vector<16xf32>,
      %mul3A_431 = arith.constant 8 : i32
      %mul3A_432 = arith.muli %scan3A_392, %mul3A_431 : i32
      %add3A_433 = arith.constant 3 : i32
      %add3A_434 = arith.addi %mul3A_432, %add3A_433 : i32
      %mul3A_435 = arith.constant 16 : i32
      %mul3A_436 = arith.muli %add3A_434, %mul3A_435 : i32
      %get3A_437 = arith.index_cast %mul3A_436 : i32 to index
      %get3A_438 = tpu.vector_load %arg10[%get3A_437] {strides = array<i32>} : memref<4000xf32, #tpu.memory_space<vmem>>, vector<16xf32>,
      %get3A_439 = arith.index_cast %mul3A_436 : i32 to index
      %get3A_440 = tpu.vector_load %arg11[%get3A_439] {strides = array<i32>} : memref<3200xf32, #tpu.memory_space<vmem>>, vector<16xf32>,
      %add3A_441 = arith.addf %get3A_438, %get3A_440 : vector<16xf32>
      %swap3A_442 = arith.index_cast %mul3A_436 : i32 to index
      %swap3A_443 = tpu.vector_load %arg10[%swap3A_442] {strides = array<i32>} : memref<4000xf32, #tpu.memory_space<vmem>>, vector<16xf32>,
      tpu.vector_store %arg10[%swap3A_442], %add3A_441 {strides = array<i32>} : memref<4000xf32, #tpu.memory_space<vmem>>, vector<16xf32>,
      %mul3A_444 = arith.constant 8 : i32
      %mul3A_445 = arith.muli %scan3A_392, %mul3A_444 : i32
      %add3A_446 = arith.constant 4 : i32
      %add3A_447 = arith.addi %mul3A_445, %add3A_446 : i32
      %mul3A_448 = arith.constant 16 : i32
      %mul3A_449 = arith.muli %add3A_447, %mul3A_448 : i32
      %get3A_450 = arith.index_cast %mul3A_449 : i32 to index
      %get3A_451 = tpu.vector_load %arg10[%get3A_450] {strides = array<i32>} : memref<4000xf32, #tpu.memory_space<vmem>>, vector<16xf32>,
      %get3A_452 = arith.index_cast %mul3A_449 : i32 to index
      %get3A_453 = tpu.vector_load %arg11[%get3A_452] {strides = array<i32>} : memref<3200xf32, #tpu.memory_space<vmem>>, vector<16xf32>,
      %add3A_454 = arith.addf %get3A_451, %get3A_453 : vector<16xf32>
      %swap3A_455 = arith.index_cast %mul3A_449 : i32 to index
      %swap3A_456 = tpu.vector_load %arg10[%swap3A_455] {strides = array<i32>} : memref<4000xf32, #tpu.memory_space<vmem>>, vector<16xf32>,
      tpu.vector_store %arg10[%swap3A_455], %add3A_454 {strides = array<i32>} : memref<4000xf32, #tpu.memory_space<vmem>>, vector<16xf32>,
      %mul3A_457 = arith.constant 8 : i32
      %mul3A_458 = arith.muli %scan3A_392, %mul3A_457 : i32
      %add3A_459 = arith.constant 5 : i32
      %add3A_460 = arith.addi %mul3A_458, %add3A_459 : i32
      %mul3A_461 = arith.constant 16 : i32
      %mul3A_462 = arith.muli %add3A_460, %mul3A_461 : i32
      %get3A_463 = arith.index_cast %mul3A_462 : i32 to index
      %get3A_464 = tpu.vector_load %arg10[%get3A_463] {strides = array<i32>} : memref<4000xf32, #tpu.memory_space<vmem>>, vector<16xf32>,
      %get3A_465 = arith.index_cast %mul3A_462 : i32 to index
      %get3A_466 = tpu.vector_load %arg11[%get3A_465] {strides = array<i32>} : memref<3200xf32, #tpu.memory_space<vmem>>, vector<16xf32>,
      %add3A_467 = arith.addf %get3A_464, %get3A_466 : vector<16xf32>
      %swap3A_468 = arith.index_cast %mul3A_462 : i32 to index
      %swap3A_469 = tpu.vector_load %arg10[%swap3A_468] {strides = array<i32>} : memref<4000xf32, #tpu.memory_space<vmem>>, vector<16xf32>,
      tpu.vector_store %arg10[%swap3A_468], %add3A_467 {strides = array<i32>} : memref<4000xf32, #tpu.memory_space<vmem>>, vector<16xf32>,
      %mul3A_470 = arith.constant 8 : i32
      %mul3A_471 = arith.muli %scan3A_392, %mul3A_470 : i32
      %add3A_472 = arith.constant 6 : i32
      %add3A_473 = arith.addi %mul3A_471, %add3A_472 : i32
      %mul3A_474 = arith.constant 16 : i32
      %mul3A_475 = arith.muli %add3A_473, %mul3A_474 : i32
      %get3A_476 = arith.index_cast %mul3A_475 : i32 to index
      %get3A_477 = tpu.vector_load %arg10[%get3A_476] {strides = array<i32>} : memref<4000xf32, #tpu.memory_space<vmem>>, vector<16xf32>,
      %get3A_478 = arith.index_cast %mul3A_475 : i32 to index
      %get3A_479 = tpu.vector_load %arg11[%get3A_478] {strides = array<i32>} : memref<3200xf32, #tpu.memory_space<vmem>>, vector<16xf32>,
      %add3A_480 = arith.addf %get3A_477, %get3A_479 : vector<16xf32>
      %swap3A_481 = arith.index_cast %mul3A_475 : i32 to index
      %swap3A_482 = tpu.vector_load %arg10[%swap3A_481] {strides = array<i32>} : memref<4000xf32, #tpu.memory_space<vmem>>, vector<16xf32>,
      tpu.vector_store %arg10[%swap3A_481], %add3A_480 {strides = array<i32>} : memref<4000xf32, #tpu.memory_space<vmem>>, vector<16xf32>,
      %mul3A_483 = arith.constant 8 : i32
      %mul3A_484 = arith.muli %scan3A_392, %mul3A_483 : i32
      %add3A_485 = arith.constant 7 : i32
      %add3A_486 = arith.addi %mul3A_484, %add3A_485 : i32
      %mul3A_487 = arith.constant 16 : i32
      %mul3A_488 = arith.muli %add3A_486, %mul3A_487 : i32
      %get3A_489 = arith.index_cast %mul3A_488 : i32 to index
      %get3A_490 = tpu.vector_load %arg10[%get3A_489] {strides = array<i32>} : memref<4000xf32, #tpu.memory_space<vmem>>, vector<16xf32>,
      %get3A_491 = arith.index_cast %mul3A_488 : i32 to index
      %get3A_492 = tpu.vector_load %arg11[%get3A_491] {strides = array<i32>} : memref<3200xf32, #tpu.memory_space<vmem>>, vector<16xf32>,
      %add3A_493 = arith.addf %get3A_490, %get3A_492 : vector<16xf32>
      %swap3A_494 = arith.index_cast %mul3A_488 : i32 to index
      %swap3A_495 = tpu.vector_load %arg10[%swap3A_494] {strides = array<i32>} : memref<4000xf32, #tpu.memory_space<vmem>>, vector<16xf32>,
      tpu.vector_store %arg10[%swap3A_494], %add3A_493 {strides = array<i32>} : memref<4000xf32, #tpu.memory_space<vmem>>, vector<16xf32>,
      %scan3A_496 = arith.constant 0 : i32
      scf.yield %scan3A_496 : i32
    }
    %scan3A_97 = arith.constant 25 : i32
    %barrier3A_98 = arith.constant 0 : index
    tpu.barrier barrier_id(%barrier3A_98)
    %ge3A_99 = arith.constant 4 : i32
    %ge3A_100 = arith.cmpi sge, %arg1, %ge3A_99 : i32
    %lt3A_101 = arith.constant 8 : i32
    %lt3A_102 = arith.cmpi slt, %arg1, %lt3A_101 : i32
    %and3A_103 = arith.andi %ge3A_100, %lt3A_102 : i1
    %convert_element_type3A_104 = arith.extui %and3A_103 : i1 to i32
    %cond3A_105 = arith.constant 0 : i32
    %cond3A_106 = arith.cmpi ne, %convert_element_type3A_104, %cond3A_105 : i32
    scf.if %cond3A_106 {
      %sub3A = arith.constant 4 : i32
      %sub3A_392 = arith.subi %arg1, %sub3A : i32
      %mul3A_393 = arith.constant 51200 : i32
      %mul3A_394 = arith.muli %sub3A_392, %mul3A_393 : i32
      "tpu.region"() ({
        %run_scoped3A = tpu.sem_alloc : memref<!tpu.dma_semaphore, #tpu.memory_space<semaphore_mem>>
        %dma_start3A_395 = tpu.memref_slice %arg12[%mul3A_394] : memref<204800xf32, #tpu.memory_space<vmem_shared>> -> memref<51200xf32, #tpu.memory_space<vmem_shared>>
        %dma_start3A_396 = tpu.memref_slice %arg12[%mul3A_394] : memref<204800xf32, #tpu.memory_space<vmem_shared>> -> memref<51200xf32, #tpu.memory_space<vmem_shared>>
        tpu.enqueue_dma source(%arg6 : memref<51200xf32, #tpu.memory_space<vmem>>) target(%dma_start3A_396 : memref<51200xf32, #tpu.memory_space<vmem_shared>>) target_semaphore(%run_scoped3A : memref<!tpu.dma_semaphore, #tpu.memory_space<semaphore_mem>>)
        %dma_wait3A_397 = tpu.memref_slice %arg12[%mul3A_394] : memref<204800xf32, #tpu.memory_space<vmem_shared>> -> memref<51200xf32, #tpu.memory_space<vmem_shared>>
        %dma_wait3A_398 = tpu.memref_slice %arg12[%mul3A_394] : memref<204800xf32, #tpu.memory_space<vmem_shared>> -> memref<51200xf32, #tpu.memory_space<vmem_shared>>
        tpu.wait_dma2 semaphore(%run_scoped3A : memref<!tpu.dma_semaphore, #tpu.memory_space<semaphore_mem>>) src(%arg6 : memref<51200xf32, #tpu.memory_space<vmem>>) dst(%dma_wait3A_398 : memref<51200xf32, #tpu.memory_space<vmem_shared>>)
        tpu.yield
      }) : () -> ()
    } else {
    }
    %barrier3A_107 = arith.constant 0 : index
    tpu.barrier barrier_id(%barrier3A_107)
    %mul3A_108 = arith.constant 3200 : i32
    %mul3A_109 = arith.muli %arg1, %mul3A_108 : i32
    %add3A_110 = arith.constant 0 : i32
    %add3A_111 = arith.addi %add3A_110, %mul3A_109 : i32
    "tpu.region"() ({
      %run_scoped3A = tpu.sem_alloc : memref<!tpu.dma_semaphore, #tpu.memory_space<semaphore_mem>>
      %dma_start3A_392 = tpu.memref_slice %arg12[%add3A_111] : memref<204800xf32, #tpu.memory_space<vmem_shared>> -> memref<3200xf32, #tpu.memory_space<vmem_shared>>
      %dma_start3A_393 = tpu.memref_slice %arg12[%add3A_111] : memref<204800xf32, #tpu.memory_space<vmem_shared>> -> memref<3200xf32, #tpu.memory_space<vmem_shared>>
      tpu.enqueue_dma source(%dma_start3A_393 : memref<3200xf32, #tpu.memory_space<vmem_shared>>) target(%arg11 : memref<3200xf32, #tpu.memory_space<vmem>>) target_semaphore(%run_scoped3A : memref<!tpu.dma_semaphore, #tpu.memory_space<semaphore_mem>>)
      %dma_wait3A_394 = tpu.memref_slice %arg12[%add3A_111] : memref<204800xf32, #tpu.memory_space<vmem_shared>> -> memref<3200xf32, #tpu.memory_space<vmem_shared>>
      %dma_wait3A_395 = tpu.memref_slice %arg12[%add3A_111] : memref<204800xf32, #tpu.memory_space<vmem_shared>> -> memref<3200xf32, #tpu.memory_space<vmem_shared>>
      tpu.wait_dma2 semaphore(%run_scoped3A : memref<!tpu.dma_semaphore, #tpu.memory_space<semaphore_mem>>) src(%dma_wait3A_395 : memref<3200xf32, #tpu.memory_space<vmem_shared>>) dst(%arg11 : memref<3200xf32, #tpu.memory_space<vmem>>)
      tpu.yield
    }) : () -> ()
    %scan3A_112 = arith.constant 0 : i32
    %scan3A_113 = arith.constant 0 : i32
    %scan3A_114 = arith.constant 25 : i32
    %scan3A_115 = arith.addi %scan3A_113, %scan3A_114 : i32
    %scan3A_116 = arith.constant 1 : i32
    %scan3A_117 = scf.for %scan3A_392 = %scan3A_113 to %scan3A_115 step %scan3A_116 iter_args(%scan3A_393 = %scan3A_112) -> (i32)  : i32 {
      %mul3A_394 = arith.constant 8 : i32
      %mul3A_395 = arith.muli %scan3A_392, %mul3A_394 : i32
      %add3A_396 = arith.constant 0 : i32
      %add3A_397 = arith.addi %mul3A_395, %add3A_396 : i32
      %mul3A_398 = arith.constant 16 : i32
      %mul3A_399 = arith.muli %add3A_397, %mul3A_398 : i32
      %get3A = arith.index_cast %mul3A_399 : i32 to index
      %get3A_400 = tpu.vector_load %arg10[%get3A] {strides = array<i32>} : memref<4000xf32, #tpu.memory_space<vmem>>, vector<16xf32>,
      %get3A_401 = arith.index_cast %mul3A_399 : i32 to index
      %get3A_402 = tpu.vector_load %arg11[%get3A_401] {strides = array<i32>} : memref<3200xf32, #tpu.memory_space<vmem>>, vector<16xf32>,
      %add3A_403 = arith.addf %get3A_400, %get3A_402 : vector<16xf32>
      %swap3A = arith.index_cast %mul3A_399 : i32 to index
      %swap3A_404 = tpu.vector_load %arg10[%swap3A] {strides = array<i32>} : memref<4000xf32, #tpu.memory_space<vmem>>, vector<16xf32>,
      tpu.vector_store %arg10[%swap3A], %add3A_403 {strides = array<i32>} : memref<4000xf32, #tpu.memory_space<vmem>>, vector<16xf32>,
      %mul3A_405 = arith.constant 8 : i32
      %mul3A_406 = arith.muli %scan3A_392, %mul3A_405 : i32
      %add3A_407 = arith.constant 1 : i32
      %add3A_408 = arith.addi %mul3A_406, %add3A_407 : i32
      %mul3A_409 = arith.constant 16 : i32
      %mul3A_410 = arith.muli %add3A_408, %mul3A_409 : i32
      %get3A_411 = arith.index_cast %mul3A_410 : i32 to index
      %get3A_412 = tpu.vector_load %arg10[%get3A_411] {strides = array<i32>} : memref<4000xf32, #tpu.memory_space<vmem>>, vector<16xf32>,
      %get3A_413 = arith.index_cast %mul3A_410 : i32 to index
      %get3A_414 = tpu.vector_load %arg11[%get3A_413] {strides = array<i32>} : memref<3200xf32, #tpu.memory_space<vmem>>, vector<16xf32>,
      %add3A_415 = arith.addf %get3A_412, %get3A_414 : vector<16xf32>
      %swap3A_416 = arith.index_cast %mul3A_410 : i32 to index
      %swap3A_417 = tpu.vector_load %arg10[%swap3A_416] {strides = array<i32>} : memref<4000xf32, #tpu.memory_space<vmem>>, vector<16xf32>,
      tpu.vector_store %arg10[%swap3A_416], %add3A_415 {strides = array<i32>} : memref<4000xf32, #tpu.memory_space<vmem>>, vector<16xf32>,
      %mul3A_418 = arith.constant 8 : i32
      %mul3A_419 = arith.muli %scan3A_392, %mul3A_418 : i32
      %add3A_420 = arith.constant 2 : i32
      %add3A_421 = arith.addi %mul3A_419, %add3A_420 : i32
      %mul3A_422 = arith.constant 16 : i32
      %mul3A_423 = arith.muli %add3A_421, %mul3A_422 : i32
      %get3A_424 = arith.index_cast %mul3A_423 : i32 to index
      %get3A_425 = tpu.vector_load %arg10[%get3A_424] {strides = array<i32>} : memref<4000xf32, #tpu.memory_space<vmem>>, vector<16xf32>,
      %get3A_426 = arith.index_cast %mul3A_423 : i32 to index
      %get3A_427 = tpu.vector_load %arg11[%get3A_426] {strides = array<i32>} : memref<3200xf32, #tpu.memory_space<vmem>>, vector<16xf32>,
      %add3A_428 = arith.addf %get3A_425, %get3A_427 : vector<16xf32>
      %swap3A_429 = arith.index_cast %mul3A_423 : i32 to index
      %swap3A_430 = tpu.vector_load %arg10[%swap3A_429] {strides = array<i32>} : memref<4000xf32, #tpu.memory_space<vmem>>, vector<16xf32>,
      tpu.vector_store %arg10[%swap3A_429], %add3A_428 {strides = array<i32>} : memref<4000xf32, #tpu.memory_space<vmem>>, vector<16xf32>,
      %mul3A_431 = arith.constant 8 : i32
      %mul3A_432 = arith.muli %scan3A_392, %mul3A_431 : i32
      %add3A_433 = arith.constant 3 : i32
      %add3A_434 = arith.addi %mul3A_432, %add3A_433 : i32
      %mul3A_435 = arith.constant 16 : i32
      %mul3A_436 = arith.muli %add3A_434, %mul3A_435 : i32
      %get3A_437 = arith.index_cast %mul3A_436 : i32 to index
      %get3A_438 = tpu.vector_load %arg10[%get3A_437] {strides = array<i32>} : memref<4000xf32, #tpu.memory_space<vmem>>, vector<16xf32>,
      %get3A_439 = arith.index_cast %mul3A_436 : i32 to index
      %get3A_440 = tpu.vector_load %arg11[%get3A_439] {strides = array<i32>} : memref<3200xf32, #tpu.memory_space<vmem>>, vector<16xf32>,
      %add3A_441 = arith.addf %get3A_438, %get3A_440 : vector<16xf32>
      %swap3A_442 = arith.index_cast %mul3A_436 : i32 to index
      %swap3A_443 = tpu.vector_load %arg10[%swap3A_442] {strides = array<i32>} : memref<4000xf32, #tpu.memory_space<vmem>>, vector<16xf32>,
      tpu.vector_store %arg10[%swap3A_442], %add3A_441 {strides = array<i32>} : memref<4000xf32, #tpu.memory_space<vmem>>, vector<16xf32>,
      %mul3A_444 = arith.constant 8 : i32
      %mul3A_445 = arith.muli %scan3A_392, %mul3A_444 : i32
      %add3A_446 = arith.constant 4 : i32
      %add3A_447 = arith.addi %mul3A_445, %add3A_446 : i32
      %mul3A_448 = arith.constant 16 : i32
      %mul3A_449 = arith.muli %add3A_447, %mul3A_448 : i32
      %get3A_450 = arith.index_cast %mul3A_449 : i32 to index
      %get3A_451 = tpu.vector_load %arg10[%get3A_450] {strides = array<i32>} : memref<4000xf32, #tpu.memory_space<vmem>>, vector<16xf32>,
      %get3A_452 = arith.index_cast %mul3A_449 : i32 to index
      %get3A_453 = tpu.vector_load %arg11[%get3A_452] {strides = array<i32>} : memref<3200xf32, #tpu.memory_space<vmem>>, vector<16xf32>,
      %add3A_454 = arith.addf %get3A_451, %get3A_453 : vector<16xf32>
      %swap3A_455 = arith.index_cast %mul3A_449 : i32 to index
      %swap3A_456 = tpu.vector_load %arg10[%swap3A_455] {strides = array<i32>} : memref<4000xf32, #tpu.memory_space<vmem>>, vector<16xf32>,
      tpu.vector_store %arg10[%swap3A_455], %add3A_454 {strides = array<i32>} : memref<4000xf32, #tpu.memory_space<vmem>>, vector<16xf32>,
      %mul3A_457 = arith.constant 8 : i32
      %mul3A_458 = arith.muli %scan3A_392, %mul3A_457 : i32
      %add3A_459 = arith.constant 5 : i32
      %add3A_460 = arith.addi %mul3A_458, %add3A_459 : i32
      %mul3A_461 = arith.constant 16 : i32
      %mul3A_462 = arith.muli %add3A_460, %mul3A_461 : i32
      %get3A_463 = arith.index_cast %mul3A_462 : i32 to index
      %get3A_464 = tpu.vector_load %arg10[%get3A_463] {strides = array<i32>} : memref<4000xf32, #tpu.memory_space<vmem>>, vector<16xf32>,
      %get3A_465 = arith.index_cast %mul3A_462 : i32 to index
      %get3A_466 = tpu.vector_load %arg11[%get3A_465] {strides = array<i32>} : memref<3200xf32, #tpu.memory_space<vmem>>, vector<16xf32>,
      %add3A_467 = arith.addf %get3A_464, %get3A_466 : vector<16xf32>
      %swap3A_468 = arith.index_cast %mul3A_462 : i32 to index
      %swap3A_469 = tpu.vector_load %arg10[%swap3A_468] {strides = array<i32>} : memref<4000xf32, #tpu.memory_space<vmem>>, vector<16xf32>,
      tpu.vector_store %arg10[%swap3A_468], %add3A_467 {strides = array<i32>} : memref<4000xf32, #tpu.memory_space<vmem>>, vector<16xf32>,
      %mul3A_470 = arith.constant 8 : i32
      %mul3A_471 = arith.muli %scan3A_392, %mul3A_470 : i32
      %add3A_472 = arith.constant 6 : i32
      %add3A_473 = arith.addi %mul3A_471, %add3A_472 : i32
      %mul3A_474 = arith.constant 16 : i32
      %mul3A_475 = arith.muli %add3A_473, %mul3A_474 : i32
      %get3A_476 = arith.index_cast %mul3A_475 : i32 to index
      %get3A_477 = tpu.vector_load %arg10[%get3A_476] {strides = array<i32>} : memref<4000xf32, #tpu.memory_space<vmem>>, vector<16xf32>,
      %get3A_478 = arith.index_cast %mul3A_475 : i32 to index
      %get3A_479 = tpu.vector_load %arg11[%get3A_478] {strides = array<i32>} : memref<3200xf32, #tpu.memory_space<vmem>>, vector<16xf32>,
      %add3A_480 = arith.addf %get3A_477, %get3A_479 : vector<16xf32>
      %swap3A_481 = arith.index_cast %mul3A_475 : i32 to index
      %swap3A_482 = tpu.vector_load %arg10[%swap3A_481] {strides = array<i32>} : memref<4000xf32, #tpu.memory_space<vmem>>, vector<16xf32>,
      tpu.vector_store %arg10[%swap3A_481], %add3A_480 {strides = array<i32>} : memref<4000xf32, #tpu.memory_space<vmem>>, vector<16xf32>,
      %mul3A_483 = arith.constant 8 : i32
      %mul3A_484 = arith.muli %scan3A_392, %mul3A_483 : i32
      %add3A_485 = arith.constant 7 : i32
      %add3A_486 = arith.addi %mul3A_484, %add3A_485 : i32
      %mul3A_487 = arith.constant 16 : i32
      %mul3A_488 = arith.muli %add3A_486, %mul3A_487 : i32
      %get3A_489 = arith.index_cast %mul3A_488 : i32 to index
      %get3A_490 = tpu.vector_load %arg10[%get3A_489] {strides = array<i32>} : memref<4000xf32, #tpu.memory_space<vmem>>, vector<16xf32>,
      %get3A_491 = arith.index_cast %mul3A_488 : i32 to index
      %get3A_492 = tpu.vector_load %arg11[%get3A_491] {strides = array<i32>} : memref<3200xf32, #tpu.memory_space<vmem>>, vector<16xf32>,
      %add3A_493 = arith.addf %get3A_490, %get3A_492 : vector<16xf32>
      %swap3A_494 = arith.index_cast %mul3A_488 : i32 to index
      %swap3A_495 = tpu.vector_load %arg10[%swap3A_494] {strides = array<i32>} : memref<4000xf32, #tpu.memory_space<vmem>>, vector<16xf32>,
      tpu.vector_store %arg10[%swap3A_494], %add3A_493 {strides = array<i32>} : memref<4000xf32, #tpu.memory_space<vmem>>, vector<16xf32>,
      %scan3A_496 = arith.constant 0 : i32
      scf.yield %scan3A_496 : i32
    }
    %scan3A_118 = arith.constant 25 : i32
    %mul3A_119 = arith.constant 3200 : i32
    %mul3A_120 = arith.muli %arg1, %mul3A_119 : i32
    %add3A_121 = arith.constant 51200 : i32
    %add3A_122 = arith.addi %add3A_121, %mul3A_120 : i32
    "tpu.region"() ({
      %run_scoped3A = tpu.sem_alloc : memref<!tpu.dma_semaphore, #tpu.memory_space<semaphore_mem>>
      %dma_start3A_392 = tpu.memref_slice %arg12[%add3A_122] : memref<204800xf32, #tpu.memory_space<vmem_shared>> -> memref<3200xf32, #tpu.memory_space<vmem_shared>>
      %dma_start3A_393 = tpu.memref_slice %arg12[%add3A_122] : memref<204800xf32, #tpu.memory_space<vmem_shared>> -> memref<3200xf32, #tpu.memory_space<vmem_shared>>
      tpu.enqueue_dma source(%dma_start3A_393 : memref<3200xf32, #tpu.memory_space<vmem_shared>>) target(%arg11 : memref<3200xf32, #tpu.memory_space<vmem>>) target_semaphore(%run_scoped3A : memref<!tpu.dma_semaphore, #tpu.memory_space<semaphore_mem>>)
      %dma_wait3A_394 = tpu.memref_slice %arg12[%add3A_122] : memref<204800xf32, #tpu.memory_space<vmem_shared>> -> memref<3200xf32, #tpu.memory_space<vmem_shared>>
      %dma_wait3A_395 = tpu.memref_slice %arg12[%add3A_122] : memref<204800xf32, #tpu.memory_space<vmem_shared>> -> memref<3200xf32, #tpu.memory_space<vmem_shared>>
      tpu.wait_dma2 semaphore(%run_scoped3A : memref<!tpu.dma_semaphore, #tpu.memory_space<semaphore_mem>>) src(%dma_wait3A_395 : memref<3200xf32, #tpu.memory_space<vmem_shared>>) dst(%arg11 : memref<3200xf32, #tpu.memory_space<vmem>>)
      tpu.yield
    }) : () -> ()
    %scan3A_123 = arith.constant 0 : i32
    %scan3A_124 = arith.constant 0 : i32
    %scan3A_125 = arith.constant 25 : i32
    %scan3A_126 = arith.addi %scan3A_124, %scan3A_125 : i32
    %scan3A_127 = arith.constant 1 : i32
    %scan3A_128 = scf.for %scan3A_392 = %scan3A_124 to %scan3A_126 step %scan3A_127 iter_args(%scan3A_393 = %scan3A_123) -> (i32)  : i32 {
      %mul3A_394 = arith.constant 8 : i32
      %mul3A_395 = arith.muli %scan3A_392, %mul3A_394 : i32
      %add3A_396 = arith.constant 0 : i32
      %add3A_397 = arith.addi %mul3A_395, %add3A_396 : i32
      %mul3A_398 = arith.constant 16 : i32
      %mul3A_399 = arith.muli %add3A_397, %mul3A_398 : i32
      %get3A = arith.index_cast %mul3A_399 : i32 to index
      %get3A_400 = tpu.vector_load %arg10[%get3A] {strides = array<i32>} : memref<4000xf32, #tpu.memory_space<vmem>>, vector<16xf32>,
      %get3A_401 = arith.index_cast %mul3A_399 : i32 to index
      %get3A_402 = tpu.vector_load %arg11[%get3A_401] {strides = array<i32>} : memref<3200xf32, #tpu.memory_space<vmem>>, vector<16xf32>,
      %add3A_403 = arith.addf %get3A_400, %get3A_402 : vector<16xf32>
      %swap3A = arith.index_cast %mul3A_399 : i32 to index
      %swap3A_404 = tpu.vector_load %arg10[%swap3A] {strides = array<i32>} : memref<4000xf32, #tpu.memory_space<vmem>>, vector<16xf32>,
      tpu.vector_store %arg10[%swap3A], %add3A_403 {strides = array<i32>} : memref<4000xf32, #tpu.memory_space<vmem>>, vector<16xf32>,
      %mul3A_405 = arith.constant 8 : i32
      %mul3A_406 = arith.muli %scan3A_392, %mul3A_405 : i32
      %add3A_407 = arith.constant 1 : i32
      %add3A_408 = arith.addi %mul3A_406, %add3A_407 : i32
      %mul3A_409 = arith.constant 16 : i32
      %mul3A_410 = arith.muli %add3A_408, %mul3A_409 : i32
      %get3A_411 = arith.index_cast %mul3A_410 : i32 to index
      %get3A_412 = tpu.vector_load %arg10[%get3A_411] {strides = array<i32>} : memref<4000xf32, #tpu.memory_space<vmem>>, vector<16xf32>,
      %get3A_413 = arith.index_cast %mul3A_410 : i32 to index
      %get3A_414 = tpu.vector_load %arg11[%get3A_413] {strides = array<i32>} : memref<3200xf32, #tpu.memory_space<vmem>>, vector<16xf32>,
      %add3A_415 = arith.addf %get3A_412, %get3A_414 : vector<16xf32>
      %swap3A_416 = arith.index_cast %mul3A_410 : i32 to index
      %swap3A_417 = tpu.vector_load %arg10[%swap3A_416] {strides = array<i32>} : memref<4000xf32, #tpu.memory_space<vmem>>, vector<16xf32>,
      tpu.vector_store %arg10[%swap3A_416], %add3A_415 {strides = array<i32>} : memref<4000xf32, #tpu.memory_space<vmem>>, vector<16xf32>,
      %mul3A_418 = arith.constant 8 : i32
      %mul3A_419 = arith.muli %scan3A_392, %mul3A_418 : i32
      %add3A_420 = arith.constant 2 : i32
      %add3A_421 = arith.addi %mul3A_419, %add3A_420 : i32
      %mul3A_422 = arith.constant 16 : i32
      %mul3A_423 = arith.muli %add3A_421, %mul3A_422 : i32
      %get3A_424 = arith.index_cast %mul3A_423 : i32 to index
      %get3A_425 = tpu.vector_load %arg10[%get3A_424] {strides = array<i32>} : memref<4000xf32, #tpu.memory_space<vmem>>, vector<16xf32>,
      %get3A_426 = arith.index_cast %mul3A_423 : i32 to index
      %get3A_427 = tpu.vector_load %arg11[%get3A_426] {strides = array<i32>} : memref<3200xf32, #tpu.memory_space<vmem>>, vector<16xf32>,
      %add3A_428 = arith.addf %get3A_425, %get3A_427 : vector<16xf32>
      %swap3A_429 = arith.index_cast %mul3A_423 : i32 to index
      %swap3A_430 = tpu.vector_load %arg10[%swap3A_429] {strides = array<i32>} : memref<4000xf32, #tpu.memory_space<vmem>>, vector<16xf32>,
      tpu.vector_store %arg10[%swap3A_429], %add3A_428 {strides = array<i32>} : memref<4000xf32, #tpu.memory_space<vmem>>, vector<16xf32>,
      %mul3A_431 = arith.constant 8 : i32
      %mul3A_432 = arith.muli %scan3A_392, %mul3A_431 : i32
      %add3A_433 = arith.constant 3 : i32
      %add3A_434 = arith.addi %mul3A_432, %add3A_433 : i32
      %mul3A_435 = arith.constant 16 : i32
      %mul3A_436 = arith.muli %add3A_434, %mul3A_435 : i32
      %get3A_437 = arith.index_cast %mul3A_436 : i32 to index
      %get3A_438 = tpu.vector_load %arg10[%get3A_437] {strides = array<i32>} : memref<4000xf32, #tpu.memory_space<vmem>>, vector<16xf32>,
      %get3A_439 = arith.index_cast %mul3A_436 : i32 to index
      %get3A_440 = tpu.vector_load %arg11[%get3A_439] {strides = array<i32>} : memref<3200xf32, #tpu.memory_space<vmem>>, vector<16xf32>,
      %add3A_441 = arith.addf %get3A_438, %get3A_440 : vector<16xf32>
      %swap3A_442 = arith.index_cast %mul3A_436 : i32 to index
      %swap3A_443 = tpu.vector_load %arg10[%swap3A_442] {strides = array<i32>} : memref<4000xf32, #tpu.memory_space<vmem>>, vector<16xf32>,
      tpu.vector_store %arg10[%swap3A_442], %add3A_441 {strides = array<i32>} : memref<4000xf32, #tpu.memory_space<vmem>>, vector<16xf32>,
      %mul3A_444 = arith.constant 8 : i32
      %mul3A_445 = arith.muli %scan3A_392, %mul3A_444 : i32
      %add3A_446 = arith.constant 4 : i32
      %add3A_447 = arith.addi %mul3A_445, %add3A_446 : i32
      %mul3A_448 = arith.constant 16 : i32
      %mul3A_449 = arith.muli %add3A_447, %mul3A_448 : i32
      %get3A_450 = arith.index_cast %mul3A_449 : i32 to index
      %get3A_451 = tpu.vector_load %arg10[%get3A_450] {strides = array<i32>} : memref<4000xf32, #tpu.memory_space<vmem>>, vector<16xf32>,
      %get3A_452 = arith.index_cast %mul3A_449 : i32 to index
      %get3A_453 = tpu.vector_load %arg11[%get3A_452] {strides = array<i32>} : memref<3200xf32, #tpu.memory_space<vmem>>, vector<16xf32>,
      %add3A_454 = arith.addf %get3A_451, %get3A_453 : vector<16xf32>
      %swap3A_455 = arith.index_cast %mul3A_449 : i32 to index
      %swap3A_456 = tpu.vector_load %arg10[%swap3A_455] {strides = array<i32>} : memref<4000xf32, #tpu.memory_space<vmem>>, vector<16xf32>,
      tpu.vector_store %arg10[%swap3A_455], %add3A_454 {strides = array<i32>} : memref<4000xf32, #tpu.memory_space<vmem>>, vector<16xf32>,
      %mul3A_457 = arith.constant 8 : i32
      %mul3A_458 = arith.muli %scan3A_392, %mul3A_457 : i32
      %add3A_459 = arith.constant 5 : i32
      %add3A_460 = arith.addi %mul3A_458, %add3A_459 : i32
      %mul3A_461 = arith.constant 16 : i32
      %mul3A_462 = arith.muli %add3A_460, %mul3A_461 : i32
      %get3A_463 = arith.index_cast %mul3A_462 : i32 to index
      %get3A_464 = tpu.vector_load %arg10[%get3A_463] {strides = array<i32>} : memref<4000xf32, #tpu.memory_space<vmem>>, vector<16xf32>,
      %get3A_465 = arith.index_cast %mul3A_462 : i32 to index
      %get3A_466 = tpu.vector_load %arg11[%get3A_465] {strides = array<i32>} : memref<3200xf32, #tpu.memory_space<vmem>>, vector<16xf32>,
      %add3A_467 = arith.addf %get3A_464, %get3A_466 : vector<16xf32>
      %swap3A_468 = arith.index_cast %mul3A_462 : i32 to index
      %swap3A_469 = tpu.vector_load %arg10[%swap3A_468] {strides = array<i32>} : memref<4000xf32, #tpu.memory_space<vmem>>, vector<16xf32>,
      tpu.vector_store %arg10[%swap3A_468], %add3A_467 {strides = array<i32>} : memref<4000xf32, #tpu.memory_space<vmem>>, vector<16xf32>,
      %mul3A_470 = arith.constant 8 : i32
      %mul3A_471 = arith.muli %scan3A_392, %mul3A_470 : i32
      %add3A_472 = arith.constant 6 : i32
      %add3A_473 = arith.addi %mul3A_471, %add3A_472 : i32
      %mul3A_474 = arith.constant 16 : i32
      %mul3A_475 = arith.muli %add3A_473, %mul3A_474 : i32
      %get3A_476 = arith.index_cast %mul3A_475 : i32 to index
      %get3A_477 = tpu.vector_load %arg10[%get3A_476] {strides = array<i32>} : memref<4000xf32, #tpu.memory_space<vmem>>, vector<16xf32>,
      %get3A_478 = arith.index_cast %mul3A_475 : i32 to index
      %get3A_479 = tpu.vector_load %arg11[%get3A_478] {strides = array<i32>} : memref<3200xf32, #tpu.memory_space<vmem>>, vector<16xf32>,
      %add3A_480 = arith.addf %get3A_477, %get3A_479 : vector<16xf32>
      %swap3A_481 = arith.index_cast %mul3A_475 : i32 to index
      %swap3A_482 = tpu.vector_load %arg10[%swap3A_481] {strides = array<i32>} : memref<4000xf32, #tpu.memory_space<vmem>>, vector<16xf32>,
      tpu.vector_store %arg10[%swap3A_481], %add3A_480 {strides = array<i32>} : memref<4000xf32, #tpu.memory_space<vmem>>, vector<16xf32>,
      %mul3A_483 = arith.constant 8 : i32
      %mul3A_484 = arith.muli %scan3A_392, %mul3A_483 : i32
      %add3A_485 = arith.constant 7 : i32
      %add3A_486 = arith.addi %mul3A_484, %add3A_485 : i32
      %mul3A_487 = arith.constant 16 : i32
      %mul3A_488 = arith.muli %add3A_486, %mul3A_487 : i32
      %get3A_489 = arith.index_cast %mul3A_488 : i32 to index
      %get3A_490 = tpu.vector_load %arg10[%get3A_489] {strides = array<i32>} : memref<4000xf32, #tpu.memory_space<vmem>>, vector<16xf32>,
      %get3A_491 = arith.index_cast %mul3A_488 : i32 to index
      %get3A_492 = tpu.vector_load %arg11[%get3A_491] {strides = array<i32>} : memref<3200xf32, #tpu.memory_space<vmem>>, vector<16xf32>,
      %add3A_493 = arith.addf %get3A_490, %get3A_492 : vector<16xf32>
      %swap3A_494 = arith.index_cast %mul3A_488 : i32 to index
      %swap3A_495 = tpu.vector_load %arg10[%swap3A_494] {strides = array<i32>} : memref<4000xf32, #tpu.memory_space<vmem>>, vector<16xf32>,
      tpu.vector_store %arg10[%swap3A_494], %add3A_493 {strides = array<i32>} : memref<4000xf32, #tpu.memory_space<vmem>>, vector<16xf32>,
      %scan3A_496 = arith.constant 0 : i32
      scf.yield %scan3A_496 : i32
    }
    %scan3A_129 = arith.constant 25 : i32
    %mul3A_130 = arith.constant 3200 : i32
    %mul3A_131 = arith.muli %arg1, %mul3A_130 : i32
    %add3A_132 = arith.constant 102400 : i32
    %add3A_133 = arith.addi %add3A_132, %mul3A_131 : i32
    "tpu.region"() ({
      %run_scoped3A = tpu.sem_alloc : memref<!tpu.dma_semaphore, #tpu.memory_space<semaphore_mem>>
      %dma_start3A_392 = tpu.memref_slice %arg12[%add3A_133] : memref<204800xf32, #tpu.memory_space<vmem_shared>> -> memref<3200xf32, #tpu.memory_space<vmem_shared>>
      %dma_start3A_393 = tpu.memref_slice %arg12[%add3A_133] : memref<204800xf32, #tpu.memory_space<vmem_shared>> -> memref<3200xf32, #tpu.memory_space<vmem_shared>>
      tpu.enqueue_dma source(%dma_start3A_393 : memref<3200xf32, #tpu.memory_space<vmem_shared>>) target(%arg11 : memref<3200xf32, #tpu.memory_space<vmem>>) target_semaphore(%run_scoped3A : memref<!tpu.dma_semaphore, #tpu.memory_space<semaphore_mem>>)
      %dma_wait3A_394 = tpu.memref_slice %arg12[%add3A_133] : memref<204800xf32, #tpu.memory_space<vmem_shared>> -> memref<3200xf32, #tpu.memory_space<vmem_shared>>
      %dma_wait3A_395 = tpu.memref_slice %arg12[%add3A_133] : memref<204800xf32, #tpu.memory_space<vmem_shared>> -> memref<3200xf32, #tpu.memory_space<vmem_shared>>
      tpu.wait_dma2 semaphore(%run_scoped3A : memref<!tpu.dma_semaphore, #tpu.memory_space<semaphore_mem>>) src(%dma_wait3A_395 : memref<3200xf32, #tpu.memory_space<vmem_shared>>) dst(%arg11 : memref<3200xf32, #tpu.memory_space<vmem>>)
      tpu.yield
    }) : () -> ()
    %scan3A_134 = arith.constant 0 : i32
    %scan3A_135 = arith.constant 0 : i32
    %scan3A_136 = arith.constant 25 : i32
    %scan3A_137 = arith.addi %scan3A_135, %scan3A_136 : i32
    %scan3A_138 = arith.constant 1 : i32
    %scan3A_139 = scf.for %scan3A_392 = %scan3A_135 to %scan3A_137 step %scan3A_138 iter_args(%scan3A_393 = %scan3A_134) -> (i32)  : i32 {
      %mul3A_394 = arith.constant 8 : i32
      %mul3A_395 = arith.muli %scan3A_392, %mul3A_394 : i32
      %add3A_396 = arith.constant 0 : i32
      %add3A_397 = arith.addi %mul3A_395, %add3A_396 : i32
      %mul3A_398 = arith.constant 16 : i32
      %mul3A_399 = arith.muli %add3A_397, %mul3A_398 : i32
      %get3A = arith.index_cast %mul3A_399 : i32 to index
      %get3A_400 = tpu.vector_load %arg10[%get3A] {strides = array<i32>} : memref<4000xf32, #tpu.memory_space<vmem>>, vector<16xf32>,
      %get3A_401 = arith.index_cast %mul3A_399 : i32 to index
      %get3A_402 = tpu.vector_load %arg11[%get3A_401] {strides = array<i32>} : memref<3200xf32, #tpu.memory_space<vmem>>, vector<16xf32>,
      %add3A_403 = arith.addf %get3A_400, %get3A_402 : vector<16xf32>
      %swap3A = arith.index_cast %mul3A_399 : i32 to index
      %swap3A_404 = tpu.vector_load %arg10[%swap3A] {strides = array<i32>} : memref<4000xf32, #tpu.memory_space<vmem>>, vector<16xf32>,
      tpu.vector_store %arg10[%swap3A], %add3A_403 {strides = array<i32>} : memref<4000xf32, #tpu.memory_space<vmem>>, vector<16xf32>,
      %mul3A_405 = arith.constant 8 : i32
      %mul3A_406 = arith.muli %scan3A_392, %mul3A_405 : i32
      %add3A_407 = arith.constant 1 : i32
      %add3A_408 = arith.addi %mul3A_406, %add3A_407 : i32
      %mul3A_409 = arith.constant 16 : i32
      %mul3A_410 = arith.muli %add3A_408, %mul3A_409 : i32
      %get3A_411 = arith.index_cast %mul3A_410 : i32 to index
      %get3A_412 = tpu.vector_load %arg10[%get3A_411] {strides = array<i32>} : memref<4000xf32, #tpu.memory_space<vmem>>, vector<16xf32>,
      %get3A_413 = arith.index_cast %mul3A_410 : i32 to index
      %get3A_414 = tpu.vector_load %arg11[%get3A_413] {strides = array<i32>} : memref<3200xf32, #tpu.memory_space<vmem>>, vector<16xf32>,
      %add3A_415 = arith.addf %get3A_412, %get3A_414 : vector<16xf32>
      %swap3A_416 = arith.index_cast %mul3A_410 : i32 to index
      %swap3A_417 = tpu.vector_load %arg10[%swap3A_416] {strides = array<i32>} : memref<4000xf32, #tpu.memory_space<vmem>>, vector<16xf32>,
      tpu.vector_store %arg10[%swap3A_416], %add3A_415 {strides = array<i32>} : memref<4000xf32, #tpu.memory_space<vmem>>, vector<16xf32>,
      %mul3A_418 = arith.constant 8 : i32
      %mul3A_419 = arith.muli %scan3A_392, %mul3A_418 : i32
      %add3A_420 = arith.constant 2 : i32
      %add3A_421 = arith.addi %mul3A_419, %add3A_420 : i32
      %mul3A_422 = arith.constant 16 : i32
      %mul3A_423 = arith.muli %add3A_421, %mul3A_422 : i32
      %get3A_424 = arith.index_cast %mul3A_423 : i32 to index
      %get3A_425 = tpu.vector_load %arg10[%get3A_424] {strides = array<i32>} : memref<4000xf32, #tpu.memory_space<vmem>>, vector<16xf32>,
      %get3A_426 = arith.index_cast %mul3A_423 : i32 to index
      %get3A_427 = tpu.vector_load %arg11[%get3A_426] {strides = array<i32>} : memref<3200xf32, #tpu.memory_space<vmem>>, vector<16xf32>,
      %add3A_428 = arith.addf %get3A_425, %get3A_427 : vector<16xf32>
      %swap3A_429 = arith.index_cast %mul3A_423 : i32 to index
      %swap3A_430 = tpu.vector_load %arg10[%swap3A_429] {strides = array<i32>} : memref<4000xf32, #tpu.memory_space<vmem>>, vector<16xf32>,
      tpu.vector_store %arg10[%swap3A_429], %add3A_428 {strides = array<i32>} : memref<4000xf32, #tpu.memory_space<vmem>>, vector<16xf32>,
      %mul3A_431 = arith.constant 8 : i32
      %mul3A_432 = arith.muli %scan3A_392, %mul3A_431 : i32
      %add3A_433 = arith.constant 3 : i32
      %add3A_434 = arith.addi %mul3A_432, %add3A_433 : i32
      %mul3A_435 = arith.constant 16 : i32
      %mul3A_436 = arith.muli %add3A_434, %mul3A_435 : i32
      %get3A_437 = arith.index_cast %mul3A_436 : i32 to index
      %get3A_438 = tpu.vector_load %arg10[%get3A_437] {strides = array<i32>} : memref<4000xf32, #tpu.memory_space<vmem>>, vector<16xf32>,
      %get3A_439 = arith.index_cast %mul3A_436 : i32 to index
      %get3A_440 = tpu.vector_load %arg11[%get3A_439] {strides = array<i32>} : memref<3200xf32, #tpu.memory_space<vmem>>, vector<16xf32>,
      %add3A_441 = arith.addf %get3A_438, %get3A_440 : vector<16xf32>
      %swap3A_442 = arith.index_cast %mul3A_436 : i32 to index
      %swap3A_443 = tpu.vector_load %arg10[%swap3A_442] {strides = array<i32>} : memref<4000xf32, #tpu.memory_space<vmem>>, vector<16xf32>,
      tpu.vector_store %arg10[%swap3A_442], %add3A_441 {strides = array<i32>} : memref<4000xf32, #tpu.memory_space<vmem>>, vector<16xf32>,
      %mul3A_444 = arith.constant 8 : i32
      %mul3A_445 = arith.muli %scan3A_392, %mul3A_444 : i32
      %add3A_446 = arith.constant 4 : i32
      %add3A_447 = arith.addi %mul3A_445, %add3A_446 : i32
      %mul3A_448 = arith.constant 16 : i32
      %mul3A_449 = arith.muli %add3A_447, %mul3A_448 : i32
      %get3A_450 = arith.index_cast %mul3A_449 : i32 to index
      %get3A_451 = tpu.vector_load %arg10[%get3A_450] {strides = array<i32>} : memref<4000xf32, #tpu.memory_space<vmem>>, vector<16xf32>,
      %get3A_452 = arith.index_cast %mul3A_449 : i32 to index
      %get3A_453 = tpu.vector_load %arg11[%get3A_452] {strides = array<i32>} : memref<3200xf32, #tpu.memory_space<vmem>>, vector<16xf32>,
      %add3A_454 = arith.addf %get3A_451, %get3A_453 : vector<16xf32>
      %swap3A_455 = arith.index_cast %mul3A_449 : i32 to index
      %swap3A_456 = tpu.vector_load %arg10[%swap3A_455] {strides = array<i32>} : memref<4000xf32, #tpu.memory_space<vmem>>, vector<16xf32>,
      tpu.vector_store %arg10[%swap3A_455], %add3A_454 {strides = array<i32>} : memref<4000xf32, #tpu.memory_space<vmem>>, vector<16xf32>,
      %mul3A_457 = arith.constant 8 : i32
      %mul3A_458 = arith.muli %scan3A_392, %mul3A_457 : i32
      %add3A_459 = arith.constant 5 : i32
      %add3A_460 = arith.addi %mul3A_458, %add3A_459 : i32
      %mul3A_461 = arith.constant 16 : i32
      %mul3A_462 = arith.muli %add3A_460, %mul3A_461 : i32
      %get3A_463 = arith.index_cast %mul3A_462 : i32 to index
      %get3A_464 = tpu.vector_load %arg10[%get3A_463] {strides = array<i32>} : memref<4000xf32, #tpu.memory_space<vmem>>, vector<16xf32>,
      %get3A_465 = arith.index_cast %mul3A_462 : i32 to index
      %get3A_466 = tpu.vector_load %arg11[%get3A_465] {strides = array<i32>} : memref<3200xf32, #tpu.memory_space<vmem>>, vector<16xf32>,
      %add3A_467 = arith.addf %get3A_464, %get3A_466 : vector<16xf32>
      %swap3A_468 = arith.index_cast %mul3A_462 : i32 to index
      %swap3A_469 = tpu.vector_load %arg10[%swap3A_468] {strides = array<i32>} : memref<4000xf32, #tpu.memory_space<vmem>>, vector<16xf32>,
      tpu.vector_store %arg10[%swap3A_468], %add3A_467 {strides = array<i32>} : memref<4000xf32, #tpu.memory_space<vmem>>, vector<16xf32>,
      %mul3A_470 = arith.constant 8 : i32
      %mul3A_471 = arith.muli %scan3A_392, %mul3A_470 : i32
      %add3A_472 = arith.constant 6 : i32
      %add3A_473 = arith.addi %mul3A_471, %add3A_472 : i32
      %mul3A_474 = arith.constant 16 : i32
      %mul3A_475 = arith.muli %add3A_473, %mul3A_474 : i32
      %get3A_476 = arith.index_cast %mul3A_475 : i32 to index
      %get3A_477 = tpu.vector_load %arg10[%get3A_476] {strides = array<i32>} : memref<4000xf32, #tpu.memory_space<vmem>>, vector<16xf32>,
      %get3A_478 = arith.index_cast %mul3A_475 : i32 to index
      %get3A_479 = tpu.vector_load %arg11[%get3A_478] {strides = array<i32>} : memref<3200xf32, #tpu.memory_space<vmem>>, vector<16xf32>,
      %add3A_480 = arith.addf %get3A_477, %get3A_479 : vector<16xf32>
      %swap3A_481 = arith.index_cast %mul3A_475 : i32 to index
      %swap3A_482 = tpu.vector_load %arg10[%swap3A_481] {strides = array<i32>} : memref<4000xf32, #tpu.memory_space<vmem>>, vector<16xf32>,
      tpu.vector_store %arg10[%swap3A_481], %add3A_480 {strides = array<i32>} : memref<4000xf32, #tpu.memory_space<vmem>>, vector<16xf32>,
      %mul3A_483 = arith.constant 8 : i32
      %mul3A_484 = arith.muli %scan3A_392, %mul3A_483 : i32
      %add3A_485 = arith.constant 7 : i32
      %add3A_486 = arith.addi %mul3A_484, %add3A_485 : i32
      %mul3A_487 = arith.constant 16 : i32
      %mul3A_488 = arith.muli %add3A_486, %mul3A_487 : i32
      %get3A_489 = arith.index_cast %mul3A_488 : i32 to index
      %get3A_490 = tpu.vector_load %arg10[%get3A_489] {strides = array<i32>} : memref<4000xf32, #tpu.memory_space<vmem>>, vector<16xf32>,
      %get3A_491 = arith.index_cast %mul3A_488 : i32 to index
      %get3A_492 = tpu.vector_load %arg11[%get3A_491] {strides = array<i32>} : memref<3200xf32, #tpu.memory_space<vmem>>, vector<16xf32>,
      %add3A_493 = arith.addf %get3A_490, %get3A_492 : vector<16xf32>
      %swap3A_494 = arith.index_cast %mul3A_488 : i32 to index
      %swap3A_495 = tpu.vector_load %arg10[%swap3A_494] {strides = array<i32>} : memref<4000xf32, #tpu.memory_space<vmem>>, vector<16xf32>,
      tpu.vector_store %arg10[%swap3A_494], %add3A_493 {strides = array<i32>} : memref<4000xf32, #tpu.memory_space<vmem>>, vector<16xf32>,
      %scan3A_496 = arith.constant 0 : i32
      scf.yield %scan3A_496 : i32
    }
    %scan3A_140 = arith.constant 25 : i32
    %mul3A_141 = arith.constant 3200 : i32
    %mul3A_142 = arith.muli %arg1, %mul3A_141 : i32
    %add3A_143 = arith.constant 153600 : i32
    %add3A_144 = arith.addi %add3A_143, %mul3A_142 : i32
    "tpu.region"() ({
      %run_scoped3A = tpu.sem_alloc : memref<!tpu.dma_semaphore, #tpu.memory_space<semaphore_mem>>
      %dma_start3A_392 = tpu.memref_slice %arg12[%add3A_144] : memref<204800xf32, #tpu.memory_space<vmem_shared>> -> memref<3200xf32, #tpu.memory_space<vmem_shared>>
      %dma_start3A_393 = tpu.memref_slice %arg12[%add3A_144] : memref<204800xf32, #tpu.memory_space<vmem_shared>> -> memref<3200xf32, #tpu.memory_space<vmem_shared>>
      tpu.enqueue_dma source(%dma_start3A_393 : memref<3200xf32, #tpu.memory_space<vmem_shared>>) target(%arg11 : memref<3200xf32, #tpu.memory_space<vmem>>) target_semaphore(%run_scoped3A : memref<!tpu.dma_semaphore, #tpu.memory_space<semaphore_mem>>)
      %dma_wait3A_394 = tpu.memref_slice %arg12[%add3A_144] : memref<204800xf32, #tpu.memory_space<vmem_shared>> -> memref<3200xf32, #tpu.memory_space<vmem_shared>>
      %dma_wait3A_395 = tpu.memref_slice %arg12[%add3A_144] : memref<204800xf32, #tpu.memory_space<vmem_shared>> -> memref<3200xf32, #tpu.memory_space<vmem_shared>>
      tpu.wait_dma2 semaphore(%run_scoped3A : memref<!tpu.dma_semaphore, #tpu.memory_space<semaphore_mem>>) src(%dma_wait3A_395 : memref<3200xf32, #tpu.memory_space<vmem_shared>>) dst(%arg11 : memref<3200xf32, #tpu.memory_space<vmem>>)
      tpu.yield
    }) : () -> ()
    %scan3A_145 = arith.constant 0 : i32
    %scan3A_146 = arith.constant 0 : i32
    %scan3A_147 = arith.constant 25 : i32
    %scan3A_148 = arith.addi %scan3A_146, %scan3A_147 : i32
    %scan3A_149 = arith.constant 1 : i32
    %scan3A_150 = scf.for %scan3A_392 = %scan3A_146 to %scan3A_148 step %scan3A_149 iter_args(%scan3A_393 = %scan3A_145) -> (i32)  : i32 {
      %mul3A_394 = arith.constant 8 : i32
      %mul3A_395 = arith.muli %scan3A_392, %mul3A_394 : i32
      %add3A_396 = arith.constant 0 : i32
      %add3A_397 = arith.addi %mul3A_395, %add3A_396 : i32
      %mul3A_398 = arith.constant 16 : i32
      %mul3A_399 = arith.muli %add3A_397, %mul3A_398 : i32
      %get3A = arith.index_cast %mul3A_399 : i32 to index
      %get3A_400 = tpu.vector_load %arg10[%get3A] {strides = array<i32>} : memref<4000xf32, #tpu.memory_space<vmem>>, vector<16xf32>,
      %get3A_401 = arith.index_cast %mul3A_399 : i32 to index
      %get3A_402 = tpu.vector_load %arg11[%get3A_401] {strides = array<i32>} : memref<3200xf32, #tpu.memory_space<vmem>>, vector<16xf32>,
      %add3A_403 = arith.addf %get3A_400, %get3A_402 : vector<16xf32>
      %swap3A = arith.index_cast %mul3A_399 : i32 to index
      %swap3A_404 = tpu.vector_load %arg10[%swap3A] {strides = array<i32>} : memref<4000xf32, #tpu.memory_space<vmem>>, vector<16xf32>,
      tpu.vector_store %arg10[%swap3A], %add3A_403 {strides = array<i32>} : memref<4000xf32, #tpu.memory_space<vmem>>, vector<16xf32>,
      %mul3A_405 = arith.constant 8 : i32
      %mul3A_406 = arith.muli %scan3A_392, %mul3A_405 : i32
      %add3A_407 = arith.constant 1 : i32
      %add3A_408 = arith.addi %mul3A_406, %add3A_407 : i32
      %mul3A_409 = arith.constant 16 : i32
      %mul3A_410 = arith.muli %add3A_408, %mul3A_409 : i32
      %get3A_411 = arith.index_cast %mul3A_410 : i32 to index
      %get3A_412 = tpu.vector_load %arg10[%get3A_411] {strides = array<i32>} : memref<4000xf32, #tpu.memory_space<vmem>>, vector<16xf32>,
      %get3A_413 = arith.index_cast %mul3A_410 : i32 to index
      %get3A_414 = tpu.vector_load %arg11[%get3A_413] {strides = array<i32>} : memref<3200xf32, #tpu.memory_space<vmem>>, vector<16xf32>,
      %add3A_415 = arith.addf %get3A_412, %get3A_414 : vector<16xf32>
      %swap3A_416 = arith.index_cast %mul3A_410 : i32 to index
      %swap3A_417 = tpu.vector_load %arg10[%swap3A_416] {strides = array<i32>} : memref<4000xf32, #tpu.memory_space<vmem>>, vector<16xf32>,
      tpu.vector_store %arg10[%swap3A_416], %add3A_415 {strides = array<i32>} : memref<4000xf32, #tpu.memory_space<vmem>>, vector<16xf32>,
      %mul3A_418 = arith.constant 8 : i32
      %mul3A_419 = arith.muli %scan3A_392, %mul3A_418 : i32
      %add3A_420 = arith.constant 2 : i32
      %add3A_421 = arith.addi %mul3A_419, %add3A_420 : i32
      %mul3A_422 = arith.constant 16 : i32
      %mul3A_423 = arith.muli %add3A_421, %mul3A_422 : i32
      %get3A_424 = arith.index_cast %mul3A_423 : i32 to index
      %get3A_425 = tpu.vector_load %arg10[%get3A_424] {strides = array<i32>} : memref<4000xf32, #tpu.memory_space<vmem>>, vector<16xf32>,
      %get3A_426 = arith.index_cast %mul3A_423 : i32 to index
      %get3A_427 = tpu.vector_load %arg11[%get3A_426] {strides = array<i32>} : memref<3200xf32, #tpu.memory_space<vmem>>, vector<16xf32>,
      %add3A_428 = arith.addf %get3A_425, %get3A_427 : vector<16xf32>
      %swap3A_429 = arith.index_cast %mul3A_423 : i32 to index
      %swap3A_430 = tpu.vector_load %arg10[%swap3A_429] {strides = array<i32>} : memref<4000xf32, #tpu.memory_space<vmem>>, vector<16xf32>,
      tpu.vector_store %arg10[%swap3A_429], %add3A_428 {strides = array<i32>} : memref<4000xf32, #tpu.memory_space<vmem>>, vector<16xf32>,
      %mul3A_431 = arith.constant 8 : i32
      %mul3A_432 = arith.muli %scan3A_392, %mul3A_431 : i32
      %add3A_433 = arith.constant 3 : i32
      %add3A_434 = arith.addi %mul3A_432, %add3A_433 : i32
      %mul3A_435 = arith.constant 16 : i32
      %mul3A_436 = arith.muli %add3A_434, %mul3A_435 : i32
      %get3A_437 = arith.index_cast %mul3A_436 : i32 to index
      %get3A_438 = tpu.vector_load %arg10[%get3A_437] {strides = array<i32>} : memref<4000xf32, #tpu.memory_space<vmem>>, vector<16xf32>,
      %get3A_439 = arith.index_cast %mul3A_436 : i32 to index
      %get3A_440 = tpu.vector_load %arg11[%get3A_439] {strides = array<i32>} : memref<3200xf32, #tpu.memory_space<vmem>>, vector<16xf32>,
      %add3A_441 = arith.addf %get3A_438, %get3A_440 : vector<16xf32>
      %swap3A_442 = arith.index_cast %mul3A_436 : i32 to index
      %swap3A_443 = tpu.vector_load %arg10[%swap3A_442] {strides = array<i32>} : memref<4000xf32, #tpu.memory_space<vmem>>, vector<16xf32>,
      tpu.vector_store %arg10[%swap3A_442], %add3A_441 {strides = array<i32>} : memref<4000xf32, #tpu.memory_space<vmem>>, vector<16xf32>,
      %mul3A_444 = arith.constant 8 : i32
      %mul3A_445 = arith.muli %scan3A_392, %mul3A_444 : i32
      %add3A_446 = arith.constant 4 : i32
      %add3A_447 = arith.addi %mul3A_445, %add3A_446 : i32
      %mul3A_448 = arith.constant 16 : i32
      %mul3A_449 = arith.muli %add3A_447, %mul3A_448 : i32
      %get3A_450 = arith.index_cast %mul3A_449 : i32 to index
      %get3A_451 = tpu.vector_load %arg10[%get3A_450] {strides = array<i32>} : memref<4000xf32, #tpu.memory_space<vmem>>, vector<16xf32>,
      %get3A_452 = arith.index_cast %mul3A_449 : i32 to index
      %get3A_453 = tpu.vector_load %arg11[%get3A_452] {strides = array<i32>} : memref<3200xf32, #tpu.memory_space<vmem>>, vector<16xf32>,
      %add3A_454 = arith.addf %get3A_451, %get3A_453 : vector<16xf32>
      %swap3A_455 = arith.index_cast %mul3A_449 : i32 to index
      %swap3A_456 = tpu.vector_load %arg10[%swap3A_455] {strides = array<i32>} : memref<4000xf32, #tpu.memory_space<vmem>>, vector<16xf32>,
      tpu.vector_store %arg10[%swap3A_455], %add3A_454 {strides = array<i32>} : memref<4000xf32, #tpu.memory_space<vmem>>, vector<16xf32>,
      %mul3A_457 = arith.constant 8 : i32
      %mul3A_458 = arith.muli %scan3A_392, %mul3A_457 : i32
      %add3A_459 = arith.constant 5 : i32
      %add3A_460 = arith.addi %mul3A_458, %add3A_459 : i32
      %mul3A_461 = arith.constant 16 : i32
      %mul3A_462 = arith.muli %add3A_460, %mul3A_461 : i32
      %get3A_463 = arith.index_cast %mul3A_462 : i32 to index
      %get3A_464 = tpu.vector_load %arg10[%get3A_463] {strides = array<i32>} : memref<4000xf32, #tpu.memory_space<vmem>>, vector<16xf32>,
      %get3A_465 = arith.index_cast %mul3A_462 : i32 to index
      %get3A_466 = tpu.vector_load %arg11[%get3A_465] {strides = array<i32>} : memref<3200xf32, #tpu.memory_space<vmem>>, vector<16xf32>,
      %add3A_467 = arith.addf %get3A_464, %get3A_466 : vector<16xf32>
      %swap3A_468 = arith.index_cast %mul3A_462 : i32 to index
      %swap3A_469 = tpu.vector_load %arg10[%swap3A_468] {strides = array<i32>} : memref<4000xf32, #tpu.memory_space<vmem>>, vector<16xf32>,
      tpu.vector_store %arg10[%swap3A_468], %add3A_467 {strides = array<i32>} : memref<4000xf32, #tpu.memory_space<vmem>>, vector<16xf32>,
      %mul3A_470 = arith.constant 8 : i32
      %mul3A_471 = arith.muli %scan3A_392, %mul3A_470 : i32
      %add3A_472 = arith.constant 6 : i32
      %add3A_473 = arith.addi %mul3A_471, %add3A_472 : i32
      %mul3A_474 = arith.constant 16 : i32
      %mul3A_475 = arith.muli %add3A_473, %mul3A_474 : i32
      %get3A_476 = arith.index_cast %mul3A_475 : i32 to index
      %get3A_477 = tpu.vector_load %arg10[%get3A_476] {strides = array<i32>} : memref<4000xf32, #tpu.memory_space<vmem>>, vector<16xf32>,
      %get3A_478 = arith.index_cast %mul3A_475 : i32 to index
      %get3A_479 = tpu.vector_load %arg11[%get3A_478] {strides = array<i32>} : memref<3200xf32, #tpu.memory_space<vmem>>, vector<16xf32>,
      %add3A_480 = arith.addf %get3A_477, %get3A_479 : vector<16xf32>
      %swap3A_481 = arith.index_cast %mul3A_475 : i32 to index
      %swap3A_482 = tpu.vector_load %arg10[%swap3A_481] {strides = array<i32>} : memref<4000xf32, #tpu.memory_space<vmem>>, vector<16xf32>,
      tpu.vector_store %arg10[%swap3A_481], %add3A_480 {strides = array<i32>} : memref<4000xf32, #tpu.memory_space<vmem>>, vector<16xf32>,
      %mul3A_483 = arith.constant 8 : i32
      %mul3A_484 = arith.muli %scan3A_392, %mul3A_483 : i32
      %add3A_485 = arith.constant 7 : i32
      %add3A_486 = arith.addi %mul3A_484, %add3A_485 : i32
      %mul3A_487 = arith.constant 16 : i32
      %mul3A_488 = arith.muli %add3A_486, %mul3A_487 : i32
      %get3A_489 = arith.index_cast %mul3A_488 : i32 to index
      %get3A_490 = tpu.vector_load %arg10[%get3A_489] {strides = array<i32>} : memref<4000xf32, #tpu.memory_space<vmem>>, vector<16xf32>,
      %get3A_491 = arith.index_cast %mul3A_488 : i32 to index
      %get3A_492 = tpu.vector_load %arg11[%get3A_491] {strides = array<i32>} : memref<3200xf32, #tpu.memory_space<vmem>>, vector<16xf32>,
      %add3A_493 = arith.addf %get3A_490, %get3A_492 : vector<16xf32>
      %swap3A_494 = arith.index_cast %mul3A_488 : i32 to index
      %swap3A_495 = tpu.vector_load %arg10[%swap3A_494] {strides = array<i32>} : memref<4000xf32, #tpu.memory_space<vmem>>, vector<16xf32>,
      tpu.vector_store %arg10[%swap3A_494], %add3A_493 {strides = array<i32>} : memref<4000xf32, #tpu.memory_space<vmem>>, vector<16xf32>,
      %scan3A_496 = arith.constant 0 : i32
      scf.yield %scan3A_496 : i32
    }
    %scan3A_151 = arith.constant 25 : i32
    %barrier3A_152 = arith.constant 0 : index
    tpu.barrier barrier_id(%barrier3A_152)
    %ge3A_153 = arith.constant 8 : i32
    %ge3A_154 = arith.cmpi sge, %arg1, %ge3A_153 : i32
    %lt3A_155 = arith.constant 12 : i32
    %lt3A_156 = arith.cmpi slt, %arg1, %lt3A_155 : i32
    %and3A_157 = arith.andi %ge3A_154, %lt3A_156 : i1
    %convert_element_type3A_158 = arith.extui %and3A_157 : i1 to i32
    %cond3A_159 = arith.constant 0 : i32
    %cond3A_160 = arith.cmpi ne, %convert_element_type3A_158, %cond3A_159 : i32
    scf.if %cond3A_160 {
      %sub3A = arith.constant 8 : i32
      %sub3A_392 = arith.subi %arg1, %sub3A : i32
      %mul3A_393 = arith.constant 51200 : i32
      %mul3A_394 = arith.muli %sub3A_392, %mul3A_393 : i32
      "tpu.region"() ({
        %run_scoped3A = tpu.sem_alloc : memref<!tpu.dma_semaphore, #tpu.memory_space<semaphore_mem>>
        %dma_start3A_395 = tpu.memref_slice %arg12[%mul3A_394] : memref<204800xf32, #tpu.memory_space<vmem_shared>> -> memref<51200xf32, #tpu.memory_space<vmem_shared>>
        %dma_start3A_396 = tpu.memref_slice %arg12[%mul3A_394] : memref<204800xf32, #tpu.memory_space<vmem_shared>> -> memref<51200xf32, #tpu.memory_space<vmem_shared>>
        tpu.enqueue_dma source(%arg6 : memref<51200xf32, #tpu.memory_space<vmem>>) target(%dma_start3A_396 : memref<51200xf32, #tpu.memory_space<vmem_shared>>) target_semaphore(%run_scoped3A : memref<!tpu.dma_semaphore, #tpu.memory_space<semaphore_mem>>)
        %dma_wait3A_397 = tpu.memref_slice %arg12[%mul3A_394] : memref<204800xf32, #tpu.memory_space<vmem_shared>> -> memref<51200xf32, #tpu.memory_space<vmem_shared>>
        %dma_wait3A_398 = tpu.memref_slice %arg12[%mul3A_394] : memref<204800xf32, #tpu.memory_space<vmem_shared>> -> memref<51200xf32, #tpu.memory_space<vmem_shared>>
        tpu.wait_dma2 semaphore(%run_scoped3A : memref<!tpu.dma_semaphore, #tpu.memory_space<semaphore_mem>>) src(%arg6 : memref<51200xf32, #tpu.memory_space<vmem>>) dst(%dma_wait3A_398 : memref<51200xf32, #tpu.memory_space<vmem_shared>>)
        tpu.yield
      }) : () -> ()
    } else {
    }
    %barrier3A_161 = arith.constant 0 : index
    tpu.barrier barrier_id(%barrier3A_161)
    %mul3A_162 = arith.constant 3200 : i32
    %mul3A_163 = arith.muli %arg1, %mul3A_162 : i32
    %add3A_164 = arith.constant 0 : i32
    %add3A_165 = arith.addi %add3A_164, %mul3A_163 : i32
    "tpu.region"() ({
      %run_scoped3A = tpu.sem_alloc : memref<!tpu.dma_semaphore, #tpu.memory_space<semaphore_mem>>
      %dma_start3A_392 = tpu.memref_slice %arg12[%add3A_165] : memref<204800xf32, #tpu.memory_space<vmem_shared>> -> memref<3200xf32, #tpu.memory_space<vmem_shared>>
      %dma_start3A_393 = tpu.memref_slice %arg12[%add3A_165] : memref<204800xf32, #tpu.memory_space<vmem_shared>> -> memref<3200xf32, #tpu.memory_space<vmem_shared>>
      tpu.enqueue_dma source(%dma_start3A_393 : memref<3200xf32, #tpu.memory_space<vmem_shared>>) target(%arg11 : memref<3200xf32, #tpu.memory_space<vmem>>) target_semaphore(%run_scoped3A : memref<!tpu.dma_semaphore, #tpu.memory_space<semaphore_mem>>)
      %dma_wait3A_394 = tpu.memref_slice %arg12[%add3A_165] : memref<204800xf32, #tpu.memory_space<vmem_shared>> -> memref<3200xf32, #tpu.memory_space<vmem_shared>>
      %dma_wait3A_395 = tpu.memref_slice %arg12[%add3A_165] : memref<204800xf32, #tpu.memory_space<vmem_shared>> -> memref<3200xf32, #tpu.memory_space<vmem_shared>>
      tpu.wait_dma2 semaphore(%run_scoped3A : memref<!tpu.dma_semaphore, #tpu.memory_space<semaphore_mem>>) src(%dma_wait3A_395 : memref<3200xf32, #tpu.memory_space<vmem_shared>>) dst(%arg11 : memref<3200xf32, #tpu.memory_space<vmem>>)
      tpu.yield
    }) : () -> ()
    %scan3A_166 = arith.constant 0 : i32
    %scan3A_167 = arith.constant 0 : i32
    %scan3A_168 = arith.constant 25 : i32
    %scan3A_169 = arith.addi %scan3A_167, %scan3A_168 : i32
    %scan3A_170 = arith.constant 1 : i32
    %scan3A_171 = scf.for %scan3A_392 = %scan3A_167 to %scan3A_169 step %scan3A_170 iter_args(%scan3A_393 = %scan3A_166) -> (i32)  : i32 {
      %mul3A_394 = arith.constant 8 : i32
      %mul3A_395 = arith.muli %scan3A_392, %mul3A_394 : i32
      %add3A_396 = arith.constant 0 : i32
      %add3A_397 = arith.addi %mul3A_395, %add3A_396 : i32
      %mul3A_398 = arith.constant 16 : i32
      %mul3A_399 = arith.muli %add3A_397, %mul3A_398 : i32
      %get3A = arith.index_cast %mul3A_399 : i32 to index
      %get3A_400 = tpu.vector_load %arg10[%get3A] {strides = array<i32>} : memref<4000xf32, #tpu.memory_space<vmem>>, vector<16xf32>,
      %get3A_401 = arith.index_cast %mul3A_399 : i32 to index
      %get3A_402 = tpu.vector_load %arg11[%get3A_401] {strides = array<i32>} : memref<3200xf32, #tpu.memory_space<vmem>>, vector<16xf32>,
      %add3A_403 = arith.addf %get3A_400, %get3A_402 : vector<16xf32>
      %swap3A = arith.index_cast %mul3A_399 : i32 to index
      %swap3A_404 = tpu.vector_load %arg10[%swap3A] {strides = array<i32>} : memref<4000xf32, #tpu.memory_space<vmem>>, vector<16xf32>,
      tpu.vector_store %arg10[%swap3A], %add3A_403 {strides = array<i32>} : memref<4000xf32, #tpu.memory_space<vmem>>, vector<16xf32>,
      %mul3A_405 = arith.constant 8 : i32
      %mul3A_406 = arith.muli %scan3A_392, %mul3A_405 : i32
      %add3A_407 = arith.constant 1 : i32
      %add3A_408 = arith.addi %mul3A_406, %add3A_407 : i32
      %mul3A_409 = arith.constant 16 : i32
      %mul3A_410 = arith.muli %add3A_408, %mul3A_409 : i32
      %get3A_411 = arith.index_cast %mul3A_410 : i32 to index
      %get3A_412 = tpu.vector_load %arg10[%get3A_411] {strides = array<i32>} : memref<4000xf32, #tpu.memory_space<vmem>>, vector<16xf32>,
      %get3A_413 = arith.index_cast %mul3A_410 : i32 to index
      %get3A_414 = tpu.vector_load %arg11[%get3A_413] {strides = array<i32>} : memref<3200xf32, #tpu.memory_space<vmem>>, vector<16xf32>,
      %add3A_415 = arith.addf %get3A_412, %get3A_414 : vector<16xf32>
      %swap3A_416 = arith.index_cast %mul3A_410 : i32 to index
      %swap3A_417 = tpu.vector_load %arg10[%swap3A_416] {strides = array<i32>} : memref<4000xf32, #tpu.memory_space<vmem>>, vector<16xf32>,
      tpu.vector_store %arg10[%swap3A_416], %add3A_415 {strides = array<i32>} : memref<4000xf32, #tpu.memory_space<vmem>>, vector<16xf32>,
      %mul3A_418 = arith.constant 8 : i32
      %mul3A_419 = arith.muli %scan3A_392, %mul3A_418 : i32
      %add3A_420 = arith.constant 2 : i32
      %add3A_421 = arith.addi %mul3A_419, %add3A_420 : i32
      %mul3A_422 = arith.constant 16 : i32
      %mul3A_423 = arith.muli %add3A_421, %mul3A_422 : i32
      %get3A_424 = arith.index_cast %mul3A_423 : i32 to index
      %get3A_425 = tpu.vector_load %arg10[%get3A_424] {strides = array<i32>} : memref<4000xf32, #tpu.memory_space<vmem>>, vector<16xf32>,
      %get3A_426 = arith.index_cast %mul3A_423 : i32 to index
      %get3A_427 = tpu.vector_load %arg11[%get3A_426] {strides = array<i32>} : memref<3200xf32, #tpu.memory_space<vmem>>, vector<16xf32>,
      %add3A_428 = arith.addf %get3A_425, %get3A_427 : vector<16xf32>
      %swap3A_429 = arith.index_cast %mul3A_423 : i32 to index
      %swap3A_430 = tpu.vector_load %arg10[%swap3A_429] {strides = array<i32>} : memref<4000xf32, #tpu.memory_space<vmem>>, vector<16xf32>,
      tpu.vector_store %arg10[%swap3A_429], %add3A_428 {strides = array<i32>} : memref<4000xf32, #tpu.memory_space<vmem>>, vector<16xf32>,
      %mul3A_431 = arith.constant 8 : i32
      %mul3A_432 = arith.muli %scan3A_392, %mul3A_431 : i32
      %add3A_433 = arith.constant 3 : i32
      %add3A_434 = arith.addi %mul3A_432, %add3A_433 : i32
      %mul3A_435 = arith.constant 16 : i32
      %mul3A_436 = arith.muli %add3A_434, %mul3A_435 : i32
      %get3A_437 = arith.index_cast %mul3A_436 : i32 to index
      %get3A_438 = tpu.vector_load %arg10[%get3A_437] {strides = array<i32>} : memref<4000xf32, #tpu.memory_space<vmem>>, vector<16xf32>,
      %get3A_439 = arith.index_cast %mul3A_436 : i32 to index
      %get3A_440 = tpu.vector_load %arg11[%get3A_439] {strides = array<i32>} : memref<3200xf32, #tpu.memory_space<vmem>>, vector<16xf32>,
      %add3A_441 = arith.addf %get3A_438, %get3A_440 : vector<16xf32>
      %swap3A_442 = arith.index_cast %mul3A_436 : i32 to index
      %swap3A_443 = tpu.vector_load %arg10[%swap3A_442] {strides = array<i32>} : memref<4000xf32, #tpu.memory_space<vmem>>, vector<16xf32>,
      tpu.vector_store %arg10[%swap3A_442], %add3A_441 {strides = array<i32>} : memref<4000xf32, #tpu.memory_space<vmem>>, vector<16xf32>,
      %mul3A_444 = arith.constant 8 : i32
      %mul3A_445 = arith.muli %scan3A_392, %mul3A_444 : i32
      %add3A_446 = arith.constant 4 : i32
      %add3A_447 = arith.addi %mul3A_445, %add3A_446 : i32
      %mul3A_448 = arith.constant 16 : i32
      %mul3A_449 = arith.muli %add3A_447, %mul3A_448 : i32
      %get3A_450 = arith.index_cast %mul3A_449 : i32 to index
      %get3A_451 = tpu.vector_load %arg10[%get3A_450] {strides = array<i32>} : memref<4000xf32, #tpu.memory_space<vmem>>, vector<16xf32>,
      %get3A_452 = arith.index_cast %mul3A_449 : i32 to index
      %get3A_453 = tpu.vector_load %arg11[%get3A_452] {strides = array<i32>} : memref<3200xf32, #tpu.memory_space<vmem>>, vector<16xf32>,
      %add3A_454 = arith.addf %get3A_451, %get3A_453 : vector<16xf32>
      %swap3A_455 = arith.index_cast %mul3A_449 : i32 to index
      %swap3A_456 = tpu.vector_load %arg10[%swap3A_455] {strides = array<i32>} : memref<4000xf32, #tpu.memory_space<vmem>>, vector<16xf32>,
      tpu.vector_store %arg10[%swap3A_455], %add3A_454 {strides = array<i32>} : memref<4000xf32, #tpu.memory_space<vmem>>, vector<16xf32>,
      %mul3A_457 = arith.constant 8 : i32
      %mul3A_458 = arith.muli %scan3A_392, %mul3A_457 : i32
      %add3A_459 = arith.constant 5 : i32
      %add3A_460 = arith.addi %mul3A_458, %add3A_459 : i32
      %mul3A_461 = arith.constant 16 : i32
      %mul3A_462 = arith.muli %add3A_460, %mul3A_461 : i32
      %get3A_463 = arith.index_cast %mul3A_462 : i32 to index
      %get3A_464 = tpu.vector_load %arg10[%get3A_463] {strides = array<i32>} : memref<4000xf32, #tpu.memory_space<vmem>>, vector<16xf32>,
      %get3A_465 = arith.index_cast %mul3A_462 : i32 to index
      %get3A_466 = tpu.vector_load %arg11[%get3A_465] {strides = array<i32>} : memref<3200xf32, #tpu.memory_space<vmem>>, vector<16xf32>,
      %add3A_467 = arith.addf %get3A_464, %get3A_466 : vector<16xf32>
      %swap3A_468 = arith.index_cast %mul3A_462 : i32 to index
      %swap3A_469 = tpu.vector_load %arg10[%swap3A_468] {strides = array<i32>} : memref<4000xf32, #tpu.memory_space<vmem>>, vector<16xf32>,
      tpu.vector_store %arg10[%swap3A_468], %add3A_467 {strides = array<i32>} : memref<4000xf32, #tpu.memory_space<vmem>>, vector<16xf32>,
      %mul3A_470 = arith.constant 8 : i32
      %mul3A_471 = arith.muli %scan3A_392, %mul3A_470 : i32
      %add3A_472 = arith.constant 6 : i32
      %add3A_473 = arith.addi %mul3A_471, %add3A_472 : i32
      %mul3A_474 = arith.constant 16 : i32
      %mul3A_475 = arith.muli %add3A_473, %mul3A_474 : i32
      %get3A_476 = arith.index_cast %mul3A_475 : i32 to index
      %get3A_477 = tpu.vector_load %arg10[%get3A_476] {strides = array<i32>} : memref<4000xf32, #tpu.memory_space<vmem>>, vector<16xf32>,
      %get3A_478 = arith.index_cast %mul3A_475 : i32 to index
      %get3A_479 = tpu.vector_load %arg11[%get3A_478] {strides = array<i32>} : memref<3200xf32, #tpu.memory_space<vmem>>, vector<16xf32>,
      %add3A_480 = arith.addf %get3A_477, %get3A_479 : vector<16xf32>
      %swap3A_481 = arith.index_cast %mul3A_475 : i32 to index
      %swap3A_482 = tpu.vector_load %arg10[%swap3A_481] {strides = array<i32>} : memref<4000xf32, #tpu.memory_space<vmem>>, vector<16xf32>,
      tpu.vector_store %arg10[%swap3A_481], %add3A_480 {strides = array<i32>} : memref<4000xf32, #tpu.memory_space<vmem>>, vector<16xf32>,
      %mul3A_483 = arith.constant 8 : i32
      %mul3A_484 = arith.muli %scan3A_392, %mul3A_483 : i32
      %add3A_485 = arith.constant 7 : i32
      %add3A_486 = arith.addi %mul3A_484, %add3A_485 : i32
      %mul3A_487 = arith.constant 16 : i32
      %mul3A_488 = arith.muli %add3A_486, %mul3A_487 : i32
      %get3A_489 = arith.index_cast %mul3A_488 : i32 to index
      %get3A_490 = tpu.vector_load %arg10[%get3A_489] {strides = array<i32>} : memref<4000xf32, #tpu.memory_space<vmem>>, vector<16xf32>,
      %get3A_491 = arith.index_cast %mul3A_488 : i32 to index
      %get3A_492 = tpu.vector_load %arg11[%get3A_491] {strides = array<i32>} : memref<3200xf32, #tpu.memory_space<vmem>>, vector<16xf32>,
      %add3A_493 = arith.addf %get3A_490, %get3A_492 : vector<16xf32>
      %swap3A_494 = arith.index_cast %mul3A_488 : i32 to index
      %swap3A_495 = tpu.vector_load %arg10[%swap3A_494] {strides = array<i32>} : memref<4000xf32, #tpu.memory_space<vmem>>, vector<16xf32>,
      tpu.vector_store %arg10[%swap3A_494], %add3A_493 {strides = array<i32>} : memref<4000xf32, #tpu.memory_space<vmem>>, vector<16xf32>,
      %scan3A_496 = arith.constant 0 : i32
      scf.yield %scan3A_496 : i32
    }
    %scan3A_172 = arith.constant 25 : i32
    %mul3A_173 = arith.constant 3200 : i32
    %mul3A_174 = arith.muli %arg1, %mul3A_173 : i32
    %add3A_175 = arith.constant 51200 : i32
    %add3A_176 = arith.addi %add3A_175, %mul3A_174 : i32
    "tpu.region"() ({
      %run_scoped3A = tpu.sem_alloc : memref<!tpu.dma_semaphore, #tpu.memory_space<semaphore_mem>>
      %dma_start3A_392 = tpu.memref_slice %arg12[%add3A_176] : memref<204800xf32, #tpu.memory_space<vmem_shared>> -> memref<3200xf32, #tpu.memory_space<vmem_shared>>
      %dma_start3A_393 = tpu.memref_slice %arg12[%add3A_176] : memref<204800xf32, #tpu.memory_space<vmem_shared>> -> memref<3200xf32, #tpu.memory_space<vmem_shared>>
      tpu.enqueue_dma source(%dma_start3A_393 : memref<3200xf32, #tpu.memory_space<vmem_shared>>) target(%arg11 : memref<3200xf32, #tpu.memory_space<vmem>>) target_semaphore(%run_scoped3A : memref<!tpu.dma_semaphore, #tpu.memory_space<semaphore_mem>>)
      %dma_wait3A_394 = tpu.memref_slice %arg12[%add3A_176] : memref<204800xf32, #tpu.memory_space<vmem_shared>> -> memref<3200xf32, #tpu.memory_space<vmem_shared>>
      %dma_wait3A_395 = tpu.memref_slice %arg12[%add3A_176] : memref<204800xf32, #tpu.memory_space<vmem_shared>> -> memref<3200xf32, #tpu.memory_space<vmem_shared>>
      tpu.wait_dma2 semaphore(%run_scoped3A : memref<!tpu.dma_semaphore, #tpu.memory_space<semaphore_mem>>) src(%dma_wait3A_395 : memref<3200xf32, #tpu.memory_space<vmem_shared>>) dst(%arg11 : memref<3200xf32, #tpu.memory_space<vmem>>)
      tpu.yield
    }) : () -> ()
    %scan3A_177 = arith.constant 0 : i32
    %scan3A_178 = arith.constant 0 : i32
    %scan3A_179 = arith.constant 25 : i32
    %scan3A_180 = arith.addi %scan3A_178, %scan3A_179 : i32
    %scan3A_181 = arith.constant 1 : i32
    %scan3A_182 = scf.for %scan3A_392 = %scan3A_178 to %scan3A_180 step %scan3A_181 iter_args(%scan3A_393 = %scan3A_177) -> (i32)  : i32 {
      %mul3A_394 = arith.constant 8 : i32
      %mul3A_395 = arith.muli %scan3A_392, %mul3A_394 : i32
      %add3A_396 = arith.constant 0 : i32
      %add3A_397 = arith.addi %mul3A_395, %add3A_396 : i32
      %mul3A_398 = arith.constant 16 : i32
      %mul3A_399 = arith.muli %add3A_397, %mul3A_398 : i32
      %get3A = arith.index_cast %mul3A_399 : i32 to index
      %get3A_400 = tpu.vector_load %arg10[%get3A] {strides = array<i32>} : memref<4000xf32, #tpu.memory_space<vmem>>, vector<16xf32>,
      %get3A_401 = arith.index_cast %mul3A_399 : i32 to index
      %get3A_402 = tpu.vector_load %arg11[%get3A_401] {strides = array<i32>} : memref<3200xf32, #tpu.memory_space<vmem>>, vector<16xf32>,
      %add3A_403 = arith.addf %get3A_400, %get3A_402 : vector<16xf32>
      %swap3A = arith.index_cast %mul3A_399 : i32 to index
      %swap3A_404 = tpu.vector_load %arg10[%swap3A] {strides = array<i32>} : memref<4000xf32, #tpu.memory_space<vmem>>, vector<16xf32>,
      tpu.vector_store %arg10[%swap3A], %add3A_403 {strides = array<i32>} : memref<4000xf32, #tpu.memory_space<vmem>>, vector<16xf32>,
      %mul3A_405 = arith.constant 8 : i32
      %mul3A_406 = arith.muli %scan3A_392, %mul3A_405 : i32
      %add3A_407 = arith.constant 1 : i32
      %add3A_408 = arith.addi %mul3A_406, %add3A_407 : i32
      %mul3A_409 = arith.constant 16 : i32
      %mul3A_410 = arith.muli %add3A_408, %mul3A_409 : i32
      %get3A_411 = arith.index_cast %mul3A_410 : i32 to index
      %get3A_412 = tpu.vector_load %arg10[%get3A_411] {strides = array<i32>} : memref<4000xf32, #tpu.memory_space<vmem>>, vector<16xf32>,
      %get3A_413 = arith.index_cast %mul3A_410 : i32 to index
      %get3A_414 = tpu.vector_load %arg11[%get3A_413] {strides = array<i32>} : memref<3200xf32, #tpu.memory_space<vmem>>, vector<16xf32>,
      %add3A_415 = arith.addf %get3A_412, %get3A_414 : vector<16xf32>
      %swap3A_416 = arith.index_cast %mul3A_410 : i32 to index
      %swap3A_417 = tpu.vector_load %arg10[%swap3A_416] {strides = array<i32>} : memref<4000xf32, #tpu.memory_space<vmem>>, vector<16xf32>,
      tpu.vector_store %arg10[%swap3A_416], %add3A_415 {strides = array<i32>} : memref<4000xf32, #tpu.memory_space<vmem>>, vector<16xf32>,
      %mul3A_418 = arith.constant 8 : i32
      %mul3A_419 = arith.muli %scan3A_392, %mul3A_418 : i32
      %add3A_420 = arith.constant 2 : i32
      %add3A_421 = arith.addi %mul3A_419, %add3A_420 : i32
      %mul3A_422 = arith.constant 16 : i32
      %mul3A_423 = arith.muli %add3A_421, %mul3A_422 : i32
      %get3A_424 = arith.index_cast %mul3A_423 : i32 to index
      %get3A_425 = tpu.vector_load %arg10[%get3A_424] {strides = array<i32>} : memref<4000xf32, #tpu.memory_space<vmem>>, vector<16xf32>,
      %get3A_426 = arith.index_cast %mul3A_423 : i32 to index
      %get3A_427 = tpu.vector_load %arg11[%get3A_426] {strides = array<i32>} : memref<3200xf32, #tpu.memory_space<vmem>>, vector<16xf32>,
      %add3A_428 = arith.addf %get3A_425, %get3A_427 : vector<16xf32>
      %swap3A_429 = arith.index_cast %mul3A_423 : i32 to index
      %swap3A_430 = tpu.vector_load %arg10[%swap3A_429] {strides = array<i32>} : memref<4000xf32, #tpu.memory_space<vmem>>, vector<16xf32>,
      tpu.vector_store %arg10[%swap3A_429], %add3A_428 {strides = array<i32>} : memref<4000xf32, #tpu.memory_space<vmem>>, vector<16xf32>,
      %mul3A_431 = arith.constant 8 : i32
      %mul3A_432 = arith.muli %scan3A_392, %mul3A_431 : i32
      %add3A_433 = arith.constant 3 : i32
      %add3A_434 = arith.addi %mul3A_432, %add3A_433 : i32
      %mul3A_435 = arith.constant 16 : i32
      %mul3A_436 = arith.muli %add3A_434, %mul3A_435 : i32
      %get3A_437 = arith.index_cast %mul3A_436 : i32 to index
      %get3A_438 = tpu.vector_load %arg10[%get3A_437] {strides = array<i32>} : memref<4000xf32, #tpu.memory_space<vmem>>, vector<16xf32>,
      %get3A_439 = arith.index_cast %mul3A_436 : i32 to index
      %get3A_440 = tpu.vector_load %arg11[%get3A_439] {strides = array<i32>} : memref<3200xf32, #tpu.memory_space<vmem>>, vector<16xf32>,
      %add3A_441 = arith.addf %get3A_438, %get3A_440 : vector<16xf32>
      %swap3A_442 = arith.index_cast %mul3A_436 : i32 to index
      %swap3A_443 = tpu.vector_load %arg10[%swap3A_442] {strides = array<i32>} : memref<4000xf32, #tpu.memory_space<vmem>>, vector<16xf32>,
      tpu.vector_store %arg10[%swap3A_442], %add3A_441 {strides = array<i32>} : memref<4000xf32, #tpu.memory_space<vmem>>, vector<16xf32>,
      %mul3A_444 = arith.constant 8 : i32
      %mul3A_445 = arith.muli %scan3A_392, %mul3A_444 : i32
      %add3A_446 = arith.constant 4 : i32
      %add3A_447 = arith.addi %mul3A_445, %add3A_446 : i32
      %mul3A_448 = arith.constant 16 : i32
      %mul3A_449 = arith.muli %add3A_447, %mul3A_448 : i32
      %get3A_450 = arith.index_cast %mul3A_449 : i32 to index
      %get3A_451 = tpu.vector_load %arg10[%get3A_450] {strides = array<i32>} : memref<4000xf32, #tpu.memory_space<vmem>>, vector<16xf32>,
      %get3A_452 = arith.index_cast %mul3A_449 : i32 to index
      %get3A_453 = tpu.vector_load %arg11[%get3A_452] {strides = array<i32>} : memref<3200xf32, #tpu.memory_space<vmem>>, vector<16xf32>,
      %add3A_454 = arith.addf %get3A_451, %get3A_453 : vector<16xf32>
      %swap3A_455 = arith.index_cast %mul3A_449 : i32 to index
      %swap3A_456 = tpu.vector_load %arg10[%swap3A_455] {strides = array<i32>} : memref<4000xf32, #tpu.memory_space<vmem>>, vector<16xf32>,
      tpu.vector_store %arg10[%swap3A_455], %add3A_454 {strides = array<i32>} : memref<4000xf32, #tpu.memory_space<vmem>>, vector<16xf32>,
      %mul3A_457 = arith.constant 8 : i32
      %mul3A_458 = arith.muli %scan3A_392, %mul3A_457 : i32
      %add3A_459 = arith.constant 5 : i32
      %add3A_460 = arith.addi %mul3A_458, %add3A_459 : i32
      %mul3A_461 = arith.constant 16 : i32
      %mul3A_462 = arith.muli %add3A_460, %mul3A_461 : i32
      %get3A_463 = arith.index_cast %mul3A_462 : i32 to index
      %get3A_464 = tpu.vector_load %arg10[%get3A_463] {strides = array<i32>} : memref<4000xf32, #tpu.memory_space<vmem>>, vector<16xf32>,
      %get3A_465 = arith.index_cast %mul3A_462 : i32 to index
      %get3A_466 = tpu.vector_load %arg11[%get3A_465] {strides = array<i32>} : memref<3200xf32, #tpu.memory_space<vmem>>, vector<16xf32>,
      %add3A_467 = arith.addf %get3A_464, %get3A_466 : vector<16xf32>
      %swap3A_468 = arith.index_cast %mul3A_462 : i32 to index
      %swap3A_469 = tpu.vector_load %arg10[%swap3A_468] {strides = array<i32>} : memref<4000xf32, #tpu.memory_space<vmem>>, vector<16xf32>,
      tpu.vector_store %arg10[%swap3A_468], %add3A_467 {strides = array<i32>} : memref<4000xf32, #tpu.memory_space<vmem>>, vector<16xf32>,
      %mul3A_470 = arith.constant 8 : i32
      %mul3A_471 = arith.muli %scan3A_392, %mul3A_470 : i32
      %add3A_472 = arith.constant 6 : i32
      %add3A_473 = arith.addi %mul3A_471, %add3A_472 : i32
      %mul3A_474 = arith.constant 16 : i32
      %mul3A_475 = arith.muli %add3A_473, %mul3A_474 : i32
      %get3A_476 = arith.index_cast %mul3A_475 : i32 to index
      %get3A_477 = tpu.vector_load %arg10[%get3A_476] {strides = array<i32>} : memref<4000xf32, #tpu.memory_space<vmem>>, vector<16xf32>,
      %get3A_478 = arith.index_cast %mul3A_475 : i32 to index
      %get3A_479 = tpu.vector_load %arg11[%get3A_478] {strides = array<i32>} : memref<3200xf32, #tpu.memory_space<vmem>>, vector<16xf32>,
      %add3A_480 = arith.addf %get3A_477, %get3A_479 : vector<16xf32>
      %swap3A_481 = arith.index_cast %mul3A_475 : i32 to index
      %swap3A_482 = tpu.vector_load %arg10[%swap3A_481] {strides = array<i32>} : memref<4000xf32, #tpu.memory_space<vmem>>, vector<16xf32>,
      tpu.vector_store %arg10[%swap3A_481], %add3A_480 {strides = array<i32>} : memref<4000xf32, #tpu.memory_space<vmem>>, vector<16xf32>,
      %mul3A_483 = arith.constant 8 : i32
      %mul3A_484 = arith.muli %scan3A_392, %mul3A_483 : i32
      %add3A_485 = arith.constant 7 : i32
      %add3A_486 = arith.addi %mul3A_484, %add3A_485 : i32
      %mul3A_487 = arith.constant 16 : i32
      %mul3A_488 = arith.muli %add3A_486, %mul3A_487 : i32
      %get3A_489 = arith.index_cast %mul3A_488 : i32 to index
      %get3A_490 = tpu.vector_load %arg10[%get3A_489] {strides = array<i32>} : memref<4000xf32, #tpu.memory_space<vmem>>, vector<16xf32>,
      %get3A_491 = arith.index_cast %mul3A_488 : i32 to index
      %get3A_492 = tpu.vector_load %arg11[%get3A_491] {strides = array<i32>} : memref<3200xf32, #tpu.memory_space<vmem>>, vector<16xf32>,
      %add3A_493 = arith.addf %get3A_490, %get3A_492 : vector<16xf32>
      %swap3A_494 = arith.index_cast %mul3A_488 : i32 to index
      %swap3A_495 = tpu.vector_load %arg10[%swap3A_494] {strides = array<i32>} : memref<4000xf32, #tpu.memory_space<vmem>>, vector<16xf32>,
      tpu.vector_store %arg10[%swap3A_494], %add3A_493 {strides = array<i32>} : memref<4000xf32, #tpu.memory_space<vmem>>, vector<16xf32>,
      %scan3A_496 = arith.constant 0 : i32
      scf.yield %scan3A_496 : i32
    }
    %scan3A_183 = arith.constant 25 : i32
    %mul3A_184 = arith.constant 3200 : i32
    %mul3A_185 = arith.muli %arg1, %mul3A_184 : i32
    %add3A_186 = arith.constant 102400 : i32
    %add3A_187 = arith.addi %add3A_186, %mul3A_185 : i32
    "tpu.region"() ({
      %run_scoped3A = tpu.sem_alloc : memref<!tpu.dma_semaphore, #tpu.memory_space<semaphore_mem>>
      %dma_start3A_392 = tpu.memref_slice %arg12[%add3A_187] : memref<204800xf32, #tpu.memory_space<vmem_shared>> -> memref<3200xf32, #tpu.memory_space<vmem_shared>>
      %dma_start3A_393 = tpu.memref_slice %arg12[%add3A_187] : memref<204800xf32, #tpu.memory_space<vmem_shared>> -> memref<3200xf32, #tpu.memory_space<vmem_shared>>
      tpu.enqueue_dma source(%dma_start3A_393 : memref<3200xf32, #tpu.memory_space<vmem_shared>>) target(%arg11 : memref<3200xf32, #tpu.memory_space<vmem>>) target_semaphore(%run_scoped3A : memref<!tpu.dma_semaphore, #tpu.memory_space<semaphore_mem>>)
      %dma_wait3A_394 = tpu.memref_slice %arg12[%add3A_187] : memref<204800xf32, #tpu.memory_space<vmem_shared>> -> memref<3200xf32, #tpu.memory_space<vmem_shared>>
      %dma_wait3A_395 = tpu.memref_slice %arg12[%add3A_187] : memref<204800xf32, #tpu.memory_space<vmem_shared>> -> memref<3200xf32, #tpu.memory_space<vmem_shared>>
      tpu.wait_dma2 semaphore(%run_scoped3A : memref<!tpu.dma_semaphore, #tpu.memory_space<semaphore_mem>>) src(%dma_wait3A_395 : memref<3200xf32, #tpu.memory_space<vmem_shared>>) dst(%arg11 : memref<3200xf32, #tpu.memory_space<vmem>>)
      tpu.yield
    }) : () -> ()
    %scan3A_188 = arith.constant 0 : i32
    %scan3A_189 = arith.constant 0 : i32
    %scan3A_190 = arith.constant 25 : i32
    %scan3A_191 = arith.addi %scan3A_189, %scan3A_190 : i32
    %scan3A_192 = arith.constant 1 : i32
    %scan3A_193 = scf.for %scan3A_392 = %scan3A_189 to %scan3A_191 step %scan3A_192 iter_args(%scan3A_393 = %scan3A_188) -> (i32)  : i32 {
      %mul3A_394 = arith.constant 8 : i32
      %mul3A_395 = arith.muli %scan3A_392, %mul3A_394 : i32
      %add3A_396 = arith.constant 0 : i32
      %add3A_397 = arith.addi %mul3A_395, %add3A_396 : i32
      %mul3A_398 = arith.constant 16 : i32
      %mul3A_399 = arith.muli %add3A_397, %mul3A_398 : i32
      %get3A = arith.index_cast %mul3A_399 : i32 to index
      %get3A_400 = tpu.vector_load %arg10[%get3A] {strides = array<i32>} : memref<4000xf32, #tpu.memory_space<vmem>>, vector<16xf32>,
      %get3A_401 = arith.index_cast %mul3A_399 : i32 to index
      %get3A_402 = tpu.vector_load %arg11[%get3A_401] {strides = array<i32>} : memref<3200xf32, #tpu.memory_space<vmem>>, vector<16xf32>,
      %add3A_403 = arith.addf %get3A_400, %get3A_402 : vector<16xf32>
      %swap3A = arith.index_cast %mul3A_399 : i32 to index
      %swap3A_404 = tpu.vector_load %arg10[%swap3A] {strides = array<i32>} : memref<4000xf32, #tpu.memory_space<vmem>>, vector<16xf32>,
      tpu.vector_store %arg10[%swap3A], %add3A_403 {strides = array<i32>} : memref<4000xf32, #tpu.memory_space<vmem>>, vector<16xf32>,
      %mul3A_405 = arith.constant 8 : i32
      %mul3A_406 = arith.muli %scan3A_392, %mul3A_405 : i32
      %add3A_407 = arith.constant 1 : i32
      %add3A_408 = arith.addi %mul3A_406, %add3A_407 : i32
      %mul3A_409 = arith.constant 16 : i32
      %mul3A_410 = arith.muli %add3A_408, %mul3A_409 : i32
      %get3A_411 = arith.index_cast %mul3A_410 : i32 to index
      %get3A_412 = tpu.vector_load %arg10[%get3A_411] {strides = array<i32>} : memref<4000xf32, #tpu.memory_space<vmem>>, vector<16xf32>,
      %get3A_413 = arith.index_cast %mul3A_410 : i32 to index
      %get3A_414 = tpu.vector_load %arg11[%get3A_413] {strides = array<i32>} : memref<3200xf32, #tpu.memory_space<vmem>>, vector<16xf32>,
      %add3A_415 = arith.addf %get3A_412, %get3A_414 : vector<16xf32>
      %swap3A_416 = arith.index_cast %mul3A_410 : i32 to index
      %swap3A_417 = tpu.vector_load %arg10[%swap3A_416] {strides = array<i32>} : memref<4000xf32, #tpu.memory_space<vmem>>, vector<16xf32>,
      tpu.vector_store %arg10[%swap3A_416], %add3A_415 {strides = array<i32>} : memref<4000xf32, #tpu.memory_space<vmem>>, vector<16xf32>,
      %mul3A_418 = arith.constant 8 : i32
      %mul3A_419 = arith.muli %scan3A_392, %mul3A_418 : i32
      %add3A_420 = arith.constant 2 : i32
      %add3A_421 = arith.addi %mul3A_419, %add3A_420 : i32
      %mul3A_422 = arith.constant 16 : i32
      %mul3A_423 = arith.muli %add3A_421, %mul3A_422 : i32
      %get3A_424 = arith.index_cast %mul3A_423 : i32 to index
      %get3A_425 = tpu.vector_load %arg10[%get3A_424] {strides = array<i32>} : memref<4000xf32, #tpu.memory_space<vmem>>, vector<16xf32>,
      %get3A_426 = arith.index_cast %mul3A_423 : i32 to index
      %get3A_427 = tpu.vector_load %arg11[%get3A_426] {strides = array<i32>} : memref<3200xf32, #tpu.memory_space<vmem>>, vector<16xf32>,
      %add3A_428 = arith.addf %get3A_425, %get3A_427 : vector<16xf32>
      %swap3A_429 = arith.index_cast %mul3A_423 : i32 to index
      %swap3A_430 = tpu.vector_load %arg10[%swap3A_429] {strides = array<i32>} : memref<4000xf32, #tpu.memory_space<vmem>>, vector<16xf32>,
      tpu.vector_store %arg10[%swap3A_429], %add3A_428 {strides = array<i32>} : memref<4000xf32, #tpu.memory_space<vmem>>, vector<16xf32>,
      %mul3A_431 = arith.constant 8 : i32
      %mul3A_432 = arith.muli %scan3A_392, %mul3A_431 : i32
      %add3A_433 = arith.constant 3 : i32
      %add3A_434 = arith.addi %mul3A_432, %add3A_433 : i32
      %mul3A_435 = arith.constant 16 : i32
      %mul3A_436 = arith.muli %add3A_434, %mul3A_435 : i32
      %get3A_437 = arith.index_cast %mul3A_436 : i32 to index
      %get3A_438 = tpu.vector_load %arg10[%get3A_437] {strides = array<i32>} : memref<4000xf32, #tpu.memory_space<vmem>>, vector<16xf32>,
      %get3A_439 = arith.index_cast %mul3A_436 : i32 to index
      %get3A_440 = tpu.vector_load %arg11[%get3A_439] {strides = array<i32>} : memref<3200xf32, #tpu.memory_space<vmem>>, vector<16xf32>,
      %add3A_441 = arith.addf %get3A_438, %get3A_440 : vector<16xf32>
      %swap3A_442 = arith.index_cast %mul3A_436 : i32 to index
      %swap3A_443 = tpu.vector_load %arg10[%swap3A_442] {strides = array<i32>} : memref<4000xf32, #tpu.memory_space<vmem>>, vector<16xf32>,
      tpu.vector_store %arg10[%swap3A_442], %add3A_441 {strides = array<i32>} : memref<4000xf32, #tpu.memory_space<vmem>>, vector<16xf32>,
      %mul3A_444 = arith.constant 8 : i32
      %mul3A_445 = arith.muli %scan3A_392, %mul3A_444 : i32
      %add3A_446 = arith.constant 4 : i32
      %add3A_447 = arith.addi %mul3A_445, %add3A_446 : i32
      %mul3A_448 = arith.constant 16 : i32
      %mul3A_449 = arith.muli %add3A_447, %mul3A_448 : i32
      %get3A_450 = arith.index_cast %mul3A_449 : i32 to index
      %get3A_451 = tpu.vector_load %arg10[%get3A_450] {strides = array<i32>} : memref<4000xf32, #tpu.memory_space<vmem>>, vector<16xf32>,
      %get3A_452 = arith.index_cast %mul3A_449 : i32 to index
      %get3A_453 = tpu.vector_load %arg11[%get3A_452] {strides = array<i32>} : memref<3200xf32, #tpu.memory_space<vmem>>, vector<16xf32>,
      %add3A_454 = arith.addf %get3A_451, %get3A_453 : vector<16xf32>
      %swap3A_455 = arith.index_cast %mul3A_449 : i32 to index
      %swap3A_456 = tpu.vector_load %arg10[%swap3A_455] {strides = array<i32>} : memref<4000xf32, #tpu.memory_space<vmem>>, vector<16xf32>,
      tpu.vector_store %arg10[%swap3A_455], %add3A_454 {strides = array<i32>} : memref<4000xf32, #tpu.memory_space<vmem>>, vector<16xf32>,
      %mul3A_457 = arith.constant 8 : i32
      %mul3A_458 = arith.muli %scan3A_392, %mul3A_457 : i32
      %add3A_459 = arith.constant 5 : i32
      %add3A_460 = arith.addi %mul3A_458, %add3A_459 : i32
      %mul3A_461 = arith.constant 16 : i32
      %mul3A_462 = arith.muli %add3A_460, %mul3A_461 : i32
      %get3A_463 = arith.index_cast %mul3A_462 : i32 to index
      %get3A_464 = tpu.vector_load %arg10[%get3A_463] {strides = array<i32>} : memref<4000xf32, #tpu.memory_space<vmem>>, vector<16xf32>,
      %get3A_465 = arith.index_cast %mul3A_462 : i32 to index
      %get3A_466 = tpu.vector_load %arg11[%get3A_465] {strides = array<i32>} : memref<3200xf32, #tpu.memory_space<vmem>>, vector<16xf32>,
      %add3A_467 = arith.addf %get3A_464, %get3A_466 : vector<16xf32>
      %swap3A_468 = arith.index_cast %mul3A_462 : i32 to index
      %swap3A_469 = tpu.vector_load %arg10[%swap3A_468] {strides = array<i32>} : memref<4000xf32, #tpu.memory_space<vmem>>, vector<16xf32>,
      tpu.vector_store %arg10[%swap3A_468], %add3A_467 {strides = array<i32>} : memref<4000xf32, #tpu.memory_space<vmem>>, vector<16xf32>,
      %mul3A_470 = arith.constant 8 : i32
      %mul3A_471 = arith.muli %scan3A_392, %mul3A_470 : i32
      %add3A_472 = arith.constant 6 : i32
      %add3A_473 = arith.addi %mul3A_471, %add3A_472 : i32
      %mul3A_474 = arith.constant 16 : i32
      %mul3A_475 = arith.muli %add3A_473, %mul3A_474 : i32
      %get3A_476 = arith.index_cast %mul3A_475 : i32 to index
      %get3A_477 = tpu.vector_load %arg10[%get3A_476] {strides = array<i32>} : memref<4000xf32, #tpu.memory_space<vmem>>, vector<16xf32>,
      %get3A_478 = arith.index_cast %mul3A_475 : i32 to index
      %get3A_479 = tpu.vector_load %arg11[%get3A_478] {strides = array<i32>} : memref<3200xf32, #tpu.memory_space<vmem>>, vector<16xf32>,
      %add3A_480 = arith.addf %get3A_477, %get3A_479 : vector<16xf32>
      %swap3A_481 = arith.index_cast %mul3A_475 : i32 to index
      %swap3A_482 = tpu.vector_load %arg10[%swap3A_481] {strides = array<i32>} : memref<4000xf32, #tpu.memory_space<vmem>>, vector<16xf32>,
      tpu.vector_store %arg10[%swap3A_481], %add3A_480 {strides = array<i32>} : memref<4000xf32, #tpu.memory_space<vmem>>, vector<16xf32>,
      %mul3A_483 = arith.constant 8 : i32
      %mul3A_484 = arith.muli %scan3A_392, %mul3A_483 : i32
      %add3A_485 = arith.constant 7 : i32
      %add3A_486 = arith.addi %mul3A_484, %add3A_485 : i32
      %mul3A_487 = arith.constant 16 : i32
      %mul3A_488 = arith.muli %add3A_486, %mul3A_487 : i32
      %get3A_489 = arith.index_cast %mul3A_488 : i32 to index
      %get3A_490 = tpu.vector_load %arg10[%get3A_489] {strides = array<i32>} : memref<4000xf32, #tpu.memory_space<vmem>>, vector<16xf32>,
      %get3A_491 = arith.index_cast %mul3A_488 : i32 to index
      %get3A_492 = tpu.vector_load %arg11[%get3A_491] {strides = array<i32>} : memref<3200xf32, #tpu.memory_space<vmem>>, vector<16xf32>,
      %add3A_493 = arith.addf %get3A_490, %get3A_492 : vector<16xf32>
      %swap3A_494 = arith.index_cast %mul3A_488 : i32 to index
      %swap3A_495 = tpu.vector_load %arg10[%swap3A_494] {strides = array<i32>} : memref<4000xf32, #tpu.memory_space<vmem>>, vector<16xf32>,
      tpu.vector_store %arg10[%swap3A_494], %add3A_493 {strides = array<i32>} : memref<4000xf32, #tpu.memory_space<vmem>>, vector<16xf32>,
      %scan3A_496 = arith.constant 0 : i32
      scf.yield %scan3A_496 : i32
    }
    %scan3A_194 = arith.constant 25 : i32
    %mul3A_195 = arith.constant 3200 : i32
    %mul3A_196 = arith.muli %arg1, %mul3A_195 : i32
    %add3A_197 = arith.constant 153600 : i32
    %add3A_198 = arith.addi %add3A_197, %mul3A_196 : i32
    "tpu.region"() ({
      %run_scoped3A = tpu.sem_alloc : memref<!tpu.dma_semaphore, #tpu.memory_space<semaphore_mem>>
      %dma_start3A_392 = tpu.memref_slice %arg12[%add3A_198] : memref<204800xf32, #tpu.memory_space<vmem_shared>> -> memref<3200xf32, #tpu.memory_space<vmem_shared>>
      %dma_start3A_393 = tpu.memref_slice %arg12[%add3A_198] : memref<204800xf32, #tpu.memory_space<vmem_shared>> -> memref<3200xf32, #tpu.memory_space<vmem_shared>>
      tpu.enqueue_dma source(%dma_start3A_393 : memref<3200xf32, #tpu.memory_space<vmem_shared>>) target(%arg11 : memref<3200xf32, #tpu.memory_space<vmem>>) target_semaphore(%run_scoped3A : memref<!tpu.dma_semaphore, #tpu.memory_space<semaphore_mem>>)
      %dma_wait3A_394 = tpu.memref_slice %arg12[%add3A_198] : memref<204800xf32, #tpu.memory_space<vmem_shared>> -> memref<3200xf32, #tpu.memory_space<vmem_shared>>
      %dma_wait3A_395 = tpu.memref_slice %arg12[%add3A_198] : memref<204800xf32, #tpu.memory_space<vmem_shared>> -> memref<3200xf32, #tpu.memory_space<vmem_shared>>
      tpu.wait_dma2 semaphore(%run_scoped3A : memref<!tpu.dma_semaphore, #tpu.memory_space<semaphore_mem>>) src(%dma_wait3A_395 : memref<3200xf32, #tpu.memory_space<vmem_shared>>) dst(%arg11 : memref<3200xf32, #tpu.memory_space<vmem>>)
      tpu.yield
    }) : () -> ()
    %scan3A_199 = arith.constant 0 : i32
    %scan3A_200 = arith.constant 0 : i32
    %scan3A_201 = arith.constant 25 : i32
    %scan3A_202 = arith.addi %scan3A_200, %scan3A_201 : i32
    %scan3A_203 = arith.constant 1 : i32
    %scan3A_204 = scf.for %scan3A_392 = %scan3A_200 to %scan3A_202 step %scan3A_203 iter_args(%scan3A_393 = %scan3A_199) -> (i32)  : i32 {
      %mul3A_394 = arith.constant 8 : i32
      %mul3A_395 = arith.muli %scan3A_392, %mul3A_394 : i32
      %add3A_396 = arith.constant 0 : i32
      %add3A_397 = arith.addi %mul3A_395, %add3A_396 : i32
      %mul3A_398 = arith.constant 16 : i32
      %mul3A_399 = arith.muli %add3A_397, %mul3A_398 : i32
      %get3A = arith.index_cast %mul3A_399 : i32 to index
      %get3A_400 = tpu.vector_load %arg10[%get3A] {strides = array<i32>} : memref<4000xf32, #tpu.memory_space<vmem>>, vector<16xf32>,
      %get3A_401 = arith.index_cast %mul3A_399 : i32 to index
      %get3A_402 = tpu.vector_load %arg11[%get3A_401] {strides = array<i32>} : memref<3200xf32, #tpu.memory_space<vmem>>, vector<16xf32>,
      %add3A_403 = arith.addf %get3A_400, %get3A_402 : vector<16xf32>
      %swap3A = arith.index_cast %mul3A_399 : i32 to index
      %swap3A_404 = tpu.vector_load %arg10[%swap3A] {strides = array<i32>} : memref<4000xf32, #tpu.memory_space<vmem>>, vector<16xf32>,
      tpu.vector_store %arg10[%swap3A], %add3A_403 {strides = array<i32>} : memref<4000xf32, #tpu.memory_space<vmem>>, vector<16xf32>,
      %mul3A_405 = arith.constant 8 : i32
      %mul3A_406 = arith.muli %scan3A_392, %mul3A_405 : i32
      %add3A_407 = arith.constant 1 : i32
      %add3A_408 = arith.addi %mul3A_406, %add3A_407 : i32
      %mul3A_409 = arith.constant 16 : i32
      %mul3A_410 = arith.muli %add3A_408, %mul3A_409 : i32
      %get3A_411 = arith.index_cast %mul3A_410 : i32 to index
      %get3A_412 = tpu.vector_load %arg10[%get3A_411] {strides = array<i32>} : memref<4000xf32, #tpu.memory_space<vmem>>, vector<16xf32>,
      %get3A_413 = arith.index_cast %mul3A_410 : i32 to index
      %get3A_414 = tpu.vector_load %arg11[%get3A_413] {strides = array<i32>} : memref<3200xf32, #tpu.memory_space<vmem>>, vector<16xf32>,
      %add3A_415 = arith.addf %get3A_412, %get3A_414 : vector<16xf32>
      %swap3A_416 = arith.index_cast %mul3A_410 : i32 to index
      %swap3A_417 = tpu.vector_load %arg10[%swap3A_416] {strides = array<i32>} : memref<4000xf32, #tpu.memory_space<vmem>>, vector<16xf32>,
      tpu.vector_store %arg10[%swap3A_416], %add3A_415 {strides = array<i32>} : memref<4000xf32, #tpu.memory_space<vmem>>, vector<16xf32>,
      %mul3A_418 = arith.constant 8 : i32
      %mul3A_419 = arith.muli %scan3A_392, %mul3A_418 : i32
      %add3A_420 = arith.constant 2 : i32
      %add3A_421 = arith.addi %mul3A_419, %add3A_420 : i32
      %mul3A_422 = arith.constant 16 : i32
      %mul3A_423 = arith.muli %add3A_421, %mul3A_422 : i32
      %get3A_424 = arith.index_cast %mul3A_423 : i32 to index
      %get3A_425 = tpu.vector_load %arg10[%get3A_424] {strides = array<i32>} : memref<4000xf32, #tpu.memory_space<vmem>>, vector<16xf32>,
      %get3A_426 = arith.index_cast %mul3A_423 : i32 to index
      %get3A_427 = tpu.vector_load %arg11[%get3A_426] {strides = array<i32>} : memref<3200xf32, #tpu.memory_space<vmem>>, vector<16xf32>,
      %add3A_428 = arith.addf %get3A_425, %get3A_427 : vector<16xf32>
      %swap3A_429 = arith.index_cast %mul3A_423 : i32 to index
      %swap3A_430 = tpu.vector_load %arg10[%swap3A_429] {strides = array<i32>} : memref<4000xf32, #tpu.memory_space<vmem>>, vector<16xf32>,
      tpu.vector_store %arg10[%swap3A_429], %add3A_428 {strides = array<i32>} : memref<4000xf32, #tpu.memory_space<vmem>>, vector<16xf32>,
      %mul3A_431 = arith.constant 8 : i32
      %mul3A_432 = arith.muli %scan3A_392, %mul3A_431 : i32
      %add3A_433 = arith.constant 3 : i32
      %add3A_434 = arith.addi %mul3A_432, %add3A_433 : i32
      %mul3A_435 = arith.constant 16 : i32
      %mul3A_436 = arith.muli %add3A_434, %mul3A_435 : i32
      %get3A_437 = arith.index_cast %mul3A_436 : i32 to index
      %get3A_438 = tpu.vector_load %arg10[%get3A_437] {strides = array<i32>} : memref<4000xf32, #tpu.memory_space<vmem>>, vector<16xf32>,
      %get3A_439 = arith.index_cast %mul3A_436 : i32 to index
      %get3A_440 = tpu.vector_load %arg11[%get3A_439] {strides = array<i32>} : memref<3200xf32, #tpu.memory_space<vmem>>, vector<16xf32>,
      %add3A_441 = arith.addf %get3A_438, %get3A_440 : vector<16xf32>
      %swap3A_442 = arith.index_cast %mul3A_436 : i32 to index
      %swap3A_443 = tpu.vector_load %arg10[%swap3A_442] {strides = array<i32>} : memref<4000xf32, #tpu.memory_space<vmem>>, vector<16xf32>,
      tpu.vector_store %arg10[%swap3A_442], %add3A_441 {strides = array<i32>} : memref<4000xf32, #tpu.memory_space<vmem>>, vector<16xf32>,
      %mul3A_444 = arith.constant 8 : i32
      %mul3A_445 = arith.muli %scan3A_392, %mul3A_444 : i32
      %add3A_446 = arith.constant 4 : i32
      %add3A_447 = arith.addi %mul3A_445, %add3A_446 : i32
      %mul3A_448 = arith.constant 16 : i32
      %mul3A_449 = arith.muli %add3A_447, %mul3A_448 : i32
      %get3A_450 = arith.index_cast %mul3A_449 : i32 to index
      %get3A_451 = tpu.vector_load %arg10[%get3A_450] {strides = array<i32>} : memref<4000xf32, #tpu.memory_space<vmem>>, vector<16xf32>,
      %get3A_452 = arith.index_cast %mul3A_449 : i32 to index
      %get3A_453 = tpu.vector_load %arg11[%get3A_452] {strides = array<i32>} : memref<3200xf32, #tpu.memory_space<vmem>>, vector<16xf32>,
      %add3A_454 = arith.addf %get3A_451, %get3A_453 : vector<16xf32>
      %swap3A_455 = arith.index_cast %mul3A_449 : i32 to index
      %swap3A_456 = tpu.vector_load %arg10[%swap3A_455] {strides = array<i32>} : memref<4000xf32, #tpu.memory_space<vmem>>, vector<16xf32>,
      tpu.vector_store %arg10[%swap3A_455], %add3A_454 {strides = array<i32>} : memref<4000xf32, #tpu.memory_space<vmem>>, vector<16xf32>,
      %mul3A_457 = arith.constant 8 : i32
      %mul3A_458 = arith.muli %scan3A_392, %mul3A_457 : i32
      %add3A_459 = arith.constant 5 : i32
      %add3A_460 = arith.addi %mul3A_458, %add3A_459 : i32
      %mul3A_461 = arith.constant 16 : i32
      %mul3A_462 = arith.muli %add3A_460, %mul3A_461 : i32
      %get3A_463 = arith.index_cast %mul3A_462 : i32 to index
      %get3A_464 = tpu.vector_load %arg10[%get3A_463] {strides = array<i32>} : memref<4000xf32, #tpu.memory_space<vmem>>, vector<16xf32>,
      %get3A_465 = arith.index_cast %mul3A_462 : i32 to index
      %get3A_466 = tpu.vector_load %arg11[%get3A_465] {strides = array<i32>} : memref<3200xf32, #tpu.memory_space<vmem>>, vector<16xf32>,
      %add3A_467 = arith.addf %get3A_464, %get3A_466 : vector<16xf32>
      %swap3A_468 = arith.index_cast %mul3A_462 : i32 to index
      %swap3A_469 = tpu.vector_load %arg10[%swap3A_468] {strides = array<i32>} : memref<4000xf32, #tpu.memory_space<vmem>>, vector<16xf32>,
      tpu.vector_store %arg10[%swap3A_468], %add3A_467 {strides = array<i32>} : memref<4000xf32, #tpu.memory_space<vmem>>, vector<16xf32>,
      %mul3A_470 = arith.constant 8 : i32
      %mul3A_471 = arith.muli %scan3A_392, %mul3A_470 : i32
      %add3A_472 = arith.constant 6 : i32
      %add3A_473 = arith.addi %mul3A_471, %add3A_472 : i32
      %mul3A_474 = arith.constant 16 : i32
      %mul3A_475 = arith.muli %add3A_473, %mul3A_474 : i32
      %get3A_476 = arith.index_cast %mul3A_475 : i32 to index
      %get3A_477 = tpu.vector_load %arg10[%get3A_476] {strides = array<i32>} : memref<4000xf32, #tpu.memory_space<vmem>>, vector<16xf32>,
      %get3A_478 = arith.index_cast %mul3A_475 : i32 to index
      %get3A_479 = tpu.vector_load %arg11[%get3A_478] {strides = array<i32>} : memref<3200xf32, #tpu.memory_space<vmem>>, vector<16xf32>,
      %add3A_480 = arith.addf %get3A_477, %get3A_479 : vector<16xf32>
      %swap3A_481 = arith.index_cast %mul3A_475 : i32 to index
      %swap3A_482 = tpu.vector_load %arg10[%swap3A_481] {strides = array<i32>} : memref<4000xf32, #tpu.memory_space<vmem>>, vector<16xf32>,
      tpu.vector_store %arg10[%swap3A_481], %add3A_480 {strides = array<i32>} : memref<4000xf32, #tpu.memory_space<vmem>>, vector<16xf32>,
      %mul3A_483 = arith.constant 8 : i32
      %mul3A_484 = arith.muli %scan3A_392, %mul3A_483 : i32
      %add3A_485 = arith.constant 7 : i32
      %add3A_486 = arith.addi %mul3A_484, %add3A_485 : i32
      %mul3A_487 = arith.constant 16 : i32
      %mul3A_488 = arith.muli %add3A_486, %mul3A_487 : i32
      %get3A_489 = arith.index_cast %mul3A_488 : i32 to index
      %get3A_490 = tpu.vector_load %arg10[%get3A_489] {strides = array<i32>} : memref<4000xf32, #tpu.memory_space<vmem>>, vector<16xf32>,
      %get3A_491 = arith.index_cast %mul3A_488 : i32 to index
      %get3A_492 = tpu.vector_load %arg11[%get3A_491] {strides = array<i32>} : memref<3200xf32, #tpu.memory_space<vmem>>, vector<16xf32>,
      %add3A_493 = arith.addf %get3A_490, %get3A_492 : vector<16xf32>
      %swap3A_494 = arith.index_cast %mul3A_488 : i32 to index
      %swap3A_495 = tpu.vector_load %arg10[%swap3A_494] {strides = array<i32>} : memref<4000xf32, #tpu.memory_space<vmem>>, vector<16xf32>,
      tpu.vector_store %arg10[%swap3A_494], %add3A_493 {strides = array<i32>} : memref<4000xf32, #tpu.memory_space<vmem>>, vector<16xf32>,
      %scan3A_496 = arith.constant 0 : i32
      scf.yield %scan3A_496 : i32
    }
    %scan3A_205 = arith.constant 25 : i32
    %barrier3A_206 = arith.constant 0 : index
    tpu.barrier barrier_id(%barrier3A_206)
    %ge3A_207 = arith.constant 12 : i32
    %ge3A_208 = arith.cmpi sge, %arg1, %ge3A_207 : i32
    %lt3A_209 = arith.constant 16 : i32
    %lt3A_210 = arith.cmpi slt, %arg1, %lt3A_209 : i32
    %and3A_211 = arith.andi %ge3A_208, %lt3A_210 : i1
    %convert_element_type3A_212 = arith.extui %and3A_211 : i1 to i32
    %cond3A_213 = arith.constant 0 : i32
    %cond3A_214 = arith.cmpi ne, %convert_element_type3A_212, %cond3A_213 : i32
    scf.if %cond3A_214 {
      %sub3A = arith.constant 12 : i32
      %sub3A_392 = arith.subi %arg1, %sub3A : i32
      %mul3A_393 = arith.constant 51200 : i32
      %mul3A_394 = arith.muli %sub3A_392, %mul3A_393 : i32
      "tpu.region"() ({
        %run_scoped3A = tpu.sem_alloc : memref<!tpu.dma_semaphore, #tpu.memory_space<semaphore_mem>>
        %dma_start3A_395 = tpu.memref_slice %arg12[%mul3A_394] : memref<204800xf32, #tpu.memory_space<vmem_shared>> -> memref<51200xf32, #tpu.memory_space<vmem_shared>>
        %dma_start3A_396 = tpu.memref_slice %arg12[%mul3A_394] : memref<204800xf32, #tpu.memory_space<vmem_shared>> -> memref<51200xf32, #tpu.memory_space<vmem_shared>>
        tpu.enqueue_dma source(%arg6 : memref<51200xf32, #tpu.memory_space<vmem>>) target(%dma_start3A_396 : memref<51200xf32, #tpu.memory_space<vmem_shared>>) target_semaphore(%run_scoped3A : memref<!tpu.dma_semaphore, #tpu.memory_space<semaphore_mem>>)
        %dma_wait3A_397 = tpu.memref_slice %arg12[%mul3A_394] : memref<204800xf32, #tpu.memory_space<vmem_shared>> -> memref<51200xf32, #tpu.memory_space<vmem_shared>>
        %dma_wait3A_398 = tpu.memref_slice %arg12[%mul3A_394] : memref<204800xf32, #tpu.memory_space<vmem_shared>> -> memref<51200xf32, #tpu.memory_space<vmem_shared>>
        tpu.wait_dma2 semaphore(%run_scoped3A : memref<!tpu.dma_semaphore, #tpu.memory_space<semaphore_mem>>) src(%arg6 : memref<51200xf32, #tpu.memory_space<vmem>>) dst(%dma_wait3A_398 : memref<51200xf32, #tpu.memory_space<vmem_shared>>)
        tpu.yield
      }) : () -> ()
    } else {
    }
    %barrier3A_215 = arith.constant 0 : index
    tpu.barrier barrier_id(%barrier3A_215)
    %mul3A_216 = arith.constant 3200 : i32
    %mul3A_217 = arith.muli %arg1, %mul3A_216 : i32
    %add3A_218 = arith.constant 0 : i32
    %add3A_219 = arith.addi %add3A_218, %mul3A_217 : i32
    "tpu.region"() ({
      %run_scoped3A = tpu.sem_alloc : memref<!tpu.dma_semaphore, #tpu.memory_space<semaphore_mem>>
      %dma_start3A_392 = tpu.memref_slice %arg12[%add3A_219] : memref<204800xf32, #tpu.memory_space<vmem_shared>> -> memref<3200xf32, #tpu.memory_space<vmem_shared>>
      %dma_start3A_393 = tpu.memref_slice %arg12[%add3A_219] : memref<204800xf32, #tpu.memory_space<vmem_shared>> -> memref<3200xf32, #tpu.memory_space<vmem_shared>>
      tpu.enqueue_dma source(%dma_start3A_393 : memref<3200xf32, #tpu.memory_space<vmem_shared>>) target(%arg11 : memref<3200xf32, #tpu.memory_space<vmem>>) target_semaphore(%run_scoped3A : memref<!tpu.dma_semaphore, #tpu.memory_space<semaphore_mem>>)
      %dma_wait3A_394 = tpu.memref_slice %arg12[%add3A_219] : memref<204800xf32, #tpu.memory_space<vmem_shared>> -> memref<3200xf32, #tpu.memory_space<vmem_shared>>
      %dma_wait3A_395 = tpu.memref_slice %arg12[%add3A_219] : memref<204800xf32, #tpu.memory_space<vmem_shared>> -> memref<3200xf32, #tpu.memory_space<vmem_shared>>
      tpu.wait_dma2 semaphore(%run_scoped3A : memref<!tpu.dma_semaphore, #tpu.memory_space<semaphore_mem>>) src(%dma_wait3A_395 : memref<3200xf32, #tpu.memory_space<vmem_shared>>) dst(%arg11 : memref<3200xf32, #tpu.memory_space<vmem>>)
      tpu.yield
    }) : () -> ()
    %scan3A_220 = arith.constant 0 : i32
    %scan3A_221 = arith.constant 0 : i32
    %scan3A_222 = arith.constant 25 : i32
    %scan3A_223 = arith.addi %scan3A_221, %scan3A_222 : i32
    %scan3A_224 = arith.constant 1 : i32
    %scan3A_225 = scf.for %scan3A_392 = %scan3A_221 to %scan3A_223 step %scan3A_224 iter_args(%scan3A_393 = %scan3A_220) -> (i32)  : i32 {
      %mul3A_394 = arith.constant 8 : i32
      %mul3A_395 = arith.muli %scan3A_392, %mul3A_394 : i32
      %add3A_396 = arith.constant 0 : i32
      %add3A_397 = arith.addi %mul3A_395, %add3A_396 : i32
      %mul3A_398 = arith.constant 16 : i32
      %mul3A_399 = arith.muli %add3A_397, %mul3A_398 : i32
      %get3A = arith.index_cast %mul3A_399 : i32 to index
      %get3A_400 = tpu.vector_load %arg10[%get3A] {strides = array<i32>} : memref<4000xf32, #tpu.memory_space<vmem>>, vector<16xf32>,
      %get3A_401 = arith.index_cast %mul3A_399 : i32 to index
      %get3A_402 = tpu.vector_load %arg11[%get3A_401] {strides = array<i32>} : memref<3200xf32, #tpu.memory_space<vmem>>, vector<16xf32>,
      %add3A_403 = arith.addf %get3A_400, %get3A_402 : vector<16xf32>
      %swap3A = arith.index_cast %mul3A_399 : i32 to index
      %swap3A_404 = tpu.vector_load %arg10[%swap3A] {strides = array<i32>} : memref<4000xf32, #tpu.memory_space<vmem>>, vector<16xf32>,
      tpu.vector_store %arg10[%swap3A], %add3A_403 {strides = array<i32>} : memref<4000xf32, #tpu.memory_space<vmem>>, vector<16xf32>,
      %mul3A_405 = arith.constant 8 : i32
      %mul3A_406 = arith.muli %scan3A_392, %mul3A_405 : i32
      %add3A_407 = arith.constant 1 : i32
      %add3A_408 = arith.addi %mul3A_406, %add3A_407 : i32
      %mul3A_409 = arith.constant 16 : i32
      %mul3A_410 = arith.muli %add3A_408, %mul3A_409 : i32
      %get3A_411 = arith.index_cast %mul3A_410 : i32 to index
      %get3A_412 = tpu.vector_load %arg10[%get3A_411] {strides = array<i32>} : memref<4000xf32, #tpu.memory_space<vmem>>, vector<16xf32>,
      %get3A_413 = arith.index_cast %mul3A_410 : i32 to index
      %get3A_414 = tpu.vector_load %arg11[%get3A_413] {strides = array<i32>} : memref<3200xf32, #tpu.memory_space<vmem>>, vector<16xf32>,
      %add3A_415 = arith.addf %get3A_412, %get3A_414 : vector<16xf32>
      %swap3A_416 = arith.index_cast %mul3A_410 : i32 to index
      %swap3A_417 = tpu.vector_load %arg10[%swap3A_416] {strides = array<i32>} : memref<4000xf32, #tpu.memory_space<vmem>>, vector<16xf32>,
      tpu.vector_store %arg10[%swap3A_416], %add3A_415 {strides = array<i32>} : memref<4000xf32, #tpu.memory_space<vmem>>, vector<16xf32>,
      %mul3A_418 = arith.constant 8 : i32
      %mul3A_419 = arith.muli %scan3A_392, %mul3A_418 : i32
      %add3A_420 = arith.constant 2 : i32
      %add3A_421 = arith.addi %mul3A_419, %add3A_420 : i32
      %mul3A_422 = arith.constant 16 : i32
      %mul3A_423 = arith.muli %add3A_421, %mul3A_422 : i32
      %get3A_424 = arith.index_cast %mul3A_423 : i32 to index
      %get3A_425 = tpu.vector_load %arg10[%get3A_424] {strides = array<i32>} : memref<4000xf32, #tpu.memory_space<vmem>>, vector<16xf32>,
      %get3A_426 = arith.index_cast %mul3A_423 : i32 to index
      %get3A_427 = tpu.vector_load %arg11[%get3A_426] {strides = array<i32>} : memref<3200xf32, #tpu.memory_space<vmem>>, vector<16xf32>,
      %add3A_428 = arith.addf %get3A_425, %get3A_427 : vector<16xf32>
      %swap3A_429 = arith.index_cast %mul3A_423 : i32 to index
      %swap3A_430 = tpu.vector_load %arg10[%swap3A_429] {strides = array<i32>} : memref<4000xf32, #tpu.memory_space<vmem>>, vector<16xf32>,
      tpu.vector_store %arg10[%swap3A_429], %add3A_428 {strides = array<i32>} : memref<4000xf32, #tpu.memory_space<vmem>>, vector<16xf32>,
      %mul3A_431 = arith.constant 8 : i32
      %mul3A_432 = arith.muli %scan3A_392, %mul3A_431 : i32
      %add3A_433 = arith.constant 3 : i32
      %add3A_434 = arith.addi %mul3A_432, %add3A_433 : i32
      %mul3A_435 = arith.constant 16 : i32
      %mul3A_436 = arith.muli %add3A_434, %mul3A_435 : i32
      %get3A_437 = arith.index_cast %mul3A_436 : i32 to index
      %get3A_438 = tpu.vector_load %arg10[%get3A_437] {strides = array<i32>} : memref<4000xf32, #tpu.memory_space<vmem>>, vector<16xf32>,
      %get3A_439 = arith.index_cast %mul3A_436 : i32 to index
      %get3A_440 = tpu.vector_load %arg11[%get3A_439] {strides = array<i32>} : memref<3200xf32, #tpu.memory_space<vmem>>, vector<16xf32>,
      %add3A_441 = arith.addf %get3A_438, %get3A_440 : vector<16xf32>
      %swap3A_442 = arith.index_cast %mul3A_436 : i32 to index
      %swap3A_443 = tpu.vector_load %arg10[%swap3A_442] {strides = array<i32>} : memref<4000xf32, #tpu.memory_space<vmem>>, vector<16xf32>,
      tpu.vector_store %arg10[%swap3A_442], %add3A_441 {strides = array<i32>} : memref<4000xf32, #tpu.memory_space<vmem>>, vector<16xf32>,
      %mul3A_444 = arith.constant 8 : i32
      %mul3A_445 = arith.muli %scan3A_392, %mul3A_444 : i32
      %add3A_446 = arith.constant 4 : i32
      %add3A_447 = arith.addi %mul3A_445, %add3A_446 : i32
      %mul3A_448 = arith.constant 16 : i32
      %mul3A_449 = arith.muli %add3A_447, %mul3A_448 : i32
      %get3A_450 = arith.index_cast %mul3A_449 : i32 to index
      %get3A_451 = tpu.vector_load %arg10[%get3A_450] {strides = array<i32>} : memref<4000xf32, #tpu.memory_space<vmem>>, vector<16xf32>,
      %get3A_452 = arith.index_cast %mul3A_449 : i32 to index
      %get3A_453 = tpu.vector_load %arg11[%get3A_452] {strides = array<i32>} : memref<3200xf32, #tpu.memory_space<vmem>>, vector<16xf32>,
      %add3A_454 = arith.addf %get3A_451, %get3A_453 : vector<16xf32>
      %swap3A_455 = arith.index_cast %mul3A_449 : i32 to index
      %swap3A_456 = tpu.vector_load %arg10[%swap3A_455] {strides = array<i32>} : memref<4000xf32, #tpu.memory_space<vmem>>, vector<16xf32>,
      tpu.vector_store %arg10[%swap3A_455], %add3A_454 {strides = array<i32>} : memref<4000xf32, #tpu.memory_space<vmem>>, vector<16xf32>,
      %mul3A_457 = arith.constant 8 : i32
      %mul3A_458 = arith.muli %scan3A_392, %mul3A_457 : i32
      %add3A_459 = arith.constant 5 : i32
      %add3A_460 = arith.addi %mul3A_458, %add3A_459 : i32
      %mul3A_461 = arith.constant 16 : i32
      %mul3A_462 = arith.muli %add3A_460, %mul3A_461 : i32
      %get3A_463 = arith.index_cast %mul3A_462 : i32 to index
      %get3A_464 = tpu.vector_load %arg10[%get3A_463] {strides = array<i32>} : memref<4000xf32, #tpu.memory_space<vmem>>, vector<16xf32>,
      %get3A_465 = arith.index_cast %mul3A_462 : i32 to index
      %get3A_466 = tpu.vector_load %arg11[%get3A_465] {strides = array<i32>} : memref<3200xf32, #tpu.memory_space<vmem>>, vector<16xf32>,
      %add3A_467 = arith.addf %get3A_464, %get3A_466 : vector<16xf32>
      %swap3A_468 = arith.index_cast %mul3A_462 : i32 to index
      %swap3A_469 = tpu.vector_load %arg10[%swap3A_468] {strides = array<i32>} : memref<4000xf32, #tpu.memory_space<vmem>>, vector<16xf32>,
      tpu.vector_store %arg10[%swap3A_468], %add3A_467 {strides = array<i32>} : memref<4000xf32, #tpu.memory_space<vmem>>, vector<16xf32>,
      %mul3A_470 = arith.constant 8 : i32
      %mul3A_471 = arith.muli %scan3A_392, %mul3A_470 : i32
      %add3A_472 = arith.constant 6 : i32
      %add3A_473 = arith.addi %mul3A_471, %add3A_472 : i32
      %mul3A_474 = arith.constant 16 : i32
      %mul3A_475 = arith.muli %add3A_473, %mul3A_474 : i32
      %get3A_476 = arith.index_cast %mul3A_475 : i32 to index
      %get3A_477 = tpu.vector_load %arg10[%get3A_476] {strides = array<i32>} : memref<4000xf32, #tpu.memory_space<vmem>>, vector<16xf32>,
      %get3A_478 = arith.index_cast %mul3A_475 : i32 to index
      %get3A_479 = tpu.vector_load %arg11[%get3A_478] {strides = array<i32>} : memref<3200xf32, #tpu.memory_space<vmem>>, vector<16xf32>,
      %add3A_480 = arith.addf %get3A_477, %get3A_479 : vector<16xf32>
      %swap3A_481 = arith.index_cast %mul3A_475 : i32 to index
      %swap3A_482 = tpu.vector_load %arg10[%swap3A_481] {strides = array<i32>} : memref<4000xf32, #tpu.memory_space<vmem>>, vector<16xf32>,
      tpu.vector_store %arg10[%swap3A_481], %add3A_480 {strides = array<i32>} : memref<4000xf32, #tpu.memory_space<vmem>>, vector<16xf32>,
      %mul3A_483 = arith.constant 8 : i32
      %mul3A_484 = arith.muli %scan3A_392, %mul3A_483 : i32
      %add3A_485 = arith.constant 7 : i32
      %add3A_486 = arith.addi %mul3A_484, %add3A_485 : i32
      %mul3A_487 = arith.constant 16 : i32
      %mul3A_488 = arith.muli %add3A_486, %mul3A_487 : i32
      %get3A_489 = arith.index_cast %mul3A_488 : i32 to index
      %get3A_490 = tpu.vector_load %arg10[%get3A_489] {strides = array<i32>} : memref<4000xf32, #tpu.memory_space<vmem>>, vector<16xf32>,
      %get3A_491 = arith.index_cast %mul3A_488 : i32 to index
      %get3A_492 = tpu.vector_load %arg11[%get3A_491] {strides = array<i32>} : memref<3200xf32, #tpu.memory_space<vmem>>, vector<16xf32>,
      %add3A_493 = arith.addf %get3A_490, %get3A_492 : vector<16xf32>
      %swap3A_494 = arith.index_cast %mul3A_488 : i32 to index
      %swap3A_495 = tpu.vector_load %arg10[%swap3A_494] {strides = array<i32>} : memref<4000xf32, #tpu.memory_space<vmem>>, vector<16xf32>,
      tpu.vector_store %arg10[%swap3A_494], %add3A_493 {strides = array<i32>} : memref<4000xf32, #tpu.memory_space<vmem>>, vector<16xf32>,
      %scan3A_496 = arith.constant 0 : i32
      scf.yield %scan3A_496 : i32
    }
    %scan3A_226 = arith.constant 25 : i32
    %mul3A_227 = arith.constant 3200 : i32
    %mul3A_228 = arith.muli %arg1, %mul3A_227 : i32
    %add3A_229 = arith.constant 51200 : i32
    %add3A_230 = arith.addi %add3A_229, %mul3A_228 : i32
    "tpu.region"() ({
      %run_scoped3A = tpu.sem_alloc : memref<!tpu.dma_semaphore, #tpu.memory_space<semaphore_mem>>
      %dma_start3A_392 = tpu.memref_slice %arg12[%add3A_230] : memref<204800xf32, #tpu.memory_space<vmem_shared>> -> memref<3200xf32, #tpu.memory_space<vmem_shared>>
      %dma_start3A_393 = tpu.memref_slice %arg12[%add3A_230] : memref<204800xf32, #tpu.memory_space<vmem_shared>> -> memref<3200xf32, #tpu.memory_space<vmem_shared>>
      tpu.enqueue_dma source(%dma_start3A_393 : memref<3200xf32, #tpu.memory_space<vmem_shared>>) target(%arg11 : memref<3200xf32, #tpu.memory_space<vmem>>) target_semaphore(%run_scoped3A : memref<!tpu.dma_semaphore, #tpu.memory_space<semaphore_mem>>)
      %dma_wait3A_394 = tpu.memref_slice %arg12[%add3A_230] : memref<204800xf32, #tpu.memory_space<vmem_shared>> -> memref<3200xf32, #tpu.memory_space<vmem_shared>>
      %dma_wait3A_395 = tpu.memref_slice %arg12[%add3A_230] : memref<204800xf32, #tpu.memory_space<vmem_shared>> -> memref<3200xf32, #tpu.memory_space<vmem_shared>>
      tpu.wait_dma2 semaphore(%run_scoped3A : memref<!tpu.dma_semaphore, #tpu.memory_space<semaphore_mem>>) src(%dma_wait3A_395 : memref<3200xf32, #tpu.memory_space<vmem_shared>>) dst(%arg11 : memref<3200xf32, #tpu.memory_space<vmem>>)
      tpu.yield
    }) : () -> ()
    %scan3A_231 = arith.constant 0 : i32
    %scan3A_232 = arith.constant 0 : i32
    %scan3A_233 = arith.constant 25 : i32
    %scan3A_234 = arith.addi %scan3A_232, %scan3A_233 : i32
    %scan3A_235 = arith.constant 1 : i32
    %scan3A_236 = scf.for %scan3A_392 = %scan3A_232 to %scan3A_234 step %scan3A_235 iter_args(%scan3A_393 = %scan3A_231) -> (i32)  : i32 {
      %mul3A_394 = arith.constant 8 : i32
      %mul3A_395 = arith.muli %scan3A_392, %mul3A_394 : i32
      %add3A_396 = arith.constant 0 : i32
      %add3A_397 = arith.addi %mul3A_395, %add3A_396 : i32
      %mul3A_398 = arith.constant 16 : i32
      %mul3A_399 = arith.muli %add3A_397, %mul3A_398 : i32
      %get3A = arith.index_cast %mul3A_399 : i32 to index
      %get3A_400 = tpu.vector_load %arg10[%get3A] {strides = array<i32>} : memref<4000xf32, #tpu.memory_space<vmem>>, vector<16xf32>,
      %get3A_401 = arith.index_cast %mul3A_399 : i32 to index
      %get3A_402 = tpu.vector_load %arg11[%get3A_401] {strides = array<i32>} : memref<3200xf32, #tpu.memory_space<vmem>>, vector<16xf32>,
      %add3A_403 = arith.addf %get3A_400, %get3A_402 : vector<16xf32>
      %swap3A = arith.index_cast %mul3A_399 : i32 to index
      %swap3A_404 = tpu.vector_load %arg10[%swap3A] {strides = array<i32>} : memref<4000xf32, #tpu.memory_space<vmem>>, vector<16xf32>,
      tpu.vector_store %arg10[%swap3A], %add3A_403 {strides = array<i32>} : memref<4000xf32, #tpu.memory_space<vmem>>, vector<16xf32>,
      %mul3A_405 = arith.constant 8 : i32
      %mul3A_406 = arith.muli %scan3A_392, %mul3A_405 : i32
      %add3A_407 = arith.constant 1 : i32
      %add3A_408 = arith.addi %mul3A_406, %add3A_407 : i32
      %mul3A_409 = arith.constant 16 : i32
      %mul3A_410 = arith.muli %add3A_408, %mul3A_409 : i32
      %get3A_411 = arith.index_cast %mul3A_410 : i32 to index
      %get3A_412 = tpu.vector_load %arg10[%get3A_411] {strides = array<i32>} : memref<4000xf32, #tpu.memory_space<vmem>>, vector<16xf32>,
      %get3A_413 = arith.index_cast %mul3A_410 : i32 to index
      %get3A_414 = tpu.vector_load %arg11[%get3A_413] {strides = array<i32>} : memref<3200xf32, #tpu.memory_space<vmem>>, vector<16xf32>,
      %add3A_415 = arith.addf %get3A_412, %get3A_414 : vector<16xf32>
      %swap3A_416 = arith.index_cast %mul3A_410 : i32 to index
      %swap3A_417 = tpu.vector_load %arg10[%swap3A_416] {strides = array<i32>} : memref<4000xf32, #tpu.memory_space<vmem>>, vector<16xf32>,
      tpu.vector_store %arg10[%swap3A_416], %add3A_415 {strides = array<i32>} : memref<4000xf32, #tpu.memory_space<vmem>>, vector<16xf32>,
      %mul3A_418 = arith.constant 8 : i32
      %mul3A_419 = arith.muli %scan3A_392, %mul3A_418 : i32
      %add3A_420 = arith.constant 2 : i32
      %add3A_421 = arith.addi %mul3A_419, %add3A_420 : i32
      %mul3A_422 = arith.constant 16 : i32
      %mul3A_423 = arith.muli %add3A_421, %mul3A_422 : i32
      %get3A_424 = arith.index_cast %mul3A_423 : i32 to index
      %get3A_425 = tpu.vector_load %arg10[%get3A_424] {strides = array<i32>} : memref<4000xf32, #tpu.memory_space<vmem>>, vector<16xf32>,
      %get3A_426 = arith.index_cast %mul3A_423 : i32 to index
      %get3A_427 = tpu.vector_load %arg11[%get3A_426] {strides = array<i32>} : memref<3200xf32, #tpu.memory_space<vmem>>, vector<16xf32>,
      %add3A_428 = arith.addf %get3A_425, %get3A_427 : vector<16xf32>
      %swap3A_429 = arith.index_cast %mul3A_423 : i32 to index
      %swap3A_430 = tpu.vector_load %arg10[%swap3A_429] {strides = array<i32>} : memref<4000xf32, #tpu.memory_space<vmem>>, vector<16xf32>,
      tpu.vector_store %arg10[%swap3A_429], %add3A_428 {strides = array<i32>} : memref<4000xf32, #tpu.memory_space<vmem>>, vector<16xf32>,
      %mul3A_431 = arith.constant 8 : i32
      %mul3A_432 = arith.muli %scan3A_392, %mul3A_431 : i32
      %add3A_433 = arith.constant 3 : i32
      %add3A_434 = arith.addi %mul3A_432, %add3A_433 : i32
      %mul3A_435 = arith.constant 16 : i32
      %mul3A_436 = arith.muli %add3A_434, %mul3A_435 : i32
      %get3A_437 = arith.index_cast %mul3A_436 : i32 to index
      %get3A_438 = tpu.vector_load %arg10[%get3A_437] {strides = array<i32>} : memref<4000xf32, #tpu.memory_space<vmem>>, vector<16xf32>,
      %get3A_439 = arith.index_cast %mul3A_436 : i32 to index
      %get3A_440 = tpu.vector_load %arg11[%get3A_439] {strides = array<i32>} : memref<3200xf32, #tpu.memory_space<vmem>>, vector<16xf32>,
      %add3A_441 = arith.addf %get3A_438, %get3A_440 : vector<16xf32>
      %swap3A_442 = arith.index_cast %mul3A_436 : i32 to index
      %swap3A_443 = tpu.vector_load %arg10[%swap3A_442] {strides = array<i32>} : memref<4000xf32, #tpu.memory_space<vmem>>, vector<16xf32>,
      tpu.vector_store %arg10[%swap3A_442], %add3A_441 {strides = array<i32>} : memref<4000xf32, #tpu.memory_space<vmem>>, vector<16xf32>,
      %mul3A_444 = arith.constant 8 : i32
      %mul3A_445 = arith.muli %scan3A_392, %mul3A_444 : i32
      %add3A_446 = arith.constant 4 : i32
      %add3A_447 = arith.addi %mul3A_445, %add3A_446 : i32
      %mul3A_448 = arith.constant 16 : i32
      %mul3A_449 = arith.muli %add3A_447, %mul3A_448 : i32
      %get3A_450 = arith.index_cast %mul3A_449 : i32 to index
      %get3A_451 = tpu.vector_load %arg10[%get3A_450] {strides = array<i32>} : memref<4000xf32, #tpu.memory_space<vmem>>, vector<16xf32>,
      %get3A_452 = arith.index_cast %mul3A_449 : i32 to index
      %get3A_453 = tpu.vector_load %arg11[%get3A_452] {strides = array<i32>} : memref<3200xf32, #tpu.memory_space<vmem>>, vector<16xf32>,
      %add3A_454 = arith.addf %get3A_451, %get3A_453 : vector<16xf32>
      %swap3A_455 = arith.index_cast %mul3A_449 : i32 to index
      %swap3A_456 = tpu.vector_load %arg10[%swap3A_455] {strides = array<i32>} : memref<4000xf32, #tpu.memory_space<vmem>>, vector<16xf32>,
      tpu.vector_store %arg10[%swap3A_455], %add3A_454 {strides = array<i32>} : memref<4000xf32, #tpu.memory_space<vmem>>, vector<16xf32>,
      %mul3A_457 = arith.constant 8 : i32
      %mul3A_458 = arith.muli %scan3A_392, %mul3A_457 : i32
      %add3A_459 = arith.constant 5 : i32
      %add3A_460 = arith.addi %mul3A_458, %add3A_459 : i32
      %mul3A_461 = arith.constant 16 : i32
      %mul3A_462 = arith.muli %add3A_460, %mul3A_461 : i32
      %get3A_463 = arith.index_cast %mul3A_462 : i32 to index
      %get3A_464 = tpu.vector_load %arg10[%get3A_463] {strides = array<i32>} : memref<4000xf32, #tpu.memory_space<vmem>>, vector<16xf32>,
      %get3A_465 = arith.index_cast %mul3A_462 : i32 to index
      %get3A_466 = tpu.vector_load %arg11[%get3A_465] {strides = array<i32>} : memref<3200xf32, #tpu.memory_space<vmem>>, vector<16xf32>,
      %add3A_467 = arith.addf %get3A_464, %get3A_466 : vector<16xf32>
      %swap3A_468 = arith.index_cast %mul3A_462 : i32 to index
      %swap3A_469 = tpu.vector_load %arg10[%swap3A_468] {strides = array<i32>} : memref<4000xf32, #tpu.memory_space<vmem>>, vector<16xf32>,
      tpu.vector_store %arg10[%swap3A_468], %add3A_467 {strides = array<i32>} : memref<4000xf32, #tpu.memory_space<vmem>>, vector<16xf32>,
      %mul3A_470 = arith.constant 8 : i32
      %mul3A_471 = arith.muli %scan3A_392, %mul3A_470 : i32
      %add3A_472 = arith.constant 6 : i32
      %add3A_473 = arith.addi %mul3A_471, %add3A_472 : i32
      %mul3A_474 = arith.constant 16 : i32
      %mul3A_475 = arith.muli %add3A_473, %mul3A_474 : i32
      %get3A_476 = arith.index_cast %mul3A_475 : i32 to index
      %get3A_477 = tpu.vector_load %arg10[%get3A_476] {strides = array<i32>} : memref<4000xf32, #tpu.memory_space<vmem>>, vector<16xf32>,
      %get3A_478 = arith.index_cast %mul3A_475 : i32 to index
      %get3A_479 = tpu.vector_load %arg11[%get3A_478] {strides = array<i32>} : memref<3200xf32, #tpu.memory_space<vmem>>, vector<16xf32>,
      %add3A_480 = arith.addf %get3A_477, %get3A_479 : vector<16xf32>
      %swap3A_481 = arith.index_cast %mul3A_475 : i32 to index
      %swap3A_482 = tpu.vector_load %arg10[%swap3A_481] {strides = array<i32>} : memref<4000xf32, #tpu.memory_space<vmem>>, vector<16xf32>,
      tpu.vector_store %arg10[%swap3A_481], %add3A_480 {strides = array<i32>} : memref<4000xf32, #tpu.memory_space<vmem>>, vector<16xf32>,
      %mul3A_483 = arith.constant 8 : i32
      %mul3A_484 = arith.muli %scan3A_392, %mul3A_483 : i32
      %add3A_485 = arith.constant 7 : i32
      %add3A_486 = arith.addi %mul3A_484, %add3A_485 : i32
      %mul3A_487 = arith.constant 16 : i32
      %mul3A_488 = arith.muli %add3A_486, %mul3A_487 : i32
      %get3A_489 = arith.index_cast %mul3A_488 : i32 to index
      %get3A_490 = tpu.vector_load %arg10[%get3A_489] {strides = array<i32>} : memref<4000xf32, #tpu.memory_space<vmem>>, vector<16xf32>,
      %get3A_491 = arith.index_cast %mul3A_488 : i32 to index
      %get3A_492 = tpu.vector_load %arg11[%get3A_491] {strides = array<i32>} : memref<3200xf32, #tpu.memory_space<vmem>>, vector<16xf32>,
      %add3A_493 = arith.addf %get3A_490, %get3A_492 : vector<16xf32>
      %swap3A_494 = arith.index_cast %mul3A_488 : i32 to index
      %swap3A_495 = tpu.vector_load %arg10[%swap3A_494] {strides = array<i32>} : memref<4000xf32, #tpu.memory_space<vmem>>, vector<16xf32>,
      tpu.vector_store %arg10[%swap3A_494], %add3A_493 {strides = array<i32>} : memref<4000xf32, #tpu.memory_space<vmem>>, vector<16xf32>,
      %scan3A_496 = arith.constant 0 : i32
      scf.yield %scan3A_496 : i32
    }
    %scan3A_237 = arith.constant 25 : i32
    %mul3A_238 = arith.constant 3200 : i32
    %mul3A_239 = arith.muli %arg1, %mul3A_238 : i32
    %add3A_240 = arith.constant 102400 : i32
    %add3A_241 = arith.addi %add3A_240, %mul3A_239 : i32
    "tpu.region"() ({
      %run_scoped3A = tpu.sem_alloc : memref<!tpu.dma_semaphore, #tpu.memory_space<semaphore_mem>>
      %dma_start3A_392 = tpu.memref_slice %arg12[%add3A_241] : memref<204800xf32, #tpu.memory_space<vmem_shared>> -> memref<3200xf32, #tpu.memory_space<vmem_shared>>
      %dma_start3A_393 = tpu.memref_slice %arg12[%add3A_241] : memref<204800xf32, #tpu.memory_space<vmem_shared>> -> memref<3200xf32, #tpu.memory_space<vmem_shared>>
      tpu.enqueue_dma source(%dma_start3A_393 : memref<3200xf32, #tpu.memory_space<vmem_shared>>) target(%arg11 : memref<3200xf32, #tpu.memory_space<vmem>>) target_semaphore(%run_scoped3A : memref<!tpu.dma_semaphore, #tpu.memory_space<semaphore_mem>>)
      %dma_wait3A_394 = tpu.memref_slice %arg12[%add3A_241] : memref<204800xf32, #tpu.memory_space<vmem_shared>> -> memref<3200xf32, #tpu.memory_space<vmem_shared>>
      %dma_wait3A_395 = tpu.memref_slice %arg12[%add3A_241] : memref<204800xf32, #tpu.memory_space<vmem_shared>> -> memref<3200xf32, #tpu.memory_space<vmem_shared>>
      tpu.wait_dma2 semaphore(%run_scoped3A : memref<!tpu.dma_semaphore, #tpu.memory_space<semaphore_mem>>) src(%dma_wait3A_395 : memref<3200xf32, #tpu.memory_space<vmem_shared>>) dst(%arg11 : memref<3200xf32, #tpu.memory_space<vmem>>)
      tpu.yield
    }) : () -> ()
    %scan3A_242 = arith.constant 0 : i32
    %scan3A_243 = arith.constant 0 : i32
    %scan3A_244 = arith.constant 25 : i32
    %scan3A_245 = arith.addi %scan3A_243, %scan3A_244 : i32
    %scan3A_246 = arith.constant 1 : i32
    %scan3A_247 = scf.for %scan3A_392 = %scan3A_243 to %scan3A_245 step %scan3A_246 iter_args(%scan3A_393 = %scan3A_242) -> (i32)  : i32 {
      %mul3A_394 = arith.constant 8 : i32
      %mul3A_395 = arith.muli %scan3A_392, %mul3A_394 : i32
      %add3A_396 = arith.constant 0 : i32
      %add3A_397 = arith.addi %mul3A_395, %add3A_396 : i32
      %mul3A_398 = arith.constant 16 : i32
      %mul3A_399 = arith.muli %add3A_397, %mul3A_398 : i32
      %get3A = arith.index_cast %mul3A_399 : i32 to index
      %get3A_400 = tpu.vector_load %arg10[%get3A] {strides = array<i32>} : memref<4000xf32, #tpu.memory_space<vmem>>, vector<16xf32>,
      %get3A_401 = arith.index_cast %mul3A_399 : i32 to index
      %get3A_402 = tpu.vector_load %arg11[%get3A_401] {strides = array<i32>} : memref<3200xf32, #tpu.memory_space<vmem>>, vector<16xf32>,
      %add3A_403 = arith.addf %get3A_400, %get3A_402 : vector<16xf32>
      %swap3A = arith.index_cast %mul3A_399 : i32 to index
      %swap3A_404 = tpu.vector_load %arg10[%swap3A] {strides = array<i32>} : memref<4000xf32, #tpu.memory_space<vmem>>, vector<16xf32>,
      tpu.vector_store %arg10[%swap3A], %add3A_403 {strides = array<i32>} : memref<4000xf32, #tpu.memory_space<vmem>>, vector<16xf32>,
      %mul3A_405 = arith.constant 8 : i32
      %mul3A_406 = arith.muli %scan3A_392, %mul3A_405 : i32
      %add3A_407 = arith.constant 1 : i32
      %add3A_408 = arith.addi %mul3A_406, %add3A_407 : i32
      %mul3A_409 = arith.constant 16 : i32
      %mul3A_410 = arith.muli %add3A_408, %mul3A_409 : i32
      %get3A_411 = arith.index_cast %mul3A_410 : i32 to index
      %get3A_412 = tpu.vector_load %arg10[%get3A_411] {strides = array<i32>} : memref<4000xf32, #tpu.memory_space<vmem>>, vector<16xf32>,
      %get3A_413 = arith.index_cast %mul3A_410 : i32 to index
      %get3A_414 = tpu.vector_load %arg11[%get3A_413] {strides = array<i32>} : memref<3200xf32, #tpu.memory_space<vmem>>, vector<16xf32>,
      %add3A_415 = arith.addf %get3A_412, %get3A_414 : vector<16xf32>
      %swap3A_416 = arith.index_cast %mul3A_410 : i32 to index
      %swap3A_417 = tpu.vector_load %arg10[%swap3A_416] {strides = array<i32>} : memref<4000xf32, #tpu.memory_space<vmem>>, vector<16xf32>,
      tpu.vector_store %arg10[%swap3A_416], %add3A_415 {strides = array<i32>} : memref<4000xf32, #tpu.memory_space<vmem>>, vector<16xf32>,
      %mul3A_418 = arith.constant 8 : i32
      %mul3A_419 = arith.muli %scan3A_392, %mul3A_418 : i32
      %add3A_420 = arith.constant 2 : i32
      %add3A_421 = arith.addi %mul3A_419, %add3A_420 : i32
      %mul3A_422 = arith.constant 16 : i32
      %mul3A_423 = arith.muli %add3A_421, %mul3A_422 : i32
      %get3A_424 = arith.index_cast %mul3A_423 : i32 to index
      %get3A_425 = tpu.vector_load %arg10[%get3A_424] {strides = array<i32>} : memref<4000xf32, #tpu.memory_space<vmem>>, vector<16xf32>,
      %get3A_426 = arith.index_cast %mul3A_423 : i32 to index
      %get3A_427 = tpu.vector_load %arg11[%get3A_426] {strides = array<i32>} : memref<3200xf32, #tpu.memory_space<vmem>>, vector<16xf32>,
      %add3A_428 = arith.addf %get3A_425, %get3A_427 : vector<16xf32>
      %swap3A_429 = arith.index_cast %mul3A_423 : i32 to index
      %swap3A_430 = tpu.vector_load %arg10[%swap3A_429] {strides = array<i32>} : memref<4000xf32, #tpu.memory_space<vmem>>, vector<16xf32>,
      tpu.vector_store %arg10[%swap3A_429], %add3A_428 {strides = array<i32>} : memref<4000xf32, #tpu.memory_space<vmem>>, vector<16xf32>,
      %mul3A_431 = arith.constant 8 : i32
      %mul3A_432 = arith.muli %scan3A_392, %mul3A_431 : i32
      %add3A_433 = arith.constant 3 : i32
      %add3A_434 = arith.addi %mul3A_432, %add3A_433 : i32
      %mul3A_435 = arith.constant 16 : i32
      %mul3A_436 = arith.muli %add3A_434, %mul3A_435 : i32
      %get3A_437 = arith.index_cast %mul3A_436 : i32 to index
      %get3A_438 = tpu.vector_load %arg10[%get3A_437] {strides = array<i32>} : memref<4000xf32, #tpu.memory_space<vmem>>, vector<16xf32>,
      %get3A_439 = arith.index_cast %mul3A_436 : i32 to index
      %get3A_440 = tpu.vector_load %arg11[%get3A_439] {strides = array<i32>} : memref<3200xf32, #tpu.memory_space<vmem>>, vector<16xf32>,
      %add3A_441 = arith.addf %get3A_438, %get3A_440 : vector<16xf32>
      %swap3A_442 = arith.index_cast %mul3A_436 : i32 to index
      %swap3A_443 = tpu.vector_load %arg10[%swap3A_442] {strides = array<i32>} : memref<4000xf32, #tpu.memory_space<vmem>>, vector<16xf32>,
      tpu.vector_store %arg10[%swap3A_442], %add3A_441 {strides = array<i32>} : memref<4000xf32, #tpu.memory_space<vmem>>, vector<16xf32>,
      %mul3A_444 = arith.constant 8 : i32
      %mul3A_445 = arith.muli %scan3A_392, %mul3A_444 : i32
      %add3A_446 = arith.constant 4 : i32
      %add3A_447 = arith.addi %mul3A_445, %add3A_446 : i32
      %mul3A_448 = arith.constant 16 : i32
      %mul3A_449 = arith.muli %add3A_447, %mul3A_448 : i32
      %get3A_450 = arith.index_cast %mul3A_449 : i32 to index
      %get3A_451 = tpu.vector_load %arg10[%get3A_450] {strides = array<i32>} : memref<4000xf32, #tpu.memory_space<vmem>>, vector<16xf32>,
      %get3A_452 = arith.index_cast %mul3A_449 : i32 to index
      %get3A_453 = tpu.vector_load %arg11[%get3A_452] {strides = array<i32>} : memref<3200xf32, #tpu.memory_space<vmem>>, vector<16xf32>,
      %add3A_454 = arith.addf %get3A_451, %get3A_453 : vector<16xf32>
      %swap3A_455 = arith.index_cast %mul3A_449 : i32 to index
      %swap3A_456 = tpu.vector_load %arg10[%swap3A_455] {strides = array<i32>} : memref<4000xf32, #tpu.memory_space<vmem>>, vector<16xf32>,
      tpu.vector_store %arg10[%swap3A_455], %add3A_454 {strides = array<i32>} : memref<4000xf32, #tpu.memory_space<vmem>>, vector<16xf32>,
      %mul3A_457 = arith.constant 8 : i32
      %mul3A_458 = arith.muli %scan3A_392, %mul3A_457 : i32
      %add3A_459 = arith.constant 5 : i32
      %add3A_460 = arith.addi %mul3A_458, %add3A_459 : i32
      %mul3A_461 = arith.constant 16 : i32
      %mul3A_462 = arith.muli %add3A_460, %mul3A_461 : i32
      %get3A_463 = arith.index_cast %mul3A_462 : i32 to index
      %get3A_464 = tpu.vector_load %arg10[%get3A_463] {strides = array<i32>} : memref<4000xf32, #tpu.memory_space<vmem>>, vector<16xf32>,
      %get3A_465 = arith.index_cast %mul3A_462 : i32 to index
      %get3A_466 = tpu.vector_load %arg11[%get3A_465] {strides = array<i32>} : memref<3200xf32, #tpu.memory_space<vmem>>, vector<16xf32>,
      %add3A_467 = arith.addf %get3A_464, %get3A_466 : vector<16xf32>
      %swap3A_468 = arith.index_cast %mul3A_462 : i32 to index
      %swap3A_469 = tpu.vector_load %arg10[%swap3A_468] {strides = array<i32>} : memref<4000xf32, #tpu.memory_space<vmem>>, vector<16xf32>,
      tpu.vector_store %arg10[%swap3A_468], %add3A_467 {strides = array<i32>} : memref<4000xf32, #tpu.memory_space<vmem>>, vector<16xf32>,
      %mul3A_470 = arith.constant 8 : i32
      %mul3A_471 = arith.muli %scan3A_392, %mul3A_470 : i32
      %add3A_472 = arith.constant 6 : i32
      %add3A_473 = arith.addi %mul3A_471, %add3A_472 : i32
      %mul3A_474 = arith.constant 16 : i32
      %mul3A_475 = arith.muli %add3A_473, %mul3A_474 : i32
      %get3A_476 = arith.index_cast %mul3A_475 : i32 to index
      %get3A_477 = tpu.vector_load %arg10[%get3A_476] {strides = array<i32>} : memref<4000xf32, #tpu.memory_space<vmem>>, vector<16xf32>,
      %get3A_478 = arith.index_cast %mul3A_475 : i32 to index
      %get3A_479 = tpu.vector_load %arg11[%get3A_478] {strides = array<i32>} : memref<3200xf32, #tpu.memory_space<vmem>>, vector<16xf32>,
      %add3A_480 = arith.addf %get3A_477, %get3A_479 : vector<16xf32>
      %swap3A_481 = arith.index_cast %mul3A_475 : i32 to index
      %swap3A_482 = tpu.vector_load %arg10[%swap3A_481] {strides = array<i32>} : memref<4000xf32, #tpu.memory_space<vmem>>, vector<16xf32>,
      tpu.vector_store %arg10[%swap3A_481], %add3A_480 {strides = array<i32>} : memref<4000xf32, #tpu.memory_space<vmem>>, vector<16xf32>,
      %mul3A_483 = arith.constant 8 : i32
      %mul3A_484 = arith.muli %scan3A_392, %mul3A_483 : i32
      %add3A_485 = arith.constant 7 : i32
      %add3A_486 = arith.addi %mul3A_484, %add3A_485 : i32
      %mul3A_487 = arith.constant 16 : i32
      %mul3A_488 = arith.muli %add3A_486, %mul3A_487 : i32
      %get3A_489 = arith.index_cast %mul3A_488 : i32 to index
      %get3A_490 = tpu.vector_load %arg10[%get3A_489] {strides = array<i32>} : memref<4000xf32, #tpu.memory_space<vmem>>, vector<16xf32>,
      %get3A_491 = arith.index_cast %mul3A_488 : i32 to index
      %get3A_492 = tpu.vector_load %arg11[%get3A_491] {strides = array<i32>} : memref<3200xf32, #tpu.memory_space<vmem>>, vector<16xf32>,
      %add3A_493 = arith.addf %get3A_490, %get3A_492 : vector<16xf32>
      %swap3A_494 = arith.index_cast %mul3A_488 : i32 to index
      %swap3A_495 = tpu.vector_load %arg10[%swap3A_494] {strides = array<i32>} : memref<4000xf32, #tpu.memory_space<vmem>>, vector<16xf32>,
      tpu.vector_store %arg10[%swap3A_494], %add3A_493 {strides = array<i32>} : memref<4000xf32, #tpu.memory_space<vmem>>, vector<16xf32>,
      %scan3A_496 = arith.constant 0 : i32
      scf.yield %scan3A_496 : i32
    }
    %scan3A_248 = arith.constant 25 : i32
    %mul3A_249 = arith.constant 3200 : i32
    %mul3A_250 = arith.muli %arg1, %mul3A_249 : i32
    %add3A_251 = arith.constant 153600 : i32
    %add3A_252 = arith.addi %add3A_251, %mul3A_250 : i32
    "tpu.region"() ({
      %run_scoped3A = tpu.sem_alloc : memref<!tpu.dma_semaphore, #tpu.memory_space<semaphore_mem>>
      %dma_start3A_392 = tpu.memref_slice %arg12[%add3A_252] : memref<204800xf32, #tpu.memory_space<vmem_shared>> -> memref<3200xf32, #tpu.memory_space<vmem_shared>>
      %dma_start3A_393 = tpu.memref_slice %arg12[%add3A_252] : memref<204800xf32, #tpu.memory_space<vmem_shared>> -> memref<3200xf32, #tpu.memory_space<vmem_shared>>
      tpu.enqueue_dma source(%dma_start3A_393 : memref<3200xf32, #tpu.memory_space<vmem_shared>>) target(%arg11 : memref<3200xf32, #tpu.memory_space<vmem>>) target_semaphore(%run_scoped3A : memref<!tpu.dma_semaphore, #tpu.memory_space<semaphore_mem>>)
      %dma_wait3A_394 = tpu.memref_slice %arg12[%add3A_252] : memref<204800xf32, #tpu.memory_space<vmem_shared>> -> memref<3200xf32, #tpu.memory_space<vmem_shared>>
      %dma_wait3A_395 = tpu.memref_slice %arg12[%add3A_252] : memref<204800xf32, #tpu.memory_space<vmem_shared>> -> memref<3200xf32, #tpu.memory_space<vmem_shared>>
      tpu.wait_dma2 semaphore(%run_scoped3A : memref<!tpu.dma_semaphore, #tpu.memory_space<semaphore_mem>>) src(%dma_wait3A_395 : memref<3200xf32, #tpu.memory_space<vmem_shared>>) dst(%arg11 : memref<3200xf32, #tpu.memory_space<vmem>>)
      tpu.yield
    }) : () -> ()
    %scan3A_253 = arith.constant 0 : i32
    %scan3A_254 = arith.constant 0 : i32
    %scan3A_255 = arith.constant 25 : i32
    %scan3A_256 = arith.addi %scan3A_254, %scan3A_255 : i32
    %scan3A_257 = arith.constant 1 : i32
    %scan3A_258 = scf.for %scan3A_392 = %scan3A_254 to %scan3A_256 step %scan3A_257 iter_args(%scan3A_393 = %scan3A_253) -> (i32)  : i32 {
      %mul3A_394 = arith.constant 8 : i32
      %mul3A_395 = arith.muli %scan3A_392, %mul3A_394 : i32
      %add3A_396 = arith.constant 0 : i32
      %add3A_397 = arith.addi %mul3A_395, %add3A_396 : i32
      %mul3A_398 = arith.constant 16 : i32
      %mul3A_399 = arith.muli %add3A_397, %mul3A_398 : i32
      %get3A = arith.index_cast %mul3A_399 : i32 to index
      %get3A_400 = tpu.vector_load %arg10[%get3A] {strides = array<i32>} : memref<4000xf32, #tpu.memory_space<vmem>>, vector<16xf32>,
      %get3A_401 = arith.index_cast %mul3A_399 : i32 to index
      %get3A_402 = tpu.vector_load %arg11[%get3A_401] {strides = array<i32>} : memref<3200xf32, #tpu.memory_space<vmem>>, vector<16xf32>,
      %add3A_403 = arith.addf %get3A_400, %get3A_402 : vector<16xf32>
      %swap3A = arith.index_cast %mul3A_399 : i32 to index
      %swap3A_404 = tpu.vector_load %arg10[%swap3A] {strides = array<i32>} : memref<4000xf32, #tpu.memory_space<vmem>>, vector<16xf32>,
      tpu.vector_store %arg10[%swap3A], %add3A_403 {strides = array<i32>} : memref<4000xf32, #tpu.memory_space<vmem>>, vector<16xf32>,
      %mul3A_405 = arith.constant 8 : i32
      %mul3A_406 = arith.muli %scan3A_392, %mul3A_405 : i32
      %add3A_407 = arith.constant 1 : i32
      %add3A_408 = arith.addi %mul3A_406, %add3A_407 : i32
      %mul3A_409 = arith.constant 16 : i32
      %mul3A_410 = arith.muli %add3A_408, %mul3A_409 : i32
      %get3A_411 = arith.index_cast %mul3A_410 : i32 to index
      %get3A_412 = tpu.vector_load %arg10[%get3A_411] {strides = array<i32>} : memref<4000xf32, #tpu.memory_space<vmem>>, vector<16xf32>,
      %get3A_413 = arith.index_cast %mul3A_410 : i32 to index
      %get3A_414 = tpu.vector_load %arg11[%get3A_413] {strides = array<i32>} : memref<3200xf32, #tpu.memory_space<vmem>>, vector<16xf32>,
      %add3A_415 = arith.addf %get3A_412, %get3A_414 : vector<16xf32>
      %swap3A_416 = arith.index_cast %mul3A_410 : i32 to index
      %swap3A_417 = tpu.vector_load %arg10[%swap3A_416] {strides = array<i32>} : memref<4000xf32, #tpu.memory_space<vmem>>, vector<16xf32>,
      tpu.vector_store %arg10[%swap3A_416], %add3A_415 {strides = array<i32>} : memref<4000xf32, #tpu.memory_space<vmem>>, vector<16xf32>,
      %mul3A_418 = arith.constant 8 : i32
      %mul3A_419 = arith.muli %scan3A_392, %mul3A_418 : i32
      %add3A_420 = arith.constant 2 : i32
      %add3A_421 = arith.addi %mul3A_419, %add3A_420 : i32
      %mul3A_422 = arith.constant 16 : i32
      %mul3A_423 = arith.muli %add3A_421, %mul3A_422 : i32
      %get3A_424 = arith.index_cast %mul3A_423 : i32 to index
      %get3A_425 = tpu.vector_load %arg10[%get3A_424] {strides = array<i32>} : memref<4000xf32, #tpu.memory_space<vmem>>, vector<16xf32>,
      %get3A_426 = arith.index_cast %mul3A_423 : i32 to index
      %get3A_427 = tpu.vector_load %arg11[%get3A_426] {strides = array<i32>} : memref<3200xf32, #tpu.memory_space<vmem>>, vector<16xf32>,
      %add3A_428 = arith.addf %get3A_425, %get3A_427 : vector<16xf32>
      %swap3A_429 = arith.index_cast %mul3A_423 : i32 to index
      %swap3A_430 = tpu.vector_load %arg10[%swap3A_429] {strides = array<i32>} : memref<4000xf32, #tpu.memory_space<vmem>>, vector<16xf32>,
      tpu.vector_store %arg10[%swap3A_429], %add3A_428 {strides = array<i32>} : memref<4000xf32, #tpu.memory_space<vmem>>, vector<16xf32>,
      %mul3A_431 = arith.constant 8 : i32
      %mul3A_432 = arith.muli %scan3A_392, %mul3A_431 : i32
      %add3A_433 = arith.constant 3 : i32
      %add3A_434 = arith.addi %mul3A_432, %add3A_433 : i32
      %mul3A_435 = arith.constant 16 : i32
      %mul3A_436 = arith.muli %add3A_434, %mul3A_435 : i32
      %get3A_437 = arith.index_cast %mul3A_436 : i32 to index
      %get3A_438 = tpu.vector_load %arg10[%get3A_437] {strides = array<i32>} : memref<4000xf32, #tpu.memory_space<vmem>>, vector<16xf32>,
      %get3A_439 = arith.index_cast %mul3A_436 : i32 to index
      %get3A_440 = tpu.vector_load %arg11[%get3A_439] {strides = array<i32>} : memref<3200xf32, #tpu.memory_space<vmem>>, vector<16xf32>,
      %add3A_441 = arith.addf %get3A_438, %get3A_440 : vector<16xf32>
      %swap3A_442 = arith.index_cast %mul3A_436 : i32 to index
      %swap3A_443 = tpu.vector_load %arg10[%swap3A_442] {strides = array<i32>} : memref<4000xf32, #tpu.memory_space<vmem>>, vector<16xf32>,
      tpu.vector_store %arg10[%swap3A_442], %add3A_441 {strides = array<i32>} : memref<4000xf32, #tpu.memory_space<vmem>>, vector<16xf32>,
      %mul3A_444 = arith.constant 8 : i32
      %mul3A_445 = arith.muli %scan3A_392, %mul3A_444 : i32
      %add3A_446 = arith.constant 4 : i32
      %add3A_447 = arith.addi %mul3A_445, %add3A_446 : i32
      %mul3A_448 = arith.constant 16 : i32
      %mul3A_449 = arith.muli %add3A_447, %mul3A_448 : i32
      %get3A_450 = arith.index_cast %mul3A_449 : i32 to index
      %get3A_451 = tpu.vector_load %arg10[%get3A_450] {strides = array<i32>} : memref<4000xf32, #tpu.memory_space<vmem>>, vector<16xf32>,
      %get3A_452 = arith.index_cast %mul3A_449 : i32 to index
      %get3A_453 = tpu.vector_load %arg11[%get3A_452] {strides = array<i32>} : memref<3200xf32, #tpu.memory_space<vmem>>, vector<16xf32>,
      %add3A_454 = arith.addf %get3A_451, %get3A_453 : vector<16xf32>
      %swap3A_455 = arith.index_cast %mul3A_449 : i32 to index
      %swap3A_456 = tpu.vector_load %arg10[%swap3A_455] {strides = array<i32>} : memref<4000xf32, #tpu.memory_space<vmem>>, vector<16xf32>,
      tpu.vector_store %arg10[%swap3A_455], %add3A_454 {strides = array<i32>} : memref<4000xf32, #tpu.memory_space<vmem>>, vector<16xf32>,
      %mul3A_457 = arith.constant 8 : i32
      %mul3A_458 = arith.muli %scan3A_392, %mul3A_457 : i32
      %add3A_459 = arith.constant 5 : i32
      %add3A_460 = arith.addi %mul3A_458, %add3A_459 : i32
      %mul3A_461 = arith.constant 16 : i32
      %mul3A_462 = arith.muli %add3A_460, %mul3A_461 : i32
      %get3A_463 = arith.index_cast %mul3A_462 : i32 to index
      %get3A_464 = tpu.vector_load %arg10[%get3A_463] {strides = array<i32>} : memref<4000xf32, #tpu.memory_space<vmem>>, vector<16xf32>,
      %get3A_465 = arith.index_cast %mul3A_462 : i32 to index
      %get3A_466 = tpu.vector_load %arg11[%get3A_465] {strides = array<i32>} : memref<3200xf32, #tpu.memory_space<vmem>>, vector<16xf32>,
      %add3A_467 = arith.addf %get3A_464, %get3A_466 : vector<16xf32>
      %swap3A_468 = arith.index_cast %mul3A_462 : i32 to index
      %swap3A_469 = tpu.vector_load %arg10[%swap3A_468] {strides = array<i32>} : memref<4000xf32, #tpu.memory_space<vmem>>, vector<16xf32>,
      tpu.vector_store %arg10[%swap3A_468], %add3A_467 {strides = array<i32>} : memref<4000xf32, #tpu.memory_space<vmem>>, vector<16xf32>,
      %mul3A_470 = arith.constant 8 : i32
      %mul3A_471 = arith.muli %scan3A_392, %mul3A_470 : i32
      %add3A_472 = arith.constant 6 : i32
      %add3A_473 = arith.addi %mul3A_471, %add3A_472 : i32
      %mul3A_474 = arith.constant 16 : i32
      %mul3A_475 = arith.muli %add3A_473, %mul3A_474 : i32
      %get3A_476 = arith.index_cast %mul3A_475 : i32 to index
      %get3A_477 = tpu.vector_load %arg10[%get3A_476] {strides = array<i32>} : memref<4000xf32, #tpu.memory_space<vmem>>, vector<16xf32>,
      %get3A_478 = arith.index_cast %mul3A_475 : i32 to index
      %get3A_479 = tpu.vector_load %arg11[%get3A_478] {strides = array<i32>} : memref<3200xf32, #tpu.memory_space<vmem>>, vector<16xf32>,
      %add3A_480 = arith.addf %get3A_477, %get3A_479 : vector<16xf32>
      %swap3A_481 = arith.index_cast %mul3A_475 : i32 to index
      %swap3A_482 = tpu.vector_load %arg10[%swap3A_481] {strides = array<i32>} : memref<4000xf32, #tpu.memory_space<vmem>>, vector<16xf32>,
      tpu.vector_store %arg10[%swap3A_481], %add3A_480 {strides = array<i32>} : memref<4000xf32, #tpu.memory_space<vmem>>, vector<16xf32>,
      %mul3A_483 = arith.constant 8 : i32
      %mul3A_484 = arith.muli %scan3A_392, %mul3A_483 : i32
      %add3A_485 = arith.constant 7 : i32
      %add3A_486 = arith.addi %mul3A_484, %add3A_485 : i32
      %mul3A_487 = arith.constant 16 : i32
      %mul3A_488 = arith.muli %add3A_486, %mul3A_487 : i32
      %get3A_489 = arith.index_cast %mul3A_488 : i32 to index
      %get3A_490 = tpu.vector_load %arg10[%get3A_489] {strides = array<i32>} : memref<4000xf32, #tpu.memory_space<vmem>>, vector<16xf32>,
      %get3A_491 = arith.index_cast %mul3A_488 : i32 to index
      %get3A_492 = tpu.vector_load %arg11[%get3A_491] {strides = array<i32>} : memref<3200xf32, #tpu.memory_space<vmem>>, vector<16xf32>,
      %add3A_493 = arith.addf %get3A_490, %get3A_492 : vector<16xf32>
      %swap3A_494 = arith.index_cast %mul3A_488 : i32 to index
      %swap3A_495 = tpu.vector_load %arg10[%swap3A_494] {strides = array<i32>} : memref<4000xf32, #tpu.memory_space<vmem>>, vector<16xf32>,
      tpu.vector_store %arg10[%swap3A_494], %add3A_493 {strides = array<i32>} : memref<4000xf32, #tpu.memory_space<vmem>>, vector<16xf32>,
      %scan3A_496 = arith.constant 0 : i32
      scf.yield %scan3A_496 : i32
    }
    %scan3A_259 = arith.constant 25 : i32
    %barrier3A_260 = arith.constant 0 : index
    tpu.barrier barrier_id(%barrier3A_260)
    %scan3A_261 = arith.constant 0 : i32
    %scan3A_262 = arith.constant 0 : i32
    %scan3A_263 = arith.constant 50 : i32
    %scan3A_264 = arith.addi %scan3A_262, %scan3A_263 : i32
    %scan3A_265 = arith.constant 1 : i32
    %scan3A_266 = scf.for %scan3A_392 = %scan3A_262 to %scan3A_264 step %scan3A_265 iter_args(%scan3A_393 = %scan3A_261) -> (i32)  : i32 {
      %mul3A_394 = arith.constant 4 : i32
      %mul3A_395 = arith.muli %scan3A_392, %mul3A_394 : i32
      %add3A_396 = arith.constant 0 : i32
      %add3A_397 = arith.addi %mul3A_395, %add3A_396 : i32
      %mul3A_398 = arith.constant 16 : i32
      %mul3A_399 = arith.muli %add3A_397, %mul3A_398 : i32
      %get3A = arith.index_cast %mul3A_399 : i32 to index
      %get3A_400 = tpu.vector_load %arg10[%get3A] {strides = array<i32>} : memref<4000xf32, #tpu.memory_space<vmem>>, vector<16xf32>,
      %bitcast3A = vector.bitcast %get3A_400 : vector<16xf32> to vector<16xi32>
      %shift_right_logical3A = arith.constant 1 : i32
      %shift_right_logical3A_401 = vector.broadcast %shift_right_logical3A : i32 to vector<16xi32>
      %shift_right_logical3A_402 = arith.shrui %bitcast3A, %shift_right_logical3A_401 : vector<16xi32>
      %sub3A = arith.constant 1597463007 : i32
      %sub3A_403 = vector.broadcast %sub3A : i32 to vector<16xi32>
      %sub3A_404 = arith.subi %sub3A_403, %shift_right_logical3A_402 : vector<16xi32>
      %bitcast3A_405 = vector.bitcast %sub3A_404 : vector<16xi32> to vector<16xf32>
      %mul3A_406 = arith.constant 5.000000e-01 : f32
      %mul3A_407 = vector.broadcast %mul3A_406 : f32 to vector<16xf32>
      %mul3A_408 = arith.mulf %mul3A_407, %get3A_400 : vector<16xf32>
      %mul3A_409 = arith.mulf %mul3A_408, %bitcast3A_405 : vector<16xf32>
      %mul3A_410 = arith.mulf %mul3A_409, %bitcast3A_405 : vector<16xf32>
      %sub3A_411 = arith.constant 1.500000e+00 : f32
      %sub3A_412 = vector.broadcast %sub3A_411 : f32 to vector<16xf32>
      %sub3A_413 = arith.subf %sub3A_412, %mul3A_410 : vector<16xf32>
      %mul3A_414 = arith.mulf %bitcast3A_405, %sub3A_413 : vector<16xf32>
      %mul3A_415 = arith.constant 5.000000e-01 : f32
      %mul3A_416 = vector.broadcast %mul3A_415 : f32 to vector<16xf32>
      %mul3A_417 = arith.mulf %mul3A_416, %get3A_400 : vector<16xf32>
      %mul3A_418 = arith.mulf %mul3A_417, %mul3A_414 : vector<16xf32>
      %mul3A_419 = arith.mulf %mul3A_418, %mul3A_414 : vector<16xf32>
      %sub3A_420 = arith.constant 1.500000e+00 : f32
      %sub3A_421 = vector.broadcast %sub3A_420 : f32 to vector<16xf32>
      %sub3A_422 = arith.subf %sub3A_421, %mul3A_419 : vector<16xf32>
      %mul3A_423 = arith.mulf %mul3A_414, %sub3A_422 : vector<16xf32>
      %mul3A_424 = arith.constant 5.000000e-01 : f32
      %mul3A_425 = vector.broadcast %mul3A_424 : f32 to vector<16xf32>
      %mul3A_426 = arith.mulf %mul3A_425, %get3A_400 : vector<16xf32>
      %mul3A_427 = arith.mulf %mul3A_426, %mul3A_423 : vector<16xf32>
      %mul3A_428 = arith.mulf %mul3A_427, %mul3A_423 : vector<16xf32>
      %sub3A_429 = arith.constant 1.500000e+00 : f32
      %sub3A_430 = vector.broadcast %sub3A_429 : f32 to vector<16xf32>
      %sub3A_431 = arith.subf %sub3A_430, %mul3A_428 : vector<16xf32>
      %mul3A_432 = arith.mulf %mul3A_423, %sub3A_431 : vector<16xf32>
      %gt3A = arith.constant 0.000000e+00 : f32
      %gt3A_433 = vector.broadcast %gt3A : f32 to vector<16xf32>
      %gt3A_434 = arith.cmpf ogt, %get3A_400, %gt3A_433 : vector<16xf32>
      %jit3A = arith.constant 0.000000e+00 : f32
      %broadcast_in_dim3A_435 = vector.broadcast %jit3A : f32 to vector<16xf32>
      %select_n3A = arith.select %gt3A_434, %mul3A_432, %broadcast_in_dim3A_435 : vector<16xi1>, vector<16xf32>
      %swap3A = arith.index_cast %mul3A_399 : i32 to index
      %swap3A_436 = tpu.vector_load %arg10[%swap3A] {strides = array<i32>} : memref<4000xf32, #tpu.memory_space<vmem>>, vector<16xf32>,
      tpu.vector_store %arg10[%swap3A], %select_n3A {strides = array<i32>} : memref<4000xf32, #tpu.memory_space<vmem>>, vector<16xf32>,
      %mul3A_437 = arith.constant 4 : i32
      %mul3A_438 = arith.muli %scan3A_392, %mul3A_437 : i32
      %add3A_439 = arith.constant 1 : i32
      %add3A_440 = arith.addi %mul3A_438, %add3A_439 : i32
      %mul3A_441 = arith.constant 16 : i32
      %mul3A_442 = arith.muli %add3A_440, %mul3A_441 : i32
      %get3A_443 = arith.index_cast %mul3A_442 : i32 to index
      %get3A_444 = tpu.vector_load %arg10[%get3A_443] {strides = array<i32>} : memref<4000xf32, #tpu.memory_space<vmem>>, vector<16xf32>,
      %bitcast3A_445 = vector.bitcast %get3A_444 : vector<16xf32> to vector<16xi32>
      %shift_right_logical3A_446 = arith.constant 1 : i32
      %shift_right_logical3A_447 = vector.broadcast %shift_right_logical3A_446 : i32 to vector<16xi32>
      %shift_right_logical3A_448 = arith.shrui %bitcast3A_445, %shift_right_logical3A_447 : vector<16xi32>
      %sub3A_449 = arith.constant 1597463007 : i32
      %sub3A_450 = vector.broadcast %sub3A_449 : i32 to vector<16xi32>
      %sub3A_451 = arith.subi %sub3A_450, %shift_right_logical3A_448 : vector<16xi32>
      %bitcast3A_452 = vector.bitcast %sub3A_451 : vector<16xi32> to vector<16xf32>
      %mul3A_453 = arith.constant 5.000000e-01 : f32
      %mul3A_454 = vector.broadcast %mul3A_453 : f32 to vector<16xf32>
      %mul3A_455 = arith.mulf %mul3A_454, %get3A_444 : vector<16xf32>
      %mul3A_456 = arith.mulf %mul3A_455, %bitcast3A_452 : vector<16xf32>
      %mul3A_457 = arith.mulf %mul3A_456, %bitcast3A_452 : vector<16xf32>
      %sub3A_458 = arith.constant 1.500000e+00 : f32
      %sub3A_459 = vector.broadcast %sub3A_458 : f32 to vector<16xf32>
      %sub3A_460 = arith.subf %sub3A_459, %mul3A_457 : vector<16xf32>
      %mul3A_461 = arith.mulf %bitcast3A_452, %sub3A_460 : vector<16xf32>
      %mul3A_462 = arith.constant 5.000000e-01 : f32
      %mul3A_463 = vector.broadcast %mul3A_462 : f32 to vector<16xf32>
      %mul3A_464 = arith.mulf %mul3A_463, %get3A_444 : vector<16xf32>
      %mul3A_465 = arith.mulf %mul3A_464, %mul3A_461 : vector<16xf32>
      %mul3A_466 = arith.mulf %mul3A_465, %mul3A_461 : vector<16xf32>
      %sub3A_467 = arith.constant 1.500000e+00 : f32
      %sub3A_468 = vector.broadcast %sub3A_467 : f32 to vector<16xf32>
      %sub3A_469 = arith.subf %sub3A_468, %mul3A_466 : vector<16xf32>
      %mul3A_470 = arith.mulf %mul3A_461, %sub3A_469 : vector<16xf32>
      %mul3A_471 = arith.constant 5.000000e-01 : f32
      %mul3A_472 = vector.broadcast %mul3A_471 : f32 to vector<16xf32>
      %mul3A_473 = arith.mulf %mul3A_472, %get3A_444 : vector<16xf32>
      %mul3A_474 = arith.mulf %mul3A_473, %mul3A_470 : vector<16xf32>
      %mul3A_475 = arith.mulf %mul3A_474, %mul3A_470 : vector<16xf32>
      %sub3A_476 = arith.constant 1.500000e+00 : f32
      %sub3A_477 = vector.broadcast %sub3A_476 : f32 to vector<16xf32>
      %sub3A_478 = arith.subf %sub3A_477, %mul3A_475 : vector<16xf32>
      %mul3A_479 = arith.mulf %mul3A_470, %sub3A_478 : vector<16xf32>
      %gt3A_480 = arith.constant 0.000000e+00 : f32
      %gt3A_481 = vector.broadcast %gt3A_480 : f32 to vector<16xf32>
      %gt3A_482 = arith.cmpf ogt, %get3A_444, %gt3A_481 : vector<16xf32>
      %jit3A_483 = arith.constant 0.000000e+00 : f32
      %broadcast_in_dim3A_484 = vector.broadcast %jit3A_483 : f32 to vector<16xf32>
      %select_n3A_485 = arith.select %gt3A_482, %mul3A_479, %broadcast_in_dim3A_484 : vector<16xi1>, vector<16xf32>
      %swap3A_486 = arith.index_cast %mul3A_442 : i32 to index
      %swap3A_487 = tpu.vector_load %arg10[%swap3A_486] {strides = array<i32>} : memref<4000xf32, #tpu.memory_space<vmem>>, vector<16xf32>,
      tpu.vector_store %arg10[%swap3A_486], %select_n3A_485 {strides = array<i32>} : memref<4000xf32, #tpu.memory_space<vmem>>, vector<16xf32>,
      %mul3A_488 = arith.constant 4 : i32
      %mul3A_489 = arith.muli %scan3A_392, %mul3A_488 : i32
      %add3A_490 = arith.constant 2 : i32
      %add3A_491 = arith.addi %mul3A_489, %add3A_490 : i32
      %mul3A_492 = arith.constant 16 : i32
      %mul3A_493 = arith.muli %add3A_491, %mul3A_492 : i32
      %get3A_494 = arith.index_cast %mul3A_493 : i32 to index
      %get3A_495 = tpu.vector_load %arg10[%get3A_494] {strides = array<i32>} : memref<4000xf32, #tpu.memory_space<vmem>>, vector<16xf32>,
      %bitcast3A_496 = vector.bitcast %get3A_495 : vector<16xf32> to vector<16xi32>
      %shift_right_logical3A_497 = arith.constant 1 : i32
      %shift_right_logical3A_498 = vector.broadcast %shift_right_logical3A_497 : i32 to vector<16xi32>
      %shift_right_logical3A_499 = arith.shrui %bitcast3A_496, %shift_right_logical3A_498 : vector<16xi32>
      %sub3A_500 = arith.constant 1597463007 : i32
      %sub3A_501 = vector.broadcast %sub3A_500 : i32 to vector<16xi32>
      %sub3A_502 = arith.subi %sub3A_501, %shift_right_logical3A_499 : vector<16xi32>
      %bitcast3A_503 = vector.bitcast %sub3A_502 : vector<16xi32> to vector<16xf32>
      %mul3A_504 = arith.constant 5.000000e-01 : f32
      %mul3A_505 = vector.broadcast %mul3A_504 : f32 to vector<16xf32>
      %mul3A_506 = arith.mulf %mul3A_505, %get3A_495 : vector<16xf32>
      %mul3A_507 = arith.mulf %mul3A_506, %bitcast3A_503 : vector<16xf32>
      %mul3A_508 = arith.mulf %mul3A_507, %bitcast3A_503 : vector<16xf32>
      %sub3A_509 = arith.constant 1.500000e+00 : f32
      %sub3A_510 = vector.broadcast %sub3A_509 : f32 to vector<16xf32>
      %sub3A_511 = arith.subf %sub3A_510, %mul3A_508 : vector<16xf32>
      %mul3A_512 = arith.mulf %bitcast3A_503, %sub3A_511 : vector<16xf32>
      %mul3A_513 = arith.constant 5.000000e-01 : f32
      %mul3A_514 = vector.broadcast %mul3A_513 : f32 to vector<16xf32>
      %mul3A_515 = arith.mulf %mul3A_514, %get3A_495 : vector<16xf32>
      %mul3A_516 = arith.mulf %mul3A_515, %mul3A_512 : vector<16xf32>
      %mul3A_517 = arith.mulf %mul3A_516, %mul3A_512 : vector<16xf32>
      %sub3A_518 = arith.constant 1.500000e+00 : f32
      %sub3A_519 = vector.broadcast %sub3A_518 : f32 to vector<16xf32>
      %sub3A_520 = arith.subf %sub3A_519, %mul3A_517 : vector<16xf32>
      %mul3A_521 = arith.mulf %mul3A_512, %sub3A_520 : vector<16xf32>
      %mul3A_522 = arith.constant 5.000000e-01 : f32
      %mul3A_523 = vector.broadcast %mul3A_522 : f32 to vector<16xf32>
      %mul3A_524 = arith.mulf %mul3A_523, %get3A_495 : vector<16xf32>
      %mul3A_525 = arith.mulf %mul3A_524, %mul3A_521 : vector<16xf32>
      %mul3A_526 = arith.mulf %mul3A_525, %mul3A_521 : vector<16xf32>
      %sub3A_527 = arith.constant 1.500000e+00 : f32
      %sub3A_528 = vector.broadcast %sub3A_527 : f32 to vector<16xf32>
      %sub3A_529 = arith.subf %sub3A_528, %mul3A_526 : vector<16xf32>
      %mul3A_530 = arith.mulf %mul3A_521, %sub3A_529 : vector<16xf32>
      %gt3A_531 = arith.constant 0.000000e+00 : f32
      %gt3A_532 = vector.broadcast %gt3A_531 : f32 to vector<16xf32>
      %gt3A_533 = arith.cmpf ogt, %get3A_495, %gt3A_532 : vector<16xf32>
      %jit3A_534 = arith.constant 0.000000e+00 : f32
      %broadcast_in_dim3A_535 = vector.broadcast %jit3A_534 : f32 to vector<16xf32>
      %select_n3A_536 = arith.select %gt3A_533, %mul3A_530, %broadcast_in_dim3A_535 : vector<16xi1>, vector<16xf32>
      %swap3A_537 = arith.index_cast %mul3A_493 : i32 to index
      %swap3A_538 = tpu.vector_load %arg10[%swap3A_537] {strides = array<i32>} : memref<4000xf32, #tpu.memory_space<vmem>>, vector<16xf32>,
      tpu.vector_store %arg10[%swap3A_537], %select_n3A_536 {strides = array<i32>} : memref<4000xf32, #tpu.memory_space<vmem>>, vector<16xf32>,
      %mul3A_539 = arith.constant 4 : i32
      %mul3A_540 = arith.muli %scan3A_392, %mul3A_539 : i32
      %add3A_541 = arith.constant 3 : i32
      %add3A_542 = arith.addi %mul3A_540, %add3A_541 : i32
      %mul3A_543 = arith.constant 16 : i32
      %mul3A_544 = arith.muli %add3A_542, %mul3A_543 : i32
      %get3A_545 = arith.index_cast %mul3A_544 : i32 to index
      %get3A_546 = tpu.vector_load %arg10[%get3A_545] {strides = array<i32>} : memref<4000xf32, #tpu.memory_space<vmem>>, vector<16xf32>,
      %bitcast3A_547 = vector.bitcast %get3A_546 : vector<16xf32> to vector<16xi32>
      %shift_right_logical3A_548 = arith.constant 1 : i32
      %shift_right_logical3A_549 = vector.broadcast %shift_right_logical3A_548 : i32 to vector<16xi32>
      %shift_right_logical3A_550 = arith.shrui %bitcast3A_547, %shift_right_logical3A_549 : vector<16xi32>
      %sub3A_551 = arith.constant 1597463007 : i32
      %sub3A_552 = vector.broadcast %sub3A_551 : i32 to vector<16xi32>
      %sub3A_553 = arith.subi %sub3A_552, %shift_right_logical3A_550 : vector<16xi32>
      %bitcast3A_554 = vector.bitcast %sub3A_553 : vector<16xi32> to vector<16xf32>
      %mul3A_555 = arith.constant 5.000000e-01 : f32
      %mul3A_556 = vector.broadcast %mul3A_555 : f32 to vector<16xf32>
      %mul3A_557 = arith.mulf %mul3A_556, %get3A_546 : vector<16xf32>
      %mul3A_558 = arith.mulf %mul3A_557, %bitcast3A_554 : vector<16xf32>
      %mul3A_559 = arith.mulf %mul3A_558, %bitcast3A_554 : vector<16xf32>
      %sub3A_560 = arith.constant 1.500000e+00 : f32
      %sub3A_561 = vector.broadcast %sub3A_560 : f32 to vector<16xf32>
      %sub3A_562 = arith.subf %sub3A_561, %mul3A_559 : vector<16xf32>
      %mul3A_563 = arith.mulf %bitcast3A_554, %sub3A_562 : vector<16xf32>
      %mul3A_564 = arith.constant 5.000000e-01 : f32
      %mul3A_565 = vector.broadcast %mul3A_564 : f32 to vector<16xf32>
      %mul3A_566 = arith.mulf %mul3A_565, %get3A_546 : vector<16xf32>
      %mul3A_567 = arith.mulf %mul3A_566, %mul3A_563 : vector<16xf32>
      %mul3A_568 = arith.mulf %mul3A_567, %mul3A_563 : vector<16xf32>
      %sub3A_569 = arith.constant 1.500000e+00 : f32
      %sub3A_570 = vector.broadcast %sub3A_569 : f32 to vector<16xf32>
      %sub3A_571 = arith.subf %sub3A_570, %mul3A_568 : vector<16xf32>
      %mul3A_572 = arith.mulf %mul3A_563, %sub3A_571 : vector<16xf32>
      %mul3A_573 = arith.constant 5.000000e-01 : f32
      %mul3A_574 = vector.broadcast %mul3A_573 : f32 to vector<16xf32>
      %mul3A_575 = arith.mulf %mul3A_574, %get3A_546 : vector<16xf32>
      %mul3A_576 = arith.mulf %mul3A_575, %mul3A_572 : vector<16xf32>
      %mul3A_577 = arith.mulf %mul3A_576, %mul3A_572 : vector<16xf32>
      %sub3A_578 = arith.constant 1.500000e+00 : f32
      %sub3A_579 = vector.broadcast %sub3A_578 : f32 to vector<16xf32>
      %sub3A_580 = arith.subf %sub3A_579, %mul3A_577 : vector<16xf32>
      %mul3A_581 = arith.mulf %mul3A_572, %sub3A_580 : vector<16xf32>
      %gt3A_582 = arith.constant 0.000000e+00 : f32
      %gt3A_583 = vector.broadcast %gt3A_582 : f32 to vector<16xf32>
      %gt3A_584 = arith.cmpf ogt, %get3A_546, %gt3A_583 : vector<16xf32>
      %jit3A_585 = arith.constant 0.000000e+00 : f32
      %broadcast_in_dim3A_586 = vector.broadcast %jit3A_585 : f32 to vector<16xf32>
      %select_n3A_587 = arith.select %gt3A_584, %mul3A_581, %broadcast_in_dim3A_586 : vector<16xi1>, vector<16xf32>
      %swap3A_588 = arith.index_cast %mul3A_544 : i32 to index
      %swap3A_589 = tpu.vector_load %arg10[%swap3A_588] {strides = array<i32>} : memref<4000xf32, #tpu.memory_space<vmem>>, vector<16xf32>,
      tpu.vector_store %arg10[%swap3A_588], %select_n3A_587 {strides = array<i32>} : memref<4000xf32, #tpu.memory_space<vmem>>, vector<16xf32>,
      %scan3A_590 = arith.constant 0 : i32
      scf.yield %scan3A_590 : i32
    }
    %scan3A_267 = arith.constant 50 : i32
    %mul3A_268 = arith.constant 50000 : i32
    %mul3A_269 = arith.muli %arg0, %mul3A_268 : i32
    "tpu.region"() ({
      %run_scoped3A = tpu.sem_alloc : memref<!tpu.dma_semaphore, #tpu.memory_space<semaphore_mem>>
      %dma_start3A_392 = arith.constant 0 : i32
      %dma_start3A_393 = tpu.memref_slice %arg7[%dma_start3A_392] : memref<51200xf32, #tpu.memory_space<vmem>> -> memref<50000xf32, #tpu.memory_space<vmem>>
      %dma_start3A_394 = tpu.memref_slice %arg2[%mul3A_269] : memref<100000xf32, #tpu.memory_space<hbm>> -> memref<50000xf32, #tpu.memory_space<hbm>>
      %dma_start3A_395 = arith.constant 0 : i32
      %dma_start3A_396 = tpu.memref_slice %arg7[%dma_start3A_395] : memref<51200xf32, #tpu.memory_space<vmem>> -> memref<50000xf32, #tpu.memory_space<vmem>>
      %dma_start3A_397 = tpu.memref_slice %arg2[%mul3A_269] : memref<100000xf32, #tpu.memory_space<hbm>> -> memref<50000xf32, #tpu.memory_space<hbm>>
      tpu.enqueue_dma source(%dma_start3A_397 : memref<50000xf32, #tpu.memory_space<hbm>>) target(%dma_start3A_396 : memref<50000xf32, #tpu.memory_space<vmem>>) target_semaphore(%run_scoped3A : memref<!tpu.dma_semaphore, #tpu.memory_space<semaphore_mem>>)
      %dma_wait3A_398 = arith.constant 0 : i32
      %dma_wait3A_399 = tpu.memref_slice %arg7[%dma_wait3A_398] : memref<51200xf32, #tpu.memory_space<vmem>> -> memref<50000xf32, #tpu.memory_space<vmem>>
      %dma_wait3A_400 = tpu.memref_slice %arg2[%mul3A_269] : memref<100000xf32, #tpu.memory_space<hbm>> -> memref<50000xf32, #tpu.memory_space<hbm>>
      %dma_wait3A_401 = arith.constant 0 : i32
      %dma_wait3A_402 = tpu.memref_slice %arg7[%dma_wait3A_401] : memref<51200xf32, #tpu.memory_space<vmem>> -> memref<50000xf32, #tpu.memory_space<vmem>>
      %dma_wait3A_403 = tpu.memref_slice %arg2[%mul3A_269] : memref<100000xf32, #tpu.memory_space<hbm>> -> memref<50000xf32, #tpu.memory_space<hbm>>
      tpu.wait_dma2 semaphore(%run_scoped3A : memref<!tpu.dma_semaphore, #tpu.memory_space<semaphore_mem>>) src(%dma_wait3A_403 : memref<50000xf32, #tpu.memory_space<hbm>>) dst(%dma_wait3A_402 : memref<50000xf32, #tpu.memory_space<vmem>>)
      tpu.yield
    }) : () -> ()
    %mul3A_270 = arith.constant 51200 : i32
    %mul3A_271 = arith.muli %arg0, %mul3A_270 : i32
    %mul3A_272 = arith.constant 3200 : i32
    %mul3A_273 = arith.muli %arg1, %mul3A_272 : i32
    %add3A_274 = arith.addi %mul3A_271, %mul3A_273 : i32
    "tpu.region"() ({
      %run_scoped3A = tpu.sem_alloc : memref<!tpu.dma_semaphore, #tpu.memory_space<semaphore_mem>>
      %dma_start3A_392 = arith.constant 0 : i32
      %dma_start3A_393 = tpu.memref_slice %arg8[%dma_start3A_392] : memref<4000xi32, #tpu.memory_space<vmem>> -> memref<3200xi32, #tpu.memory_space<vmem>>
      %dma_start3A_394 = tpu.memref_slice %arg3[%add3A_274] : memref<102400xi32, #tpu.memory_space<hbm>> -> memref<3200xi32, #tpu.memory_space<hbm>>
      %dma_start3A_395 = arith.constant 0 : i32
      %dma_start3A_396 = tpu.memref_slice %arg8[%dma_start3A_395] : memref<4000xi32, #tpu.memory_space<vmem>> -> memref<3200xi32, #tpu.memory_space<vmem>>
      %dma_start3A_397 = tpu.memref_slice %arg3[%add3A_274] : memref<102400xi32, #tpu.memory_space<hbm>> -> memref<3200xi32, #tpu.memory_space<hbm>>
      tpu.enqueue_dma source(%dma_start3A_397 : memref<3200xi32, #tpu.memory_space<hbm>>) target(%dma_start3A_396 : memref<3200xi32, #tpu.memory_space<vmem>>) target_semaphore(%run_scoped3A : memref<!tpu.dma_semaphore, #tpu.memory_space<semaphore_mem>>)
      %dma_wait3A_398 = arith.constant 0 : i32
      %dma_wait3A_399 = tpu.memref_slice %arg8[%dma_wait3A_398] : memref<4000xi32, #tpu.memory_space<vmem>> -> memref<3200xi32, #tpu.memory_space<vmem>>
      %dma_wait3A_400 = tpu.memref_slice %arg3[%add3A_274] : memref<102400xi32, #tpu.memory_space<hbm>> -> memref<3200xi32, #tpu.memory_space<hbm>>
      %dma_wait3A_401 = arith.constant 0 : i32
      %dma_wait3A_402 = tpu.memref_slice %arg8[%dma_wait3A_401] : memref<4000xi32, #tpu.memory_space<vmem>> -> memref<3200xi32, #tpu.memory_space<vmem>>
      %dma_wait3A_403 = tpu.memref_slice %arg3[%add3A_274] : memref<102400xi32, #tpu.memory_space<hbm>> -> memref<3200xi32, #tpu.memory_space<hbm>>
      tpu.wait_dma2 semaphore(%run_scoped3A : memref<!tpu.dma_semaphore, #tpu.memory_space<semaphore_mem>>) src(%dma_wait3A_403 : memref<3200xi32, #tpu.memory_space<hbm>>) dst(%dma_wait3A_402 : memref<3200xi32, #tpu.memory_space<vmem>>)
      tpu.yield
    }) : () -> ()
    %scan3A_275 = arith.constant 0 : i32
    %scan3A_276 = arith.constant 0 : i32
    %scan3A_277 = arith.constant 40 : i32
    %scan3A_278 = arith.addi %scan3A_276, %scan3A_277 : i32
    %scan3A_279 = arith.constant 1 : i32
    %scan3A_280 = scf.for %scan3A_392 = %scan3A_276 to %scan3A_278 step %scan3A_279 iter_args(%scan3A_393 = %scan3A_275) -> (i32)  : i32 {
      %mul3A_394 = arith.constant 5 : i32
      %mul3A_395 = arith.muli %scan3A_392, %mul3A_394 : i32
      %add3A_396 = arith.constant 0 : i32
      %add3A_397 = arith.addi %mul3A_395, %add3A_396 : i32
      %mul3A_398 = arith.constant 16 : i32
      %mul3A_399 = arith.muli %add3A_397, %mul3A_398 : i32
      %get3A = arith.index_cast %mul3A_399 : i32 to index
      %get3A_400 = tpu.vector_load %arg10[%get3A] {strides = array<i32>} : memref<4000xf32, #tpu.memory_space<vmem>>, vector<16xf32>,
      %get3A_401 = arith.index_cast %mul3A_399 : i32 to index
      %get3A_402 = tpu.vector_load %arg8[%get3A_401] {strides = array<i32>} : memref<4000xi32, #tpu.memory_space<vmem>>, vector<16xi32>,
      %gather3A = tpu.vector_load_idx %arg7[%get3A_402] : memref<51200xf32, #tpu.memory_space<vmem>>[vector<16xi32>], vector<16xf32>,
      %mul3A_403 = arith.mulf %get3A_400, %gather3A : vector<16xf32>
      %swap3A = arith.index_cast %mul3A_399 : i32 to index
      %swap3A_404 = tpu.vector_load %arg11[%swap3A] {strides = array<i32>} : memref<3200xf32, #tpu.memory_space<vmem>>, vector<16xf32>,
      tpu.vector_store %arg11[%swap3A], %mul3A_403 {strides = array<i32>} : memref<3200xf32, #tpu.memory_space<vmem>>, vector<16xf32>,
      %mul3A_405 = arith.constant 5 : i32
      %mul3A_406 = arith.muli %scan3A_392, %mul3A_405 : i32
      %add3A_407 = arith.constant 1 : i32
      %add3A_408 = arith.addi %mul3A_406, %add3A_407 : i32
      %mul3A_409 = arith.constant 16 : i32
      %mul3A_410 = arith.muli %add3A_408, %mul3A_409 : i32
      %get3A_411 = arith.index_cast %mul3A_410 : i32 to index
      %get3A_412 = tpu.vector_load %arg10[%get3A_411] {strides = array<i32>} : memref<4000xf32, #tpu.memory_space<vmem>>, vector<16xf32>,
      %get3A_413 = arith.index_cast %mul3A_410 : i32 to index
      %get3A_414 = tpu.vector_load %arg8[%get3A_413] {strides = array<i32>} : memref<4000xi32, #tpu.memory_space<vmem>>, vector<16xi32>,
      %gather3A_415 = tpu.vector_load_idx %arg7[%get3A_414] : memref<51200xf32, #tpu.memory_space<vmem>>[vector<16xi32>], vector<16xf32>,
      %mul3A_416 = arith.mulf %get3A_412, %gather3A_415 : vector<16xf32>
      %swap3A_417 = arith.index_cast %mul3A_410 : i32 to index
      %swap3A_418 = tpu.vector_load %arg11[%swap3A_417] {strides = array<i32>} : memref<3200xf32, #tpu.memory_space<vmem>>, vector<16xf32>,
      tpu.vector_store %arg11[%swap3A_417], %mul3A_416 {strides = array<i32>} : memref<3200xf32, #tpu.memory_space<vmem>>, vector<16xf32>,
      %mul3A_419 = arith.constant 5 : i32
      %mul3A_420 = arith.muli %scan3A_392, %mul3A_419 : i32
      %add3A_421 = arith.constant 2 : i32
      %add3A_422 = arith.addi %mul3A_420, %add3A_421 : i32
      %mul3A_423 = arith.constant 16 : i32
      %mul3A_424 = arith.muli %add3A_422, %mul3A_423 : i32
      %get3A_425 = arith.index_cast %mul3A_424 : i32 to index
      %get3A_426 = tpu.vector_load %arg10[%get3A_425] {strides = array<i32>} : memref<4000xf32, #tpu.memory_space<vmem>>, vector<16xf32>,
      %get3A_427 = arith.index_cast %mul3A_424 : i32 to index
      %get3A_428 = tpu.vector_load %arg8[%get3A_427] {strides = array<i32>} : memref<4000xi32, #tpu.memory_space<vmem>>, vector<16xi32>,
      %gather3A_429 = tpu.vector_load_idx %arg7[%get3A_428] : memref<51200xf32, #tpu.memory_space<vmem>>[vector<16xi32>], vector<16xf32>,
      %mul3A_430 = arith.mulf %get3A_426, %gather3A_429 : vector<16xf32>
      %swap3A_431 = arith.index_cast %mul3A_424 : i32 to index
      %swap3A_432 = tpu.vector_load %arg11[%swap3A_431] {strides = array<i32>} : memref<3200xf32, #tpu.memory_space<vmem>>, vector<16xf32>,
      tpu.vector_store %arg11[%swap3A_431], %mul3A_430 {strides = array<i32>} : memref<3200xf32, #tpu.memory_space<vmem>>, vector<16xf32>,
      %mul3A_433 = arith.constant 5 : i32
      %mul3A_434 = arith.muli %scan3A_392, %mul3A_433 : i32
      %add3A_435 = arith.constant 3 : i32
      %add3A_436 = arith.addi %mul3A_434, %add3A_435 : i32
      %mul3A_437 = arith.constant 16 : i32
      %mul3A_438 = arith.muli %add3A_436, %mul3A_437 : i32
      %get3A_439 = arith.index_cast %mul3A_438 : i32 to index
      %get3A_440 = tpu.vector_load %arg10[%get3A_439] {strides = array<i32>} : memref<4000xf32, #tpu.memory_space<vmem>>, vector<16xf32>,
      %get3A_441 = arith.index_cast %mul3A_438 : i32 to index
      %get3A_442 = tpu.vector_load %arg8[%get3A_441] {strides = array<i32>} : memref<4000xi32, #tpu.memory_space<vmem>>, vector<16xi32>,
      %gather3A_443 = tpu.vector_load_idx %arg7[%get3A_442] : memref<51200xf32, #tpu.memory_space<vmem>>[vector<16xi32>], vector<16xf32>,
      %mul3A_444 = arith.mulf %get3A_440, %gather3A_443 : vector<16xf32>
      %swap3A_445 = arith.index_cast %mul3A_438 : i32 to index
      %swap3A_446 = tpu.vector_load %arg11[%swap3A_445] {strides = array<i32>} : memref<3200xf32, #tpu.memory_space<vmem>>, vector<16xf32>,
      tpu.vector_store %arg11[%swap3A_445], %mul3A_444 {strides = array<i32>} : memref<3200xf32, #tpu.memory_space<vmem>>, vector<16xf32>,
      %mul3A_447 = arith.constant 5 : i32
      %mul3A_448 = arith.muli %scan3A_392, %mul3A_447 : i32
      %add3A_449 = arith.constant 4 : i32
      %add3A_450 = arith.addi %mul3A_448, %add3A_449 : i32
      %mul3A_451 = arith.constant 16 : i32
      %mul3A_452 = arith.muli %add3A_450, %mul3A_451 : i32
      %get3A_453 = arith.index_cast %mul3A_452 : i32 to index
      %get3A_454 = tpu.vector_load %arg10[%get3A_453] {strides = array<i32>} : memref<4000xf32, #tpu.memory_space<vmem>>, vector<16xf32>,
      %get3A_455 = arith.index_cast %mul3A_452 : i32 to index
      %get3A_456 = tpu.vector_load %arg8[%get3A_455] {strides = array<i32>} : memref<4000xi32, #tpu.memory_space<vmem>>, vector<16xi32>,
      %gather3A_457 = tpu.vector_load_idx %arg7[%get3A_456] : memref<51200xf32, #tpu.memory_space<vmem>>[vector<16xi32>], vector<16xf32>,
      %mul3A_458 = arith.mulf %get3A_454, %gather3A_457 : vector<16xf32>
      %swap3A_459 = arith.index_cast %mul3A_452 : i32 to index
      %swap3A_460 = tpu.vector_load %arg11[%swap3A_459] {strides = array<i32>} : memref<3200xf32, #tpu.memory_space<vmem>>, vector<16xf32>,
      tpu.vector_store %arg11[%swap3A_459], %mul3A_458 {strides = array<i32>} : memref<3200xf32, #tpu.memory_space<vmem>>, vector<16xf32>,
      %scan3A_461 = arith.constant 0 : i32
      scf.yield %scan3A_461 : i32
    }
    %scan3A_281 = arith.constant 40 : i32
    %mul3A_282 = arith.constant 3200 : i32
    %mul3A_283 = arith.muli %arg1, %mul3A_282 : i32
    "tpu.region"() ({
      %run_scoped3A = tpu.sem_alloc : memref<!tpu.dma_semaphore, #tpu.memory_space<semaphore_mem>>
      %dma_start3A_392 = arith.constant 0 : i32
      %dma_start3A_393 = tpu.memref_slice %arg10[%dma_start3A_392] : memref<4000xf32, #tpu.memory_space<vmem>> -> memref<3200xf32, #tpu.memory_space<vmem>>
      %dma_start3A_394 = tpu.memref_slice %arg12[%mul3A_283] : memref<204800xf32, #tpu.memory_space<vmem_shared>> -> memref<3200xf32, #tpu.memory_space<vmem_shared>>
      %dma_start3A_395 = tpu.memref_slice %arg12[%mul3A_283] : memref<204800xf32, #tpu.memory_space<vmem_shared>> -> memref<3200xf32, #tpu.memory_space<vmem_shared>>
      %dma_start3A_396 = arith.constant 0 : i32
      %dma_start3A_397 = tpu.memref_slice %arg10[%dma_start3A_396] : memref<4000xf32, #tpu.memory_space<vmem>> -> memref<3200xf32, #tpu.memory_space<vmem>>
      tpu.enqueue_dma source(%dma_start3A_397 : memref<3200xf32, #tpu.memory_space<vmem>>) target(%dma_start3A_395 : memref<3200xf32, #tpu.memory_space<vmem_shared>>) target_semaphore(%run_scoped3A : memref<!tpu.dma_semaphore, #tpu.memory_space<semaphore_mem>>)
      %dma_wait3A_398 = arith.constant 0 : i32
      %dma_wait3A_399 = tpu.memref_slice %arg10[%dma_wait3A_398] : memref<4000xf32, #tpu.memory_space<vmem>> -> memref<3200xf32, #tpu.memory_space<vmem>>
      %dma_wait3A_400 = tpu.memref_slice %arg12[%mul3A_283] : memref<204800xf32, #tpu.memory_space<vmem_shared>> -> memref<3200xf32, #tpu.memory_space<vmem_shared>>
      %dma_wait3A_401 = tpu.memref_slice %arg12[%mul3A_283] : memref<204800xf32, #tpu.memory_space<vmem_shared>> -> memref<3200xf32, #tpu.memory_space<vmem_shared>>
      %dma_wait3A_402 = arith.constant 0 : i32
      %dma_wait3A_403 = tpu.memref_slice %arg10[%dma_wait3A_402] : memref<4000xf32, #tpu.memory_space<vmem>> -> memref<3200xf32, #tpu.memory_space<vmem>>
      tpu.wait_dma2 semaphore(%run_scoped3A : memref<!tpu.dma_semaphore, #tpu.memory_space<semaphore_mem>>) src(%dma_wait3A_403 : memref<3200xf32, #tpu.memory_space<vmem>>) dst(%dma_wait3A_401 : memref<3200xf32, #tpu.memory_space<vmem_shared>>)
      tpu.yield
    }) : () -> ()
    %mul3A_284 = arith.constant 3200 : i32
    %mul3A_285 = arith.muli %arg1, %mul3A_284 : i32
    %add3A_286 = arith.constant 51200 : i32
    %add3A_287 = arith.addi %add3A_286, %mul3A_285 : i32
    "tpu.region"() ({
      %run_scoped3A = tpu.sem_alloc : memref<!tpu.dma_semaphore, #tpu.memory_space<semaphore_mem>>
      %dma_start3A_392 = tpu.memref_slice %arg12[%add3A_287] : memref<204800xf32, #tpu.memory_space<vmem_shared>> -> memref<3200xf32, #tpu.memory_space<vmem_shared>>
      %dma_start3A_393 = tpu.memref_slice %arg12[%add3A_287] : memref<204800xf32, #tpu.memory_space<vmem_shared>> -> memref<3200xf32, #tpu.memory_space<vmem_shared>>
      tpu.enqueue_dma source(%arg11 : memref<3200xf32, #tpu.memory_space<vmem>>) target(%dma_start3A_393 : memref<3200xf32, #tpu.memory_space<vmem_shared>>) target_semaphore(%run_scoped3A : memref<!tpu.dma_semaphore, #tpu.memory_space<semaphore_mem>>)
      %dma_wait3A_394 = tpu.memref_slice %arg12[%add3A_287] : memref<204800xf32, #tpu.memory_space<vmem_shared>> -> memref<3200xf32, #tpu.memory_space<vmem_shared>>
      %dma_wait3A_395 = tpu.memref_slice %arg12[%add3A_287] : memref<204800xf32, #tpu.memory_space<vmem_shared>> -> memref<3200xf32, #tpu.memory_space<vmem_shared>>
      tpu.wait_dma2 semaphore(%run_scoped3A : memref<!tpu.dma_semaphore, #tpu.memory_space<semaphore_mem>>) src(%arg11 : memref<3200xf32, #tpu.memory_space<vmem>>) dst(%dma_wait3A_395 : memref<3200xf32, #tpu.memory_space<vmem_shared>>)
      tpu.yield
    }) : () -> ()
    %barrier3A_288 = arith.constant 0 : index
    tpu.barrier barrier_id(%barrier3A_288)
    "tpu.region"() ({
      %run_scoped3A = tpu.sem_alloc : memref<!tpu.dma_semaphore, #tpu.memory_space<semaphore_mem>>
      %dma_start3A_392 = arith.constant 0 : i32
      %dma_start3A_393 = tpu.memref_slice %arg12[%dma_start3A_392] : memref<204800xf32, #tpu.memory_space<vmem_shared>> -> memref<51200xf32, #tpu.memory_space<vmem_shared>>
      %dma_start3A_394 = arith.constant 0 : i32
      %dma_start3A_395 = tpu.memref_slice %arg12[%dma_start3A_394] : memref<204800xf32, #tpu.memory_space<vmem_shared>> -> memref<51200xf32, #tpu.memory_space<vmem_shared>>
      tpu.enqueue_dma source(%dma_start3A_395 : memref<51200xf32, #tpu.memory_space<vmem_shared>>) target(%arg6 : memref<51200xf32, #tpu.memory_space<vmem>>) target_semaphore(%run_scoped3A : memref<!tpu.dma_semaphore, #tpu.memory_space<semaphore_mem>>)
      %dma_wait3A_396 = arith.constant 0 : i32
      %dma_wait3A_397 = tpu.memref_slice %arg12[%dma_wait3A_396] : memref<204800xf32, #tpu.memory_space<vmem_shared>> -> memref<51200xf32, #tpu.memory_space<vmem_shared>>
      %dma_wait3A_398 = arith.constant 0 : i32
      %dma_wait3A_399 = tpu.memref_slice %arg12[%dma_wait3A_398] : memref<204800xf32, #tpu.memory_space<vmem_shared>> -> memref<51200xf32, #tpu.memory_space<vmem_shared>>
      tpu.wait_dma2 semaphore(%run_scoped3A : memref<!tpu.dma_semaphore, #tpu.memory_space<semaphore_mem>>) src(%dma_wait3A_399 : memref<51200xf32, #tpu.memory_space<vmem_shared>>) dst(%arg6 : memref<51200xf32, #tpu.memory_space<vmem>>)
      tpu.yield
    }) : () -> ()
    "tpu.region"() ({
      %run_scoped3A = tpu.sem_alloc : memref<!tpu.dma_semaphore, #tpu.memory_space<semaphore_mem>>
      %dma_start3A_392 = arith.constant 51200 : i32
      %dma_start3A_393 = tpu.memref_slice %arg12[%dma_start3A_392] : memref<204800xf32, #tpu.memory_space<vmem_shared>> -> memref<51200xf32, #tpu.memory_space<vmem_shared>>
      %dma_start3A_394 = arith.constant 51200 : i32
      %dma_start3A_395 = tpu.memref_slice %arg12[%dma_start3A_394] : memref<204800xf32, #tpu.memory_space<vmem_shared>> -> memref<51200xf32, #tpu.memory_space<vmem_shared>>
      tpu.enqueue_dma source(%dma_start3A_395 : memref<51200xf32, #tpu.memory_space<vmem_shared>>) target(%arg7 : memref<51200xf32, #tpu.memory_space<vmem>>) target_semaphore(%run_scoped3A : memref<!tpu.dma_semaphore, #tpu.memory_space<semaphore_mem>>)
      %dma_wait3A_396 = arith.constant 51200 : i32
      %dma_wait3A_397 = tpu.memref_slice %arg12[%dma_wait3A_396] : memref<204800xf32, #tpu.memory_space<vmem_shared>> -> memref<51200xf32, #tpu.memory_space<vmem_shared>>
      %dma_wait3A_398 = arith.constant 51200 : i32
      %dma_wait3A_399 = tpu.memref_slice %arg12[%dma_wait3A_398] : memref<204800xf32, #tpu.memory_space<vmem_shared>> -> memref<51200xf32, #tpu.memory_space<vmem_shared>>
      tpu.wait_dma2 semaphore(%run_scoped3A : memref<!tpu.dma_semaphore, #tpu.memory_space<semaphore_mem>>) src(%dma_wait3A_399 : memref<51200xf32, #tpu.memory_space<vmem_shared>>) dst(%arg7 : memref<51200xf32, #tpu.memory_space<vmem>>)
      tpu.yield
    }) : () -> ()
    %mul3A_289 = arith.constant 800000 : i32
    %mul3A_290 = arith.muli %arg0, %mul3A_289 : i32
    %add3A_291 = arith.addi %mul3A_290, %mul3A_0 : i32
    %add3A_292 = arith.constant 0 : i32
    %add3A_293 = arith.addi %mul3A_0, %add3A_292 : i32
    %dma_start3A_294 = arith.constant 0 : i32
    %dma_start3A_295 = tpu.memref_slice %arg8[%dma_start3A_294] : memref<4000xi32, #tpu.memory_space<vmem>> -> memref<2000xi32, #tpu.memory_space<vmem>>
    %dma_start3A_296 = tpu.memref_slice %arg4[%add3A_293] : memref<1600000xi32, #tpu.memory_space<hbm>> -> memref<2000xi32, #tpu.memory_space<hbm>>
    %dma_start3A_297 = arith.constant 0 : i32
    %dma_start3A_298 = tpu.memref_slice %arg8[%dma_start3A_297] : memref<4000xi32, #tpu.memory_space<vmem>> -> memref<2000xi32, #tpu.memory_space<vmem>>
    %dma_start3A_299 = tpu.memref_slice %arg4[%add3A_293] : memref<1600000xi32, #tpu.memory_space<hbm>> -> memref<2000xi32, #tpu.memory_space<hbm>>
    tpu.enqueue_dma source(%dma_start3A_299 : memref<2000xi32, #tpu.memory_space<hbm>>) target(%dma_start3A_298 : memref<2000xi32, #tpu.memory_space<vmem>>) target_semaphore(%arg13 : memref<!tpu.dma_semaphore, #tpu.memory_space<semaphore_mem>>)
    %add3A_300 = arith.constant 800000 : i32
    %add3A_301 = arith.addi %add3A_300, %mul3A_0 : i32
    %add3A_302 = arith.constant 0 : i32
    %add3A_303 = arith.addi %add3A_301, %add3A_302 : i32
    %dma_start3A_304 = arith.constant 0 : i32
    %dma_start3A_305 = tpu.memref_slice %arg9[%dma_start3A_304] : memref<4000xi32, #tpu.memory_space<vmem>> -> memref<2000xi32, #tpu.memory_space<vmem>>
    %dma_start3A_306 = tpu.memref_slice %arg4[%add3A_303] : memref<1600000xi32, #tpu.memory_space<hbm>> -> memref<2000xi32, #tpu.memory_space<hbm>>
    %dma_start3A_307 = arith.constant 0 : i32
    %dma_start3A_308 = tpu.memref_slice %arg9[%dma_start3A_307] : memref<4000xi32, #tpu.memory_space<vmem>> -> memref<2000xi32, #tpu.memory_space<vmem>>
    %dma_start3A_309 = tpu.memref_slice %arg4[%add3A_303] : memref<1600000xi32, #tpu.memory_space<hbm>> -> memref<2000xi32, #tpu.memory_space<hbm>>
    tpu.enqueue_dma source(%dma_start3A_309 : memref<2000xi32, #tpu.memory_space<hbm>>) target(%dma_start3A_308 : memref<2000xi32, #tpu.memory_space<vmem>>) target_semaphore(%arg13 : memref<!tpu.dma_semaphore, #tpu.memory_space<semaphore_mem>>)
    %add3A_310 = arith.constant 2000 : i32
    %add3A_311 = arith.addi %mul3A_0, %add3A_310 : i32
    %dma_start3A_312 = arith.constant 2000 : i32
    %dma_start3A_313 = tpu.memref_slice %arg8[%dma_start3A_312] : memref<4000xi32, #tpu.memory_space<vmem>> -> memref<2000xi32, #tpu.memory_space<vmem>>
    %dma_start3A_314 = tpu.memref_slice %arg4[%add3A_311] : memref<1600000xi32, #tpu.memory_space<hbm>> -> memref<2000xi32, #tpu.memory_space<hbm>>
    %dma_start3A_315 = arith.constant 2000 : i32
    %dma_start3A_316 = tpu.memref_slice %arg8[%dma_start3A_315] : memref<4000xi32, #tpu.memory_space<vmem>> -> memref<2000xi32, #tpu.memory_space<vmem>>
    %dma_start3A_317 = tpu.memref_slice %arg4[%add3A_311] : memref<1600000xi32, #tpu.memory_space<hbm>> -> memref<2000xi32, #tpu.memory_space<hbm>>
    tpu.enqueue_dma source(%dma_start3A_317 : memref<2000xi32, #tpu.memory_space<hbm>>) target(%dma_start3A_316 : memref<2000xi32, #tpu.memory_space<vmem>>) target_semaphore(%arg14 : memref<!tpu.dma_semaphore, #tpu.memory_space<semaphore_mem>>)
    %add3A_318 = arith.constant 800000 : i32
    %add3A_319 = arith.addi %add3A_318, %mul3A_0 : i32
    %add3A_320 = arith.constant 2000 : i32
    %add3A_321 = arith.addi %add3A_319, %add3A_320 : i32
    %dma_start3A_322 = arith.constant 2000 : i32
    %dma_start3A_323 = tpu.memref_slice %arg9[%dma_start3A_322] : memref<4000xi32, #tpu.memory_space<vmem>> -> memref<2000xi32, #tpu.memory_space<vmem>>
    %dma_start3A_324 = tpu.memref_slice %arg4[%add3A_321] : memref<1600000xi32, #tpu.memory_space<hbm>> -> memref<2000xi32, #tpu.memory_space<hbm>>
    %dma_start3A_325 = arith.constant 2000 : i32
    %dma_start3A_326 = tpu.memref_slice %arg9[%dma_start3A_325] : memref<4000xi32, #tpu.memory_space<vmem>> -> memref<2000xi32, #tpu.memory_space<vmem>>
    %dma_start3A_327 = tpu.memref_slice %arg4[%add3A_321] : memref<1600000xi32, #tpu.memory_space<hbm>> -> memref<2000xi32, #tpu.memory_space<hbm>>
    tpu.enqueue_dma source(%dma_start3A_327 : memref<2000xi32, #tpu.memory_space<hbm>>) target(%dma_start3A_326 : memref<2000xi32, #tpu.memory_space<vmem>>) target_semaphore(%arg14 : memref<!tpu.dma_semaphore, #tpu.memory_space<semaphore_mem>>)
    %scan3A_328 = arith.constant 0 : i32
    %scan3A_329 = arith.constant 0 : i32
    %scan3A_330 = arith.constant 12 : i32
    %scan3A_331 = arith.addi %scan3A_329, %scan3A_330 : i32
    %scan3A_332 = arith.constant 1 : i32
    %scan3A_333 = scf.for %scan3A_392 = %scan3A_329 to %scan3A_331 step %scan3A_332 iter_args(%scan3A_393 = %scan3A_328) -> (i32)  : i32 {
      %mul3A_394 = arith.constant 2 : i32
      %mul3A_395 = arith.muli %scan3A_392, %mul3A_394 : i32
      %gt3A = arith.constant 0 : i32
      %gt3A_396 = arith.cmpi sgt, %scan3A_392, %gt3A : i32
      %convert_element_type3A_397 = arith.extui %gt3A_396 : i1 to i32
      %cond3A_398 = arith.constant 0 : i32
      %cond3A_399 = arith.cmpi ne, %convert_element_type3A_397, %cond3A_398 : i32
      scf.if %cond3A_399 {
        %sub3A = arith.constant 2 : i32
        %sub3A_496 = arith.subi %mul3A_395, %sub3A : i32
        %mul3A_497 = arith.constant 2000 : i32
        %mul3A_498 = arith.muli %sub3A_496, %mul3A_497 : i32
        %add3A_499 = arith.addi %add3A_291, %mul3A_498 : i32
        %dma_wait3A_500 = arith.constant 0 : i32
        %dma_wait3A_501 = tpu.memref_slice %arg10[%dma_wait3A_500] : memref<4000xf32, #tpu.memory_space<vmem>> -> memref<2000xf32, #tpu.memory_space<vmem>>
        %dma_wait3A_502 = tpu.memref_slice %arg5[%add3A_499] : memref<1600000xf32, #tpu.memory_space<hbm>> -> memref<2000xf32, #tpu.memory_space<hbm>>
        %dma_wait3A_503 = tpu.memref_slice %arg5[%add3A_499] : memref<1600000xf32, #tpu.memory_space<hbm>> -> memref<2000xf32, #tpu.memory_space<hbm>>
        %dma_wait3A_504 = arith.constant 0 : i32
        %dma_wait3A_505 = tpu.memref_slice %arg10[%dma_wait3A_504] : memref<4000xf32, #tpu.memory_space<vmem>> -> memref<2000xf32, #tpu.memory_space<vmem>>
        tpu.wait_dma2 semaphore(%arg15 : memref<!tpu.dma_semaphore, #tpu.memory_space<semaphore_mem>>) src(%dma_wait3A_505 : memref<2000xf32, #tpu.memory_space<vmem>>) dst(%dma_wait3A_503 : memref<2000xf32, #tpu.memory_space<hbm>>)
      } else {
      }
      %mul3A_400 = arith.constant 2000 : i32
      %mul3A_401 = arith.muli %mul3A_395, %mul3A_400 : i32
      %add3A_402 = arith.addi %mul3A_0, %mul3A_401 : i32
      %dma_wait3A_403 = arith.constant 0 : i32
      %dma_wait3A_404 = tpu.memref_slice %arg8[%dma_wait3A_403] : memref<4000xi32, #tpu.memory_space<vmem>> -> memref<2000xi32, #tpu.memory_space<vmem>>
      %dma_wait3A_405 = tpu.memref_slice %arg4[%add3A_402] : memref<1600000xi32, #tpu.memory_space<hbm>> -> memref<2000xi32, #tpu.memory_space<hbm>>
      %dma_wait3A_406 = arith.constant 0 : i32
      %dma_wait3A_407 = tpu.memref_slice %arg8[%dma_wait3A_406] : memref<4000xi32, #tpu.memory_space<vmem>> -> memref<2000xi32, #tpu.memory_space<vmem>>
      %dma_wait3A_408 = tpu.memref_slice %arg4[%add3A_402] : memref<1600000xi32, #tpu.memory_space<hbm>> -> memref<2000xi32, #tpu.memory_space<hbm>>
      tpu.wait_dma2 semaphore(%arg13 : memref<!tpu.dma_semaphore, #tpu.memory_space<semaphore_mem>>) src(%dma_wait3A_408 : memref<2000xi32, #tpu.memory_space<hbm>>) dst(%dma_wait3A_407 : memref<2000xi32, #tpu.memory_space<vmem>>)
      %add3A_409 = arith.constant 800000 : i32
      %add3A_410 = arith.addi %add3A_409, %mul3A_0 : i32
      %mul3A_411 = arith.constant 2000 : i32
      %mul3A_412 = arith.muli %mul3A_395, %mul3A_411 : i32
      %add3A_413 = arith.addi %add3A_410, %mul3A_412 : i32
      %dma_wait3A_414 = arith.constant 0 : i32
      %dma_wait3A_415 = tpu.memref_slice %arg9[%dma_wait3A_414] : memref<4000xi32, #tpu.memory_space<vmem>> -> memref<2000xi32, #tpu.memory_space<vmem>>
      %dma_wait3A_416 = tpu.memref_slice %arg4[%add3A_413] : memref<1600000xi32, #tpu.memory_space<hbm>> -> memref<2000xi32, #tpu.memory_space<hbm>>
      %dma_wait3A_417 = arith.constant 0 : i32
      %dma_wait3A_418 = tpu.memref_slice %arg9[%dma_wait3A_417] : memref<4000xi32, #tpu.memory_space<vmem>> -> memref<2000xi32, #tpu.memory_space<vmem>>
      %dma_wait3A_419 = tpu.memref_slice %arg4[%add3A_413] : memref<1600000xi32, #tpu.memory_space<hbm>> -> memref<2000xi32, #tpu.memory_space<hbm>>
      tpu.wait_dma2 semaphore(%arg13 : memref<!tpu.dma_semaphore, #tpu.memory_space<semaphore_mem>>) src(%dma_wait3A_419 : memref<2000xi32, #tpu.memory_space<hbm>>) dst(%dma_wait3A_418 : memref<2000xi32, #tpu.memory_space<vmem>>)
      %scan3A_420 = arith.constant 0 : i32
      %scan3A_421 = arith.constant 0 : i32
      %scan3A_422 = arith.constant 25 : i32
      %scan3A_423 = arith.addi %scan3A_421, %scan3A_422 : i32
      %scan3A_424 = arith.constant 1 : i32
      %scan3A_425 = scf.for %scan3A_496 = %scan3A_421 to %scan3A_423 step %scan3A_424 iter_args(%scan3A_497 = %scan3A_420) -> (i32)  : i32 {
        %mul3A_498 = arith.constant 5 : i32
        %mul3A_499 = arith.muli %scan3A_496, %mul3A_498 : i32
        %add3A_500 = arith.constant 0 : i32
        %add3A_501 = arith.addi %mul3A_499, %add3A_500 : i32
        %mul3A_502 = arith.constant 16 : i32
        %mul3A_503 = arith.muli %add3A_501, %mul3A_502 : i32
        %add3A_504 = arith.constant 0 : i32
        %add3A_505 = arith.addi %add3A_504, %mul3A_503 : i32
        %get3A = arith.index_cast %add3A_505 : i32 to index
        %get3A_506 = tpu.vector_load %arg8[%get3A] {strides = array<i32>} : memref<4000xi32, #tpu.memory_space<vmem>>, vector<16xi32>,
        %gather3A = tpu.vector_load_idx %arg7[%get3A_506] : memref<51200xf32, #tpu.memory_space<vmem>>[vector<16xi32>], vector<16xf32>,
        %get3A_507 = arith.index_cast %add3A_505 : i32 to index
        %get3A_508 = tpu.vector_load %arg9[%get3A_507] {strides = array<i32>} : memref<4000xi32, #tpu.memory_space<vmem>>, vector<16xi32>,
        %gather3A_509 = tpu.vector_load_idx %arg6[%get3A_508] : memref<51200xf32, #tpu.memory_space<vmem>>[vector<16xi32>], vector<16xf32>,
        %mul3A_510 = arith.mulf %gather3A, %gather3A_509 : vector<16xf32>
        %swap3A = arith.index_cast %add3A_505 : i32 to index
        %swap3A_511 = tpu.vector_load %arg10[%swap3A] {strides = array<i32>} : memref<4000xf32, #tpu.memory_space<vmem>>, vector<16xf32>,
        tpu.vector_store %arg10[%swap3A], %mul3A_510 {strides = array<i32>} : memref<4000xf32, #tpu.memory_space<vmem>>, vector<16xf32>,
        %mul3A_512 = arith.constant 5 : i32
        %mul3A_513 = arith.muli %scan3A_496, %mul3A_512 : i32
        %add3A_514 = arith.constant 1 : i32
        %add3A_515 = arith.addi %mul3A_513, %add3A_514 : i32
        %mul3A_516 = arith.constant 16 : i32
        %mul3A_517 = arith.muli %add3A_515, %mul3A_516 : i32
        %add3A_518 = arith.constant 0 : i32
        %add3A_519 = arith.addi %add3A_518, %mul3A_517 : i32
        %get3A_520 = arith.index_cast %add3A_519 : i32 to index
        %get3A_521 = tpu.vector_load %arg8[%get3A_520] {strides = array<i32>} : memref<4000xi32, #tpu.memory_space<vmem>>, vector<16xi32>,
        %gather3A_522 = tpu.vector_load_idx %arg7[%get3A_521] : memref<51200xf32, #tpu.memory_space<vmem>>[vector<16xi32>], vector<16xf32>,
        %get3A_523 = arith.index_cast %add3A_519 : i32 to index
        %get3A_524 = tpu.vector_load %arg9[%get3A_523] {strides = array<i32>} : memref<4000xi32, #tpu.memory_space<vmem>>, vector<16xi32>,
        %gather3A_525 = tpu.vector_load_idx %arg6[%get3A_524] : memref<51200xf32, #tpu.memory_space<vmem>>[vector<16xi32>], vector<16xf32>,
        %mul3A_526 = arith.mulf %gather3A_522, %gather3A_525 : vector<16xf32>
        %swap3A_527 = arith.index_cast %add3A_519 : i32 to index
        %swap3A_528 = tpu.vector_load %arg10[%swap3A_527] {strides = array<i32>} : memref<4000xf32, #tpu.memory_space<vmem>>, vector<16xf32>,
        tpu.vector_store %arg10[%swap3A_527], %mul3A_526 {strides = array<i32>} : memref<4000xf32, #tpu.memory_space<vmem>>, vector<16xf32>,
        %mul3A_529 = arith.constant 5 : i32
        %mul3A_530 = arith.muli %scan3A_496, %mul3A_529 : i32
        %add3A_531 = arith.constant 2 : i32
        %add3A_532 = arith.addi %mul3A_530, %add3A_531 : i32
        %mul3A_533 = arith.constant 16 : i32
        %mul3A_534 = arith.muli %add3A_532, %mul3A_533 : i32
        %add3A_535 = arith.constant 0 : i32
        %add3A_536 = arith.addi %add3A_535, %mul3A_534 : i32
        %get3A_537 = arith.index_cast %add3A_536 : i32 to index
        %get3A_538 = tpu.vector_load %arg8[%get3A_537] {strides = array<i32>} : memref<4000xi32, #tpu.memory_space<vmem>>, vector<16xi32>,
        %gather3A_539 = tpu.vector_load_idx %arg7[%get3A_538] : memref<51200xf32, #tpu.memory_space<vmem>>[vector<16xi32>], vector<16xf32>,
        %get3A_540 = arith.index_cast %add3A_536 : i32 to index
        %get3A_541 = tpu.vector_load %arg9[%get3A_540] {strides = array<i32>} : memref<4000xi32, #tpu.memory_space<vmem>>, vector<16xi32>,
        %gather3A_542 = tpu.vector_load_idx %arg6[%get3A_541] : memref<51200xf32, #tpu.memory_space<vmem>>[vector<16xi32>], vector<16xf32>,
        %mul3A_543 = arith.mulf %gather3A_539, %gather3A_542 : vector<16xf32>
        %swap3A_544 = arith.index_cast %add3A_536 : i32 to index
        %swap3A_545 = tpu.vector_load %arg10[%swap3A_544] {strides = array<i32>} : memref<4000xf32, #tpu.memory_space<vmem>>, vector<16xf32>,
        tpu.vector_store %arg10[%swap3A_544], %mul3A_543 {strides = array<i32>} : memref<4000xf32, #tpu.memory_space<vmem>>, vector<16xf32>,
        %mul3A_546 = arith.constant 5 : i32
        %mul3A_547 = arith.muli %scan3A_496, %mul3A_546 : i32
        %add3A_548 = arith.constant 3 : i32
        %add3A_549 = arith.addi %mul3A_547, %add3A_548 : i32
        %mul3A_550 = arith.constant 16 : i32
        %mul3A_551 = arith.muli %add3A_549, %mul3A_550 : i32
        %add3A_552 = arith.constant 0 : i32
        %add3A_553 = arith.addi %add3A_552, %mul3A_551 : i32
        %get3A_554 = arith.index_cast %add3A_553 : i32 to index
        %get3A_555 = tpu.vector_load %arg8[%get3A_554] {strides = array<i32>} : memref<4000xi32, #tpu.memory_space<vmem>>, vector<16xi32>,
        %gather3A_556 = tpu.vector_load_idx %arg7[%get3A_555] : memref<51200xf32, #tpu.memory_space<vmem>>[vector<16xi32>], vector<16xf32>,
        %get3A_557 = arith.index_cast %add3A_553 : i32 to index
        %get3A_558 = tpu.vector_load %arg9[%get3A_557] {strides = array<i32>} : memref<4000xi32, #tpu.memory_space<vmem>>, vector<16xi32>,
        %gather3A_559 = tpu.vector_load_idx %arg6[%get3A_558] : memref<51200xf32, #tpu.memory_space<vmem>>[vector<16xi32>], vector<16xf32>,
        %mul3A_560 = arith.mulf %gather3A_556, %gather3A_559 : vector<16xf32>
        %swap3A_561 = arith.index_cast %add3A_553 : i32 to index
        %swap3A_562 = tpu.vector_load %arg10[%swap3A_561] {strides = array<i32>} : memref<4000xf32, #tpu.memory_space<vmem>>, vector<16xf32>,
        tpu.vector_store %arg10[%swap3A_561], %mul3A_560 {strides = array<i32>} : memref<4000xf32, #tpu.memory_space<vmem>>, vector<16xf32>,
        %mul3A_563 = arith.constant 5 : i32
        %mul3A_564 = arith.muli %scan3A_496, %mul3A_563 : i32
        %add3A_565 = arith.constant 4 : i32
        %add3A_566 = arith.addi %mul3A_564, %add3A_565 : i32
        %mul3A_567 = arith.constant 16 : i32
        %mul3A_568 = arith.muli %add3A_566, %mul3A_567 : i32
        %add3A_569 = arith.constant 0 : i32
        %add3A_570 = arith.addi %add3A_569, %mul3A_568 : i32
        %get3A_571 = arith.index_cast %add3A_570 : i32 to index
        %get3A_572 = tpu.vector_load %arg8[%get3A_571] {strides = array<i32>} : memref<4000xi32, #tpu.memory_space<vmem>>, vector<16xi32>,
        %gather3A_573 = tpu.vector_load_idx %arg7[%get3A_572] : memref<51200xf32, #tpu.memory_space<vmem>>[vector<16xi32>], vector<16xf32>,
        %get3A_574 = arith.index_cast %add3A_570 : i32 to index
        %get3A_575 = tpu.vector_load %arg9[%get3A_574] {strides = array<i32>} : memref<4000xi32, #tpu.memory_space<vmem>>, vector<16xi32>,
        %gather3A_576 = tpu.vector_load_idx %arg6[%get3A_575] : memref<51200xf32, #tpu.memory_space<vmem>>[vector<16xi32>], vector<16xf32>,
        %mul3A_577 = arith.mulf %gather3A_573, %gather3A_576 : vector<16xf32>
        %swap3A_578 = arith.index_cast %add3A_570 : i32 to index
        %swap3A_579 = tpu.vector_load %arg10[%swap3A_578] {strides = array<i32>} : memref<4000xf32, #tpu.memory_space<vmem>>, vector<16xf32>,
        tpu.vector_store %arg10[%swap3A_578], %mul3A_577 {strides = array<i32>} : memref<4000xf32, #tpu.memory_space<vmem>>, vector<16xf32>,
        %scan3A_580 = arith.constant 0 : i32
        scf.yield %scan3A_580 : i32
      }
      %scan3A_426 = arith.constant 25 : i32
      %mul3A_427 = arith.constant 2000 : i32
      %mul3A_428 = arith.muli %mul3A_395, %mul3A_427 : i32
      %add3A_429 = arith.addi %add3A_291, %mul3A_428 : i32
      %dma_start3A_430 = arith.constant 0 : i32
      %dma_start3A_431 = tpu.memref_slice %arg10[%dma_start3A_430] : memref<4000xf32, #tpu.memory_space<vmem>> -> memref<2000xf32, #tpu.memory_space<vmem>>
      %dma_start3A_432 = tpu.memref_slice %arg5[%add3A_429] : memref<1600000xf32, #tpu.memory_space<hbm>> -> memref<2000xf32, #tpu.memory_space<hbm>>
      %dma_start3A_433 = tpu.memref_slice %arg5[%add3A_429] : memref<1600000xf32, #tpu.memory_space<hbm>> -> memref<2000xf32, #tpu.memory_space<hbm>>
      %dma_start3A_434 = arith.constant 0 : i32
      %dma_start3A_435 = tpu.memref_slice %arg10[%dma_start3A_434] : memref<4000xf32, #tpu.memory_space<vmem>> -> memref<2000xf32, #tpu.memory_space<vmem>>
      tpu.enqueue_dma source(%dma_start3A_435 : memref<2000xf32, #tpu.memory_space<vmem>>) target(%dma_start3A_433 : memref<2000xf32, #tpu.memory_space<hbm>>) target_semaphore(%arg15 : memref<!tpu.dma_semaphore, #tpu.memory_space<semaphore_mem>>)
      %add3A_436 = arith.constant 2 : i32
      %add3A_437 = arith.addi %mul3A_395, %add3A_436 : i32
      %lt3A_438 = arith.constant 25 : i32
      %lt3A_439 = arith.cmpi slt, %add3A_437, %lt3A_438 : i32
      %convert_element_type3A_440 = arith.extui %lt3A_439 : i1 to i32
      %cond3A_441 = arith.constant 0 : i32
      %cond3A_442 = arith.cmpi ne, %convert_element_type3A_440, %cond3A_441 : i32
      scf.if %cond3A_442 {
        %add3A_496 = arith.constant 2 : i32
        %add3A_497 = arith.addi %mul3A_395, %add3A_496 : i32
        %mul3A_498 = arith.constant 2000 : i32
        %mul3A_499 = arith.muli %add3A_497, %mul3A_498 : i32
        %add3A_500 = arith.addi %mul3A_0, %mul3A_499 : i32
        %dma_start3A_501 = arith.constant 0 : i32
        %dma_start3A_502 = tpu.memref_slice %arg8[%dma_start3A_501] : memref<4000xi32, #tpu.memory_space<vmem>> -> memref<2000xi32, #tpu.memory_space<vmem>>
        %dma_start3A_503 = tpu.memref_slice %arg4[%add3A_500] : memref<1600000xi32, #tpu.memory_space<hbm>> -> memref<2000xi32, #tpu.memory_space<hbm>>
        %dma_start3A_504 = arith.constant 0 : i32
        %dma_start3A_505 = tpu.memref_slice %arg8[%dma_start3A_504] : memref<4000xi32, #tpu.memory_space<vmem>> -> memref<2000xi32, #tpu.memory_space<vmem>>
        %dma_start3A_506 = tpu.memref_slice %arg4[%add3A_500] : memref<1600000xi32, #tpu.memory_space<hbm>> -> memref<2000xi32, #tpu.memory_space<hbm>>
        tpu.enqueue_dma source(%dma_start3A_506 : memref<2000xi32, #tpu.memory_space<hbm>>) target(%dma_start3A_505 : memref<2000xi32, #tpu.memory_space<vmem>>) target_semaphore(%arg13 : memref<!tpu.dma_semaphore, #tpu.memory_space<semaphore_mem>>)
        %add3A_507 = arith.constant 800000 : i32
        %add3A_508 = arith.addi %add3A_507, %mul3A_0 : i32
        %mul3A_509 = arith.constant 2000 : i32
        %mul3A_510 = arith.muli %add3A_497, %mul3A_509 : i32
        %add3A_511 = arith.addi %add3A_508, %mul3A_510 : i32
        %dma_start3A_512 = arith.constant 0 : i32
        %dma_start3A_513 = tpu.memref_slice %arg9[%dma_start3A_512] : memref<4000xi32, #tpu.memory_space<vmem>> -> memref<2000xi32, #tpu.memory_space<vmem>>
        %dma_start3A_514 = tpu.memref_slice %arg4[%add3A_511] : memref<1600000xi32, #tpu.memory_space<hbm>> -> memref<2000xi32, #tpu.memory_space<hbm>>
        %dma_start3A_515 = arith.constant 0 : i32
        %dma_start3A_516 = tpu.memref_slice %arg9[%dma_start3A_515] : memref<4000xi32, #tpu.memory_space<vmem>> -> memref<2000xi32, #tpu.memory_space<vmem>>
        %dma_start3A_517 = tpu.memref_slice %arg4[%add3A_511] : memref<1600000xi32, #tpu.memory_space<hbm>> -> memref<2000xi32, #tpu.memory_space<hbm>>
        tpu.enqueue_dma source(%dma_start3A_517 : memref<2000xi32, #tpu.memory_space<hbm>>) target(%dma_start3A_516 : memref<2000xi32, #tpu.memory_space<vmem>>) target_semaphore(%arg13 : memref<!tpu.dma_semaphore, #tpu.memory_space<semaphore_mem>>)
      } else {
      }
      %gt3A_443 = arith.constant 0 : i32
      %gt3A_444 = arith.cmpi sgt, %scan3A_392, %gt3A_443 : i32
      %convert_element_type3A_445 = arith.extui %gt3A_444 : i1 to i32
      %cond3A_446 = arith.constant 0 : i32
      %cond3A_447 = arith.cmpi ne, %convert_element_type3A_445, %cond3A_446 : i32
      scf.if %cond3A_447 {
        %sub3A = arith.constant 1 : i32
        %sub3A_496 = arith.subi %mul3A_395, %sub3A : i32
        %mul3A_497 = arith.constant 2000 : i32
        %mul3A_498 = arith.muli %sub3A_496, %mul3A_497 : i32
        %add3A_499 = arith.addi %add3A_291, %mul3A_498 : i32
        %dma_wait3A_500 = arith.constant 2000 : i32
        %dma_wait3A_501 = tpu.memref_slice %arg10[%dma_wait3A_500] : memref<4000xf32, #tpu.memory_space<vmem>> -> memref<2000xf32, #tpu.memory_space<vmem>>
        %dma_wait3A_502 = tpu.memref_slice %arg5[%add3A_499] : memref<1600000xf32, #tpu.memory_space<hbm>> -> memref<2000xf32, #tpu.memory_space<hbm>>
        %dma_wait3A_503 = tpu.memref_slice %arg5[%add3A_499] : memref<1600000xf32, #tpu.memory_space<hbm>> -> memref<2000xf32, #tpu.memory_space<hbm>>
        %dma_wait3A_504 = arith.constant 2000 : i32
        %dma_wait3A_505 = tpu.memref_slice %arg10[%dma_wait3A_504] : memref<4000xf32, #tpu.memory_space<vmem>> -> memref<2000xf32, #tpu.memory_space<vmem>>
        tpu.wait_dma2 semaphore(%arg16 : memref<!tpu.dma_semaphore, #tpu.memory_space<semaphore_mem>>) src(%dma_wait3A_505 : memref<2000xf32, #tpu.memory_space<vmem>>) dst(%dma_wait3A_503 : memref<2000xf32, #tpu.memory_space<hbm>>)
      } else {
      }
      %add3A_448 = arith.constant 1 : i32
      %add3A_449 = arith.addi %mul3A_395, %add3A_448 : i32
      %mul3A_450 = arith.constant 2000 : i32
      %mul3A_451 = arith.muli %add3A_449, %mul3A_450 : i32
      %add3A_452 = arith.addi %mul3A_0, %mul3A_451 : i32
      %dma_wait3A_453 = arith.constant 2000 : i32
      %dma_wait3A_454 = tpu.memref_slice %arg8[%dma_wait3A_453] : memref<4000xi32, #tpu.memory_space<vmem>> -> memref<2000xi32, #tpu.memory_space<vmem>>
      %dma_wait3A_455 = tpu.memref_slice %arg4[%add3A_452] : memref<1600000xi32, #tpu.memory_space<hbm>> -> memref<2000xi32, #tpu.memory_space<hbm>>
      %dma_wait3A_456 = arith.constant 2000 : i32
      %dma_wait3A_457 = tpu.memref_slice %arg8[%dma_wait3A_456] : memref<4000xi32, #tpu.memory_space<vmem>> -> memref<2000xi32, #tpu.memory_space<vmem>>
      %dma_wait3A_458 = tpu.memref_slice %arg4[%add3A_452] : memref<1600000xi32, #tpu.memory_space<hbm>> -> memref<2000xi32, #tpu.memory_space<hbm>>
      tpu.wait_dma2 semaphore(%arg14 : memref<!tpu.dma_semaphore, #tpu.memory_space<semaphore_mem>>) src(%dma_wait3A_458 : memref<2000xi32, #tpu.memory_space<hbm>>) dst(%dma_wait3A_457 : memref<2000xi32, #tpu.memory_space<vmem>>)
      %add3A_459 = arith.constant 800000 : i32
      %add3A_460 = arith.addi %add3A_459, %mul3A_0 : i32
      %mul3A_461 = arith.constant 2000 : i32
      %mul3A_462 = arith.muli %add3A_449, %mul3A_461 : i32
      %add3A_463 = arith.addi %add3A_460, %mul3A_462 : i32
      %dma_wait3A_464 = arith.constant 2000 : i32
      %dma_wait3A_465 = tpu.memref_slice %arg9[%dma_wait3A_464] : memref<4000xi32, #tpu.memory_space<vmem>> -> memref<2000xi32, #tpu.memory_space<vmem>>
      %dma_wait3A_466 = tpu.memref_slice %arg4[%add3A_463] : memref<1600000xi32, #tpu.memory_space<hbm>> -> memref<2000xi32, #tpu.memory_space<hbm>>
      %dma_wait3A_467 = arith.constant 2000 : i32
      %dma_wait3A_468 = tpu.memref_slice %arg9[%dma_wait3A_467] : memref<4000xi32, #tpu.memory_space<vmem>> -> memref<2000xi32, #tpu.memory_space<vmem>>
      %dma_wait3A_469 = tpu.memref_slice %arg4[%add3A_463] : memref<1600000xi32, #tpu.memory_space<hbm>> -> memref<2000xi32, #tpu.memory_space<hbm>>
      tpu.wait_dma2 semaphore(%arg14 : memref<!tpu.dma_semaphore, #tpu.memory_space<semaphore_mem>>) src(%dma_wait3A_469 : memref<2000xi32, #tpu.memory_space<hbm>>) dst(%dma_wait3A_468 : memref<2000xi32, #tpu.memory_space<vmem>>)
      %scan3A_470 = arith.constant 0 : i32
      %scan3A_471 = arith.constant 0 : i32
      %scan3A_472 = arith.constant 25 : i32
      %scan3A_473 = arith.addi %scan3A_471, %scan3A_472 : i32
      %scan3A_474 = arith.constant 1 : i32
      %scan3A_475 = scf.for %scan3A_496 = %scan3A_471 to %scan3A_473 step %scan3A_474 iter_args(%scan3A_497 = %scan3A_470) -> (i32)  : i32 {
        %mul3A_498 = arith.constant 5 : i32
        %mul3A_499 = arith.muli %scan3A_496, %mul3A_498 : i32
        %add3A_500 = arith.constant 0 : i32
        %add3A_501 = arith.addi %mul3A_499, %add3A_500 : i32
        %mul3A_502 = arith.constant 16 : i32
        %mul3A_503 = arith.muli %add3A_501, %mul3A_502 : i32
        %add3A_504 = arith.constant 2000 : i32
        %add3A_505 = arith.addi %add3A_504, %mul3A_503 : i32
        %get3A = arith.index_cast %add3A_505 : i32 to index
        %get3A_506 = tpu.vector_load %arg8[%get3A] {strides = array<i32>} : memref<4000xi32, #tpu.memory_space<vmem>>, vector<16xi32>,
        %gather3A = tpu.vector_load_idx %arg7[%get3A_506] : memref<51200xf32, #tpu.memory_space<vmem>>[vector<16xi32>], vector<16xf32>,
        %get3A_507 = arith.index_cast %add3A_505 : i32 to index
        %get3A_508 = tpu.vector_load %arg9[%get3A_507] {strides = array<i32>} : memref<4000xi32, #tpu.memory_space<vmem>>, vector<16xi32>,
        %gather3A_509 = tpu.vector_load_idx %arg6[%get3A_508] : memref<51200xf32, #tpu.memory_space<vmem>>[vector<16xi32>], vector<16xf32>,
        %mul3A_510 = arith.mulf %gather3A, %gather3A_509 : vector<16xf32>
        %swap3A = arith.index_cast %add3A_505 : i32 to index
        %swap3A_511 = tpu.vector_load %arg10[%swap3A] {strides = array<i32>} : memref<4000xf32, #tpu.memory_space<vmem>>, vector<16xf32>,
        tpu.vector_store %arg10[%swap3A], %mul3A_510 {strides = array<i32>} : memref<4000xf32, #tpu.memory_space<vmem>>, vector<16xf32>,
        %mul3A_512 = arith.constant 5 : i32
        %mul3A_513 = arith.muli %scan3A_496, %mul3A_512 : i32
        %add3A_514 = arith.constant 1 : i32
        %add3A_515 = arith.addi %mul3A_513, %add3A_514 : i32
        %mul3A_516 = arith.constant 16 : i32
        %mul3A_517 = arith.muli %add3A_515, %mul3A_516 : i32
        %add3A_518 = arith.constant 2000 : i32
        %add3A_519 = arith.addi %add3A_518, %mul3A_517 : i32
        %get3A_520 = arith.index_cast %add3A_519 : i32 to index
        %get3A_521 = tpu.vector_load %arg8[%get3A_520] {strides = array<i32>} : memref<4000xi32, #tpu.memory_space<vmem>>, vector<16xi32>,
        %gather3A_522 = tpu.vector_load_idx %arg7[%get3A_521] : memref<51200xf32, #tpu.memory_space<vmem>>[vector<16xi32>], vector<16xf32>,
        %get3A_523 = arith.index_cast %add3A_519 : i32 to index
        %get3A_524 = tpu.vector_load %arg9[%get3A_523] {strides = array<i32>} : memref<4000xi32, #tpu.memory_space<vmem>>, vector<16xi32>,
        %gather3A_525 = tpu.vector_load_idx %arg6[%get3A_524] : memref<51200xf32, #tpu.memory_space<vmem>>[vector<16xi32>], vector<16xf32>,
        %mul3A_526 = arith.mulf %gather3A_522, %gather3A_525 : vector<16xf32>
        %swap3A_527 = arith.index_cast %add3A_519 : i32 to index
        %swap3A_528 = tpu.vector_load %arg10[%swap3A_527] {strides = array<i32>} : memref<4000xf32, #tpu.memory_space<vmem>>, vector<16xf32>,
        tpu.vector_store %arg10[%swap3A_527], %mul3A_526 {strides = array<i32>} : memref<4000xf32, #tpu.memory_space<vmem>>, vector<16xf32>,
        %mul3A_529 = arith.constant 5 : i32
        %mul3A_530 = arith.muli %scan3A_496, %mul3A_529 : i32
        %add3A_531 = arith.constant 2 : i32
        %add3A_532 = arith.addi %mul3A_530, %add3A_531 : i32
        %mul3A_533 = arith.constant 16 : i32
        %mul3A_534 = arith.muli %add3A_532, %mul3A_533 : i32
        %add3A_535 = arith.constant 2000 : i32
        %add3A_536 = arith.addi %add3A_535, %mul3A_534 : i32
        %get3A_537 = arith.index_cast %add3A_536 : i32 to index
        %get3A_538 = tpu.vector_load %arg8[%get3A_537] {strides = array<i32>} : memref<4000xi32, #tpu.memory_space<vmem>>, vector<16xi32>,
        %gather3A_539 = tpu.vector_load_idx %arg7[%get3A_538] : memref<51200xf32, #tpu.memory_space<vmem>>[vector<16xi32>], vector<16xf32>,
        %get3A_540 = arith.index_cast %add3A_536 : i32 to index
        %get3A_541 = tpu.vector_load %arg9[%get3A_540] {strides = array<i32>} : memref<4000xi32, #tpu.memory_space<vmem>>, vector<16xi32>,
        %gather3A_542 = tpu.vector_load_idx %arg6[%get3A_541] : memref<51200xf32, #tpu.memory_space<vmem>>[vector<16xi32>], vector<16xf32>,
        %mul3A_543 = arith.mulf %gather3A_539, %gather3A_542 : vector<16xf32>
        %swap3A_544 = arith.index_cast %add3A_536 : i32 to index
        %swap3A_545 = tpu.vector_load %arg10[%swap3A_544] {strides = array<i32>} : memref<4000xf32, #tpu.memory_space<vmem>>, vector<16xf32>,
        tpu.vector_store %arg10[%swap3A_544], %mul3A_543 {strides = array<i32>} : memref<4000xf32, #tpu.memory_space<vmem>>, vector<16xf32>,
        %mul3A_546 = arith.constant 5 : i32
        %mul3A_547 = arith.muli %scan3A_496, %mul3A_546 : i32
        %add3A_548 = arith.constant 3 : i32
        %add3A_549 = arith.addi %mul3A_547, %add3A_548 : i32
        %mul3A_550 = arith.constant 16 : i32
        %mul3A_551 = arith.muli %add3A_549, %mul3A_550 : i32
        %add3A_552 = arith.constant 2000 : i32
        %add3A_553 = arith.addi %add3A_552, %mul3A_551 : i32
        %get3A_554 = arith.index_cast %add3A_553 : i32 to index
        %get3A_555 = tpu.vector_load %arg8[%get3A_554] {strides = array<i32>} : memref<4000xi32, #tpu.memory_space<vmem>>, vector<16xi32>,
        %gather3A_556 = tpu.vector_load_idx %arg7[%get3A_555] : memref<51200xf32, #tpu.memory_space<vmem>>[vector<16xi32>], vector<16xf32>,
        %get3A_557 = arith.index_cast %add3A_553 : i32 to index
        %get3A_558 = tpu.vector_load %arg9[%get3A_557] {strides = array<i32>} : memref<4000xi32, #tpu.memory_space<vmem>>, vector<16xi32>,
        %gather3A_559 = tpu.vector_load_idx %arg6[%get3A_558] : memref<51200xf32, #tpu.memory_space<vmem>>[vector<16xi32>], vector<16xf32>,
        %mul3A_560 = arith.mulf %gather3A_556, %gather3A_559 : vector<16xf32>
        %swap3A_561 = arith.index_cast %add3A_553 : i32 to index
        %swap3A_562 = tpu.vector_load %arg10[%swap3A_561] {strides = array<i32>} : memref<4000xf32, #tpu.memory_space<vmem>>, vector<16xf32>,
        tpu.vector_store %arg10[%swap3A_561], %mul3A_560 {strides = array<i32>} : memref<4000xf32, #tpu.memory_space<vmem>>, vector<16xf32>,
        %mul3A_563 = arith.constant 5 : i32
        %mul3A_564 = arith.muli %scan3A_496, %mul3A_563 : i32
        %add3A_565 = arith.constant 4 : i32
        %add3A_566 = arith.addi %mul3A_564, %add3A_565 : i32
        %mul3A_567 = arith.constant 16 : i32
        %mul3A_568 = arith.muli %add3A_566, %mul3A_567 : i32
        %add3A_569 = arith.constant 2000 : i32
        %add3A_570 = arith.addi %add3A_569, %mul3A_568 : i32
        %get3A_571 = arith.index_cast %add3A_570 : i32 to index
        %get3A_572 = tpu.vector_load %arg8[%get3A_571] {strides = array<i32>} : memref<4000xi32, #tpu.memory_space<vmem>>, vector<16xi32>,
        %gather3A_573 = tpu.vector_load_idx %arg7[%get3A_572] : memref<51200xf32, #tpu.memory_space<vmem>>[vector<16xi32>], vector<16xf32>,
        %get3A_574 = arith.index_cast %add3A_570 : i32 to index
        %get3A_575 = tpu.vector_load %arg9[%get3A_574] {strides = array<i32>} : memref<4000xi32, #tpu.memory_space<vmem>>, vector<16xi32>,
        %gather3A_576 = tpu.vector_load_idx %arg6[%get3A_575] : memref<51200xf32, #tpu.memory_space<vmem>>[vector<16xi32>], vector<16xf32>,
        %mul3A_577 = arith.mulf %gather3A_573, %gather3A_576 : vector<16xf32>
        %swap3A_578 = arith.index_cast %add3A_570 : i32 to index
        %swap3A_579 = tpu.vector_load %arg10[%swap3A_578] {strides = array<i32>} : memref<4000xf32, #tpu.memory_space<vmem>>, vector<16xf32>,
        tpu.vector_store %arg10[%swap3A_578], %mul3A_577 {strides = array<i32>} : memref<4000xf32, #tpu.memory_space<vmem>>, vector<16xf32>,
        %scan3A_580 = arith.constant 0 : i32
        scf.yield %scan3A_580 : i32
      }
      %scan3A_476 = arith.constant 25 : i32
      %add3A_477 = arith.constant 1 : i32
      %add3A_478 = arith.addi %mul3A_395, %add3A_477 : i32
      %mul3A_479 = arith.constant 2000 : i32
      %mul3A_480 = arith.muli %add3A_478, %mul3A_479 : i32
      %add3A_481 = arith.addi %add3A_291, %mul3A_480 : i32
      %dma_start3A_482 = arith.constant 2000 : i32
      %dma_start3A_483 = tpu.memref_slice %arg10[%dma_start3A_482] : memref<4000xf32, #tpu.memory_space<vmem>> -> memref<2000xf32, #tpu.memory_space<vmem>>
      %dma_start3A_484 = tpu.memref_slice %arg5[%add3A_481] : memref<1600000xf32, #tpu.memory_space<hbm>> -> memref<2000xf32, #tpu.memory_space<hbm>>
      %dma_start3A_485 = tpu.memref_slice %arg5[%add3A_481] : memref<1600000xf32, #tpu.memory_space<hbm>> -> memref<2000xf32, #tpu.memory_space<hbm>>
      %dma_start3A_486 = arith.constant 2000 : i32
      %dma_start3A_487 = tpu.memref_slice %arg10[%dma_start3A_486] : memref<4000xf32, #tpu.memory_space<vmem>> -> memref<2000xf32, #tpu.memory_space<vmem>>
      tpu.enqueue_dma source(%dma_start3A_487 : memref<2000xf32, #tpu.memory_space<vmem>>) target(%dma_start3A_485 : memref<2000xf32, #tpu.memory_space<hbm>>) target_semaphore(%arg16 : memref<!tpu.dma_semaphore, #tpu.memory_space<semaphore_mem>>)
      %add3A_488 = arith.constant 3 : i32
      %add3A_489 = arith.addi %mul3A_395, %add3A_488 : i32
      %lt3A_490 = arith.constant 25 : i32
      %lt3A_491 = arith.cmpi slt, %add3A_489, %lt3A_490 : i32
      %convert_element_type3A_492 = arith.extui %lt3A_491 : i1 to i32
      %cond3A_493 = arith.constant 0 : i32
      %cond3A_494 = arith.cmpi ne, %convert_element_type3A_492, %cond3A_493 : i32
      scf.if %cond3A_494 {
        %add3A_496 = arith.constant 3 : i32
        %add3A_497 = arith.addi %mul3A_395, %add3A_496 : i32
        %mul3A_498 = arith.constant 2000 : i32
        %mul3A_499 = arith.muli %add3A_497, %mul3A_498 : i32
        %add3A_500 = arith.addi %mul3A_0, %mul3A_499 : i32
        %dma_start3A_501 = arith.constant 2000 : i32
        %dma_start3A_502 = tpu.memref_slice %arg8[%dma_start3A_501] : memref<4000xi32, #tpu.memory_space<vmem>> -> memref<2000xi32, #tpu.memory_space<vmem>>
        %dma_start3A_503 = tpu.memref_slice %arg4[%add3A_500] : memref<1600000xi32, #tpu.memory_space<hbm>> -> memref<2000xi32, #tpu.memory_space<hbm>>
        %dma_start3A_504 = arith.constant 2000 : i32
        %dma_start3A_505 = tpu.memref_slice %arg8[%dma_start3A_504] : memref<4000xi32, #tpu.memory_space<vmem>> -> memref<2000xi32, #tpu.memory_space<vmem>>
        %dma_start3A_506 = tpu.memref_slice %arg4[%add3A_500] : memref<1600000xi32, #tpu.memory_space<hbm>> -> memref<2000xi32, #tpu.memory_space<hbm>>
        tpu.enqueue_dma source(%dma_start3A_506 : memref<2000xi32, #tpu.memory_space<hbm>>) target(%dma_start3A_505 : memref<2000xi32, #tpu.memory_space<vmem>>) target_semaphore(%arg14 : memref<!tpu.dma_semaphore, #tpu.memory_space<semaphore_mem>>)
        %add3A_507 = arith.constant 800000 : i32
        %add3A_508 = arith.addi %add3A_507, %mul3A_0 : i32
        %mul3A_509 = arith.constant 2000 : i32
        %mul3A_510 = arith.muli %add3A_497, %mul3A_509 : i32
        %add3A_511 = arith.addi %add3A_508, %mul3A_510 : i32
        %dma_start3A_512 = arith.constant 2000 : i32
        %dma_start3A_513 = tpu.memref_slice %arg9[%dma_start3A_512] : memref<4000xi32, #tpu.memory_space<vmem>> -> memref<2000xi32, #tpu.memory_space<vmem>>
        %dma_start3A_514 = tpu.memref_slice %arg4[%add3A_511] : memref<1600000xi32, #tpu.memory_space<hbm>> -> memref<2000xi32, #tpu.memory_space<hbm>>
        %dma_start3A_515 = arith.constant 2000 : i32
        %dma_start3A_516 = tpu.memref_slice %arg9[%dma_start3A_515] : memref<4000xi32, #tpu.memory_space<vmem>> -> memref<2000xi32, #tpu.memory_space<vmem>>
        %dma_start3A_517 = tpu.memref_slice %arg4[%add3A_511] : memref<1600000xi32, #tpu.memory_space<hbm>> -> memref<2000xi32, #tpu.memory_space<hbm>>
        tpu.enqueue_dma source(%dma_start3A_517 : memref<2000xi32, #tpu.memory_space<hbm>>) target(%dma_start3A_516 : memref<2000xi32, #tpu.memory_space<vmem>>) target_semaphore(%arg14 : memref<!tpu.dma_semaphore, #tpu.memory_space<semaphore_mem>>)
      } else {
      }
      %scan3A_495 = arith.constant 0 : i32
      scf.yield %scan3A_495 : i32
    }
    %scan3A_334 = arith.constant 12 : i32
    %add3A_335 = arith.constant 44000 : i32
    %add3A_336 = arith.addi %add3A_291, %add3A_335 : i32
    %dma_wait3A_337 = arith.constant 0 : i32
    %dma_wait3A_338 = tpu.memref_slice %arg10[%dma_wait3A_337] : memref<4000xf32, #tpu.memory_space<vmem>> -> memref<2000xf32, #tpu.memory_space<vmem>>
    %dma_wait3A_339 = tpu.memref_slice %arg5[%add3A_336] : memref<1600000xf32, #tpu.memory_space<hbm>> -> memref<2000xf32, #tpu.memory_space<hbm>>
    %dma_wait3A_340 = tpu.memref_slice %arg5[%add3A_336] : memref<1600000xf32, #tpu.memory_space<hbm>> -> memref<2000xf32, #tpu.memory_space<hbm>>
    %dma_wait3A_341 = arith.constant 0 : i32
    %dma_wait3A_342 = tpu.memref_slice %arg10[%dma_wait3A_341] : memref<4000xf32, #tpu.memory_space<vmem>> -> memref<2000xf32, #tpu.memory_space<vmem>>
    tpu.wait_dma2 semaphore(%arg15 : memref<!tpu.dma_semaphore, #tpu.memory_space<semaphore_mem>>) src(%dma_wait3A_342 : memref<2000xf32, #tpu.memory_space<vmem>>) dst(%dma_wait3A_340 : memref<2000xf32, #tpu.memory_space<hbm>>)
    %add3A_343 = arith.constant 46000 : i32
    %add3A_344 = arith.addi %add3A_291, %add3A_343 : i32
    %dma_wait3A_345 = arith.constant 2000 : i32
    %dma_wait3A_346 = tpu.memref_slice %arg10[%dma_wait3A_345] : memref<4000xf32, #tpu.memory_space<vmem>> -> memref<2000xf32, #tpu.memory_space<vmem>>
    %dma_wait3A_347 = tpu.memref_slice %arg5[%add3A_344] : memref<1600000xf32, #tpu.memory_space<hbm>> -> memref<2000xf32, #tpu.memory_space<hbm>>
    %dma_wait3A_348 = tpu.memref_slice %arg5[%add3A_344] : memref<1600000xf32, #tpu.memory_space<hbm>> -> memref<2000xf32, #tpu.memory_space<hbm>>
    %dma_wait3A_349 = arith.constant 2000 : i32
    %dma_wait3A_350 = tpu.memref_slice %arg10[%dma_wait3A_349] : memref<4000xf32, #tpu.memory_space<vmem>> -> memref<2000xf32, #tpu.memory_space<vmem>>
    tpu.wait_dma2 semaphore(%arg16 : memref<!tpu.dma_semaphore, #tpu.memory_space<semaphore_mem>>) src(%dma_wait3A_350 : memref<2000xf32, #tpu.memory_space<vmem>>) dst(%dma_wait3A_348 : memref<2000xf32, #tpu.memory_space<hbm>>)
    %add3A_351 = arith.constant 48000 : i32
    %add3A_352 = arith.addi %mul3A_0, %add3A_351 : i32
    %dma_wait3A_353 = arith.constant 0 : i32
    %dma_wait3A_354 = tpu.memref_slice %arg8[%dma_wait3A_353] : memref<4000xi32, #tpu.memory_space<vmem>> -> memref<2000xi32, #tpu.memory_space<vmem>>
    %dma_wait3A_355 = tpu.memref_slice %arg4[%add3A_352] : memref<1600000xi32, #tpu.memory_space<hbm>> -> memref<2000xi32, #tpu.memory_space<hbm>>
    %dma_wait3A_356 = arith.constant 0 : i32
    %dma_wait3A_357 = tpu.memref_slice %arg8[%dma_wait3A_356] : memref<4000xi32, #tpu.memory_space<vmem>> -> memref<2000xi32, #tpu.memory_space<vmem>>
    %dma_wait3A_358 = tpu.memref_slice %arg4[%add3A_352] : memref<1600000xi32, #tpu.memory_space<hbm>> -> memref<2000xi32, #tpu.memory_space<hbm>>
    tpu.wait_dma2 semaphore(%arg13 : memref<!tpu.dma_semaphore, #tpu.memory_space<semaphore_mem>>) src(%dma_wait3A_358 : memref<2000xi32, #tpu.memory_space<hbm>>) dst(%dma_wait3A_357 : memref<2000xi32, #tpu.memory_space<vmem>>)
    %add3A_359 = arith.constant 800000 : i32
    %add3A_360 = arith.addi %add3A_359, %mul3A_0 : i32
    %add3A_361 = arith.constant 48000 : i32
    %add3A_362 = arith.addi %add3A_360, %add3A_361 : i32
    %dma_wait3A_363 = arith.constant 0 : i32
    %dma_wait3A_364 = tpu.memref_slice %arg9[%dma_wait3A_363] : memref<4000xi32, #tpu.memory_space<vmem>> -> memref<2000xi32, #tpu.memory_space<vmem>>
    %dma_wait3A_365 = tpu.memref_slice %arg4[%add3A_362] : memref<1600000xi32, #tpu.memory_space<hbm>> -> memref<2000xi32, #tpu.memory_space<hbm>>
    %dma_wait3A_366 = arith.constant 0 : i32
    %dma_wait3A_367 = tpu.memref_slice %arg9[%dma_wait3A_366] : memref<4000xi32, #tpu.memory_space<vmem>> -> memref<2000xi32, #tpu.memory_space<vmem>>
    %dma_wait3A_368 = tpu.memref_slice %arg4[%add3A_362] : memref<1600000xi32, #tpu.memory_space<hbm>> -> memref<2000xi32, #tpu.memory_space<hbm>>
    tpu.wait_dma2 semaphore(%arg13 : memref<!tpu.dma_semaphore, #tpu.memory_space<semaphore_mem>>) src(%dma_wait3A_368 : memref<2000xi32, #tpu.memory_space<hbm>>) dst(%dma_wait3A_367 : memref<2000xi32, #tpu.memory_space<vmem>>)
    %scan3A_369 = arith.constant 0 : i32
    %scan3A_370 = arith.constant 0 : i32
    %scan3A_371 = arith.constant 25 : i32
    %scan3A_372 = arith.addi %scan3A_370, %scan3A_371 : i32
    %scan3A_373 = arith.constant 1 : i32
    %scan3A_374 = scf.for %scan3A_392 = %scan3A_370 to %scan3A_372 step %scan3A_373 iter_args(%scan3A_393 = %scan3A_369) -> (i32)  : i32 {
      %mul3A_394 = arith.constant 5 : i32
      %mul3A_395 = arith.muli %scan3A_392, %mul3A_394 : i32
      %add3A_396 = arith.constant 0 : i32
      %add3A_397 = arith.addi %mul3A_395, %add3A_396 : i32
      %mul3A_398 = arith.constant 16 : i32
      %mul3A_399 = arith.muli %add3A_397, %mul3A_398 : i32
      %add3A_400 = arith.constant 0 : i32
      %add3A_401 = arith.addi %add3A_400, %mul3A_399 : i32
      %get3A = arith.index_cast %add3A_401 : i32 to index
      %get3A_402 = tpu.vector_load %arg8[%get3A] {strides = array<i32>} : memref<4000xi32, #tpu.memory_space<vmem>>, vector<16xi32>,
      %gather3A = tpu.vector_load_idx %arg7[%get3A_402] : memref<51200xf32, #tpu.memory_space<vmem>>[vector<16xi32>], vector<16xf32>,
      %get3A_403 = arith.index_cast %add3A_401 : i32 to index
      %get3A_404 = tpu.vector_load %arg9[%get3A_403] {strides = array<i32>} : memref<4000xi32, #tpu.memory_space<vmem>>, vector<16xi32>,
      %gather3A_405 = tpu.vector_load_idx %arg6[%get3A_404] : memref<51200xf32, #tpu.memory_space<vmem>>[vector<16xi32>], vector<16xf32>,
      %mul3A_406 = arith.mulf %gather3A, %gather3A_405 : vector<16xf32>
      %swap3A = arith.index_cast %add3A_401 : i32 to index
      %swap3A_407 = tpu.vector_load %arg10[%swap3A] {strides = array<i32>} : memref<4000xf32, #tpu.memory_space<vmem>>, vector<16xf32>,
      tpu.vector_store %arg10[%swap3A], %mul3A_406 {strides = array<i32>} : memref<4000xf32, #tpu.memory_space<vmem>>, vector<16xf32>,
      %mul3A_408 = arith.constant 5 : i32
      %mul3A_409 = arith.muli %scan3A_392, %mul3A_408 : i32
      %add3A_410 = arith.constant 1 : i32
      %add3A_411 = arith.addi %mul3A_409, %add3A_410 : i32
      %mul3A_412 = arith.constant 16 : i32
      %mul3A_413 = arith.muli %add3A_411, %mul3A_412 : i32
      %add3A_414 = arith.constant 0 : i32
      %add3A_415 = arith.addi %add3A_414, %mul3A_413 : i32
      %get3A_416 = arith.index_cast %add3A_415 : i32 to index
      %get3A_417 = tpu.vector_load %arg8[%get3A_416] {strides = array<i32>} : memref<4000xi32, #tpu.memory_space<vmem>>, vector<16xi32>,
      %gather3A_418 = tpu.vector_load_idx %arg7[%get3A_417] : memref<51200xf32, #tpu.memory_space<vmem>>[vector<16xi32>], vector<16xf32>,
      %get3A_419 = arith.index_cast %add3A_415 : i32 to index
      %get3A_420 = tpu.vector_load %arg9[%get3A_419] {strides = array<i32>} : memref<4000xi32, #tpu.memory_space<vmem>>, vector<16xi32>,
      %gather3A_421 = tpu.vector_load_idx %arg6[%get3A_420] : memref<51200xf32, #tpu.memory_space<vmem>>[vector<16xi32>], vector<16xf32>,
      %mul3A_422 = arith.mulf %gather3A_418, %gather3A_421 : vector<16xf32>
      %swap3A_423 = arith.index_cast %add3A_415 : i32 to index
      %swap3A_424 = tpu.vector_load %arg10[%swap3A_423] {strides = array<i32>} : memref<4000xf32, #tpu.memory_space<vmem>>, vector<16xf32>,
      tpu.vector_store %arg10[%swap3A_423], %mul3A_422 {strides = array<i32>} : memref<4000xf32, #tpu.memory_space<vmem>>, vector<16xf32>,
      %mul3A_425 = arith.constant 5 : i32
      %mul3A_426 = arith.muli %scan3A_392, %mul3A_425 : i32
      %add3A_427 = arith.constant 2 : i32
      %add3A_428 = arith.addi %mul3A_426, %add3A_427 : i32
      %mul3A_429 = arith.constant 16 : i32
      %mul3A_430 = arith.muli %add3A_428, %mul3A_429 : i32
      %add3A_431 = arith.constant 0 : i32
      %add3A_432 = arith.addi %add3A_431, %mul3A_430 : i32
      %get3A_433 = arith.index_cast %add3A_432 : i32 to index
      %get3A_434 = tpu.vector_load %arg8[%get3A_433] {strides = array<i32>} : memref<4000xi32, #tpu.memory_space<vmem>>, vector<16xi32>,
      %gather3A_435 = tpu.vector_load_idx %arg7[%get3A_434] : memref<51200xf32, #tpu.memory_space<vmem>>[vector<16xi32>], vector<16xf32>,
      %get3A_436 = arith.index_cast %add3A_432 : i32 to index
      %get3A_437 = tpu.vector_load %arg9[%get3A_436] {strides = array<i32>} : memref<4000xi32, #tpu.memory_space<vmem>>, vector<16xi32>,
      %gather3A_438 = tpu.vector_load_idx %arg6[%get3A_437] : memref<51200xf32, #tpu.memory_space<vmem>>[vector<16xi32>], vector<16xf32>,
      %mul3A_439 = arith.mulf %gather3A_435, %gather3A_438 : vector<16xf32>
      %swap3A_440 = arith.index_cast %add3A_432 : i32 to index
      %swap3A_441 = tpu.vector_load %arg10[%swap3A_440] {strides = array<i32>} : memref<4000xf32, #tpu.memory_space<vmem>>, vector<16xf32>,
      tpu.vector_store %arg10[%swap3A_440], %mul3A_439 {strides = array<i32>} : memref<4000xf32, #tpu.memory_space<vmem>>, vector<16xf32>,
      %mul3A_442 = arith.constant 5 : i32
      %mul3A_443 = arith.muli %scan3A_392, %mul3A_442 : i32
      %add3A_444 = arith.constant 3 : i32
      %add3A_445 = arith.addi %mul3A_443, %add3A_444 : i32
      %mul3A_446 = arith.constant 16 : i32
      %mul3A_447 = arith.muli %add3A_445, %mul3A_446 : i32
      %add3A_448 = arith.constant 0 : i32
      %add3A_449 = arith.addi %add3A_448, %mul3A_447 : i32
      %get3A_450 = arith.index_cast %add3A_449 : i32 to index
      %get3A_451 = tpu.vector_load %arg8[%get3A_450] {strides = array<i32>} : memref<4000xi32, #tpu.memory_space<vmem>>, vector<16xi32>,
      %gather3A_452 = tpu.vector_load_idx %arg7[%get3A_451] : memref<51200xf32, #tpu.memory_space<vmem>>[vector<16xi32>], vector<16xf32>,
      %get3A_453 = arith.index_cast %add3A_449 : i32 to index
      %get3A_454 = tpu.vector_load %arg9[%get3A_453] {strides = array<i32>} : memref<4000xi32, #tpu.memory_space<vmem>>, vector<16xi32>,
      %gather3A_455 = tpu.vector_load_idx %arg6[%get3A_454] : memref<51200xf32, #tpu.memory_space<vmem>>[vector<16xi32>], vector<16xf32>,
      %mul3A_456 = arith.mulf %gather3A_452, %gather3A_455 : vector<16xf32>
      %swap3A_457 = arith.index_cast %add3A_449 : i32 to index
      %swap3A_458 = tpu.vector_load %arg10[%swap3A_457] {strides = array<i32>} : memref<4000xf32, #tpu.memory_space<vmem>>, vector<16xf32>,
      tpu.vector_store %arg10[%swap3A_457], %mul3A_456 {strides = array<i32>} : memref<4000xf32, #tpu.memory_space<vmem>>, vector<16xf32>,
      %mul3A_459 = arith.constant 5 : i32
      %mul3A_460 = arith.muli %scan3A_392, %mul3A_459 : i32
      %add3A_461 = arith.constant 4 : i32
      %add3A_462 = arith.addi %mul3A_460, %add3A_461 : i32
      %mul3A_463 = arith.constant 16 : i32
      %mul3A_464 = arith.muli %add3A_462, %mul3A_463 : i32
      %add3A_465 = arith.constant 0 : i32
      %add3A_466 = arith.addi %add3A_465, %mul3A_464 : i32
      %get3A_467 = arith.index_cast %add3A_466 : i32 to index
      %get3A_468 = tpu.vector_load %arg8[%get3A_467] {strides = array<i32>} : memref<4000xi32, #tpu.memory_space<vmem>>, vector<16xi32>,
      %gather3A_469 = tpu.vector_load_idx %arg7[%get3A_468] : memref<51200xf32, #tpu.memory_space<vmem>>[vector<16xi32>], vector<16xf32>,
      %get3A_470 = arith.index_cast %add3A_466 : i32 to index
      %get3A_471 = tpu.vector_load %arg9[%get3A_470] {strides = array<i32>} : memref<4000xi32, #tpu.memory_space<vmem>>, vector<16xi32>,
      %gather3A_472 = tpu.vector_load_idx %arg6[%get3A_471] : memref<51200xf32, #tpu.memory_space<vmem>>[vector<16xi32>], vector<16xf32>,
      %mul3A_473 = arith.mulf %gather3A_469, %gather3A_472 : vector<16xf32>
      %swap3A_474 = arith.index_cast %add3A_466 : i32 to index
      %swap3A_475 = tpu.vector_load %arg10[%swap3A_474] {strides = array<i32>} : memref<4000xf32, #tpu.memory_space<vmem>>, vector<16xf32>,
      tpu.vector_store %arg10[%swap3A_474], %mul3A_473 {strides = array<i32>} : memref<4000xf32, #tpu.memory_space<vmem>>, vector<16xf32>,
      %scan3A_476 = arith.constant 0 : i32
      scf.yield %scan3A_476 : i32
    }
    %scan3A_375 = arith.constant 25 : i32
    %add3A_376 = arith.constant 48000 : i32
    %add3A_377 = arith.addi %add3A_291, %add3A_376 : i32
    %dma_start3A_378 = arith.constant 0 : i32
    %dma_start3A_379 = tpu.memref_slice %arg10[%dma_start3A_378] : memref<4000xf32, #tpu.memory_space<vmem>> -> memref<2000xf32, #tpu.memory_space<vmem>>
    %dma_start3A_380 = tpu.memref_slice %arg5[%add3A_377] : memref<1600000xf32, #tpu.memory_space<hbm>> -> memref<2000xf32, #tpu.memory_space<hbm>>
    %dma_start3A_381 = tpu.memref_slice %arg5[%add3A_377] : memref<1600000xf32, #tpu.memory_space<hbm>> -> memref<2000xf32, #tpu.memory_space<hbm>>
    %dma_start3A_382 = arith.constant 0 : i32
    %dma_start3A_383 = tpu.memref_slice %arg10[%dma_start3A_382] : memref<4000xf32, #tpu.memory_space<vmem>> -> memref<2000xf32, #tpu.memory_space<vmem>>
    tpu.enqueue_dma source(%dma_start3A_383 : memref<2000xf32, #tpu.memory_space<vmem>>) target(%dma_start3A_381 : memref<2000xf32, #tpu.memory_space<hbm>>) target_semaphore(%arg15 : memref<!tpu.dma_semaphore, #tpu.memory_space<semaphore_mem>>)
    %add3A_384 = arith.constant 48000 : i32
    %add3A_385 = arith.addi %add3A_291, %add3A_384 : i32
    %dma_wait3A_386 = arith.constant 0 : i32
    %dma_wait3A_387 = tpu.memref_slice %arg10[%dma_wait3A_386] : memref<4000xf32, #tpu.memory_space<vmem>> -> memref<2000xf32, #tpu.memory_space<vmem>>
    %dma_wait3A_388 = tpu.memref_slice %arg5[%add3A_385] : memref<1600000xf32, #tpu.memory_space<hbm>> -> memref<2000xf32, #tpu.memory_space<hbm>>
    %dma_wait3A_389 = tpu.memref_slice %arg5[%add3A_385] : memref<1600000xf32, #tpu.memory_space<hbm>> -> memref<2000xf32, #tpu.memory_space<hbm>>
    %dma_wait3A_390 = arith.constant 0 : i32
    %dma_wait3A_391 = tpu.memref_slice %arg10[%dma_wait3A_390] : memref<4000xf32, #tpu.memory_space<vmem>> -> memref<2000xf32, #tpu.memory_space<vmem>>
    tpu.wait_dma2 semaphore(%arg15 : memref<!tpu.dma_semaphore, #tpu.memory_space<semaphore_mem>>) src(%dma_wait3A_391 : memref<2000xf32, #tpu.memory_space<vmem>>) dst(%dma_wait3A_389 : memref<2000xf32, #tpu.memory_space<hbm>>)
    return
  }
}

module attributes {stable_mosaic.version = 14 : i64} {
  func.func @_rowsums_body(%arg0: i32, %arg1: memref<10000x64xf32, #tpu.memory_space<vmem>>, %arg2: memref<10000x64xf32, #tpu.memory_space<vmem>>, %arg3: memref<1x1x10000xf32, #tpu.memory_space<vmem>>, %arg4: memref<1x1x10000xf32, #tpu.memory_space<vmem>>) attributes {dimension_semantics = [#tpu.dimension_semantics<arbitrary>], iteration_bounds = array<i64: 5>, scalar_prefetch = 0 : i64, scratch_operands = 0 : i64, tpu.core_type = #tpu.core_type<tc>, window_params = [{transform_indices = @transform_0, window_bounds = array<i64: 10000, 64>}, {transform_indices = @transform_1, window_bounds = array<i64: 10000, 64>}, {transform_indices = @transform_2, window_bounds = array<i64: 1, 1, 10000>}, {transform_indices = @transform_3, window_bounds = array<i64: 1, 1, 10000>}]} {
    %broadcast_in_dim3A = arith.constant 1.000000e+00 : f32
    %broadcast_in_dim3A_0 = vector.broadcast %broadcast_in_dim3A : f32 to vector<64xf32>
    %get3A = arith.constant 0 : index
    %get3A_1 = arith.constant 0 : index
    %get3A_2 = vector.load %arg1[%get3A, %get3A_1] : memref<10000x64xf32, #tpu.memory_space<vmem>>, vector<10000x64xf32>
    %dot_general3A = arith.constant dense<0.000000e+00> : vector<10000xf32>
    %dot_general3A_3 = tpu.matmul %get3A_2, %broadcast_in_dim3A_0, %dot_general3A {dimension_numbers = #tpu.dot_dimension_numbers<[1], [0], [0], [], [0, 0], [], []>, transpose_lhs_hint = false} : vector<10000x64xf32>, vector<64xf32>, vector<10000xf32> -> vector<10000xf32>
    %swap3A = arith.constant 0 : index
    %swap3A_4 = arith.constant 0 : index
    %swap3A_5 = arith.constant 0 : index
    %swap3A_6 = vector.load %arg3[%swap3A, %swap3A_4, %swap3A_5] : memref<1x1x10000xf32, #tpu.memory_space<vmem>>, vector<1x1x10000xf32>
    %swap3A_7 = vector.shape_cast %swap3A_6 : vector<1x1x10000xf32> to vector<10000xf32>
    %swap3A_8 = vector.shape_cast %dot_general3A_3 : vector<10000xf32> to vector<1x1x10000xf32>
    tpu.vector_store %arg3[%swap3A, %swap3A_4, %swap3A_5], %swap3A_8 {strides = array<i32>} : memref<1x1x10000xf32, #tpu.memory_space<vmem>>, vector<1x1x10000xf32>,
    %get3A_9 = arith.constant 0 : index
    %get3A_10 = arith.constant 0 : index
    %get3A_11 = vector.load %arg2[%get3A_9, %get3A_10] : memref<10000x64xf32, #tpu.memory_space<vmem>>, vector<10000x64xf32>
    %dot_general3A_12 = arith.constant dense<0.000000e+00> : vector<10000xf32>
    %dot_general3A_13 = tpu.matmul %get3A_11, %broadcast_in_dim3A_0, %dot_general3A_12 {dimension_numbers = #tpu.dot_dimension_numbers<[1], [0], [0], [], [0, 0], [], []>, transpose_lhs_hint = false} : vector<10000x64xf32>, vector<64xf32>, vector<10000xf32> -> vector<10000xf32>
    %swap3A_14 = arith.constant 0 : index
    %swap3A_15 = arith.constant 0 : index
    %swap3A_16 = arith.constant 0 : index
    %swap3A_17 = vector.load %arg4[%swap3A_14, %swap3A_15, %swap3A_16] : memref<1x1x10000xf32, #tpu.memory_space<vmem>>, vector<1x1x10000xf32>
    %swap3A_18 = vector.shape_cast %swap3A_17 : vector<1x1x10000xf32> to vector<10000xf32>
    %swap3A_19 = vector.shape_cast %dot_general3A_13 : vector<10000xf32> to vector<1x1x10000xf32>
    tpu.vector_store %arg4[%swap3A_14, %swap3A_15, %swap3A_16], %swap3A_19 {strides = array<i32>} : memref<1x1x10000xf32, #tpu.memory_space<vmem>>, vector<1x1x10000xf32>,
    return
  }
  func.func @transform_0(%arg0: i32) -> (i32, i32) {
    %c0_i32 = arith.constant 0 : i32
    %c0_i32_0 = arith.constant 0 : i32
    return %arg0, %c0_i32 : i32, i32
  }
  func.func @transform_1(%arg0: i32) -> (i32, i32) {
    %c0_i32 = arith.constant 0 : i32
    %c0_i32_0 = arith.constant 0 : i32
    return %arg0, %c0_i32 : i32, i32
  }
  func.func @transform_2(%arg0: i32) -> (i32, i32, i32) {
    %c0_i32 = arith.constant 0 : i32
    %c0_i32_0 = arith.constant 0 : i32
    %c0_i32_1 = arith.constant 0 : i32
    return %arg0, %c0_i32, %c0_i32_0 : i32, i32, i32
  }
  func.func @transform_3(%arg0: i32) -> (i32, i32, i32) {
    %c0_i32 = arith.constant 0 : i32
    %c0_i32_0 = arith.constant 0 : i32
    %c0_i32_1 = arith.constant 0 : i32
    return %arg0, %c0_i32, %c0_i32_0 : i32, i32, i32
  }
}

</mosaic_0001>

<sc_bundles>
// kernel: kernel.4.cloned.1.call-start
scs
__scs_entry_jumppad:
0x0: {  	(pc) =	sbr.rel $0x88, $3  }
0x1: {  	(tag) =	ssettag $0x0;
	lr =	simm.s32 $0x1  }
0x2: {  	[smem:$0x3F9E] =	sst lr;
	_ =	strace $0xD0000000  }
0x3: {  	_ = 	snop  }
0x4: {  	_ = 	snop  }
0x5: {  	_ = 	snop  }
0x6: {  	_ = 	snop  }
0x7: {  	_ = 	snop  }
__scs_overlays_trampoline_lowered:
0x8: {  	[smem:$0x3FAD] =	sst s0  }
0x9: {  	[smem:$0x3FAE] =	sst s1  }
0xa: {  	[smem:$0x3FAF] =	sst s2  }
0xb: {  	[smem:$0x3FB0] =	sst s3  }
0xc: {  	[smem:$0x3FB1] =	sst s4  }
0xd: {  	[smem:$0x3FB2] =	sst s5  }
0xe: {  	[smem:$0x3FB3] =	sst s6  }
0xf: {  	[smem:$0x3FB4] =	sst s7  }
0x10: {  	[smem:$0x3FB5] =	sst s8  }
0x11: {  	[smem:$0x3FB6] =	sst s9;
	s0 =	simm.s32 @!p0 $0x0  }
0x12: {  	s1 =	sld [smem:$0x3F9C];
	s0 =	simm.s32 @p0 $0x1  }
0x13: {  	[smem:$0x3FB7] =	sst s0;
	s0 =	simm.s32 @!p1 $0x0  }
0x14: {  	s2 =	sld [smem:$0x3F9B];
	s0 =	simm.s32 @p1 $0x1  }
0x15: {  	[smem:$0x3FB8] =	sst s0;
	s0 =	simm.s32 @!p2 $0x0  }
0x16: {  	s3 =	sld [smem:$0x3FDB];
	s0 =	simm.s32 @p2 $0x1  }
0x17: {  	s4 =	simm.s32 $0x1BF5;
	[smem:$0x3FBA] =	sst s0  }
0x18: {  	s0 =	sld [smem:$0x3F9D];
	_ =	swait.ge [sflag:s4], $0x0  }
0x19: {  	s7 =	sld [smem:$0x3F9E]  }
0x1a: {  	s8 =	sadd.s32 $0xFFFFE003, lr  }
0x1b: {  	s9 =	sadd.s32 $0xFFFFFEF7, lr;
	s5 =	simm.s32 $0xFFFFFFFF;
	p2 =	slt.u32 s8, $0xFFFFF086  }
0x1c: {  	p1 =	slt.u32 s9, $0xF7A;
	s5 =	simm.s32 @!p2 $0x0  }
0x1d: {  	s5 =	simm.s32 @p1 $0x1;
	p0 =	seq.s32 s7, s2  }
0x1e: {  	s7 =	smul.u32 @!p0 $0xF7A, s2;
	p2 =	seq.s32 @!p0 s5, $0x0  }
0x1f: {  	s9 =	smul.u32 $0xF7A, s1;
	s8 =	simm.s32 @!p0 $0x1BF5;
	p2 =	por !p2, p0  }
0x20: {  	[sflag:s8] =	ssyncset.s32 @!p0 $0xFFFFF086;
	s6 =	sadd.s32 @!p0 s3, s7;
	s7 =	simm.s32 @!p0 $0x108  }
0x21: {  	s3 =	sadd.s32 s3, s9;
	s6 =	sadd.s32 @!p0 $0x88, s6;
	s7 =	simm.s32 @p2 $0x1082  }
0x22: {  	[simem:s7], [sflag:s8] =	dma.local @!p0 [hbm:s6], $0xF7A  }
0x23: {  	s9 =	sor.u32 $0xD0000000, s2;
	s6 =	simm.s32 $0x108;
	_ =	swait.ge @!p0 [sflag:s8], $0x0  }
0x24: {  	s3 =	sadd.s32 $0x88, s3;
	s6 =	simm.s32 @!p1 $0x1082;
	[sflag:s4] =	ssyncset.s32 $0xFFFFF086  }
0x25: {  	[simem:s6], [sflag:s4] =	dma.local [hbm:s3], $0xF7A  }
0x26: {  	[smem:$0x3F9E] =	sst s1;
	(tag) =	ssettag s2;
	_ =	strace s9  }
0x27: {  	s1 =	sld [smem:$0x3FAE]  }
0x28: {  	s2 =	sld [smem:$0x3FAF]  }
0x29: {  	s4 =	sld [smem:$0x3FB1]  }
0x2a: {  	p0 =	seq.s32 s5, $0x0;
	s5 =	sld [smem:$0x3FB2]  }
0x2b: {  	s6 =	sld [smem:$0x3FB3]  }
0x2c: {  	s7 =	sld [smem:$0x3FB4]  }
0x2d: {  	s3 =	simm.s32 $0x108;
	s8 =	sld [smem:$0x3FB5]  }
0x2e: {  	s3 =	simm.s32 @!p0 $0x1082;
	s9 =	sld [smem:$0x3FB6]  }
0x2f: {  	lr =	sadd.s32 s0, s3;
	s0 =	sld [smem:$0x3FAD]  }
0x30: {  	s3 =	sld [smem:$0x3FB0]  }
0x31: {  	[smem:$0x3FB9] =	sst s10  }
0x32: {  	s10 =	sld [smem:$0x3FB7];
	_ =	sdelay $0x3  }
0x33: {  	p0 =	seq.s32 s10, $0x1;
	s10 =	sld [smem:$0x3FB9];
	_ =	sdelay $0x3  }
0x34: {  	[smem:$0x3FB9] =	sst s10  }
0x35: {  	s10 =	sld [smem:$0x3FB8];
	_ =	sdelay $0x3  }
0x36: {  	p1 =	seq.s32 s10, $0x1;
	s10 =	sld [smem:$0x3FB9];
	_ =	sdelay $0x3  }
0x37: {  	[smem:$0x3FB9] =	sst s10  }
0x38: {  	s10 =	sld [smem:$0x3FBA]  }
0x39: {  	_ = 	snop;
	(pc) =	sbr.ind lr, $3  }
0x3a: {  	_ = 	snop  }
0x3b: {  	_ = 	snop  }
0x3c: {  	p2 =	seq.s32 s10, $0x1;
	s10 =	sld [smem:$0x3FB9]  }
0x3d: {  	_ =	shalt  }
0x3e: {  	_ =	shalt  }
0x3f: {  	_ =	shalt  }
0x40: {  	_ =	shalt  }
0x41: {  	_ =	shalt  }
0x42: {  	_ =	shalt  }
0x43: {  	_ =	shalt  }
0x44: {  	_ =	shalt  }
0x45: {  	_ =	shalt  }
0x46: {  	_ =	shalt  }
0x47: {  	_ =	shalt  }
0x48: {  	_ =	shalt  }
0x49: {  	_ =	shalt  }
0x4a: {  	_ =	shalt  }
0x4b: {  	_ =	shalt  }
0x4c: {  	_ =	shalt  }
0x4d: {  	_ =	shalt  }
0x4e: {  	_ =	shalt  }
0x4f: {  	_ =	shalt  }
0x50: {  	_ =	shalt  }
0x51: {  	_ =	shalt  }
0x52: {  	_ =	shalt  }
0x53: {  	_ =	shalt  }
0x54: {  	_ =	shalt  }
0x55: {  	_ =	shalt  }
0x56: {  	_ =	shalt  }
0x57: {  	_ =	shalt  }
0x58: {  	_ =	shalt  }
0x59: {  	_ =	shalt  }
0x5a: {  	_ =	shalt  }
0x5b: {  	_ =	shalt  }
0x5c: {  	_ =	shalt  }
0x5d: {  	_ =	shalt  }
0x5e: {  	_ =	shalt  }
0x5f: {  	_ =	shalt  }
0x60: {  	_ =	shalt  }
0x61: {  	_ =	shalt  }
0x62: {  	_ =	shalt  }
0x63: {  	_ =	shalt  }
0x64: {  	_ =	shalt  }
0x65: {  	_ =	shalt  }
0x66: {  	_ =	shalt  }
0x67: {  	_ =	shalt  }
0x68: {  	_ =	shalt  }
0x69: {  	_ =	shalt  }
0x6a: {  	_ =	shalt  }
0x6b: {  	_ =	shalt  }
0x6c: {  	_ =	shalt  }
0x6d: {  	_ =	shalt  }
0x6e: {  	_ =	shalt  }
0x6f: {  	_ =	shalt  }
0x70: {  	_ =	shalt  }
0x71: {  	_ =	shalt  }
0x72: {  	_ =	shalt  }
0x73: {  	_ =	shalt  }
0x74: {  	_ =	shalt  }
0x75: {  	_ =	shalt  }
0x76: {  	_ =	shalt  }
0x77: {  	_ =	shalt  }
0x78: {  	_ =	shalt  }
0x79: {  	_ =	shalt  }
0x7a: {  	_ =	shalt  }
0x7b: {  	_ =	shalt  }
0x7c: {  	_ =	shalt  }
0x7d: {  	_ =	shalt  }
0x7e: {  	_ =	shalt  }
0x7f: {  	_ =	shalt  }
0x80: {  	_ =	shalt  }
0x81: {  	_ =	shalt  }
0x82: {  	_ =	shalt  }
0x83: {  	_ =	shalt  }
0x84: {  	_ =	shalt  }
0x85: {  	_ =	shalt  }
0x86: {  	_ =	shalt  }
0x87: {  	_ =	shalt  }
.Lfunc_end0:
.L_simem_size_0:
called_computation_lowered:
.L_overlay_start_0:
0x88: {  	s2 =	sld [smem:$0x3FD9]  }
0x89: {  	s3 =	sld [smem:$0x3FFE];
	_ =	sdelay $0x1  }
0x8a: {  	s1 =	srdreg.scid  }
0x8b: {  	s0 =	sand.u32 $0x1, s1  }
0x8c: {  	s14 =	sshll.u32 s0, $0xA;
	s2 =	sadd.s32 s3, s2  }
0x8d: {  	s2 =	sadd.s32 s2, s14  }
0x8e: {  	[smem:$0x3FC5] =	sst s2  }
0x8f: {  	_ = 	snop  }
0x90: {  	s2 =	sld [smem:$0x3FD0];
	_ =	sdelay $0x2  }
0x91: {  	s15 =	simm.s32 $0xA;
	s4 =	simm.s32 $0x10  }
0x92: {  	[smem:s4], [sflag:s15] =	dma.local [hbm:s2], $0x1  }
0x93: {  	_ =	swait.eq [sflag:s15], $0x1  }
0x94: {  	[sflag:s15] =	ssyncset.done $0x0  }
0x95: {  	s16 =	sld [smem:$0x10];
	[sflag:s15] =	ssyncadd.s32 $0xFFFFFFFF  }
0x96: {  	s17 =	sld [smem:$0x11];
	(tm) =	ssettm $0x1  }
0x97: {  	s18 =	sld [smem:$0x3FFB];
	_ =	sdelay $0x3  }
0x98: {  	_ =	strace s18  }
0x99: {  	s4 =	sld [smem:$0x3FFC];
	_ =	sdelay $0x3  }
0x9a: {  	_ =	strace s4  }
0x9b: {  	s4 =	sld [smem:$0x3FFD];
	_ =	sdelay $0x3  }
0x9c: {  	_ =	strace s4  }
0x9d: {  	_ =	strace $0x8FFFFFFF  }
0x9e: {  	s19 =	sld [smem:$0x3FDB];
	_ =	sdelay $0x1  }
0x9f: {  	s5 =	simm.s32 $_scs_section_size  }
0xa0: {  	s6 =	simm.s32 $_size__tile_overlayer_lowered;
	s7 =	simm.s32 $_tile_overlayer_lowered  }
0xa1: {  	s22 =	simm.s32 $0x1BFF;
	s21 =	sshll.u32 s7, $0x1;
	s4 =	sadd.s32 s5, s19  }
0xa2: {  	s8 =	simm.s32 $0x0;
	s20 =	sshll.u32 s6, $0x1;
	s6 =	sadd.s32 s21, s4  }
0xa3: {  	[timem:s8], [sflag:s22] =	dma.local [hbm:s6], s20  }
0xa4: {  	_ =	swait.ge [sflag:s22], s20  }
0xa5: {  	s5 =	ssub.s32 $0x0, s20;
	[sflag:s22] =	ssyncset.done $0x0  }
0xa6: {  	[sflag:s22] =	ssyncadd.s32 s5;
	_ =	sdelay $0x1  }
0xa7: {  	s23 =	simm.s32 $0x1B8B  }
0xa8: {  	_ =	swait.ge [sflag:s23], $0x1  }
0xa9: {  	[sflag:s23] =	ssyncset.done $0x0  }
0xaa: {  	s25 =	simm.s32 $0x1B8E;
	s24 =	sld [smem:$0x3FFE];
	[sflag:s23] =	ssyncadd.s32 $0xFFFFFFFF  }
0xab: {  	s26 =	simm.s32 $execute0_lowered;
	[smem:$0x3FD2] =	sst s25  }
0xac: {  	s6 =	sshll.u32 s26, $0x1;
	_ =	strace $0x80000046;
	[dreg:$0x1] =	wrdreg $0xFFFFFFFF  }
0xad: {  	s28 =	simm.s32 $_size_execute0_lowered;
	s4 =	sadd.s32 s4, s6;
	[dreg:$0x0] =	wrdreg $0x0  }
0xae: {  	s6 =	sshll.u32 s28, $0x1;
	[dreg:$0x2] =	wrdreg s4  }
0xaf: {  	[dreg:$0x3] =	wrdreg s6  }
0xb0: {  	[dreg:$0x4] =	wrdreg $0xC0  }
0xb1: {  	_ =	task [dreg:s8], $0x5FFFF  }
0xb2: {  	[dreg:$0x1] =	wrdreg $0xFFFFFFFF  }
0xb3: {  	[dreg:$0x0] =	wrdreg $0x60  }
0xb4: {  	[dreg:$0x2] =	wrdreg s17  }
0xb5: {  	[dreg:$0x3] =	wrdreg s16  }
0xb6: {  	[dreg:$0x4] =	wrdreg s24  }
0xb7: {  	[dreg:$0x5] =	wrdreg $0x1CC800  }
0xb8: {  	[dreg:$0x6] =	wrdreg $0x9  }
0xb9: {  	_ =	task.clear_ibuf [dreg:s8], $0x7FFFF;
	_ =	strace $0x90000046  }
0xba: {  	s29 =	simm.s32 $0x9;
	_ =	strace $0x80000048  }
0xbb: {  	_ =	swait.ge [sflag:s29], $0x1  }
0xbc: {  	[sflag:s29] =	ssyncadd.s32 $0xFFFFFFFF  }
0xbd: {  	_ =	strace $0x90000048  }
0xbe: {  	_ =	sfence  }
0xbf: {  	s30 =	sld [smem:$0x0];
	_ =	sdelay $0x2  }
0xc0: {  	s31 =	sshll.u32 s1, $0xD;
	s1 =	sshrl.u32 s1, $0x2  }
0xc1: {  	s3 =	sand.u32 $0x4000, s31;
	s1 =	sadd.s32 s1, s30  }
0xc2: {  	s0 =	sor.u32 s3, s0;
	s1 =	sshll.u32 s1, $0x11  }
0xc3: {  	s0 =	sor.u32 s1, s0  }
0xc4: {  	s0 =	sadd.s32 $0x8F2B, s0  }
0xc5: {  	[sflag:s0] =	ssyncadd.remote.s32 $0x1  }
0xc6: {  	_ =	sfence.sel $0xFFFF  }
0xc7: {  	[dreg:$0x0] =	wrdreg $0xFFFFFFFF;
	(pc) =	sbr.abs _section_cstart, $3  }
0xc8: {  	[dreg:$0x1] =	wrdreg $0xFFFFFFFF  }
0xc9: {  	_ =	task.clear_ibuf [dreg:s8], $0x2FFFF;
	_ =	strace $0x9FFFFFFF  }
0xca: {  	(tm) =	ssettm $0x7FFFFFFF  }
0xcb: {  	_ =	shalt  }
tec
execute0_lowered:
.L_overlay_start_1:
0x0: {  	(tag) =	ssettag $0x1  }
0x1: {  	s0 =	rddreg [dreg:$0x0]  }
0x2: {  	s1 =	rddreg [dreg:$0x1]  }
0x3: {  	s2 =	rddreg [dreg:$0x2]  }
0x4: {  	s16 =	rddreg [dreg:$0x3];
	s3 =	simm.s32 $0x0;
	s4 =	srdreg.scid  }
0x5: {  	s19 =	stileid.u32;
	s30 =	simm.s32 $0x19000;
	s31 =	simm.s32 $0x197D0  }
0x6: {  	s28 =	simm.s32 $0x0;
	s8 =	sand.u32 $0x1, s4;
	s4 =	smul.u32 $0xC350, s19  }
0x7: {  	[smem:$0x7FF] =	sst s3;
	s5 =	sadd.s32 $0x1200, s2;
	s22 =	smul.u32 $0x32000, s19  }
0x8: {  	s6 =	sadd.s32 $0x32000, s2;
	s24 =	smul.u32 $0xC80, s19;
	s18 =	sand.u32 $0xC, s19  }
0x9: {  	p2 =	sgt.u32 s19, $0x3;
	p3 =	slt.u32 s19, $0xC;
	s25 =	smul.u32 $0x186A, s8  }
0xa: {  	s19 =	simm.s32 $0xC800;
	_ =	strace $0x80000047;
	s13 =	smul.u32 $0xC800, s8  }
0xb: {  	s7 =	ssub.s32 $0x2, s8;
	s8 =	smul.u32 $0xC3500, s8;
	p0 =	sne.s32 s18, $0x4  }
0xc: {  	p1 =	sne.s32 s18, $0x8;
	s18 =	simm.s32 $0x5;
	s21 =	sshrl.u32 s7, $0x1  }
0xd: {  	s9 =	sshrl.u32 s4, $0x3;
	s11 =	sadd.s32 $0xC44A0, s4;
	s14 =	sadd.s32 s24, s16  }
0xe: {  	s12 =	sadd.s32 $0xC4C70, s4;
	s2 =	ssub.s32 s7, s21;
	s17 =	sadd.s32 $0x25800, s14  }
0xf: {  	s7 =	sadd.s32 $0xC3500, s4;
	s0 =	sadd.s32 s0, s25;
	[dreg:$0x9] =	wrdreg s17  }
0x10: {  	s20 =	sadd.s32 s5, s9;
	s9 =	sshrl.u32 s22, $0x2;
	[dreg:$0xa] =	wrdreg s0  }
0x11: {  	s15 =	sadd.s32 $0xC800, s14;
	s23 =	sadd.s32 $0x1879A, s20;
	[dreg:$0x5] =	wrdreg s20  }
0x12: {  	s26 =	sadd.s32 $0x19000, s14;
	s22 =	sadd.s32 s9, s16;
	[dreg:$0x7] =	wrdreg s23  }
0x13: {  	s10 =	sshrl.u32 s7, $0x3;
	s25 =	sadd.s32 $0xFA, s20;
	[dreg:$0x8] =	wrdreg s22  }
0x14: {  	s21 =	sadd.s32 s4, s8;
	s10 =	sadd.s32 s5, s10;
	[dreg:$0x12] =	wrdreg s25  }
0x15: {  	s17 =	sshrl.u32 s21, $0x3;
	s9 =	sadd.s32 $0xFFFCE000, s22;
	[dreg:$0x6] =	wrdreg s10  }
0x16: {  	s29 =	sadd.s32 $0x7D0, s21;
	s23 =	smax.u32 s2, $0x1;
	[dreg:$0xb] =	wrdreg s9  }
0x17: {  	s10 =	sadd.s32 s24, s13;
	s13 =	sadd.s32 $0xFFF9C000, s22;
	[dreg:$0x10] =	wrdreg s23  }
0x18: {  	s20 =	simm.s32 $0x1B000;
	s22 =	sadd.s32 $0xFFF6A000, s22;
	[dreg:$0xc] =	wrdreg s13  }
0x19: {  	s24 =	sadd.s32 $0xC800, s16;
	s0 =	sshrl.u32 s10, $0x3;
	[dreg:$0xe] =	wrdreg s22  }
0x1a: {  	s2 =	simm.s32 $0x2;
	[dreg:$0x11] =	wrdreg s24;
	s0 =	sadd.s32 s1, s0  }
0x1b: {  	s23 =	simm.s32 $0x1A7D0;
	[dreg:$0xd] =	wrdreg s0;
	s0 =	sadd.s32 s6, s17  }
0x1c: {  	s22 =	simm.s32 $0x1A000;
	s24 =	simm.s32 $0x1B7D0;
	s0 =	sadd.s32 $0x1770, s0  }
0x1d: {  	v0 =	vimm.f32 $0.0e+00;
	v1 =	vimm.f32 $1.000000000e+00;
	s1 =	simm.s32 $0x1C000;
	[dreg:$0xf] =	wrdreg s0;
	s0 =	simm.s32 $0x1  }
.LBB2_1:
0x1e: {  	s8 =	simm.s32 $0x0;
	s9 =	simm.s32 $0x200  }
.LBB2_2:
0x1f: {  	p4 =	sne.s32 s9, $0x31E00;
	[tilespmem:s8+$0x70] =	vst v0  }
0x20: {  	[tilespmem:s8+$0x0] =	vst v0  }
0x21: {  	[tilespmem:s8+$0x10] =	vst v0  }
.Ltmp0:
0x22: {  	[tilespmem:s8+$0x20] =	vst v0;
	(pc) =	sbr.rel @p4 .LBB2_2-.Ltmp0, $4  }
0x23: {  	[tilespmem:s8+$0x30] =	vst v0  }
0x24: {  	[tilespmem:s8+$0x40] =	vst v0  }
0x25: {  	[tilespmem:s8+$0x50] =	vst v0  }
0x26: {  	[tilespmem:s8+$0x60] =	vst v0;
	s8 =	sshra.s32 s9, $0x2;
	s9 =	sadd.s32 $0x200, s9  }
0x27: {  	[tilespmem:s8+$0x70] =	vst v0  }
0x28: {  	[tilespmem:s8+$0x0] =	vst v0  }
0x29: {  	[tilespmem:s8+$0x10] =	vst v0  }
0x2a: {  	[tilespmem:s8+$0x20] =	vst v0  }
0x2b: {  	[tilespmem:s8+$0x30] =	vst v0  }
0x2c: {  	[tilespmem:s8+$0x40] =	vst v0  }
0x2d: {  	[tilespmem:s8+$0x50] =	vst v0  }
0x2e: {  	[tilespmem:s8+$0x60] =	vst v0;
	s8 =	simm.s32 $0x0;
	s9 =	rddreg [dreg:$0x6]  }
0x2f: {  	[tilespmem:s30], [sflag:$0x1] =	stream.linear.gather [hbm4b:s9+s8], $0x7D0, $0x38;
	[tilespmem:$0x1FE80] =	vst v63  }
0x30: {  	s25 =	rddreg [dreg:$0x7]  }
0x31: {  	[tilespmem:s31], [sflag:$0x2] =	stream.linear.gather [hbm4b:s25+s8], $0x7D0, $0x38;
	[tilespmem:$0x1FE80] =	vst v63  }
.LBB2_4:
0x32: {  	_ =	swait.ge [sflag:s0], $0x7D0  }
0x33: {  	[sflag:s0] =	ssyncset.done $0x0  }
0x34: {  	s9 =	simm.s32 $0x0;
	[sflag:s0] =	ssyncadd.s32 $0xFFFFF830  }
.LBB2_5:
0x35: {  	s10 =	sshra.s32 s9, $0x2  }
0x36: {  	v2 =	vld [tilespmem:s10+$0x19000];
	_ =	sdelay $0x7  }
0x37: {  	[tilespmem:v2+s3+$0x0] =	vst.idx.add.f32.msk $0xffff, v1  }
0x38: {  	v2 =	vld [tilespmem:s10+$0x19010];
	_ =	sdelay $0x7  }
0x39: {  	[tilespmem:v2+s3+$0x0] =	vst.idx.add.f32.msk $0xffff, v1  }
0x3a: {  	v2 =	vld [tilespmem:s10+$0x19020];
	_ =	sdelay $0x7  }
0x3b: {  	[tilespmem:v2+s3+$0x0] =	vst.idx.add.f32.msk $0xffff, v1  }
0x3c: {  	v2 =	vld [tilespmem:s10+$0x19030];
	_ =	sdelay $0x7  }
0x3d: {  	[tilespmem:v2+s3+$0x0] =	vst.idx.add.f32.msk $0xffff, v1  }
0x3e: {  	v2 =	vld [tilespmem:s10+$0x19040];
	_ =	sdelay $0x2  }
0x3f: {  	p4 =	sne.s32 s9, $0x1E00  }
.Ltmp1:
0x40: {  	_ = 	snop;
	(pc) =	sbr.rel @p4 .LBB2_5-.Ltmp1, $2  }
0x41: {  	_ =	sdelay $0x2  }
0x42: {  	s9 =	sadd.s32 $0x140, s9;
	[tilespmem:v2+s3+$0x0] =	vst.idx.add.f32.msk $0xffff, v1  }
0x43: {  	s9 =	smul.u32 $0xFA0, s8;
	_ =	sdelay $0x1  }
0x44: {  	s10 =	sadd.s32 s9, s11  }
0x45: {  	s10 =	sshrl.u32 s10, $0x3  }
0x46: {  	s13 =	sadd.s32 s5, s10;
	s10 =	simm.s32 $0x0  }
0x47: {  	[tilespmem:s30], [sflag:$0x1] =	stream.linear.gather [hbm4b:s13+s10], $0x7D0, $0x38;
	[tilespmem:$0x1FE80] =	vst v63  }
0x48: {  	_ =	swait.ge [sflag:s2], $0x7D0  }
0x49: {  	[sflag:s2] =	ssyncset.done $0x0  }
0x4a: {  	s13 =	simm.s32 $0x19810;
	[sflag:s2] =	ssyncadd.s32 $0xFFFFF830  }
.LBB2_7:
0x4b: {  	v2 =	vld [tilespmem:s13+$0xFFFFFFC0];
	_ =	sdelay $0x7  }
0x4c: {  	[tilespmem:v2+s3+$0x0] =	vst.idx.add.f32.msk $0xffff, v1  }
0x4d: {  	v2 =	vld [tilespmem:s13+$0xFFFFFFD0];
	_ =	sdelay $0x7  }
0x4e: {  	[tilespmem:v2+s3+$0x0] =	vst.idx.add.f32.msk $0xffff, v1  }
0x4f: {  	v2 =	vld [tilespmem:s13+$0xFFFFFFE0];
	_ =	sdelay $0x7  }
0x50: {  	s25 =	sand.u32 $0xFF0, s10;
	[tilespmem:v2+s3+$0x0] =	vst.idx.add.f32.msk $0xffff, v1  }
0x51: {  	v2 =	vld [tilespmem:s25+$0x19800];
	_ =	sdelay $0x7  }
0x52: {  	[tilespmem:v2+s3+$0x0] =	vst.idx.add.f32.msk $0xffff, v1  }
0x53: {  	v2 =	vld [tilespmem:s13+$0x0];
	_ =	sdelay $0x2  }
0x54: {  	p4 =	sne.s32 s10, $0x780  }
.Ltmp2:
0x55: {  	_ = 	snop;
	(pc) =	sbr.rel @p4 .LBB2_7-.Ltmp2, $2  }
0x56: {  	_ =	sdelay $0x2  }
0x57: {  	s10 =	sadd.s32 $0x50, s10;
	s13 =	sadd.s32 $0x50, s13;
	[tilespmem:v2+s3+$0x0] =	vst.idx.add.f32.msk $0xffff, v1  }
0x58: {  	p4 =	seq.s32 s8, $0xB  }
.Ltmp3:
0x59: {  	_ = 	snop;
	(pc) =	sbr.rel @p4 .LBB2_10-.Ltmp3, $1  }
0x5a: {  	_ =	sdelay $0x3  }
.Ltmp4:
0x5b: {  	(pc) =	sbr.rel .LBB2_4-.Ltmp4, $4  }
0x5c: {  	s9 =	sadd.s32 s9, s12  }
0x5d: {  	s9 =	sshrl.u32 s9, $0x3  }
0x5e: {  	s8 =	sadd.s32 $0x1, s8;
	s9 =	sadd.s32 s5, s9  }
0x5f: {  	[tilespmem:s31], [sflag:$0x2] =	stream.linear.gather [hbm4b:s9+s3], $0x7D0, $0x38;
	[tilespmem:$0x1FE80] =	vst v63  }
.LBB2_10:
0x60: {  	_ =	swait.ge [sflag:s0], $0x7D0  }
0x61: {  	[sflag:s0] =	ssyncset.done $0x0  }
0x62: {  	s8 =	simm.s32 $0x0;
	s13 =	rddreg [dreg:$0x9];
	[sflag:s0] =	ssyncadd.s32 $0xFFFFF830  }
.LBB2_11:
0x63: {  	s9 =	sshra.s32 s8, $0x2  }
0x64: {  	v2 =	vld [tilespmem:s9+$0x19000];
	_ =	sdelay $0x7  }
0x65: {  	[tilespmem:v2+s3+$0x0] =	vst.idx.add.f32.msk $0xffff, v1  }
0x66: {  	v2 =	vld [tilespmem:s9+$0x19010];
	_ =	sdelay $0x7  }
0x67: {  	[tilespmem:v2+s3+$0x0] =	vst.idx.add.f32.msk $0xffff, v1  }
0x68: {  	v2 =	vld [tilespmem:s9+$0x19020];
	_ =	sdelay $0x7  }
0x69: {  	[tilespmem:v2+s3+$0x0] =	vst.idx.add.f32.msk $0xffff, v1  }
0x6a: {  	v2 =	vld [tilespmem:s9+$0x19030];
	_ =	sdelay $0x7  }
0x6b: {  	[tilespmem:v2+s3+$0x0] =	vst.idx.add.f32.msk $0xffff, v1  }
0x6c: {  	v2 =	vld [tilespmem:s9+$0x19040];
	_ =	sdelay $0x2  }
0x6d: {  	p4 =	sne.s32 s8, $0x1E00  }
.Ltmp5:
0x6e: {  	_ = 	snop;
	(pc) =	sbr.rel @p4 .LBB2_11-.Ltmp5, $2  }
0x6f: {  	_ =	sdelay $0x2  }
0x70: {  	s8 =	sadd.s32 $0x140, s8;
	[tilespmem:v2+s3+$0x0] =	vst.idx.add.f32.msk $0xffff, v1  }
0x71: {  	s8 =	simm.s32 @!p2 $0x0;
	s9 =	rddreg [dreg:$0x8]  }
0x72: {  	[spmem:s9] =	stream.linear.scatter @!p2 [tilespmem:s8], [sflag:$0x5], $0xC800, $0x38;
	[tilespmem:$0x1FE80] =	vst v63  }
0x73: {  	s8 =	simm.s32 @!p2 $0x5  }
0x74: {  	_ =	swait.ge @!p2 [sflag:s8], $0xC800  }
0x75: {  	[sflag:s8] =	ssyncset.done @!p2 $0x0  }
0x76: {  	[sflag:s8] =	ssyncadd.s32 @!p2 $0xFFFF3800  }
0x77: {  	[bflag:$0x0] =	sbarrier.arrive $0xFFFF  }
0x78: {  	[tilespmem:s1], [sflag:$0x5] =	stream.linear.gather [spmem:s14], $0xC80, $0x38;
	[tilespmem:$0x1FE80] =	vst v63  }
0x79: {  	_ =	swait.ge [sflag:s18], $0xC80  }
0x7a: {  	[sflag:s18] =	ssyncset.done $0x0  }
0x7b: {  	s8 =	simm.s32 $0x0;
	[sflag:s18] =	ssyncadd.s32 $0xFFFFF380  }
0x7c: {  	v5 =	vld [tilespmem:s8+$0x1C070]  }
0x7d: {  	v6 =	vld [tilespmem:s8+$0x1C000]  }
0x7e: {  	v7 =	vld [tilespmem:s8+$0x1C010]  }
0x7f: {  	v4 =	vld [tilespmem:s8+$0x1C020]  }
0x80: {  	v2 =	vld [tilespmem:s8+$0x1C030]  }
0x81: {  	v3 =	vld [tilespmem:s8+$0x1C040];
	[tilespmem:s8+$0x1B070] =	vst v5  }
0x82: {  	[tilespmem:s8+$0x1B000] =	vst v6;
	v5 =	vld [tilespmem:s8+$0x1C050]  }
0x83: {  	s10 =	simm.s32 $0x400;
	s9 =	simm.s32 $0x80;
	[tilespmem:s8+$0x1B010] =	vst v7;
	v6 =	vld [tilespmem:s8+$0x1C060]  }
.LBB2_13:
0x84: {  	p4 =	sne.s32 s10, $0x3000;
	v7 =	vld [tilespmem:s9+$0x1C070];
	[tilespmem:s8+$0x1B020] =	vst v4  }
0x85: {  	v8 =	vld [tilespmem:s9+$0x1C000];
	[tilespmem:s8+$0x1B030] =	vst v2  }
0x86: {  	v9 =	vld [tilespmem:s9+$0x1C010];
	[tilespmem:s8+$0x1B040] =	vst v3  }
.Ltmp6:
0x87: {  	v4 =	vld [tilespmem:s9+$0x1C020];
	[tilespmem:s8+$0x1B050] =	vst v5;
	(pc) =	sbr.rel @p4 .LBB2_13-.Ltmp6, $4  }
0x88: {  	v2 =	vld [tilespmem:s9+$0x1C030];
	[tilespmem:s8+$0x1B060] =	vst v6;
	s8 =	smov.u32 s9  }
0x89: {  	v3 =	vld [tilespmem:s8+$0x1C040];
	[tilespmem:s8+$0x1B070] =	vst v7  }
0x8a: {  	[tilespmem:s8+$0x1B000] =	vst v8;
	v5 =	vld [tilespmem:s8+$0x1C050]  }
0x8b: {  	s9 =	sshra.s32 s10, $0x2;
	s10 =	sadd.s32 $0x200, s10;
	[tilespmem:s8+$0x1B010] =	vst v9;
	v6 =	vld [tilespmem:s8+$0x1C060]  }
0x8c: {  	v7 =	vld [tilespmem:s9+$0x1C070];
	[tilespmem:s8+$0x1B020] =	vst v4  }
0x8d: {  	v4 =	vld [tilespmem:s9+$0x1C000];
	[tilespmem:s8+$0x1B030] =	vst v2  }
0x8e: {  	v2 =	vld [tilespmem:s9+$0x1C010];
	[tilespmem:s8+$0x1B040] =	vst v3  }
0x8f: {  	v3 =	vld [tilespmem:s9+$0x1C020];
	[tilespmem:s8+$0x1B050] =	vst v5  }
0x90: {  	v5 =	vld [tilespmem:s9+$0x1C030];
	[tilespmem:s8+$0x1B060] =	vst v6  }
0x91: {  	v6 =	vld [tilespmem:s9+$0x1C040];
	[tilespmem:s9+$0x1B070] =	vst v7  }
0x92: {  	[tilespmem:s9+$0x1B000] =	vst v4;
	v4 =	vld [tilespmem:s9+$0x1C050]  }
0x93: {  	[tilespmem:s9+$0x1B010] =	vst v2;
	v2 =	vld [tilespmem:s9+$0x1C060]  }
0x94: {  	[tilespmem:s9+$0x1B020] =	vst v3  }
0x95: {  	[tilespmem:s9+$0x1B030] =	vst v5  }
0x96: {  	[tilespmem:s9+$0x1B040] =	vst v6  }
0x97: {  	[tilespmem:s9+$0x1B050] =	vst v4  }
0x98: {  	[tilespmem:s9+$0x1B060] =	vst v2  }
0x99: {  	[tilespmem:s1], [sflag:$0x5] =	stream.linear.gather [spmem:s15], $0xC80, $0x38;
	[tilespmem:$0x1FE80] =	vst v63  }
0x9a: {  	_ =	swait.ge [sflag:s18], $0xC80  }
0x9b: {  	[sflag:s18] =	ssyncset.done $0x0  }
0x9c: {  	s8 =	simm.s32 $0x0;
	[sflag:s18] =	ssyncadd.s32 $0xFFFFF380  }
0x9d: {  	v9 =	vld [tilespmem:s8+$0x1C000]  }
0x9e: {  	v13 =	vld [tilespmem:s8+$0x1C010]  }
0x9f: {  	v7 =	vld [tilespmem:s8+$0x1C020]  }
0xa0: {  	v6 =	vld [tilespmem:s8+$0x1C030]  }
0xa1: {  	v5 =	vld [tilespmem:s8+$0x1C040]  }
0xa2: {  	v4 =	vld [tilespmem:s8+$0x1C050]  }
0xa3: {  	v3 =	vld [tilespmem:s8+$0x1C060]  }
0xa4: {  	v2 =	vld [tilespmem:s8+$0x1C070]  }
0xa5: {  	v14 =	vld [tilespmem:s8+$0x1B000]  }
0xa6: {  	v15 =	vld [tilespmem:s8+$0x1B010]  }
0xa7: {  	v12 =	vld [tilespmem:s8+$0x1B020]  }
0xa8: {  	v11 =	vld [tilespmem:s8+$0x1B030]  }
0xa9: {  	v10 =	vld [tilespmem:s8+$0x1B040]  }
0xaa: {  	v8 =	vld [tilespmem:s8+$0x1B050];
	v14 =	vadd.f32 v9, v14  }
0xab: {  	s9 =	simm.s32 $0x200;
	v13 =	vadd.f32 v13, v15;
	v9 =	vld [tilespmem:s8+$0x1B060]  }
.LBB2_15:
0xac: {  	s10 =	sshra.s32 s9, $0x2;
	p4 =	sne.s32 s9, $0x3000;
	[tilespmem:s8+$0x1B000] =	vst v14;
	v7 =	vadd.f32 v7, v12;
	v12 =	vld [tilespmem:s8+$0x1B070]  }
0xad: {  	v14 =	vld [tilespmem:s10+$0x1C000];
	[tilespmem:s8+$0x1B010] =	vst v13;
	v6 =	vadd.f32 v6, v11  }
0xae: {  	v13 =	vld [tilespmem:s10+$0x1C010];
	[tilespmem:s8+$0x1B020] =	vst v7;
	v5 =	vadd.f32 v5, v10  }
0xaf: {  	v7 =	vld [tilespmem:s10+$0x1C020];
	[tilespmem:s8+$0x1B030] =	vst v6;
	v4 =	vadd.f32 v4, v8  }
0xb0: {  	v6 =	vld [tilespmem:s10+$0x1C030];
	[tilespmem:s8+$0x1B040] =	vst v5;
	v3 =	vadd.f32 v3, v9  }
0xb1: {  	v5 =	vld [tilespmem:s10+$0x1C040];
	[tilespmem:s8+$0x1B050] =	vst v4;
	v2 =	vadd.f32 v2, v12  }
0xb2: {  	v4 =	vld [tilespmem:s10+$0x1C050];
	[tilespmem:s8+$0x1B060] =	vst v3  }
0xb3: {  	v3 =	vld [tilespmem:s10+$0x1C060];
	[tilespmem:s8+$0x1B070] =	vst v2;
	s8 =	smov.u32 s10  }
0xb4: {  	v2 =	vld [tilespmem:s8+$0x1C070]  }
0xb5: {  	v8 =	vld [tilespmem:s8+$0x1B000]  }
0xb6: {  	v9 =	vld [tilespmem:s8+$0x1B010]  }
.Ltmp7:
0xb7: {  	v12 =	vld [tilespmem:s8+$0x1B020];
	(pc) =	sbr.rel @p4 .LBB2_15-.Ltmp7, $4  }
0xb8: {  	v11 =	vld [tilespmem:s8+$0x1B030]  }
0xb9: {  	v10 =	vld [tilespmem:s8+$0x1B040]  }
0xba: {  	v14 =	vadd.f32 v14, v8;
	v8 =	vld [tilespmem:s8+$0x1B050]  }
0xbb: {  	s9 =	sadd.s32 $0x200, s9;
	v13 =	vadd.f32 v13, v9;
	v9 =	vld [tilespmem:s8+$0x1B060]  }
0xbc: {  	[tilespmem:s8+$0x1B000] =	vst v14;
	v7 =	vadd.f32 v7, v12;
	v12 =	vld [tilespmem:s8+$0x1B070]  }
0xbd: {  	[tilespmem:s8+$0x1B010] =	vst v13;
	v6 =	vadd.f32 v6, v11  }
0xbe: {  	[tilespmem:s8+$0x1B020] =	vst v7;
	v5 =	vadd.f32 v5, v10  }
0xbf: {  	[tilespmem:s8+$0x1B030] =	vst v6;
	v4 =	vadd.f32 v4, v8  }
0xc0: {  	[tilespmem:s8+$0x1B040] =	vst v5;
	v3 =	vadd.f32 v3, v9  }
0xc1: {  	[tilespmem:s8+$0x1B050] =	vst v4;
	v2 =	vadd.f32 v2, v12  }
0xc2: {  	[tilespmem:s8+$0x1B060] =	vst v3  }
0xc3: {  	[tilespmem:s8+$0x1B070] =	vst v2  }
0xc4: {  	[tilespmem:s1], [sflag:$0x5] =	stream.linear.gather [spmem:s26], $0xC80, $0x38;
	[tilespmem:$0x1FE80] =	vst v63  }
0xc5: {  	_ =	swait.ge [sflag:s18], $0xC80  }
0xc6: {  	[sflag:s18] =	ssyncset.done $0x0  }
0xc7: {  	s8 =	simm.s32 $0x0;
	[sflag:s18] =	ssyncadd.s32 $0xFFFFF380  }
0xc8: {  	v9 =	vld [tilespmem:s8+$0x1C000]  }
0xc9: {  	v13 =	vld [tilespmem:s8+$0x1C010]  }
0xca: {  	v7 =	vld [tilespmem:s8+$0x1C020]  }
0xcb: {  	v6 =	vld [tilespmem:s8+$0x1C030]  }
0xcc: {  	v5 =	vld [tilespmem:s8+$0x1C040]  }
0xcd: {  	v4 =	vld [tilespmem:s8+$0x1C050]  }
0xce: {  	v3 =	vld [tilespmem:s8+$0x1C060]  }
0xcf: {  	v2 =	vld [tilespmem:s8+$0x1C070]  }
0xd0: {  	v14 =	vld [tilespmem:s8+$0x1B000]  }
0xd1: {  	v15 =	vld [tilespmem:s8+$0x1B010]  }
0xd2: {  	v12 =	vld [tilespmem:s8+$0x1B020]  }
0xd3: {  	v11 =	vld [tilespmem:s8+$0x1B030]  }
0xd4: {  	v10 =	vld [tilespmem:s8+$0x1B040]  }
0xd5: {  	v8 =	vld [tilespmem:s8+$0x1B050];
	v14 =	vadd.f32 v9, v14  }
0xd6: {  	s9 =	simm.s32 $0x200;
	v13 =	vadd.f32 v13, v15;
	v9 =	vld [tilespmem:s8+$0x1B060]  }
.LBB2_17:
0xd7: {  	s10 =	sshra.s32 s9, $0x2;
	p4 =	sne.s32 s9, $0x3000;
	[tilespmem:s8+$0x1B000] =	vst v14;
	v7 =	vadd.f32 v7, v12;
	v12 =	vld [tilespmem:s8+$0x1B070]  }
0xd8: {  	v14 =	vld [tilespmem:s10+$0x1C000];
	[tilespmem:s8+$0x1B010] =	vst v13;
	v6 =	vadd.f32 v6, v11  }
0xd9: {  	v13 =	vld [tilespmem:s10+$0x1C010];
	[tilespmem:s8+$0x1B020] =	vst v7;
	v5 =	vadd.f32 v5, v10  }
0xda: {  	v7 =	vld [tilespmem:s10+$0x1C020];
	[tilespmem:s8+$0x1B030] =	vst v6;
	v4 =	vadd.f32 v4, v8  }
0xdb: {  	v6 =	vld [tilespmem:s10+$0x1C030];
	[tilespmem:s8+$0x1B040] =	vst v5;
	v3 =	vadd.f32 v3, v9  }
0xdc: {  	v5 =	vld [tilespmem:s10+$0x1C040];
	[tilespmem:s8+$0x1B050] =	vst v4;
	v2 =	vadd.f32 v2, v12  }
0xdd: {  	v4 =	vld [tilespmem:s10+$0x1C050];
	[tilespmem:s8+$0x1B060] =	vst v3  }
0xde: {  	v3 =	vld [tilespmem:s10+$0x1C060];
	[tilespmem:s8+$0x1B070] =	vst v2;
	s8 =	smov.u32 s10  }
0xdf: {  	v2 =	vld [tilespmem:s8+$0x1C070]  }
0xe0: {  	v8 =	vld [tilespmem:s8+$0x1B000]  }
0xe1: {  	v9 =	vld [tilespmem:s8+$0x1B010]  }
.Ltmp8:
0xe2: {  	v12 =	vld [tilespmem:s8+$0x1B020];
	(pc) =	sbr.rel @p4 .LBB2_17-.Ltmp8, $4  }
0xe3: {  	v11 =	vld [tilespmem:s8+$0x1B030]  }
0xe4: {  	v10 =	vld [tilespmem:s8+$0x1B040]  }
0xe5: {  	v14 =	vadd.f32 v14, v8;
	v8 =	vld [tilespmem:s8+$0x1B050]  }
0xe6: {  	s9 =	sadd.s32 $0x200, s9;
	v13 =	vadd.f32 v13, v9;
	v9 =	vld [tilespmem:s8+$0x1B060]  }
0xe7: {  	[tilespmem:s8+$0x1B000] =	vst v14;
	v7 =	vadd.f32 v7, v12;
	v12 =	vld [tilespmem:s8+$0x1B070]  }
0xe8: {  	[tilespmem:s8+$0x1B010] =	vst v13;
	v6 =	vadd.f32 v6, v11  }
0xe9: {  	[tilespmem:s8+$0x1B020] =	vst v7;
	v5 =	vadd.f32 v5, v10  }
0xea: {  	[tilespmem:s8+$0x1B030] =	vst v6;
	v4 =	vadd.f32 v4, v8  }
0xeb: {  	[tilespmem:s8+$0x1B040] =	vst v5;
	v3 =	vadd.f32 v3, v9  }
0xec: {  	[tilespmem:s8+$0x1B050] =	vst v4;
	v2 =	vadd.f32 v2, v12  }
0xed: {  	[tilespmem:s8+$0x1B060] =	vst v3  }
0xee: {  	[tilespmem:s8+$0x1B070] =	vst v2  }
0xef: {  	[tilespmem:s1], [sflag:$0x5] =	stream.linear.gather [spmem:s13], $0xC80, $0x38;
	[tilespmem:$0x1FE80] =	vst v63  }
0xf0: {  	_ =	swait.ge [sflag:s18], $0xC80  }
0xf1: {  	[sflag:s18] =	ssyncset.done $0x0  }
0xf2: {  	s8 =	simm.s32 $0x0;
	[sflag:s18] =	ssyncadd.s32 $0xFFFFF380  }
0xf3: {  	v9 =	vld [tilespmem:s8+$0x1C000]  }
0xf4: {  	v13 =	vld [tilespmem:s8+$0x1C010]  }
0xf5: {  	v7 =	vld [tilespmem:s8+$0x1C020]  }
0xf6: {  	v6 =	vld [tilespmem:s8+$0x1C030]  }
0xf7: {  	v5 =	vld [tilespmem:s8+$0x1C040]  }
0xf8: {  	v4 =	vld [tilespmem:s8+$0x1C050]  }
0xf9: {  	v3 =	vld [tilespmem:s8+$0x1C060]  }
0xfa: {  	v2 =	vld [tilespmem:s8+$0x1C070]  }
0xfb: {  	v14 =	vld [tilespmem:s8+$0x1B000]  }
0xfc: {  	v15 =	vld [tilespmem:s8+$0x1B010]  }
0xfd: {  	v12 =	vld [tilespmem:s8+$0x1B020]  }
0xfe: {  	v11 =	vld [tilespmem:s8+$0x1B030]  }
0xff: {  	v10 =	vld [tilespmem:s8+$0x1B040]  }
0x100: {  	v8 =	vld [tilespmem:s8+$0x1B050];
	v14 =	vadd.f32 v9, v14  }
0x101: {  	s9 =	simm.s32 $0x200;
	v13 =	vadd.f32 v13, v15;
	v9 =	vld [tilespmem:s8+$0x1B060]  }
.LBB2_19:
0x102: {  	s10 =	sshra.s32 s9, $0x2;
	p4 =	sne.s32 s9, $0x3000;
	[tilespmem:s8+$0x1B000] =	vst v14;
	v7 =	vadd.f32 v7, v12;
	v12 =	vld [tilespmem:s8+$0x1B070]  }
0x103: {  	v14 =	vld [tilespmem:s10+$0x1C000];
	[tilespmem:s8+$0x1B010] =	vst v13;
	v6 =	vadd.f32 v6, v11  }
0x104: {  	v13 =	vld [tilespmem:s10+$0x1C010];
	[tilespmem:s8+$0x1B020] =	vst v7;
	v5 =	vadd.f32 v5, v10  }
0x105: {  	v7 =	vld [tilespmem:s10+$0x1C020];
	[tilespmem:s8+$0x1B030] =	vst v6;
	v4 =	vadd.f32 v4, v8  }
0x106: {  	v6 =	vld [tilespmem:s10+$0x1C030];
	[tilespmem:s8+$0x1B040] =	vst v5;
	v3 =	vadd.f32 v3, v9  }
0x107: {  	v5 =	vld [tilespmem:s10+$0x1C040];
	[tilespmem:s8+$0x1B050] =	vst v4;
	v2 =	vadd.f32 v2, v12  }
0x108: {  	v4 =	vld [tilespmem:s10+$0x1C050];
	[tilespmem:s8+$0x1B060] =	vst v3  }
0x109: {  	v3 =	vld [tilespmem:s10+$0x1C060];
	[tilespmem:s8+$0x1B070] =	vst v2;
	s8 =	smov.u32 s10  }
0x10a: {  	v2 =	vld [tilespmem:s8+$0x1C070]  }
0x10b: {  	v8 =	vld [tilespmem:s8+$0x1B000]  }
0x10c: {  	v9 =	vld [tilespmem:s8+$0x1B010]  }
.Ltmp9:
0x10d: {  	v12 =	vld [tilespmem:s8+$0x1B020];
	(pc) =	sbr.rel @p4 .LBB2_19-.Ltmp9, $4  }
0x10e: {  	v11 =	vld [tilespmem:s8+$0x1B030]  }
0x10f: {  	v10 =	vld [tilespmem:s8+$0x1B040]  }
0x110: {  	v14 =	vadd.f32 v14, v8;
	v8 =	vld [tilespmem:s8+$0x1B050]  }
0x111: {  	s9 =	sadd.s32 $0x200, s9;
	v13 =	vadd.f32 v13, v9;
	v9 =	vld [tilespmem:s8+$0x1B060]  }
0x112: {  	[tilespmem:s8+$0x1B000] =	vst v14;
	v7 =	vadd.f32 v7, v12;
	v12 =	vld [tilespmem:s8+$0x1B070]  }
0x113: {  	[tilespmem:s8+$0x1B010] =	vst v13;
	v6 =	vadd.f32 v6, v11  }
0x114: {  	[tilespmem:s8+$0x1B020] =	vst v7;
	v5 =	vadd.f32 v5, v10  }
0x115: {  	[tilespmem:s8+$0x1B030] =	vst v6;
	v4 =	vadd.f32 v4, v8  }
0x116: {  	[tilespmem:s8+$0x1B040] =	vst v5;
	v3 =	vadd.f32 v3, v9  }
0x117: {  	[tilespmem:s8+$0x1B050] =	vst v4;
	v2 =	vadd.f32 v2, v12  }
0x118: {  	[tilespmem:s8+$0x1B060] =	vst v3  }
0x119: {  	[tilespmem:s8+$0x1B070] =	vst v2  }
0x11a: {  	[bflag:$0x0] =	sbarrier.arrive $0xFFFF  }
0x11b: {  	s8 =	simm.s32 @!p0 $0x0;
	s9 =	rddreg [dreg:$0xb]  }
0x11c: {  	[spmem:s9] =	stream.linear.scatter @!p0 [tilespmem:s8], [sflag:$0x5], $0xC800, $0x38;
	[tilespmem:$0x1FE80] =	vst v63  }
0x11d: {  	s8 =	simm.s32 @!p0 $0x5  }
0x11e: {  	_ =	swait.ge @!p0 [sflag:s8], $0xC800  }
0x11f: {  	[sflag:s8] =	ssyncset.done @!p0 $0x0  }
0x120: {  	[sflag:s8] =	ssyncadd.s32 @!p0 $0xFFFF3800  }
0x121: {  	[bflag:$0x0] =	sbarrier.arrive $0xFFFF  }
0x122: {  	[tilespmem:s1], [sflag:$0x5] =	stream.linear.gather [spmem:s14], $0xC80, $0x38;
	[tilespmem:$0x1FE80] =	vst v63  }
0x123: {  	_ =	swait.ge [sflag:s18], $0xC80  }
0x124: {  	[sflag:s18] =	ssyncset.done $0x0  }
0x125: {  	s8 =	simm.s32 $0x0;
	[sflag:s18] =	ssyncadd.s32 $0xFFFFF380  }
0x126: {  	v9 =	vld [tilespmem:s8+$0x1C000]  }
0x127: {  	v13 =	vld [tilespmem:s8+$0x1C010]  }
0x128: {  	v7 =	vld [tilespmem:s8+$0x1C020]  }
0x129: {  	v6 =	vld [tilespmem:s8+$0x1C030]  }
0x12a: {  	v5 =	vld [tilespmem:s8+$0x1C040]  }
0x12b: {  	v4 =	vld [tilespmem:s8+$0x1C050]  }
0x12c: {  	v3 =	vld [tilespmem:s8+$0x1C060]  }
0x12d: {  	v2 =	vld [tilespmem:s8+$0x1C070]  }
0x12e: {  	v14 =	vld [tilespmem:s8+$0x1B000]  }
0x12f: {  	v15 =	vld [tilespmem:s8+$0x1B010]  }
0x130: {  	v12 =	vld [tilespmem:s8+$0x1B020]  }
0x131: {  	v11 =	vld [tilespmem:s8+$0x1B030]  }
0x132: {  	v10 =	vld [tilespmem:s8+$0x1B040]  }
0x133: {  	v8 =	vld [tilespmem:s8+$0x1B050];
	v14 =	vadd.f32 v9, v14  }
0x134: {  	s9 =	simm.s32 $0x200;
	v13 =	vadd.f32 v13, v15;
	v9 =	vld [tilespmem:s8+$0x1B060]  }
.LBB2_21:
0x135: {  	s10 =	sshra.s32 s9, $0x2;
	p4 =	sne.s32 s9, $0x3000;
	[tilespmem:s8+$0x1B000] =	vst v14;
	v7 =	vadd.f32 v7, v12;
	v12 =	vld [tilespmem:s8+$0x1B070]  }
0x136: {  	v14 =	vld [tilespmem:s10+$0x1C000];
	[tilespmem:s8+$0x1B010] =	vst v13;
	v6 =	vadd.f32 v6, v11  }
0x137: {  	v13 =	vld [tilespmem:s10+$0x1C010];
	[tilespmem:s8+$0x1B020] =	vst v7;
	v5 =	vadd.f32 v5, v10  }
0x138: {  	v7 =	vld [tilespmem:s10+$0x1C020];
	[tilespmem:s8+$0x1B030] =	vst v6;
	v4 =	vadd.f32 v4, v8  }
0x139: {  	v6 =	vld [tilespmem:s10+$0x1C030];
	[tilespmem:s8+$0x1B040] =	vst v5;
	v3 =	vadd.f32 v3, v9  }
0x13a: {  	v5 =	vld [tilespmem:s10+$0x1C040];
	[tilespmem:s8+$0x1B050] =	vst v4;
	v2 =	vadd.f32 v2, v12  }
0x13b: {  	v4 =	vld [tilespmem:s10+$0x1C050];
	[tilespmem:s8+$0x1B060] =	vst v3  }
0x13c: {  	v3 =	vld [tilespmem:s10+$0x1C060];
	[tilespmem:s8+$0x1B070] =	vst v2;
	s8 =	smov.u32 s10  }
0x13d: {  	v2 =	vld [tilespmem:s8+$0x1C070]  }
0x13e: {  	v8 =	vld [tilespmem:s8+$0x1B000]  }
0x13f: {  	v9 =	vld [tilespmem:s8+$0x1B010]  }
.Ltmp10:
0x140: {  	v12 =	vld [tilespmem:s8+$0x1B020];
	(pc) =	sbr.rel @p4 .LBB2_21-.Ltmp10, $4  }
0x141: {  	v11 =	vld [tilespmem:s8+$0x1B030]  }
0x142: {  	v10 =	vld [tilespmem:s8+$0x1B040]  }
0x143: {  	v14 =	vadd.f32 v14, v8;
	v8 =	vld [tilespmem:s8+$0x1B050]  }
0x144: {  	s9 =	sadd.s32 $0x200, s9;
	v13 =	vadd.f32 v13, v9;
	v9 =	vld [tilespmem:s8+$0x1B060]  }
0x145: {  	[tilespmem:s8+$0x1B000] =	vst v14;
	v7 =	vadd.f32 v7, v12;
	v12 =	vld [tilespmem:s8+$0x1B070]  }
0x146: {  	[tilespmem:s8+$0x1B010] =	vst v13;
	v6 =	vadd.f32 v6, v11  }
0x147: {  	[tilespmem:s8+$0x1B020] =	vst v7;
	v5 =	vadd.f32 v5, v10  }
0x148: {  	[tilespmem:s8+$0x1B030] =	vst v6;
	v4 =	vadd.f32 v4, v8  }
0x149: {  	[tilespmem:s8+$0x1B040] =	vst v5;
	v3 =	vadd.f32 v3, v9  }
0x14a: {  	[tilespmem:s8+$0x1B050] =	vst v4;
	v2 =	vadd.f32 v2, v12  }
0x14b: {  	[tilespmem:s8+$0x1B060] =	vst v3  }
0x14c: {  	[tilespmem:s8+$0x1B070] =	vst v2  }
0x14d: {  	[tilespmem:s1], [sflag:$0x5] =	stream.linear.gather [spmem:s15], $0xC80, $0x38;
	[tilespmem:$0x1FE80] =	vst v63  }
0x14e: {  	_ =	swait.ge [sflag:s18], $0xC80  }
0x14f: {  	[sflag:s18] =	ssyncset.done $0x0  }
0x150: {  	s8 =	simm.s32 $0x0;
	[sflag:s18] =	ssyncadd.s32 $0xFFFFF380  }
0x151: {  	v9 =	vld [tilespmem:s8+$0x1C000]  }
0x152: {  	v13 =	vld [tilespmem:s8+$0x1C010]  }
0x153: {  	v7 =	vld [tilespmem:s8+$0x1C020]  }
0x154: {  	v6 =	vld [tilespmem:s8+$0x1C030]  }
0x155: {  	v5 =	vld [tilespmem:s8+$0x1C040]  }
0x156: {  	v4 =	vld [tilespmem:s8+$0x1C050]  }
0x157: {  	v3 =	vld [tilespmem:s8+$0x1C060]  }
0x158: {  	v2 =	vld [tilespmem:s8+$0x1C070]  }
0x159: {  	v14 =	vld [tilespmem:s8+$0x1B000]  }
0x15a: {  	v15 =	vld [tilespmem:s8+$0x1B010]  }
0x15b: {  	v12 =	vld [tilespmem:s8+$0x1B020]  }
0x15c: {  	v11 =	vld [tilespmem:s8+$0x1B030]  }
0x15d: {  	v10 =	vld [tilespmem:s8+$0x1B040]  }
0x15e: {  	v8 =	vld [tilespmem:s8+$0x1B050];
	v14 =	vadd.f32 v9, v14  }
0x15f: {  	s9 =	simm.s32 $0x200;
	v13 =	vadd.f32 v13, v15;
	v9 =	vld [tilespmem:s8+$0x1B060]  }
.LBB2_23:
0x160: {  	s10 =	sshra.s32 s9, $0x2;
	p4 =	sne.s32 s9, $0x3000;
	[tilespmem:s8+$0x1B000] =	vst v14;
	v7 =	vadd.f32 v7, v12;
	v12 =	vld [tilespmem:s8+$0x1B070]  }
0x161: {  	v14 =	vld [tilespmem:s10+$0x1C000];
	[tilespmem:s8+$0x1B010] =	vst v13;
	v6 =	vadd.f32 v6, v11  }
0x162: {  	v13 =	vld [tilespmem:s10+$0x1C010];
	[tilespmem:s8+$0x1B020] =	vst v7;
	v5 =	vadd.f32 v5, v10  }
0x163: {  	v7 =	vld [tilespmem:s10+$0x1C020];
	[tilespmem:s8+$0x1B030] =	vst v6;
	v4 =	vadd.f32 v4, v8  }
0x164: {  	v6 =	vld [tilespmem:s10+$0x1C030];
	[tilespmem:s8+$0x1B040] =	vst v5;
	v3 =	vadd.f32 v3, v9  }
0x165: {  	v5 =	vld [tilespmem:s10+$0x1C040];
	[tilespmem:s8+$0x1B050] =	vst v4;
	v2 =	vadd.f32 v2, v12  }
0x166: {  	v4 =	vld [tilespmem:s10+$0x1C050];
	[tilespmem:s8+$0x1B060] =	vst v3  }
0x167: {  	v3 =	vld [tilespmem:s10+$0x1C060];
	[tilespmem:s8+$0x1B070] =	vst v2;
	s8 =	smov.u32 s10  }
0x168: {  	v2 =	vld [tilespmem:s8+$0x1C070]  }
0x169: {  	v8 =	vld [tilespmem:s8+$0x1B000]  }
0x16a: {  	v9 =	vld [tilespmem:s8+$0x1B010]  }
.Ltmp11:
0x16b: {  	v12 =	vld [tilespmem:s8+$0x1B020];
	(pc) =	sbr.rel @p4 .LBB2_23-.Ltmp11, $4  }
0x16c: {  	v11 =	vld [tilespmem:s8+$0x1B030]  }
0x16d: {  	v10 =	vld [tilespmem:s8+$0x1B040]  }
0x16e: {  	v14 =	vadd.f32 v14, v8;
	v8 =	vld [tilespmem:s8+$0x1B050]  }
0x16f: {  	s9 =	sadd.s32 $0x200, s9;
	v13 =	vadd.f32 v13, v9;
	v9 =	vld [tilespmem:s8+$0x1B060]  }
0x170: {  	[tilespmem:s8+$0x1B000] =	vst v14;
	v7 =	vadd.f32 v7, v12;
	v12 =	vld [tilespmem:s8+$0x1B070]  }
0x171: {  	[tilespmem:s8+$0x1B010] =	vst v13;
	v6 =	vadd.f32 v6, v11  }
0x172: {  	[tilespmem:s8+$0x1B020] =	vst v7;
	v5 =	vadd.f32 v5, v10  }
0x173: {  	[tilespmem:s8+$0x1B030] =	vst v6;
	v4 =	vadd.f32 v4, v8  }
0x174: {  	[tilespmem:s8+$0x1B040] =	vst v5;
	v3 =	vadd.f32 v3, v9  }
0x175: {  	[tilespmem:s8+$0x1B050] =	vst v4;
	v2 =	vadd.f32 v2, v12  }
0x176: {  	[tilespmem:s8+$0x1B060] =	vst v3  }
0x177: {  	[tilespmem:s8+$0x1B070] =	vst v2  }
0x178: {  	[tilespmem:s1], [sflag:$0x5] =	stream.linear.gather [spmem:s26], $0xC80, $0x38;
	[tilespmem:$0x1FE80] =	vst v63  }
0x179: {  	_ =	swait.ge [sflag:s18], $0xC80  }
0x17a: {  	[sflag:s18] =	ssyncset.done $0x0  }
0x17b: {  	s8 =	simm.s32 $0x0;
	[sflag:s18] =	ssyncadd.s32 $0xFFFFF380  }
0x17c: {  	v9 =	vld [tilespmem:s8+$0x1C000]  }
0x17d: {  	v13 =	vld [tilespmem:s8+$0x1C010]  }
0x17e: {  	v7 =	vld [tilespmem:s8+$0x1C020]  }
0x17f: {  	v6 =	vld [tilespmem:s8+$0x1C030]  }
0x180: {  	v5 =	vld [tilespmem:s8+$0x1C040]  }
0x181: {  	v4 =	vld [tilespmem:s8+$0x1C050]  }
0x182: {  	v3 =	vld [tilespmem:s8+$0x1C060]  }
0x183: {  	v2 =	vld [tilespmem:s8+$0x1C070]  }
0x184: {  	v14 =	vld [tilespmem:s8+$0x1B000]  }
0x185: {  	v15 =	vld [tilespmem:s8+$0x1B010]  }
0x186: {  	v12 =	vld [tilespmem:s8+$0x1B020]  }
0x187: {  	v11 =	vld [tilespmem:s8+$0x1B030]  }
0x188: {  	v10 =	vld [tilespmem:s8+$0x1B040]  }
0x189: {  	v8 =	vld [tilespmem:s8+$0x1B050];
	v14 =	vadd.f32 v9, v14  }
0x18a: {  	s9 =	simm.s32 $0x200;
	v13 =	vadd.f32 v13, v15;
	v9 =	vld [tilespmem:s8+$0x1B060]  }
.LBB2_25:
0x18b: {  	s10 =	sshra.s32 s9, $0x2;
	p4 =	sne.s32 s9, $0x3000;
	[tilespmem:s8+$0x1B000] =	vst v14;
	v7 =	vadd.f32 v7, v12;
	v12 =	vld [tilespmem:s8+$0x1B070]  }
0x18c: {  	v14 =	vld [tilespmem:s10+$0x1C000];
	[tilespmem:s8+$0x1B010] =	vst v13;
	v6 =	vadd.f32 v6, v11  }
0x18d: {  	v13 =	vld [tilespmem:s10+$0x1C010];
	[tilespmem:s8+$0x1B020] =	vst v7;
	v5 =	vadd.f32 v5, v10  }
0x18e: {  	v7 =	vld [tilespmem:s10+$0x1C020];
	[tilespmem:s8+$0x1B030] =	vst v6;
	v4 =	vadd.f32 v4, v8  }
0x18f: {  	v6 =	vld [tilespmem:s10+$0x1C030];
	[tilespmem:s8+$0x1B040] =	vst v5;
	v3 =	vadd.f32 v3, v9  }
0x190: {  	v5 =	vld [tilespmem:s10+$0x1C040];
	[tilespmem:s8+$0x1B050] =	vst v4;
	v2 =	vadd.f32 v2, v12  }
0x191: {  	v4 =	vld [tilespmem:s10+$0x1C050];
	[tilespmem:s8+$0x1B060] =	vst v3  }
0x192: {  	v3 =	vld [tilespmem:s10+$0x1C060];
	[tilespmem:s8+$0x1B070] =	vst v2;
	s8 =	smov.u32 s10  }
0x193: {  	v2 =	vld [tilespmem:s8+$0x1C070]  }
0x194: {  	v8 =	vld [tilespmem:s8+$0x1B000]  }
0x195: {  	v9 =	vld [tilespmem:s8+$0x1B010]  }
.Ltmp12:
0x196: {  	v12 =	vld [tilespmem:s8+$0x1B020];
	(pc) =	sbr.rel @p4 .LBB2_25-.Ltmp12, $4  }
0x197: {  	v11 =	vld [tilespmem:s8+$0x1B030]  }
0x198: {  	v10 =	vld [tilespmem:s8+$0x1B040]  }
0x199: {  	v14 =	vadd.f32 v14, v8;
	v8 =	vld [tilespmem:s8+$0x1B050]  }
0x19a: {  	s9 =	sadd.s32 $0x200, s9;
	v13 =	vadd.f32 v13, v9;
	v9 =	vld [tilespmem:s8+$0x1B060]  }
0x19b: {  	[tilespmem:s8+$0x1B000] =	vst v14;
	v7 =	vadd.f32 v7, v12;
	v12 =	vld [tilespmem:s8+$0x1B070]  }
0x19c: {  	[tilespmem:s8+$0x1B010] =	vst v13;
	v6 =	vadd.f32 v6, v11  }
0x19d: {  	[tilespmem:s8+$0x1B020] =	vst v7;
	v5 =	vadd.f32 v5, v10  }
0x19e: {  	[tilespmem:s8+$0x1B030] =	vst v6;
	v4 =	vadd.f32 v4, v8  }
0x19f: {  	[tilespmem:s8+$0x1B040] =	vst v5;
	v3 =	vadd.f32 v3, v9  }
0x1a0: {  	[tilespmem:s8+$0x1B050] =	vst v4;
	v2 =	vadd.f32 v2, v12  }
0x1a1: {  	[tilespmem:s8+$0x1B060] =	vst v3  }
0x1a2: {  	[tilespmem:s8+$0x1B070] =	vst v2  }
0x1a3: {  	[tilespmem:s1], [sflag:$0x5] =	stream.linear.gather [spmem:s13], $0xC80, $0x38;
	[tilespmem:$0x1FE80] =	vst v63  }
0x1a4: {  	_ =	swait.ge [sflag:s18], $0xC80  }
0x1a5: {  	[sflag:s18] =	ssyncset.done $0x0  }
0x1a6: {  	s8 =	simm.s32 $0x0;
	[sflag:s18] =	ssyncadd.s32 $0xFFFFF380  }
0x1a7: {  	v9 =	vld [tilespmem:s8+$0x1C000]  }
0x1a8: {  	v13 =	vld [tilespmem:s8+$0x1C010]  }
0x1a9: {  	v7 =	vld [tilespmem:s8+$0x1C020]  }
0x1aa: {  	v6 =	vld [tilespmem:s8+$0x1C030]  }
0x1ab: {  	v5 =	vld [tilespmem:s8+$0x1C040]  }
0x1ac: {  	v4 =	vld [tilespmem:s8+$0x1C050]  }
0x1ad: {  	v3 =	vld [tilespmem:s8+$0x1C060]  }
0x1ae: {  	v2 =	vld [tilespmem:s8+$0x1C070]  }
0x1af: {  	v14 =	vld [tilespmem:s8+$0x1B000]  }
0x1b0: {  	v15 =	vld [tilespmem:s8+$0x1B010]  }
0x1b1: {  	v12 =	vld [tilespmem:s8+$0x1B020]  }
0x1b2: {  	v11 =	vld [tilespmem:s8+$0x1B030]  }
0x1b3: {  	v10 =	vld [tilespmem:s8+$0x1B040]  }
0x1b4: {  	v8 =	vld [tilespmem:s8+$0x1B050];
	v14 =	vadd.f32 v9, v14  }
0x1b5: {  	s9 =	simm.s32 $0x200;
	v13 =	vadd.f32 v13, v15;
	v9 =	vld [tilespmem:s8+$0x1B060]  }
.LBB2_27:
0x1b6: {  	s10 =	sshra.s32 s9, $0x2;
	p4 =	sne.s32 s9, $0x3000;
	[tilespmem:s8+$0x1B000] =	vst v14;
	v7 =	vadd.f32 v7, v12;
	v12 =	vld [tilespmem:s8+$0x1B070]  }
0x1b7: {  	v14 =	vld [tilespmem:s10+$0x1C000];
	[tilespmem:s8+$0x1B010] =	vst v13;
	v6 =	vadd.f32 v6, v11  }
0x1b8: {  	v13 =	vld [tilespmem:s10+$0x1C010];
	[tilespmem:s8+$0x1B020] =	vst v7;
	v5 =	vadd.f32 v5, v10  }
0x1b9: {  	v7 =	vld [tilespmem:s10+$0x1C020];
	[tilespmem:s8+$0x1B030] =	vst v6;
	v4 =	vadd.f32 v4, v8  }
0x1ba: {  	v6 =	vld [tilespmem:s10+$0x1C030];
	[tilespmem:s8+$0x1B040] =	vst v5;
	v3 =	vadd.f32 v3, v9  }
0x1bb: {  	v5 =	vld [tilespmem:s10+$0x1C040];
	[tilespmem:s8+$0x1B050] =	vst v4;
	v2 =	vadd.f32 v2, v12  }
0x1bc: {  	v4 =	vld [tilespmem:s10+$0x1C050];
	[tilespmem:s8+$0x1B060] =	vst v3  }
0x1bd: {  	v3 =	vld [tilespmem:s10+$0x1C060];
	[tilespmem:s8+$0x1B070] =	vst v2;
	s8 =	smov.u32 s10  }
0x1be: {  	v2 =	vld [tilespmem:s8+$0x1C070]  }
0x1bf: {  	v8 =	vld [tilespmem:s8+$0x1B000]  }
0x1c0: {  	v9 =	vld [tilespmem:s8+$0x1B010]  }
.Ltmp13:
0x1c1: {  	v12 =	vld [tilespmem:s8+$0x1B020];
	(pc) =	sbr.rel @p4 .LBB2_27-.Ltmp13, $4  }
0x1c2: {  	v11 =	vld [tilespmem:s8+$0x1B030]  }
0x1c3: {  	v10 =	vld [tilespmem:s8+$0x1B040]  }
0x1c4: {  	v14 =	vadd.f32 v14, v8;
	v8 =	vld [tilespmem:s8+$0x1B050]  }
0x1c5: {  	s9 =	sadd.s32 $0x200, s9;
	v13 =	vadd.f32 v13, v9;
	v9 =	vld [tilespmem:s8+$0x1B060]  }
0x1c6: {  	[tilespmem:s8+$0x1B000] =	vst v14;
	v7 =	vadd.f32 v7, v12;
	v12 =	vld [tilespmem:s8+$0x1B070]  }
0x1c7: {  	[tilespmem:s8+$0x1B010] =	vst v13;
	v6 =	vadd.f32 v6, v11  }
0x1c8: {  	[tilespmem:s8+$0x1B020] =	vst v7;
	v5 =	vadd.f32 v5, v10  }
0x1c9: {  	[tilespmem:s8+$0x1B030] =	vst v6;
	v4 =	vadd.f32 v4, v8  }
0x1ca: {  	[tilespmem:s8+$0x1B040] =	vst v5;
	v3 =	vadd.f32 v3, v9  }
0x1cb: {  	[tilespmem:s8+$0x1B050] =	vst v4;
	v2 =	vadd.f32 v2, v12  }
0x1cc: {  	[tilespmem:s8+$0x1B060] =	vst v3  }
0x1cd: {  	[tilespmem:s8+$0x1B070] =	vst v2  }
0x1ce: {  	[bflag:$0x0] =	sbarrier.arrive $0xFFFF  }
0x1cf: {  	s8 =	simm.s32 @!p1 $0x0;
	s9 =	rddreg [dreg:$0xc]  }
0x1d0: {  	[spmem:s9] =	stream.linear.scatter @!p1 [tilespmem:s8], [sflag:$0x5], $0xC800, $0x38;
	[tilespmem:$0x1FE80] =	vst v63  }
0x1d1: {  	s8 =	simm.s32 @!p1 $0x5  }
0x1d2: {  	_ =	swait.ge @!p1 [sflag:s8], $0xC800  }
0x1d3: {  	[sflag:s8] =	ssyncset.done @!p1 $0x0  }
0x1d4: {  	[sflag:s8] =	ssyncadd.s32 @!p1 $0xFFFF3800  }
0x1d5: {  	[bflag:$0x0] =	sbarrier.arrive $0xFFFF  }
0x1d6: {  	[tilespmem:s1], [sflag:$0x5] =	stream.linear.gather [spmem:s14], $0xC80, $0x38;
	[tilespmem:$0x1FE80] =	vst v63  }
0x1d7: {  	_ =	swait.ge [sflag:s18], $0xC80  }
0x1d8: {  	[sflag:s18] =	ssyncset.done $0x0  }
0x1d9: {  	s8 =	simm.s32 $0x0;
	[sflag:s18] =	ssyncadd.s32 $0xFFFFF380  }
0x1da: {  	v9 =	vld [tilespmem:s8+$0x1C000]  }
0x1db: {  	v13 =	vld [tilespmem:s8+$0x1C010]  }
0x1dc: {  	v7 =	vld [tilespmem:s8+$0x1C020]  }
0x1dd: {  	v6 =	vld [tilespmem:s8+$0x1C030]  }
0x1de: {  	v5 =	vld [tilespmem:s8+$0x1C040]  }
0x1df: {  	v4 =	vld [tilespmem:s8+$0x1C050]  }
0x1e0: {  	v3 =	vld [tilespmem:s8+$0x1C060]  }
0x1e1: {  	v2 =	vld [tilespmem:s8+$0x1C070]  }
0x1e2: {  	v14 =	vld [tilespmem:s8+$0x1B000]  }
0x1e3: {  	v15 =	vld [tilespmem:s8+$0x1B010]  }
0x1e4: {  	v12 =	vld [tilespmem:s8+$0x1B020]  }
0x1e5: {  	v11 =	vld [tilespmem:s8+$0x1B030]  }
0x1e6: {  	v10 =	vld [tilespmem:s8+$0x1B040]  }
0x1e7: {  	v8 =	vld [tilespmem:s8+$0x1B050];
	v14 =	vadd.f32 v9, v14  }
0x1e8: {  	s9 =	simm.s32 $0x200;
	v13 =	vadd.f32 v13, v15;
	v9 =	vld [tilespmem:s8+$0x1B060]  }
.LBB2_29:
0x1e9: {  	s10 =	sshra.s32 s9, $0x2;
	p4 =	sne.s32 s9, $0x3000;
	[tilespmem:s8+$0x1B000] =	vst v14;
	v7 =	vadd.f32 v7, v12;
	v12 =	vld [tilespmem:s8+$0x1B070]  }
0x1ea: {  	v14 =	vld [tilespmem:s10+$0x1C000];
	[tilespmem:s8+$0x1B010] =	vst v13;
	v6 =	vadd.f32 v6, v11  }
0x1eb: {  	v13 =	vld [tilespmem:s10+$0x1C010];
	[tilespmem:s8+$0x1B020] =	vst v7;
	v5 =	vadd.f32 v5, v10  }
0x1ec: {  	v7 =	vld [tilespmem:s10+$0x1C020];
	[tilespmem:s8+$0x1B030] =	vst v6;
	v4 =	vadd.f32 v4, v8  }
0x1ed: {  	v6 =	vld [tilespmem:s10+$0x1C030];
	[tilespmem:s8+$0x1B040] =	vst v5;
	v3 =	vadd.f32 v3, v9  }
0x1ee: {  	v5 =	vld [tilespmem:s10+$0x1C040];
	[tilespmem:s8+$0x1B050] =	vst v4;
	v2 =	vadd.f32 v2, v12  }
0x1ef: {  	v4 =	vld [tilespmem:s10+$0x1C050];
	[tilespmem:s8+$0x1B060] =	vst v3  }
0x1f0: {  	v3 =	vld [tilespmem:s10+$0x1C060];
	[tilespmem:s8+$0x1B070] =	vst v2;
	s8 =	smov.u32 s10  }
0x1f1: {  	v2 =	vld [tilespmem:s8+$0x1C070]  }
0x1f2: {  	v8 =	vld [tilespmem:s8+$0x1B000]  }
0x1f3: {  	v9 =	vld [tilespmem:s8+$0x1B010]  }
.Ltmp14:
0x1f4: {  	v12 =	vld [tilespmem:s8+$0x1B020];
	(pc) =	sbr.rel @p4 .LBB2_29-.Ltmp14, $4  }
0x1f5: {  	v11 =	vld [tilespmem:s8+$0x1B030]  }
0x1f6: {  	v10 =	vld [tilespmem:s8+$0x1B040]  }
0x1f7: {  	v14 =	vadd.f32 v14, v8;
	v8 =	vld [tilespmem:s8+$0x1B050]  }
0x1f8: {  	s9 =	sadd.s32 $0x200, s9;
	v13 =	vadd.f32 v13, v9;
	v9 =	vld [tilespmem:s8+$0x1B060]  }
0x1f9: {  	[tilespmem:s8+$0x1B000] =	vst v14;
	v7 =	vadd.f32 v7, v12;
	v12 =	vld [tilespmem:s8+$0x1B070]  }
0x1fa: {  	[tilespmem:s8+$0x1B010] =	vst v13;
	v6 =	vadd.f32 v6, v11  }
0x1fb: {  	[tilespmem:s8+$0x1B020] =	vst v7;
	v5 =	vadd.f32 v5, v10  }
0x1fc: {  	[tilespmem:s8+$0x1B030] =	vst v6;
	v4 =	vadd.f32 v4, v8  }
0x1fd: {  	[tilespmem:s8+$0x1B040] =	vst v5;
	v3 =	vadd.f32 v3, v9  }
0x1fe: {  	[tilespmem:s8+$0x1B050] =	vst v4;
	v2 =	vadd.f32 v2, v12  }
0x1ff: {  	[tilespmem:s8+$0x1B060] =	vst v3  }
0x200: {  	[tilespmem:s8+$0x1B070] =	vst v2  }
0x201: {  	[tilespmem:s1], [sflag:$0x5] =	stream.linear.gather [spmem:s15], $0xC80, $0x38;
	[tilespmem:$0x1FE80] =	vst v63  }
0x202: {  	_ =	swait.ge [sflag:s18], $0xC80  }
0x203: {  	[sflag:s18] =	ssyncset.done $0x0  }
0x204: {  	s8 =	simm.s32 $0x0;
	[sflag:s18] =	ssyncadd.s32 $0xFFFFF380  }
0x205: {  	v9 =	vld [tilespmem:s8+$0x1C000]  }
0x206: {  	v13 =	vld [tilespmem:s8+$0x1C010]  }
0x207: {  	v7 =	vld [tilespmem:s8+$0x1C020]  }
0x208: {  	v6 =	vld [tilespmem:s8+$0x1C030]  }
0x209: {  	v5 =	vld [tilespmem:s8+$0x1C040]  }
0x20a: {  	v4 =	vld [tilespmem:s8+$0x1C050]  }
0x20b: {  	v3 =	vld [tilespmem:s8+$0x1C060]  }
0x20c: {  	v2 =	vld [tilespmem:s8+$0x1C070]  }
0x20d: {  	v14 =	vld [tilespmem:s8+$0x1B000]  }
0x20e: {  	v15 =	vld [tilespmem:s8+$0x1B010]  }
0x20f: {  	v12 =	vld [tilespmem:s8+$0x1B020]  }
0x210: {  	v11 =	vld [tilespmem:s8+$0x1B030]  }
0x211: {  	v10 =	vld [tilespmem:s8+$0x1B040]  }
0x212: {  	v8 =	vld [tilespmem:s8+$0x1B050];
	v14 =	vadd.f32 v9, v14  }
0x213: {  	s9 =	simm.s32 $0x200;
	v13 =	vadd.f32 v13, v15;
	v9 =	vld [tilespmem:s8+$0x1B060]  }
.LBB2_31:
0x214: {  	s10 =	sshra.s32 s9, $0x2;
	p4 =	sne.s32 s9, $0x3000;
	[tilespmem:s8+$0x1B000] =	vst v14;
	v7 =	vadd.f32 v7, v12;
	v12 =	vld [tilespmem:s8+$0x1B070]  }
0x215: {  	v14 =	vld [tilespmem:s10+$0x1C000];
	[tilespmem:s8+$0x1B010] =	vst v13;
	v6 =	vadd.f32 v6, v11  }
0x216: {  	v13 =	vld [tilespmem:s10+$0x1C010];
	[tilespmem:s8+$0x1B020] =	vst v7;
	v5 =	vadd.f32 v5, v10  }
0x217: {  	v7 =	vld [tilespmem:s10+$0x1C020];
	[tilespmem:s8+$0x1B030] =	vst v6;
	v4 =	vadd.f32 v4, v8  }
0x218: {  	v6 =	vld [tilespmem:s10+$0x1C030];
	[tilespmem:s8+$0x1B040] =	vst v5;
	v3 =	vadd.f32 v3, v9  }
0x219: {  	v5 =	vld [tilespmem:s10+$0x1C040];
	[tilespmem:s8+$0x1B050] =	vst v4;
	v2 =	vadd.f32 v2, v12  }
0x21a: {  	v4 =	vld [tilespmem:s10+$0x1C050];
	[tilespmem:s8+$0x1B060] =	vst v3  }
0x21b: {  	v3 =	vld [tilespmem:s10+$0x1C060];
	[tilespmem:s8+$0x1B070] =	vst v2;
	s8 =	smov.u32 s10  }
0x21c: {  	v2 =	vld [tilespmem:s8+$0x1C070]  }
0x21d: {  	v8 =	vld [tilespmem:s8+$0x1B000]  }
0x21e: {  	v9 =	vld [tilespmem:s8+$0x1B010]  }
.Ltmp15:
0x21f: {  	v12 =	vld [tilespmem:s8+$0x1B020];
	(pc) =	sbr.rel @p4 .LBB2_31-.Ltmp15, $4  }
0x220: {  	v11 =	vld [tilespmem:s8+$0x1B030]  }
0x221: {  	v10 =	vld [tilespmem:s8+$0x1B040]  }
0x222: {  	v14 =	vadd.f32 v14, v8;
	v8 =	vld [tilespmem:s8+$0x1B050]  }
0x223: {  	s9 =	sadd.s32 $0x200, s9;
	v13 =	vadd.f32 v13, v9;
	v9 =	vld [tilespmem:s8+$0x1B060]  }
0x224: {  	[tilespmem:s8+$0x1B000] =	vst v14;
	v7 =	vadd.f32 v7, v12;
	v12 =	vld [tilespmem:s8+$0x1B070]  }
0x225: {  	[tilespmem:s8+$0x1B010] =	vst v13;
	v6 =	vadd.f32 v6, v11  }
0x226: {  	[tilespmem:s8+$0x1B020] =	vst v7;
	v5 =	vadd.f32 v5, v10  }
0x227: {  	[tilespmem:s8+$0x1B030] =	vst v6;
	v4 =	vadd.f32 v4, v8  }
0x228: {  	[tilespmem:s8+$0x1B040] =	vst v5;
	v3 =	vadd.f32 v3, v9  }
0x229: {  	[tilespmem:s8+$0x1B050] =	vst v4;
	v2 =	vadd.f32 v2, v12  }
0x22a: {  	[tilespmem:s8+$0x1B060] =	vst v3  }
0x22b: {  	[tilespmem:s8+$0x1B070] =	vst v2  }
0x22c: {  	[tilespmem:s1], [sflag:$0x5] =	stream.linear.gather [spmem:s26], $0xC80, $0x38;
	[tilespmem:$0x1FE80] =	vst v63  }
0x22d: {  	_ =	swait.ge [sflag:s18], $0xC80  }
0x22e: {  	[sflag:s18] =	ssyncset.done $0x0  }
0x22f: {  	s8 =	simm.s32 $0x0;
	[sflag:s18] =	ssyncadd.s32 $0xFFFFF380  }
0x230: {  	v9 =	vld [tilespmem:s8+$0x1C000]  }
0x231: {  	v13 =	vld [tilespmem:s8+$0x1C010]  }
0x232: {  	v7 =	vld [tilespmem:s8+$0x1C020]  }
0x233: {  	v6 =	vld [tilespmem:s8+$0x1C030]  }
0x234: {  	v5 =	vld [tilespmem:s8+$0x1C040]  }
0x235: {  	v4 =	vld [tilespmem:s8+$0x1C050]  }
0x236: {  	v3 =	vld [tilespmem:s8+$0x1C060]  }
0x237: {  	v2 =	vld [tilespmem:s8+$0x1C070]  }
0x238: {  	v14 =	vld [tilespmem:s8+$0x1B000]  }
0x239: {  	v15 =	vld [tilespmem:s8+$0x1B010]  }
0x23a: {  	v12 =	vld [tilespmem:s8+$0x1B020]  }
0x23b: {  	v11 =	vld [tilespmem:s8+$0x1B030]  }
0x23c: {  	v10 =	vld [tilespmem:s8+$0x1B040]  }
0x23d: {  	v8 =	vld [tilespmem:s8+$0x1B050];
	v14 =	vadd.f32 v9, v14  }
0x23e: {  	s9 =	simm.s32 $0x200;
	v13 =	vadd.f32 v13, v15;
	v9 =	vld [tilespmem:s8+$0x1B060]  }
.LBB2_33:
0x23f: {  	s10 =	sshra.s32 s9, $0x2;
	p4 =	sne.s32 s9, $0x3000;
	[tilespmem:s8+$0x1B000] =	vst v14;
	v7 =	vadd.f32 v7, v12;
	v12 =	vld [tilespmem:s8+$0x1B070]  }
0x240: {  	v14 =	vld [tilespmem:s10+$0x1C000];
	[tilespmem:s8+$0x1B010] =	vst v13;
	v6 =	vadd.f32 v6, v11  }
0x241: {  	v13 =	vld [tilespmem:s10+$0x1C010];
	[tilespmem:s8+$0x1B020] =	vst v7;
	v5 =	vadd.f32 v5, v10  }
0x242: {  	v7 =	vld [tilespmem:s10+$0x1C020];
	[tilespmem:s8+$0x1B030] =	vst v6;
	v4 =	vadd.f32 v4, v8  }
0x243: {  	v6 =	vld [tilespmem:s10+$0x1C030];
	[tilespmem:s8+$0x1B040] =	vst v5;
	v3 =	vadd.f32 v3, v9  }
0x244: {  	v5 =	vld [tilespmem:s10+$0x1C040];
	[tilespmem:s8+$0x1B050] =	vst v4;
	v2 =	vadd.f32 v2, v12  }
0x245: {  	v4 =	vld [tilespmem:s10+$0x1C050];
	[tilespmem:s8+$0x1B060] =	vst v3  }
0x246: {  	v3 =	vld [tilespmem:s10+$0x1C060];
	[tilespmem:s8+$0x1B070] =	vst v2;
	s8 =	smov.u32 s10  }
0x247: {  	v2 =	vld [tilespmem:s8+$0x1C070]  }
0x248: {  	v8 =	vld [tilespmem:s8+$0x1B000]  }
0x249: {  	v9 =	vld [tilespmem:s8+$0x1B010]  }
.Ltmp16:
0x24a: {  	v12 =	vld [tilespmem:s8+$0x1B020];
	(pc) =	sbr.rel @p4 .LBB2_33-.Ltmp16, $4  }
0x24b: {  	v11 =	vld [tilespmem:s8+$0x1B030]  }
0x24c: {  	v10 =	vld [tilespmem:s8+$0x1B040]  }
0x24d: {  	v14 =	vadd.f32 v14, v8;
	v8 =	vld [tilespmem:s8+$0x1B050]  }
0x24e: {  	s9 =	sadd.s32 $0x200, s9;
	v13 =	vadd.f32 v13, v9;
	v9 =	vld [tilespmem:s8+$0x1B060]  }
0x24f: {  	[tilespmem:s8+$0x1B000] =	vst v14;
	v7 =	vadd.f32 v7, v12;
	v12 =	vld [tilespmem:s8+$0x1B070]  }
0x250: {  	[tilespmem:s8+$0x1B010] =	vst v13;
	v6 =	vadd.f32 v6, v11  }
0x251: {  	[tilespmem:s8+$0x1B020] =	vst v7;
	v5 =	vadd.f32 v5, v10  }
0x252: {  	[tilespmem:s8+$0x1B030] =	vst v6;
	v4 =	vadd.f32 v4, v8  }
0x253: {  	[tilespmem:s8+$0x1B040] =	vst v5;
	v3 =	vadd.f32 v3, v9  }
0x254: {  	[tilespmem:s8+$0x1B050] =	vst v4;
	v2 =	vadd.f32 v2, v12  }
0x255: {  	[tilespmem:s8+$0x1B060] =	vst v3  }
0x256: {  	[tilespmem:s8+$0x1B070] =	vst v2  }
0x257: {  	[tilespmem:s1], [sflag:$0x5] =	stream.linear.gather [spmem:s13], $0xC80, $0x38;
	[tilespmem:$0x1FE80] =	vst v63  }
0x258: {  	_ =	swait.ge [sflag:s18], $0xC80  }
0x259: {  	[sflag:s18] =	ssyncset.done $0x0  }
0x25a: {  	s8 =	simm.s32 $0x0;
	[sflag:s18] =	ssyncadd.s32 $0xFFFFF380  }
0x25b: {  	v9 =	vld [tilespmem:s8+$0x1C000]  }
0x25c: {  	v13 =	vld [tilespmem:s8+$0x1C010]  }
0x25d: {  	v7 =	vld [tilespmem:s8+$0x1C020]  }
0x25e: {  	v6 =	vld [tilespmem:s8+$0x1C030]  }
0x25f: {  	v5 =	vld [tilespmem:s8+$0x1C040]  }
0x260: {  	v4 =	vld [tilespmem:s8+$0x1C050]  }
0x261: {  	v3 =	vld [tilespmem:s8+$0x1C060]  }
0x262: {  	v2 =	vld [tilespmem:s8+$0x1C070]  }
0x263: {  	v14 =	vld [tilespmem:s8+$0x1B000]  }
0x264: {  	v15 =	vld [tilespmem:s8+$0x1B010]  }
0x265: {  	v12 =	vld [tilespmem:s8+$0x1B020]  }
0x266: {  	v11 =	vld [tilespmem:s8+$0x1B030]  }
0x267: {  	v10 =	vld [tilespmem:s8+$0x1B040]  }
0x268: {  	v8 =	vld [tilespmem:s8+$0x1B050];
	v14 =	vadd.f32 v9, v14  }
0x269: {  	s9 =	simm.s32 $0x200;
	v13 =	vadd.f32 v13, v15;
	v9 =	vld [tilespmem:s8+$0x1B060]  }
.LBB2_35:
0x26a: {  	s10 =	sshra.s32 s9, $0x2;
	p4 =	sne.s32 s9, $0x3000;
	[tilespmem:s8+$0x1B000] =	vst v14;
	v7 =	vadd.f32 v7, v12;
	v12 =	vld [tilespmem:s8+$0x1B070]  }
0x26b: {  	v14 =	vld [tilespmem:s10+$0x1C000];
	[tilespmem:s8+$0x1B010] =	vst v13;
	v6 =	vadd.f32 v6, v11  }
0x26c: {  	v13 =	vld [tilespmem:s10+$0x1C010];
	[tilespmem:s8+$0x1B020] =	vst v7;
	v5 =	vadd.f32 v5, v10  }
0x26d: {  	v7 =	vld [tilespmem:s10+$0x1C020];
	[tilespmem:s8+$0x1B030] =	vst v6;
	v4 =	vadd.f32 v4, v8  }
0x26e: {  	v6 =	vld [tilespmem:s10+$0x1C030];
	[tilespmem:s8+$0x1B040] =	vst v5;
	v3 =	vadd.f32 v3, v9  }
0x26f: {  	v5 =	vld [tilespmem:s10+$0x1C040];
	[tilespmem:s8+$0x1B050] =	vst v4;
	v2 =	vadd.f32 v2, v12  }
0x270: {  	v4 =	vld [tilespmem:s10+$0x1C050];
	[tilespmem:s8+$0x1B060] =	vst v3  }
0x271: {  	v3 =	vld [tilespmem:s10+$0x1C060];
	[tilespmem:s8+$0x1B070] =	vst v2;
	s8 =	smov.u32 s10  }
0x272: {  	v2 =	vld [tilespmem:s8+$0x1C070]  }
0x273: {  	v8 =	vld [tilespmem:s8+$0x1B000]  }
0x274: {  	v9 =	vld [tilespmem:s8+$0x1B010]  }
.Ltmp17:
0x275: {  	v12 =	vld [tilespmem:s8+$0x1B020];
	(pc) =	sbr.rel @p4 .LBB2_35-.Ltmp17, $4  }
0x276: {  	v11 =	vld [tilespmem:s8+$0x1B030]  }
0x277: {  	v10 =	vld [tilespmem:s8+$0x1B040]  }
0x278: {  	v14 =	vadd.f32 v14, v8;
	v8 =	vld [tilespmem:s8+$0x1B050]  }
0x279: {  	s9 =	sadd.s32 $0x200, s9;
	v13 =	vadd.f32 v13, v9;
	v9 =	vld [tilespmem:s8+$0x1B060]  }
0x27a: {  	[tilespmem:s8+$0x1B000] =	vst v14;
	v7 =	vadd.f32 v7, v12;
	v12 =	vld [tilespmem:s8+$0x1B070]  }
0x27b: {  	[tilespmem:s8+$0x1B010] =	vst v13;
	v6 =	vadd.f32 v6, v11  }
0x27c: {  	[tilespmem:s8+$0x1B020] =	vst v7;
	v5 =	vadd.f32 v5, v10  }
0x27d: {  	[tilespmem:s8+$0x1B030] =	vst v6;
	v4 =	vadd.f32 v4, v8  }
0x27e: {  	[tilespmem:s8+$0x1B040] =	vst v5;
	v3 =	vadd.f32 v3, v9  }
0x27f: {  	[tilespmem:s8+$0x1B050] =	vst v4;
	v2 =	vadd.f32 v2, v12  }
0x280: {  	[tilespmem:s8+$0x1B060] =	vst v3  }
0x281: {  	[tilespmem:s8+$0x1B070] =	vst v2  }
0x282: {  	[bflag:$0x0] =	sbarrier.arrive $0xFFFF  }
0x283: {  	s8 =	simm.s32 @!p3 $0x0;
	s9 =	rddreg [dreg:$0xe]  }
0x284: {  	[spmem:s9] =	stream.linear.scatter @!p3 [tilespmem:s8], [sflag:$0x5], $0xC800, $0x38;
	[tilespmem:$0x1FE80] =	vst v63  }
0x285: {  	s8 =	simm.s32 @!p3 $0x5  }
0x286: {  	_ =	swait.ge @!p3 [sflag:s8], $0xC800  }
0x287: {  	[sflag:s8] =	ssyncset.done @!p3 $0x0  }
0x288: {  	[sflag:s8] =	ssyncadd.s32 @!p3 $0xFFFF3800  }
0x289: {  	[bflag:$0x0] =	sbarrier.arrive $0xFFFF  }
0x28a: {  	[tilespmem:s1], [sflag:$0x5] =	stream.linear.gather [spmem:s14], $0xC80, $0x38;
	[tilespmem:$0x1FE80] =	vst v63  }
0x28b: {  	_ =	swait.ge [sflag:s18], $0xC80  }
0x28c: {  	[sflag:s18] =	ssyncset.done $0x0  }
0x28d: {  	s8 =	simm.s32 $0x0;
	[sflag:s18] =	ssyncadd.s32 $0xFFFFF380  }
0x28e: {  	v9 =	vld [tilespmem:s8+$0x1C000]  }
0x28f: {  	v13 =	vld [tilespmem:s8+$0x1C010]  }
0x290: {  	v7 =	vld [tilespmem:s8+$0x1C020]  }
0x291: {  	v6 =	vld [tilespmem:s8+$0x1C030]  }
0x292: {  	v5 =	vld [tilespmem:s8+$0x1C040]  }
0x293: {  	v4 =	vld [tilespmem:s8+$0x1C050]  }
0x294: {  	v3 =	vld [tilespmem:s8+$0x1C060]  }
0x295: {  	v2 =	vld [tilespmem:s8+$0x1C070]  }
0x296: {  	v14 =	vld [tilespmem:s8+$0x1B000]  }
0x297: {  	v15 =	vld [tilespmem:s8+$0x1B010]  }
0x298: {  	v12 =	vld [tilespmem:s8+$0x1B020]  }
0x299: {  	v11 =	vld [tilespmem:s8+$0x1B030]  }
0x29a: {  	v10 =	vld [tilespmem:s8+$0x1B040]  }
0x29b: {  	v8 =	vld [tilespmem:s8+$0x1B050];
	v14 =	vadd.f32 v9, v14  }
0x29c: {  	s9 =	simm.s32 $0x200;
	v13 =	vadd.f32 v13, v15;
	v9 =	vld [tilespmem:s8+$0x1B060]  }
.LBB2_37:
0x29d: {  	s10 =	sshra.s32 s9, $0x2;
	p4 =	sne.s32 s9, $0x3000;
	[tilespmem:s8+$0x1B000] =	vst v14;
	v7 =	vadd.f32 v7, v12;
	v12 =	vld [tilespmem:s8+$0x1B070]  }
0x29e: {  	v14 =	vld [tilespmem:s10+$0x1C000];
	[tilespmem:s8+$0x1B010] =	vst v13;
	v6 =	vadd.f32 v6, v11  }
0x29f: {  	v13 =	vld [tilespmem:s10+$0x1C010];
	[tilespmem:s8+$0x1B020] =	vst v7;
	v5 =	vadd.f32 v5, v10  }
0x2a0: {  	v7 =	vld [tilespmem:s10+$0x1C020];
	[tilespmem:s8+$0x1B030] =	vst v6;
	v4 =	vadd.f32 v4, v8  }
0x2a1: {  	v6 =	vld [tilespmem:s10+$0x1C030];
	[tilespmem:s8+$0x1B040] =	vst v5;
	v3 =	vadd.f32 v3, v9  }
0x2a2: {  	v5 =	vld [tilespmem:s10+$0x1C040];
	[tilespmem:s8+$0x1B050] =	vst v4;
	v2 =	vadd.f32 v2, v12  }
0x2a3: {  	v4 =	vld [tilespmem:s10+$0x1C050];
	[tilespmem:s8+$0x1B060] =	vst v3  }
0x2a4: {  	v3 =	vld [tilespmem:s10+$0x1C060];
	[tilespmem:s8+$0x1B070] =	vst v2;
	s8 =	smov.u32 s10  }
0x2a5: {  	v2 =	vld [tilespmem:s8+$0x1C070]  }
0x2a6: {  	v8 =	vld [tilespmem:s8+$0x1B000]  }
0x2a7: {  	v9 =	vld [tilespmem:s8+$0x1B010]  }
.Ltmp18:
0x2a8: {  	v12 =	vld [tilespmem:s8+$0x1B020];
	(pc) =	sbr.rel @p4 .LBB2_37-.Ltmp18, $4  }
0x2a9: {  	v11 =	vld [tilespmem:s8+$0x1B030]  }
0x2aa: {  	v10 =	vld [tilespmem:s8+$0x1B040]  }
0x2ab: {  	v14 =	vadd.f32 v14, v8;
	v8 =	vld [tilespmem:s8+$0x1B050]  }
0x2ac: {  	s9 =	sadd.s32 $0x200, s9;
	v13 =	vadd.f32 v13, v9;
	v9 =	vld [tilespmem:s8+$0x1B060]  }
0x2ad: {  	[tilespmem:s8+$0x1B000] =	vst v14;
	v7 =	vadd.f32 v7, v12;
	v12 =	vld [tilespmem:s8+$0x1B070]  }
0x2ae: {  	[tilespmem:s8+$0x1B010] =	vst v13;
	v6 =	vadd.f32 v6, v11  }
0x2af: {  	[tilespmem:s8+$0x1B020] =	vst v7;
	v5 =	vadd.f32 v5, v10  }
0x2b0: {  	[tilespmem:s8+$0x1B030] =	vst v6;
	v4 =	vadd.f32 v4, v8  }
0x2b1: {  	[tilespmem:s8+$0x1B040] =	vst v5;
	v3 =	vadd.f32 v3, v9  }
0x2b2: {  	[tilespmem:s8+$0x1B050] =	vst v4;
	v2 =	vadd.f32 v2, v12  }
0x2b3: {  	[tilespmem:s8+$0x1B060] =	vst v3  }
0x2b4: {  	[tilespmem:s8+$0x1B070] =	vst v2  }
0x2b5: {  	[tilespmem:s1], [sflag:$0x5] =	stream.linear.gather [spmem:s15], $0xC80, $0x38;
	[tilespmem:$0x1FE80] =	vst v63  }
0x2b6: {  	_ =	swait.ge [sflag:s18], $0xC80  }
0x2b7: {  	[sflag:s18] =	ssyncset.done $0x0  }
0x2b8: {  	s8 =	simm.s32 $0x0;
	[sflag:s18] =	ssyncadd.s32 $0xFFFFF380  }
0x2b9: {  	v9 =	vld [tilespmem:s8+$0x1C000]  }
0x2ba: {  	v13 =	vld [tilespmem:s8+$0x1C010]  }
0x2bb: {  	v7 =	vld [tilespmem:s8+$0x1C020]  }
0x2bc: {  	v6 =	vld [tilespmem:s8+$0x1C030]  }
0x2bd: {  	v5 =	vld [tilespmem:s8+$0x1C040]  }
0x2be: {  	v4 =	vld [tilespmem:s8+$0x1C050]  }
0x2bf: {  	v3 =	vld [tilespmem:s8+$0x1C060]  }
0x2c0: {  	v2 =	vld [tilespmem:s8+$0x1C070]  }
0x2c1: {  	v14 =	vld [tilespmem:s8+$0x1B000]  }
0x2c2: {  	v15 =	vld [tilespmem:s8+$0x1B010]  }
0x2c3: {  	v12 =	vld [tilespmem:s8+$0x1B020]  }
0x2c4: {  	v11 =	vld [tilespmem:s8+$0x1B030]  }
0x2c5: {  	v10 =	vld [tilespmem:s8+$0x1B040]  }
0x2c6: {  	v8 =	vld [tilespmem:s8+$0x1B050];
	v14 =	vadd.f32 v9, v14  }
0x2c7: {  	s9 =	simm.s32 $0x200;
	v13 =	vadd.f32 v13, v15;
	v9 =	vld [tilespmem:s8+$0x1B060]  }
.LBB2_39:
0x2c8: {  	s10 =	sshra.s32 s9, $0x2;
	p4 =	sne.s32 s9, $0x3000;
	[tilespmem:s8+$0x1B000] =	vst v14;
	v7 =	vadd.f32 v7, v12;
	v12 =	vld [tilespmem:s8+$0x1B070]  }
0x2c9: {  	v14 =	vld [tilespmem:s10+$0x1C000];
	[tilespmem:s8+$0x1B010] =	vst v13;
	v6 =	vadd.f32 v6, v11  }
0x2ca: {  	v13 =	vld [tilespmem:s10+$0x1C010];
	[tilespmem:s8+$0x1B020] =	vst v7;
	v5 =	vadd.f32 v5, v10  }
0x2cb: {  	v7 =	vld [tilespmem:s10+$0x1C020];
	[tilespmem:s8+$0x1B030] =	vst v6;
	v4 =	vadd.f32 v4, v8  }
0x2cc: {  	v6 =	vld [tilespmem:s10+$0x1C030];
	[tilespmem:s8+$0x1B040] =	vst v5;
	v3 =	vadd.f32 v3, v9  }
0x2cd: {  	v5 =	vld [tilespmem:s10+$0x1C040];
	[tilespmem:s8+$0x1B050] =	vst v4;
	v2 =	vadd.f32 v2, v12  }
0x2ce: {  	v4 =	vld [tilespmem:s10+$0x1C050];
	[tilespmem:s8+$0x1B060] =	vst v3  }
0x2cf: {  	v3 =	vld [tilespmem:s10+$0x1C060];
	[tilespmem:s8+$0x1B070] =	vst v2;
	s8 =	smov.u32 s10  }
0x2d0: {  	v2 =	vld [tilespmem:s8+$0x1C070]  }
0x2d1: {  	v8 =	vld [tilespmem:s8+$0x1B000]  }
0x2d2: {  	v9 =	vld [tilespmem:s8+$0x1B010]  }
.Ltmp19:
0x2d3: {  	v12 =	vld [tilespmem:s8+$0x1B020];
	(pc) =	sbr.rel @p4 .LBB2_39-.Ltmp19, $4  }
0x2d4: {  	v11 =	vld [tilespmem:s8+$0x1B030]  }
0x2d5: {  	v10 =	vld [tilespmem:s8+$0x1B040]  }
0x2d6: {  	v14 =	vadd.f32 v14, v8;
	v8 =	vld [tilespmem:s8+$0x1B050]  }
0x2d7: {  	s9 =	sadd.s32 $0x200, s9;
	v13 =	vadd.f32 v13, v9;
	v9 =	vld [tilespmem:s8+$0x1B060]  }
0x2d8: {  	[tilespmem:s8+$0x1B000] =	vst v14;
	v7 =	vadd.f32 v7, v12;
	v12 =	vld [tilespmem:s8+$0x1B070]  }
0x2d9: {  	[tilespmem:s8+$0x1B010] =	vst v13;
	v6 =	vadd.f32 v6, v11  }
0x2da: {  	[tilespmem:s8+$0x1B020] =	vst v7;
	v5 =	vadd.f32 v5, v10  }
0x2db: {  	[tilespmem:s8+$0x1B030] =	vst v6;
	v4 =	vadd.f32 v4, v8  }
0x2dc: {  	[tilespmem:s8+$0x1B040] =	vst v5;
	v3 =	vadd.f32 v3, v9  }
0x2dd: {  	[tilespmem:s8+$0x1B050] =	vst v4;
	v2 =	vadd.f32 v2, v12  }
0x2de: {  	[tilespmem:s8+$0x1B060] =	vst v3  }
0x2df: {  	[tilespmem:s8+$0x1B070] =	vst v2  }
0x2e0: {  	[tilespmem:s1], [sflag:$0x5] =	stream.linear.gather [spmem:s26], $0xC80, $0x38;
	[tilespmem:$0x1FE80] =	vst v63  }
0x2e1: {  	_ =	swait.ge [sflag:s18], $0xC80  }
0x2e2: {  	[sflag:s18] =	ssyncset.done $0x0  }
0x2e3: {  	s8 =	simm.s32 $0x0;
	[sflag:s18] =	ssyncadd.s32 $0xFFFFF380  }
0x2e4: {  	v9 =	vld [tilespmem:s8+$0x1C000]  }
0x2e5: {  	v13 =	vld [tilespmem:s8+$0x1C010]  }
0x2e6: {  	v7 =	vld [tilespmem:s8+$0x1C020]  }
0x2e7: {  	v6 =	vld [tilespmem:s8+$0x1C030]  }
0x2e8: {  	v5 =	vld [tilespmem:s8+$0x1C040]  }
0x2e9: {  	v4 =	vld [tilespmem:s8+$0x1C050]  }
0x2ea: {  	v3 =	vld [tilespmem:s8+$0x1C060]  }
0x2eb: {  	v2 =	vld [tilespmem:s8+$0x1C070]  }
0x2ec: {  	v14 =	vld [tilespmem:s8+$0x1B000]  }
0x2ed: {  	v15 =	vld [tilespmem:s8+$0x1B010]  }
0x2ee: {  	v12 =	vld [tilespmem:s8+$0x1B020]  }
0x2ef: {  	v11 =	vld [tilespmem:s8+$0x1B030]  }
0x2f0: {  	v10 =	vld [tilespmem:s8+$0x1B040]  }
0x2f1: {  	v8 =	vld [tilespmem:s8+$0x1B050];
	v14 =	vadd.f32 v9, v14  }
0x2f2: {  	s9 =	simm.s32 $0x200;
	v13 =	vadd.f32 v13, v15;
	v9 =	vld [tilespmem:s8+$0x1B060]  }
.LBB2_41:
0x2f3: {  	s10 =	sshra.s32 s9, $0x2;
	p4 =	sne.s32 s9, $0x3000;
	[tilespmem:s8+$0x1B000] =	vst v14;
	v7 =	vadd.f32 v7, v12;
	v12 =	vld [tilespmem:s8+$0x1B070]  }
0x2f4: {  	v14 =	vld [tilespmem:s10+$0x1C000];
	[tilespmem:s8+$0x1B010] =	vst v13;
	v6 =	vadd.f32 v6, v11  }
0x2f5: {  	v13 =	vld [tilespmem:s10+$0x1C010];
	[tilespmem:s8+$0x1B020] =	vst v7;
	v5 =	vadd.f32 v5, v10  }
0x2f6: {  	v7 =	vld [tilespmem:s10+$0x1C020];
	[tilespmem:s8+$0x1B030] =	vst v6;
	v4 =	vadd.f32 v4, v8  }
0x2f7: {  	v6 =	vld [tilespmem:s10+$0x1C030];
	[tilespmem:s8+$0x1B040] =	vst v5;
	v3 =	vadd.f32 v3, v9  }
0x2f8: {  	v5 =	vld [tilespmem:s10+$0x1C040];
	[tilespmem:s8+$0x1B050] =	vst v4;
	v2 =	vadd.f32 v2, v12  }
0x2f9: {  	v4 =	vld [tilespmem:s10+$0x1C050];
	[tilespmem:s8+$0x1B060] =	vst v3  }
0x2fa: {  	v3 =	vld [tilespmem:s10+$0x1C060];
	[tilespmem:s8+$0x1B070] =	vst v2;
	s8 =	smov.u32 s10  }
0x2fb: {  	v2 =	vld [tilespmem:s8+$0x1C070]  }
0x2fc: {  	v8 =	vld [tilespmem:s8+$0x1B000]  }
0x2fd: {  	v9 =	vld [tilespmem:s8+$0x1B010]  }
.Ltmp20:
0x2fe: {  	v12 =	vld [tilespmem:s8+$0x1B020];
	(pc) =	sbr.rel @p4 .LBB2_41-.Ltmp20, $4  }
0x2ff: {  	v11 =	vld [tilespmem:s8+$0x1B030]  }
0x300: {  	v10 =	vld [tilespmem:s8+$0x1B040]  }
0x301: {  	v14 =	vadd.f32 v14, v8;
	v8 =	vld [tilespmem:s8+$0x1B050]  }
0x302: {  	s9 =	sadd.s32 $0x200, s9;
	v13 =	vadd.f32 v13, v9;
	v9 =	vld [tilespmem:s8+$0x1B060]  }
0x303: {  	[tilespmem:s8+$0x1B000] =	vst v14;
	v7 =	vadd.f32 v7, v12;
	v12 =	vld [tilespmem:s8+$0x1B070]  }
0x304: {  	[tilespmem:s8+$0x1B010] =	vst v13;
	v6 =	vadd.f32 v6, v11  }
0x305: {  	[tilespmem:s8+$0x1B020] =	vst v7;
	v5 =	vadd.f32 v5, v10  }
0x306: {  	[tilespmem:s8+$0x1B030] =	vst v6;
	v4 =	vadd.f32 v4, v8  }
0x307: {  	[tilespmem:s8+$0x1B040] =	vst v5;
	v3 =	vadd.f32 v3, v9  }
0x308: {  	[tilespmem:s8+$0x1B050] =	vst v4;
	v2 =	vadd.f32 v2, v12  }
0x309: {  	[tilespmem:s8+$0x1B060] =	vst v3  }
0x30a: {  	[tilespmem:s8+$0x1B070] =	vst v2  }
0x30b: {  	[tilespmem:s1], [sflag:$0x5] =	stream.linear.gather [spmem:s13], $0xC80, $0x38;
	[tilespmem:$0x1FE80] =	vst v63  }
0x30c: {  	_ =	swait.ge [sflag:s18], $0xC80  }
0x30d: {  	[sflag:s18] =	ssyncset.done $0x0  }
0x30e: {  	s8 =	simm.s32 $0x0;
	[sflag:s18] =	ssyncadd.s32 $0xFFFFF380  }
0x30f: {  	v9 =	vld [tilespmem:s8+$0x1C000]  }
0x310: {  	v13 =	vld [tilespmem:s8+$0x1C010]  }
0x311: {  	v7 =	vld [tilespmem:s8+$0x1C020]  }
0x312: {  	v6 =	vld [tilespmem:s8+$0x1C030]  }
0x313: {  	v5 =	vld [tilespmem:s8+$0x1C040]  }
0x314: {  	v4 =	vld [tilespmem:s8+$0x1C050]  }
0x315: {  	v3 =	vld [tilespmem:s8+$0x1C060]  }
0x316: {  	v2 =	vld [tilespmem:s8+$0x1C070]  }
0x317: {  	v14 =	vld [tilespmem:s8+$0x1B000]  }
0x318: {  	v15 =	vld [tilespmem:s8+$0x1B010]  }
0x319: {  	v12 =	vld [tilespmem:s8+$0x1B020]  }
0x31a: {  	v11 =	vld [tilespmem:s8+$0x1B030]  }
0x31b: {  	v10 =	vld [tilespmem:s8+$0x1B040]  }
0x31c: {  	v8 =	vld [tilespmem:s8+$0x1B050];
	v14 =	vadd.f32 v9, v14  }
0x31d: {  	s17 =	smov.u32 s26;
	s9 =	simm.s32 $0x200;
	v13 =	vadd.f32 v13, v15;
	v9 =	vld [tilespmem:s8+$0x1B060]  }
.LBB2_43:
0x31e: {  	s10 =	sshra.s32 s9, $0x2;
	p4 =	sne.s32 s9, $0x3000;
	[tilespmem:s8+$0x1B000] =	vst v14;
	v7 =	vadd.f32 v7, v12;
	v12 =	vld [tilespmem:s8+$0x1B070]  }
0x31f: {  	v14 =	vld [tilespmem:s10+$0x1C000];
	[tilespmem:s8+$0x1B010] =	vst v13;
	v6 =	vadd.f32 v6, v11  }
0x320: {  	v13 =	vld [tilespmem:s10+$0x1C010];
	[tilespmem:s8+$0x1B020] =	vst v7;
	v5 =	vadd.f32 v5, v10  }
0x321: {  	v7 =	vld [tilespmem:s10+$0x1C020];
	[tilespmem:s8+$0x1B030] =	vst v6;
	v4 =	vadd.f32 v4, v8  }
0x322: {  	v6 =	vld [tilespmem:s10+$0x1C030];
	[tilespmem:s8+$0x1B040] =	vst v5;
	v3 =	vadd.f32 v3, v9  }
0x323: {  	v5 =	vld [tilespmem:s10+$0x1C040];
	[tilespmem:s8+$0x1B050] =	vst v4;
	v2 =	vadd.f32 v2, v12  }
0x324: {  	v4 =	vld [tilespmem:s10+$0x1C050];
	[tilespmem:s8+$0x1B060] =	vst v3  }
0x325: {  	v3 =	vld [tilespmem:s10+$0x1C060];
	[tilespmem:s8+$0x1B070] =	vst v2;
	s8 =	smov.u32 s10  }
0x326: {  	v2 =	vld [tilespmem:s8+$0x1C070]  }
0x327: {  	v8 =	vld [tilespmem:s8+$0x1B000]  }
0x328: {  	v9 =	vld [tilespmem:s8+$0x1B010]  }
.Ltmp21:
0x329: {  	v12 =	vld [tilespmem:s8+$0x1B020];
	(pc) =	sbr.rel @p4 .LBB2_43-.Ltmp21, $4  }
0x32a: {  	v11 =	vld [tilespmem:s8+$0x1B030]  }
0x32b: {  	v10 =	vld [tilespmem:s8+$0x1B040]  }
0x32c: {  	v14 =	vadd.f32 v14, v8;
	v8 =	vld [tilespmem:s8+$0x1B050]  }
0x32d: {  	s9 =	sadd.s32 $0x200, s9;
	v13 =	vadd.f32 v13, v9;
	v9 =	vld [tilespmem:s8+$0x1B060]  }
0x32e: {  	[tilespmem:s8+$0x1B000] =	vst v14;
	v7 =	vadd.f32 v7, v12;
	v41 =	vld [tilespmem:s8+$0x1B070]  }
0x32f: {  	[tilespmem:s8+$0x1B010] =	vst v13;
	v6 =	vadd.f32 v6, v11  }
0x330: {  	[tilespmem:s8+$0x1B020] =	vst v7;
	v5 =	vadd.f32 v5, v10  }
0x331: {  	[tilespmem:s8+$0x1B030] =	vst v6;
	v4 =	vadd.f32 v4, v8  }
0x332: {  	[tilespmem:s8+$0x1B040] =	vst v5;
	v3 =	vadd.f32 v3, v9  }
0x333: {  	[tilespmem:s8+$0x1B050] =	vst v4;
	v2 =	vadd.f32 v2, v41  }
0x334: {  	[tilespmem:s8+$0x1B060] =	vst v3  }
0x335: {  	[tilespmem:s8+$0x1B070] =	vst v2  }
0x336: {  	s8 =	simm.s32 $0x0;
	[bflag:$0x0] =	sbarrier.arrive $0xFFFF  }
0x337: {  	v4 =	vld [tilespmem:s8+$0x1B030];
	_ =	sdelay $0x1  }
0x338: {  	v5 =	vld [tilespmem:s8+$0x1B020]  }
0x339: {  	v6 =	vld [tilespmem:s8+$0x1B000];
	_ =	sdelay $0x1  }
0x33a: {  	v7 =	vld [tilespmem:s8+$0x1B010];
	v2 =	vshrl.u32 v4, $0x1;
	v3 =	vmul.f32 $5.000000000e-01, v4  }
0x33b: {  	v2 =	vsub.s32 $0x5F3759DF, v2  }
0x33c: {  	v8 =	vshrl.u32 v5, $0x1;
	v42 =	vmul.f32 $5.000000000e-01, v5;
	v43 =	vmul.f32 v2, v3  }
0x33d: {  	v44 =	vshrl.u32 v6, $0x1;
	v45 =	vmul.f32 $5.000000000e-01, v6;
	v8 =	vsub.s32 $0x5F3759DF, v8  }
0x33e: {  	v11 =	vsub.s32 $0x5F3759DF, v44;
	v46 =	vmul.f32 v8, v42;
	v10 =	vmul.f32 v2, v43  }
0x33f: {  	v15 =	vshrl.u32 v7, $0x1;
	v16 =	vmul.f32 $5.000000000e-01, v7;
	v47 =	vmul.f32 v11, v45  }
0x340: {  	v15 =	vsub.s32 $0x5F3759DF, v15;
	v13 =	vmul.f32 v8, v46;
	v10 =	vsub.f32 $1.500000000e+00, v10  }
0x341: {  	v17 =	vmul.f32 v15, v16;
	v14 =	vmul.f32 v11, v47  }
0x342: {  	v13 =	vsub.f32 $1.500000000e+00, v13;
	v2 =	vmul.f32 v2, v10  }
0x343: {  	v49 =	vmul.f32 v15, v17;
	v48 =	vsub.f32 $1.500000000e+00, v14  }
0x344: {  	v8 =	vmul.f32 v8, v13;
	v50 =	vmul.f32 v2, v3  }
0x345: {  	v10 =	vmul.f32 v11, v48;
	v13 =	vsub.f32 $1.500000000e+00, v49  }
0x346: {  	v51 =	vmul.f32 v8, v42;
	v14 =	vmul.f32 v50, v2  }
0x347: {  	v52 =	vmul.f32 v10, v45;
	v13 =	vmul.f32 v15, v13  }
0x348: {  	v11 =	vmul.f32 v51, v8;
	v14 =	vsub.f32 $1.500000000e+00, v14  }
0x349: {  	v53 =	vmul.f32 v52, v10;
	v54 =	vmul.f32 v13, v16  }
0x34a: {  	v11 =	vsub.f32 $1.500000000e+00, v11;
	v14 =	vmul.f32 v14, v2  }
0x34b: {  	v55 =	vmul.f32 v54, v13;
	v2 =	vsub.f32 $1.500000000e+00, v53  }
0x34c: {  	v8 =	vmul.f32 v11, v8;
	v56 =	vmul.f32 v14, v3  }
0x34d: {  	v3 =	vmul.f32 v2, v10  }
0x34e: {  	v57 =	vsub.f32 $1.500000000e+00, v55;
	v2 =	vmul.f32 v8, v42;
	v58 =	vmul.f32 v56, v14  }
0x34f: {  	v59 =	vmul.f32 v3, v45  }
0x350: {  	v60 =	vmul.f32 v2, v8;
	v2 =	vmul.f32 v57, v13;
	v61 =	vsub.f32 $1.500000000e+00, v58  }
0x351: {  	vm3 =	vgt.f32 v4, $0.0e+00;
	vm2 =	vgt.f32 v5, $0.0e+00;
	v4 =	vmul.f32 v59, v3  }
0x352: {  	v62 =	vsub.f32 $1.500000000e+00, v60;
	v63 =	vmul.f32 v2, v16;
	v9 =	vmul.f32 v61, v14  }
0x353: {  	vm1 =	vgt.f32 v6, $0.0e+00;
	vm0 =	vgt.f32 v7, $0.0e+00;
	v5 =	vsub.f32 $1.500000000e+00, v4  }
0x354: {  	s26 =	simm.s32 $0x100;
	s13 =	simm.s32 $0x200;
	v6 =	vmul.f32 v62, v8;
	v4 =	vmul.f32 v63, v2;
	v7 =	vnsel vm3, $0x0, v9  }
.LBB2_45:
0x355: {  	p4 =	sne.s32 s13, $0x3100  }
0x356: {  	s9 =	sshra.s32 s26, $0x2;
	v3 =	vmul.f32 v5, v3;
	v5 =	vnsel vm2, $0x0, v6;
	[tilespmem:s8+$0x1B030] =	vst v7;
	s26 =	smov.u32 s13;
	s13 =	sadd.s32 $0x100, s13  }
0x357: {  	v6 =	vld [tilespmem:s9+$0x1B030];
	v4 =	vsub.f32 $1.500000000e+00, v4;
	[tilespmem:s8+$0x1B020] =	vst v5  }
0x358: {  	v5 =	vld [tilespmem:s9+$0x1B020];
	v3 =	vnsel vm1, $0x0, v3  }
0x359: {  	[tilespmem:s8+$0x1B000] =	vst v3;
	v2 =	vmul.f32 v4, v2  }
0x35a: {  	v4 =	vld [tilespmem:s9+$0x1B000]  }
0x35b: {  	v2 =	vnsel vm0, $0x0, v2  }
0x35c: {  	v3 =	vshrl.u32 v6, $0x1;
	v7 =	vmul.f32 $5.000000000e-01, v6;
	[tilespmem:s8+$0x1B010] =	vst v2;
	s8 =	smov.u32 s9  }
0x35d: {  	v8 =	vld [tilespmem:s8+$0x1B010];
	v2 =	vshrl.u32 v5, $0x1;
	v9 =	vmul.f32 $5.000000000e-01, v5;
	v3 =	vsub.s32 $0x5F3759DF, v3  }
0x35e: {  	v2 =	vsub.s32 $0x5F3759DF, v2;
	v10 =	vmul.f32 v3, v7  }
0x35f: {  	v11 =	vshrl.u32 v4, $0x1;
	v12 =	vmul.f32 $5.000000000e-01, v4;
	v13 =	vmul.f32 v2, v9  }
0x360: {  	v11 =	vsub.s32 $0x5F3759DF, v11;
	v10 =	vmul.f32 v3, v10  }
0x361: {  	v14 =	vmul.f32 v11, v12;
	v13 =	vmul.f32 v2, v13  }
0x362: {  	v15 =	vshrl.u32 v8, $0x1;
	v16 =	vmul.f32 $5.000000000e-01, v8;
	v10 =	vsub.f32 $1.500000000e+00, v10  }
0x363: {  	v14 =	vmul.f32 v11, v14;
	v15 =	vsub.s32 $0x5F3759DF, v15;
	v13 =	vsub.f32 $1.500000000e+00, v13  }
0x364: {  	v17 =	vmul.f32 v15, v16;
	v3 =	vmul.f32 v3, v10  }
0x365: {  	v10 =	vsub.f32 $1.500000000e+00, v14;
	v2 =	vmul.f32 v2, v13  }
0x366: {  	v13 =	vmul.f32 v15, v17;
	v14 =	vmul.f32 v3, v7  }
0x367: {  	v10 =	vmul.f32 v11, v10;
	v11 =	vmul.f32 v2, v9  }
0x368: {  	v13 =	vsub.f32 $1.500000000e+00, v13;
	v14 =	vmul.f32 v14, v3  }
0x369: {  	v17 =	vmul.f32 v10, v12;
	v11 =	vmul.f32 v11, v2  }
0x36a: {  	v13 =	vmul.f32 v15, v13;
	v14 =	vsub.f32 $1.500000000e+00, v14  }
0x36b: {  	v15 =	vmul.f32 v17, v10;
	v11 =	vsub.f32 $1.500000000e+00, v11  }
0x36c: {  	v17 =	vmul.f32 v13, v16;
	v14 =	vmul.f32 v14, v3  }
0x36d: {  	v3 =	vsub.f32 $1.500000000e+00, v15;
	v11 =	vmul.f32 v11, v2  }
0x36e: {  	v2 =	vmul.f32 v17, v13;
	v7 =	vmul.f32 v14, v7  }
0x36f: {  	v3 =	vmul.f32 v3, v10;
	v9 =	vmul.f32 v11, v9  }
0x370: {  	v2 =	vsub.f32 $1.500000000e+00, v2;
	v7 =	vmul.f32 v7, v14  }
0x371: {  	v10 =	vmul.f32 v3, v12;
	v9 =	vmul.f32 v9, v11  }
.Ltmp22:
0x372: {  	vm3 =	vgt.f32 v6, $0.0e+00;
	v2 =	vmul.f32 v2, v13;
	v7 =	vsub.f32 $1.500000000e+00, v7;
	(pc) =	sbr.rel @p4 .LBB2_45-.Ltmp22, $4  }
0x373: {  	vm2 =	vgt.f32 v5, $0.0e+00;
	v6 =	vmul.f32 v10, v3;
	v9 =	vsub.f32 $1.500000000e+00, v9  }
0x374: {  	vm1 =	vgt.f32 v4, $0.0e+00;
	v4 =	vmul.f32 v2, v16;
	v7 =	vmul.f32 v7, v14  }
0x375: {  	vm0 =	vgt.f32 v8, $0.0e+00;
	v5 =	vsub.f32 $1.500000000e+00, v6;
	v6 =	vmul.f32 v9, v11  }
0x376: {  	v4 =	vmul.f32 v4, v2;
	v7 =	vnsel vm3, $0x0, v7  }
0x377: {  	_ = 	snop  }
0x378: {  	v4 =	vsub.f32 $1.500000000e+00, v4  }
0x379: {  	s13 =	sshra.s32 s26, $0x2;
	[tilespmem:s8+$0x1B030] =	vst v7;
	v3 =	vmul.f32 v5, v3;
	v5 =	vnsel vm2, $0x0, v6  }
0x37a: {  	v50 =	vld [tilespmem:s13+$0x1B030];
	[tilespmem:s8+$0x1B020] =	vst v5;
	v2 =	vmul.f32 v4, v2  }
0x37b: {  	v5 =	vld [tilespmem:s13+$0x1B020];
	v3 =	vnsel vm1, $0x0, v3  }
0x37c: {  	[tilespmem:s8+$0x1B000] =	vst v3;
	v2 =	vnsel vm0, $0x0, v2  }
0x37d: {  	v3 =	vld [tilespmem:s13+$0x1B000];
	[tilespmem:s8+$0x1B010] =	vst v2  }
0x37e: {  	v2 =	vld [tilespmem:s13+$0x1B010]  }
0x37f: {  	v4 =	vshrl.u32 v50, $0x1;
	v51 =	vmul.f32 $5.000000000e-01, v50  }
0x380: {  	v8 =	vshrl.u32 v5, $0x1;
	v9 =	vmul.f32 $5.000000000e-01, v5;
	v4 =	vsub.s32 $0x5F3759DF, v4  }
0x381: {  	v8 =	vsub.s32 $0x5F3759DF, v8;
	v10 =	vmul.f32 v4, v51  }
0x382: {  	v11 =	vshrl.u32 v3, $0x1;
	v12 =	vmul.f32 $5.000000000e-01, v3;
	v13 =	vmul.f32 v8, v9  }
0x383: {  	v11 =	vsub.s32 $0x5F3759DF, v11;
	v14 =	vshrl.u32 v2, $0x1;
	v15 =	vmul.f32 $5.000000000e-01, v2  }
0x384: {  	v10 =	vmul.f32 v4, v10;
	v16 =	vmul.f32 v11, v12;
	v14 =	vsub.s32 $0x5F3759DF, v14  }
0x385: {  	v13 =	vmul.f32 v8, v13;
	v17 =	vmul.f32 v14, v15  }
0x386: {  	v10 =	vsub.f32 $1.500000000e+00, v10;
	v16 =	vmul.f32 v11, v16  }
0x387: {  	v13 =	vsub.f32 $1.500000000e+00, v13;
	v17 =	vmul.f32 v14, v17  }
0x388: {  	v4 =	vmul.f32 v4, v10;
	v52 =	vsub.f32 $1.500000000e+00, v16  }
0x389: {  	v8 =	vmul.f32 v8, v13;
	v53 =	vsub.f32 $1.500000000e+00, v17  }
0x38a: {  	v54 =	vmul.f32 v4, v51;
	v10 =	vmul.f32 v11, v52  }
0x38b: {  	v55 =	vmul.f32 v8, v9;
	v13 =	vmul.f32 v14, v53  }
0x38c: {  	v56 =	vmul.f32 v54, v4;
	v57 =	vmul.f32 v10, v12  }
0x38d: {  	v11 =	vmul.f32 v55, v8;
	v58 =	vmul.f32 v13, v15  }
0x38e: {  	v14 =	vsub.f32 $1.500000000e+00, v56;
	v16 =	vmul.f32 v57, v10  }
0x38f: {  	v11 =	vsub.f32 $1.500000000e+00, v11;
	v17 =	vmul.f32 v58, v13  }
0x390: {  	v4 =	vmul.f32 v14, v4;
	v59 =	vsub.f32 $1.500000000e+00, v16  }
0x391: {  	v8 =	vmul.f32 v11, v8;
	v60 =	vsub.f32 $1.500000000e+00, v17  }
0x392: {  	v7 =	vmul.f32 v4, v51;
	v10 =	vmul.f32 v59, v10  }
0x393: {  	v9 =	vmul.f32 v8, v9;
	v11 =	vmul.f32 v60, v13  }
0x394: {  	v7 =	vmul.f32 v7, v4;
	v12 =	vmul.f32 v10, v12  }
0x395: {  	v9 =	vmul.f32 v9, v8;
	v13 =	vmul.f32 v11, v15  }
0x396: {  	v7 =	vsub.f32 $1.500000000e+00, v7;
	v12 =	vmul.f32 v12, v10  }
0x397: {  	v9 =	vsub.f32 $1.500000000e+00, v9;
	v13 =	vmul.f32 v13, v11  }
0x398: {  	v4 =	vmul.f32 v7, v4;
	v61 =	vsub.f32 $1.500000000e+00, v12  }
0x399: {  	vm12 =	vgt.f32 v50, $0.0e+00;
	v62 =	vmul.f32 v9, v8;
	v63 =	vsub.f32 $1.500000000e+00, v13  }
0x39a: {  	vm13 =	vgt.f32 v5, $0.0e+00;
	v4 =	vnsel vm12, $0x0, v4;
	v5 =	vmul.f32 v61, v10  }
0x39b: {  	vm14 =	vgt.f32 v3, $0.0e+00;
	v3 =	vnsel vm13, $0x0, v62;
	[tilespmem:s13+$0x1B030] =	vst v4;
	v4 =	vmul.f32 v63, v11  }
0x39c: {  	vm15 =	vgt.f32 v2, $0.0e+00;
	[tilespmem:s13+$0x1B020] =	vst v3;
	v2 =	vnsel vm14, $0x0, v5  }
0x39d: {  	[tilespmem:s13+$0x1B000] =	vst v2;
	v2 =	vnsel vm15, $0x0, v4  }
0x39e: {  	s25 =	simm.s32 $0x0;
	s9 =	rddreg [dreg:$0xa];
	[tilespmem:s13+$0x1B010] =	vst v2  }
0x39f: {  	[tilespmem:s19], [sflag:$0x5] =	stream.linear.gather [hbm4b:s9+s25], $0xC350, $0x38;
	[tilespmem:$0x1FE80] =	vst v63  }
0x3a0: {  	_ =	swait.ge [sflag:s18], $0xC350  }
0x3a1: {  	[sflag:s18] =	ssyncset.done $0x0  }
0x3a2: {  	s26 =	rddreg [dreg:$0xd];
	[sflag:s18] =	ssyncadd.s32 $0xFFFF3CB0  }
0x3a3: {  	[tilespmem:s30], [sflag:$0x5] =	stream.linear.gather [hbm4b:s26+s25], $0xC80, $0x38;
	[tilespmem:$0x1FE80] =	vst v63  }
0x3a4: {  	_ =	swait.ge [sflag:s18], $0xC80  }
0x3a5: {  	[sflag:s18] =	ssyncset.done $0x0  }
0x3a6: {  	s8 =	simm.s32 $0x0;
	[sflag:s18] =	ssyncadd.s32 $0xFFFFF380  }
0x3a7: {  	v2 =	vld [tilespmem:s8+$0x19000];
	_ =	sdelay $0x5  }
0x3a8: {  	v3 =	vld [tilespmem:s8+$0x1B000]  }
0x3a9: {  	v4 =	vld [tilespmem:s8+$0x19010]  }
0x3aa: {  	v2 =	vld.idx.msk [tilespmem:v2+s19+$0x0], $0xffff;
	_ =	sdelay $0x4  }
0x3ab: {  	v2 =	vmul.f32 v2, v3;
	_ =	sdelay $0x1  }
0x3ac: {  	[tilespmem:s8+$0x1C000] =	vst v2;
	v2 =	vld [tilespmem:s8+$0x1B010]  }
0x3ad: {  	v3 =	vld.idx.msk [tilespmem:v4+s19+$0x0], $0xffff  }
0x3ae: {  	v4 =	vld [tilespmem:s8+$0x19020];
	_ =	sdelay $0x4  }
0x3af: {  	v2 =	vmul.f32 v3, v2;
	_ =	sdelay $0x1  }
0x3b0: {  	[tilespmem:s8+$0x1C010] =	vst v2;
	v2 =	vld [tilespmem:s8+$0x1B020]  }
0x3b1: {  	v3 =	vld.idx.msk [tilespmem:v4+s19+$0x0], $0xffff  }
0x3b2: {  	v4 =	vld [tilespmem:s8+$0x19030];
	_ =	sdelay $0x4  }
0x3b3: {  	v2 =	vmul.f32 v3, v2;
	_ =	sdelay $0x1  }
0x3b4: {  	[tilespmem:s8+$0x1C020] =	vst v2;
	v2 =	vld [tilespmem:s8+$0x1B030]  }
0x3b5: {  	v3 =	vld.idx.msk [tilespmem:v4+s19+$0x0], $0xffff  }
0x3b6: {  	v4 =	vld [tilespmem:s8+$0x19040];
	_ =	sdelay $0x4  }
0x3b7: {  	v2 =	vmul.f32 v3, v2;
	_ =	sdelay $0x1  }
0x3b8: {  	[tilespmem:s8+$0x1C030] =	vst v2;
	v2 =	vld [tilespmem:s8+$0x1B040]  }
0x3b9: {  	s13 =	simm.s32 $0x280;
	s9 =	simm.s32 $0x50;
	v3 =	vld.idx.msk [tilespmem:v4+s19+$0x0], $0xffff  }
.LBB2_47:
0x3ba: {  	p4 =	sne.s32 s13, $0x30C0;
	v4 =	vld [tilespmem:s9+$0x19000];
	_ =	sdelay $0x4  }
0x3bb: {  	v2 =	vmul.f32 v3, v2;
	_ =	sdelay $0x1  }
0x3bc: {  	v3 =	vld [tilespmem:s9+$0x1B000];
	[tilespmem:s8+$0x1C040] =	vst v2;
	s8 =	smov.u32 s9  }
0x3bd: {  	v2 =	vld.idx.msk [tilespmem:v4+s19+$0x0], $0xffff  }
0x3be: {  	v4 =	vld [tilespmem:s8+$0x19010];
	_ =	sdelay $0x4  }
0x3bf: {  	v2 =	vmul.f32 v2, v3;
	_ =	sdelay $0x1  }
0x3c0: {  	[tilespmem:s8+$0x1C000] =	vst v2;
	v2 =	vld [tilespmem:s8+$0x1B010]  }
0x3c1: {  	v3 =	vld.idx.msk [tilespmem:v4+s19+$0x0], $0xffff  }
0x3c2: {  	v4 =	vld [tilespmem:s8+$0x19020];
	_ =	sdelay $0x4  }
0x3c3: {  	v2 =	vmul.f32 v3, v2;
	_ =	sdelay $0x1  }
0x3c4: {  	[tilespmem:s8+$0x1C010] =	vst v2;
	v2 =	vld [tilespmem:s8+$0x1B020]  }
0x3c5: {  	v3 =	vld.idx.msk [tilespmem:v4+s19+$0x0], $0xffff  }
0x3c6: {  	v4 =	vld [tilespmem:s8+$0x19030];
	_ =	sdelay $0x4  }
0x3c7: {  	v2 =	vmul.f32 v3, v2;
	_ =	sdelay $0x1  }
0x3c8: {  	[tilespmem:s8+$0x1C020] =	vst v2;
	v2 =	vld [tilespmem:s8+$0x1B030]  }
0x3c9: {  	v3 =	vld.idx.msk [tilespmem:v4+s19+$0x0], $0xffff  }
0x3ca: {  	v4 =	vld [tilespmem:s8+$0x19040];
	_ =	sdelay $0x3  }
.Ltmp23:
0x3cb: {  	(pc) =	sbr.rel @p4 .LBB2_47-.Ltmp23, $3  }
0x3cc: {  	v2 =	vmul.f32 v3, v2;
	_ =	sdelay $0x1  }
0x3cd: {  	[tilespmem:s8+$0x1C030] =	vst v2;
	v2 =	vld [tilespmem:s8+$0x1B040]  }
0x3ce: {  	s9 =	sshra.s32 s13, $0x2;
	s13 =	sadd.s32 $0x140, s13;
	v3 =	vld.idx.msk [tilespmem:v4+s19+$0x0], $0xffff  }
0x3cf: {  	v4 =	vld [tilespmem:s9+$0x19000];
	_ =	sdelay $0x3  }
0x3d0: {  	v2 =	vmul.f32 v3, v2;
	_ =	sdelay $0x1  }
0x3d1: {  	v3 =	vld [tilespmem:s9+$0x1B000];
	[tilespmem:s8+$0x1C040] =	vst v2  }
0x3d2: {  	v60 =	vld [tilespmem:s9+$0x19010]  }
0x3d3: {  	v2 =	vld.idx.msk [tilespmem:v4+s19+$0x0], $0xffff;
	_ =	sdelay $0x4  }
0x3d4: {  	v2 =	vmul.f32 v2, v3  }
0x3d5: {  	v61 =	vld [tilespmem:s9+$0x19020]  }
0x3d6: {  	[tilespmem:s9+$0x1C000] =	vst v2;
	v2 =	vld [tilespmem:s9+$0x1B010]  }
0x3d7: {  	v3 =	vld.idx.msk [tilespmem:v60+s19+$0x0], $0xffff;
	_ =	sdelay $0x4  }
0x3d8: {  	v2 =	vmul.f32 v3, v2  }
0x3d9: {  	v62 =	vld [tilespmem:s9+$0x19030]  }
0x3da: {  	[tilespmem:s9+$0x1C010] =	vst v2;
	v2 =	vld [tilespmem:s9+$0x1B020]  }
0x3db: {  	v3 =	vld.idx.msk [tilespmem:v61+s19+$0x0], $0xffff;
	_ =	sdelay $0x4  }
0x3dc: {  	v2 =	vmul.f32 v3, v2  }
0x3dd: {  	v63 =	vld [tilespmem:s9+$0x19040]  }
0x3de: {  	[tilespmem:s9+$0x1C020] =	vst v2;
	v2 =	vld [tilespmem:s9+$0x1B030]  }
0x3df: {  	v3 =	vld.idx.msk [tilespmem:v62+s19+$0x0], $0xffff;
	_ =	sdelay $0x4  }
0x3e0: {  	v2 =	vmul.f32 v3, v2;
	_ =	sdelay $0x1  }
0x3e1: {  	[tilespmem:s9+$0x1C030] =	vst v2;
	v2 =	vld [tilespmem:s9+$0x1B040]  }
0x3e2: {  	v3 =	vld.idx.msk [tilespmem:v63+s19+$0x0], $0xffff;
	_ =	sdelay $0x4  }
0x3e3: {  	v2 =	vmul.f32 v3, v2;
	_ =	sdelay $0x1  }
0x3e4: {  	[tilespmem:s9+$0x1C040] =	vst v2  }
0x3e5: {  	[spmem:s14] =	stream.linear.scatter [tilespmem:s20], [sflag:$0x5], $0xC80, $0x38;
	[tilespmem:$0x1FE80] =	vst v63  }
0x3e6: {  	_ =	swait.ge [sflag:s18], $0xC80  }
0x3e7: {  	[sflag:s18] =	ssyncset.done $0x0  }
0x3e8: {  	[sflag:s18] =	ssyncadd.s32 $0xFFFFF380  }
0x3e9: {  	[spmem:s15] =	stream.linear.scatter [tilespmem:s1], [sflag:$0x5], $0xC80, $0x38;
	[tilespmem:$0x1FE80] =	vst v63  }
0x3ea: {  	_ =	swait.ge [sflag:s18], $0xC80  }
0x3eb: {  	[sflag:s18] =	ssyncset.done $0x0  }
0x3ec: {  	[sflag:s18] =	ssyncadd.s32 $0xFFFFF380  }
0x3ed: {  	[bflag:$0x0] =	sbarrier.arrive $0xFFFF  }
0x3ee: {  	s8 =	simm.s32 $0x0;
	s26 =	rddreg [dreg:$0x3]  }
0x3ef: {  	[tilespmem:s8], [sflag:$0x5] =	stream.linear.gather [spmem:s26], $0xC800, $0x38;
	[tilespmem:$0x1FE80] =	vst v63  }
0x3f0: {  	_ =	swait.ge [sflag:s18], $0xC800  }
0x3f1: {  	[sflag:s18] =	ssyncset.done $0x0  }
0x3f2: {  	s10 =	rddreg [dreg:$0x11];
	[sflag:s18] =	ssyncadd.s32 $0xFFFF3800  }
0x3f3: {  	[tilespmem:s19], [sflag:$0x5] =	stream.linear.gather [spmem:s10], $0xC800, $0x38;
	[tilespmem:$0x1FE80] =	vst v63  }
0x3f4: {  	_ =	swait.ge [sflag:s18], $0xC800  }
0x3f5: {  	[sflag:s18] =	ssyncset.done $0x0  }
0x3f6: {  	s13 =	rddreg [dreg:$0x5];
	[sflag:s18] =	ssyncadd.s32 $0xFFFF3800  }
0x3f7: {  	[tilespmem:s30], [sflag:$0x1] =	stream.linear.gather [hbm4b:s13+s8], $0x7D0, $0x38;
	[tilespmem:$0x1FE80] =	vst v63  }
0x3f8: {  	s16 =	rddreg [dreg:$0x6]  }
0x3f9: {  	[tilespmem:s22], [sflag:$0x1] =	stream.linear.gather [hbm4b:s16+s8], $0x7D0, $0x38;
	[tilespmem:$0x1FE80] =	vst v63  }
0x3fa: {  	s25 =	rddreg [dreg:$0x12]  }
0x3fb: {  	[tilespmem:s31], [sflag:$0x2] =	stream.linear.gather [hbm4b:s25+s8], $0x7D0, $0x38;
	[tilespmem:$0x1FE80] =	vst v63  }
0x3fc: {  	s26 =	rddreg [dreg:$0x7]  }
0x3fd: {  	[tilespmem:s23], [sflag:$0x2] =	stream.linear.gather [hbm4b:s26+s8], $0x7D0, $0x38;
	[tilespmem:$0x1FE80] =	vst v63  }
.LBB2_49:
0x3fe: {  	p4 =	seq.s32 s8, $0x0  }
0x3ff: {  	s9 =	simm.s32 @!p4 $0x3  }
0x400: {  	_ =	swait.ge @!p4 [sflag:s9], $0x7D0  }
0x401: {  	[sflag:s9] =	ssyncset.done @!p4 $0x0  }
0x402: {  	[sflag:s9] =	ssyncadd.s32 @!p4 $0xFFFFF830  }
0x403: {  	_ =	swait.ge [sflag:s0], $0x7D0  }
0x404: {  	[sflag:s0] =	ssyncset.done $0x0  }
0x405: {  	[sflag:s0] =	ssyncadd.s32 $0xFFFFF830  }
0x406: {  	_ =	swait.ge [sflag:s0], $0x7D0  }
0x407: {  	[sflag:s0] =	ssyncset.done $0x0  }
0x408: {  	s13 =	simm.s32 $0x0;
	[sflag:s0] =	ssyncadd.s32 $0xFFFFF830  }
0x409: {  	v2 =	vld [tilespmem:s13+$0x19000]  }
0x40a: {  	v3 =	vld [tilespmem:s13+$0x1A000];
	_ =	sdelay $0x5  }
0x40b: {  	v4 =	vld [tilespmem:s13+$0x19010]  }
0x40c: {  	v2 =	vld.idx.msk [tilespmem:v2+s19+$0x0], $0xffff  }
0x40d: {  	v3 =	vld.idx.msk [tilespmem:v3+s3+$0x0], $0xffff  }
0x40e: {  	v5 =	vld [tilespmem:s13+$0x1A010];
	_ =	sdelay $0x3  }
0x40f: {  	v2 =	vmul.f32 v3, v2;
	_ =	sdelay $0x1  }
0x410: {  	[tilespmem:s13+$0x1B000] =	vst v2  }
0x411: {  	v2 =	vld.idx.msk [tilespmem:v4+s19+$0x0], $0xffff  }
0x412: {  	v3 =	vld.idx.msk [tilespmem:v5+s3+$0x0], $0xffff  }
0x413: {  	v4 =	vld [tilespmem:s13+$0x19020]  }
0x414: {  	v5 =	vld [tilespmem:s13+$0x1A020];
	_ =	sdelay $0x3  }
0x415: {  	v2 =	vmul.f32 v3, v2;
	_ =	sdelay $0x1  }
0x416: {  	[tilespmem:s13+$0x1B010] =	vst v2  }
0x417: {  	v2 =	vld.idx.msk [tilespmem:v4+s19+$0x0], $0xffff  }
0x418: {  	v3 =	vld.idx.msk [tilespmem:v5+s3+$0x0], $0xffff  }
0x419: {  	v4 =	vld [tilespmem:s13+$0x19030]  }
0x41a: {  	v5 =	vld [tilespmem:s13+$0x1A030];
	_ =	sdelay $0x3  }
0x41b: {  	v2 =	vmul.f32 v3, v2;
	_ =	sdelay $0x1  }
0x41c: {  	[tilespmem:s13+$0x1B020] =	vst v2  }
0x41d: {  	v2 =	vld.idx.msk [tilespmem:v4+s19+$0x0], $0xffff  }
0x41e: {  	v3 =	vld.idx.msk [tilespmem:v5+s3+$0x0], $0xffff  }
0x41f: {  	v4 =	vld [tilespmem:s13+$0x19040]  }
0x420: {  	v5 =	vld [tilespmem:s13+$0x1A040];
	_ =	sdelay $0x3  }
0x421: {  	v2 =	vmul.f32 v3, v2;
	_ =	sdelay $0x1  }
0x422: {  	[tilespmem:s13+$0x1B030] =	vst v2  }
0x423: {  	v4 =	vld.idx.msk [tilespmem:v4+s19+$0x0], $0xffff  }
0x424: {  	s10 =	simm.s32 $0x50;
	v5 =	vld.idx.msk [tilespmem:v5+s3+$0x0], $0xffff  }
0x425: {  	v2 =	vld [tilespmem:s10+$0x19000]  }
0x426: {  	s26 =	simm.s32 $0x280;
	v3 =	vld [tilespmem:s10+$0x1A000]  }
.LBB2_50:
0x427: {  	p5 =	sne.s32 s26, $0x1E00;
	s9 =	smov.u32 s26;
	s26 =	sadd.s32 $0x140, s26  }
0x428: {  	_ =	sdelay $0x1  }
0x429: {  	v4 =	vmul.f32 v5, v4;
	_ =	sdelay $0x1  }
0x42a: {  	v5 =	vld [tilespmem:s10+$0x1A010];
	[tilespmem:s13+$0x1B040] =	vst v4;
	s13 =	smov.u32 s10  }
0x42b: {  	v2 =	vld.idx.msk [tilespmem:v2+s19+$0x0], $0xffff  }
0x42c: {  	v3 =	vld.idx.msk [tilespmem:v3+s3+$0x0], $0xffff  }
0x42d: {  	v4 =	vld [tilespmem:s13+$0x19010];
	_ =	sdelay $0x4  }
0x42e: {  	v2 =	vmul.f32 v3, v2;
	_ =	sdelay $0x1  }
0x42f: {  	[tilespmem:s13+$0x1B000] =	vst v2;
	v2 =	vld [tilespmem:s13+$0x1A020]  }
0x430: {  	v3 =	vld.idx.msk [tilespmem:v4+s19+$0x0], $0xffff  }
0x431: {  	v4 =	vld.idx.msk [tilespmem:v5+s3+$0x0], $0xffff  }
0x432: {  	v5 =	vld [tilespmem:s13+$0x19020];
	_ =	sdelay $0x4  }
0x433: {  	v3 =	vmul.f32 v4, v3;
	_ =	sdelay $0x1  }
0x434: {  	[tilespmem:s13+$0x1B010] =	vst v3;
	v3 =	vld [tilespmem:s13+$0x1A030]  }
0x435: {  	v4 =	vld.idx.msk [tilespmem:v5+s19+$0x0], $0xffff  }
0x436: {  	v2 =	vld.idx.msk [tilespmem:v2+s3+$0x0], $0xffff  }
0x437: {  	v5 =	vld [tilespmem:s13+$0x19030];
	_ =	sdelay $0x4  }
0x438: {  	v2 =	vmul.f32 v2, v4;
	_ =	sdelay $0x1  }
0x439: {  	[tilespmem:s13+$0x1B020] =	vst v2;
	v2 =	vld [tilespmem:s13+$0x1A040]  }
0x43a: {  	v4 =	vld.idx.msk [tilespmem:v5+s19+$0x0], $0xffff  }
0x43b: {  	v3 =	vld.idx.msk [tilespmem:v3+s3+$0x0], $0xffff  }
0x43c: {  	v5 =	vld [tilespmem:s13+$0x19040];
	_ =	sdelay $0x4  }
0x43d: {  	v3 =	vmul.f32 v3, v4;
	_ =	sdelay $0x1  }
.Ltmp24:
0x43e: {  	[tilespmem:s13+$0x1B030] =	vst v3;
	(pc) =	sbr.rel @p5 .LBB2_50-.Ltmp24, $4  }
0x43f: {  	v4 =	vld.idx.msk [tilespmem:v5+s19+$0x0], $0xffff  }
0x440: {  	s10 =	sshra.s32 s9, $0x2;
	v5 =	vld.idx.msk [tilespmem:v2+s3+$0x0], $0xffff  }
0x441: {  	v2 =	vld [tilespmem:s10+$0x19000]  }
0x442: {  	v3 =	vld [tilespmem:s10+$0x1A000]  }
0x443: {  	_ =	sdelay $0x3  }
0x444: {  	v4 =	vmul.f32 v5, v4;
	_ =	sdelay $0x1  }
0x445: {  	v57 =	vld [tilespmem:s10+$0x1A010];
	[tilespmem:s13+$0x1B040] =	vst v4  }
0x446: {  	v2 =	vld.idx.msk [tilespmem:v2+s19+$0x0], $0xffff  }
0x447: {  	v3 =	vld.idx.msk [tilespmem:v3+s3+$0x0], $0xffff  }
0x448: {  	v4 =	vld [tilespmem:s10+$0x19010];
	_ =	sdelay $0x4  }
0x449: {  	v2 =	vmul.f32 v3, v2;
	_ =	sdelay $0x1  }
0x44a: {  	v58 =	vld [tilespmem:s10+$0x19020];
	[tilespmem:s10+$0x1B000] =	vst v2  }
0x44b: {  	v2 =	vld.idx.msk [tilespmem:v4+s19+$0x0], $0xffff  }
0x44c: {  	v3 =	vld.idx.msk [tilespmem:v57+s3+$0x0], $0xffff  }
0x44d: {  	v59 =	vld [tilespmem:s10+$0x1A020];
	_ =	sdelay $0x3  }
0x44e: {  	v2 =	vmul.f32 v3, v2;
	_ =	sdelay $0x1  }
0x44f: {  	v60 =	vld [tilespmem:s10+$0x19030];
	[tilespmem:s10+$0x1B010] =	vst v2  }
0x450: {  	v2 =	vld.idx.msk [tilespmem:v58+s19+$0x0], $0xffff  }
0x451: {  	v3 =	vld.idx.msk [tilespmem:v59+s3+$0x0], $0xffff  }
0x452: {  	v61 =	vld [tilespmem:s10+$0x1A030];
	_ =	sdelay $0x3  }
0x453: {  	v2 =	vmul.f32 v3, v2;
	_ =	sdelay $0x1  }
0x454: {  	v62 =	vld [tilespmem:s10+$0x19040];
	[tilespmem:s10+$0x1B020] =	vst v2  }
0x455: {  	v2 =	vld.idx.msk [tilespmem:v60+s19+$0x0], $0xffff  }
0x456: {  	v3 =	vld.idx.msk [tilespmem:v61+s3+$0x0], $0xffff  }
0x457: {  	v63 =	vld [tilespmem:s10+$0x1A040];
	_ =	sdelay $0x3  }
0x458: {  	v2 =	vmul.f32 v3, v2;
	_ =	sdelay $0x1  }
0x459: {  	[tilespmem:s10+$0x1B030] =	vst v2  }
0x45a: {  	v2 =	vld.idx.msk [tilespmem:v62+s19+$0x0], $0xffff  }
0x45b: {  	v3 =	vld.idx.msk [tilespmem:v63+s3+$0x0], $0xffff;
	_ =	sdelay $0x2  }
0x45c: {  	s13 =	smul.u32 $0xFA0, s8;
	_ =	sdelay $0x1  }
0x45d: {  	s9 =	sadd.s32 s21, s13;
	v2 =	vmul.f32 v3, v2  }
0x45e: {  	s25 =	sadd.s32 $0xFA0, s13;
	s9 =	sshrl.u32 s9, $0x3  }
0x45f: {  	s26 =	sadd.s32 s4, s25;
	s9 =	sadd.s32 s6, s9;
	[tilespmem:s10+$0x1B040] =	vst v2  }
0x460: {  	[hbm4b:s9+s3] =	stream.linear.scatter [tilespmem:s20], [sflag:$0x3], $0x7D0, $0x38;
	[tilespmem:$0x1FE80] =	vst v63  }
0x461: {  	s10 =	sshrl.u32 s26, $0x3;
	s9 =	sadd.s32 s7, s25  }
0x462: {  	s10 =	sadd.s32 s5, s10;
	s9 =	sshrl.u32 s9, $0x3  }
0x463: {  	[tilespmem:s30], [sflag:$0x1] =	stream.linear.gather [hbm4b:s10+s3], $0x7D0, $0x38;
	[tilespmem:$0x1FE80] =	vst v63  }
0x464: {  	s9 =	sadd.s32 s5, s9  }
0x465: {  	[tilespmem:s22], [sflag:$0x1] =	stream.linear.gather [hbm4b:s9+s3], $0x7D0, $0x38;
	[tilespmem:$0x1FE80] =	vst v63  }
0x466: {  	s9 =	simm.s32 @!p4 $0x4  }
0x467: {  	_ =	swait.ge @!p4 [sflag:s9], $0x7D0  }
0x468: {  	[sflag:s9] =	ssyncset.done @!p4 $0x0  }
0x469: {  	[sflag:s9] =	ssyncadd.s32 @!p4 $0xFFFFF830  }
0x46a: {  	_ =	swait.ge [sflag:s2], $0x7D0  }
0x46b: {  	[sflag:s2] =	ssyncset.done $0x0  }
0x46c: {  	[sflag:s2] =	ssyncadd.s32 $0xFFFFF830  }
0x46d: {  	_ =	swait.ge [sflag:s2], $0x7D0  }
0x46e: {  	s26 =	simm.s32 $0x1A810;
	s25 =	simm.s32 $0x1B810;
	[sflag:s2] =	ssyncset.done $0x0  }
0x46f: {  	s10 =	simm.s32 $0x19810;
	s9 =	simm.s32 $0x0;
	[sflag:s2] =	ssyncadd.s32 $0xFFFFF830  }
.LBB2_52:
0x470: {  	v2 =	vld [tilespmem:s10+$0xFFFFFFC0]  }
0x471: {  	v3 =	vld [tilespmem:s26+$0xFFFFFFC0];
	_ =	sdelay $0x6  }
0x472: {  	v2 =	vld.idx.msk [tilespmem:v2+s19+$0x0], $0xffff  }
0x473: {  	v3 =	vld.idx.msk [tilespmem:v3+s3+$0x0], $0xffff;
	_ =	sdelay $0x4  }
0x474: {  	v2 =	vmul.f32 v3, v2;
	_ =	sdelay $0x1  }
0x475: {  	[tilespmem:s25+$0xFFFFFFC0] =	vst v2  }
0x476: {  	v2 =	vld [tilespmem:s10+$0xFFFFFFD0]  }
0x477: {  	v3 =	vld [tilespmem:s26+$0xFFFFFFD0];
	_ =	sdelay $0x6  }
0x478: {  	v2 =	vld.idx.msk [tilespmem:v2+s19+$0x0], $0xffff  }
0x479: {  	v3 =	vld.idx.msk [tilespmem:v3+s3+$0x0], $0xffff;
	_ =	sdelay $0x4  }
0x47a: {  	v2 =	vmul.f32 v3, v2;
	_ =	sdelay $0x1  }
0x47b: {  	[tilespmem:s25+$0xFFFFFFD0] =	vst v2  }
0x47c: {  	v2 =	vld [tilespmem:s10+$0xFFFFFFE0]  }
0x47d: {  	v3 =	vld [tilespmem:s26+$0xFFFFFFE0];
	_ =	sdelay $0x6  }
0x47e: {  	v2 =	vld.idx.msk [tilespmem:v2+s19+$0x0], $0xffff  }
0x47f: {  	v3 =	vld.idx.msk [tilespmem:v3+s3+$0x0], $0xffff;
	_ =	sdelay $0x4  }
0x480: {  	v2 =	vmul.f32 v3, v2;
	_ =	sdelay $0x1  }
0x481: {  	s16 =	sand.u32 $0xFF0, s9;
	[tilespmem:s25+$0xFFFFFFE0] =	vst v2  }
0x482: {  	v2 =	vld [tilespmem:s16+$0x19800]  }
0x483: {  	v3 =	vld [tilespmem:s16+$0x1A800];
	_ =	sdelay $0x6  }
0x484: {  	v2 =	vld.idx.msk [tilespmem:v2+s19+$0x0], $0xffff  }
0x485: {  	v3 =	vld.idx.msk [tilespmem:v3+s3+$0x0], $0xffff;
	_ =	sdelay $0x4  }
0x486: {  	v2 =	vmul.f32 v3, v2;
	_ =	sdelay $0x1  }
0x487: {  	[tilespmem:s16+$0x1B800] =	vst v2  }
0x488: {  	v2 =	vld [tilespmem:s10+$0x0]  }
0x489: {  	v3 =	vld [tilespmem:s26+$0x0];
	_ =	sdelay $0x6  }
0x48a: {  	v2 =	vld.idx.msk [tilespmem:v2+s19+$0x0], $0xffff  }
0x48b: {  	v3 =	vld.idx.msk [tilespmem:v3+s3+$0x0], $0xffff;
	_ =	sdelay $0x1  }
0x48c: {  	p4 =	sne.s32 s9, $0x780  }
.Ltmp25:
0x48d: {  	_ = 	snop;
	(pc) =	sbr.rel @p4 .LBB2_52-.Ltmp25, $4  }
0x48e: {  	_ = 	snop  }
0x48f: {  	v2 =	vmul.f32 v3, v2  }
0x490: {  	s9 =	sadd.s32 $0x50, s9  }
0x491: {  	s10 =	sadd.s32 $0x50, s10;
	s26 =	sadd.s32 $0x50, s26;
	[tilespmem:s25+$0x0] =	vst v2;
	s25 =	sadd.s32 $0x50, s25  }
0x492: {  	p4 =	seq.s32 s8, $0xB  }
.Ltmp26:
0x493: {  	_ = 	snop;
	(pc) =	sbr.rel @p4 .LBB2_55-.Ltmp26, $4  }
0x494: {  	s9 =	sadd.s32 s13, s29  }
0x495: {  	s9 =	sshrl.u32 s9, $0x3  }
0x496: {  	s9 =	sadd.s32 s6, s9  }
0x497: {  	[hbm4b:s9+s3] =	stream.linear.scatter [tilespmem:s24], [sflag:$0x4], $0x7D0, $0x38;
	[tilespmem:$0x1FE80] =	vst v63  }
0x498: {  	s9 =	sadd.s32 $0x1770, s13  }
0x499: {  	s10 =	sadd.s32 s4, s9  }
.Ltmp27:
0x49a: {  	s9 =	sadd.s32 s7, s9;
	s10 =	sshrl.u32 s10, $0x3;
	(pc) =	sbr.rel .LBB2_49-.Ltmp27, $4  }
0x49b: {  	s9 =	sshrl.u32 s9, $0x3;
	s10 =	sadd.s32 s5, s10  }
0x49c: {  	[tilespmem:s31], [sflag:$0x2] =	stream.linear.gather [hbm4b:s10+s3], $0x7D0, $0x38;
	[tilespmem:$0x1FE80] =	vst v63  }
0x49d: {  	s8 =	sadd.s32 $0x1, s8;
	s9 =	sadd.s32 s5, s9  }
0x49e: {  	[tilespmem:s23], [sflag:$0x2] =	stream.linear.gather [hbm4b:s9+s3], $0x7D0, $0x38;
	[tilespmem:$0x1FE80] =	vst v63  }
.LBB2_55:
0x49f: {  	s8 =	simm.s32 $0x3  }
0x4a0: {  	_ =	swait.ge [sflag:s8], $0x7D0  }
0x4a1: {  	[sflag:s8] =	ssyncset.done $0x0  }
0x4a2: {  	s26 =	simm.s32 $0x4;
	[sflag:s8] =	ssyncadd.s32 $0xFFFFF830  }
0x4a3: {  	_ =	swait.ge [sflag:s26], $0x7D0  }
0x4a4: {  	[sflag:s26] =	ssyncset.done $0x0  }
0x4a5: {  	[sflag:s26] =	ssyncadd.s32 $0xFFFFF830  }
0x4a6: {  	_ =	swait.ge [sflag:s0], $0x7D0  }
0x4a7: {  	[sflag:s0] =	ssyncset.done $0x0  }
0x4a8: {  	[sflag:s0] =	ssyncadd.s32 $0xFFFFF830  }
0x4a9: {  	_ =	swait.ge [sflag:s0], $0x7D0  }
0x4aa: {  	[sflag:s0] =	ssyncset.done $0x0  }
0x4ab: {  	s8 =	simm.s32 $0x0;
	[sflag:s0] =	ssyncadd.s32 $0xFFFFF830  }
0x4ac: {  	v2 =	vld [tilespmem:s8+$0x19000]  }
0x4ad: {  	v3 =	vld [tilespmem:s8+$0x1A000];
	_ =	sdelay $0x5  }
0x4ae: {  	v4 =	vld [tilespmem:s8+$0x19010]  }
0x4af: {  	v2 =	vld.idx.msk [tilespmem:v2+s19+$0x0], $0xffff  }
0x4b0: {  	v3 =	vld.idx.msk [tilespmem:v3+s3+$0x0], $0xffff  }
0x4b1: {  	v5 =	vld [tilespmem:s8+$0x1A010];
	_ =	sdelay $0x3  }
0x4b2: {  	v2 =	vmul.f32 v3, v2;
	_ =	sdelay $0x1  }
0x4b3: {  	[tilespmem:s8+$0x1B000] =	vst v2  }
0x4b4: {  	v2 =	vld.idx.msk [tilespmem:v4+s19+$0x0], $0xffff  }
0x4b5: {  	v3 =	vld.idx.msk [tilespmem:v5+s3+$0x0], $0xffff  }
0x4b6: {  	v4 =	vld [tilespmem:s8+$0x19020]  }
0x4b7: {  	v5 =	vld [tilespmem:s8+$0x1A020];
	_ =	sdelay $0x3  }
0x4b8: {  	v2 =	vmul.f32 v3, v2;
	_ =	sdelay $0x1  }
0x4b9: {  	[tilespmem:s8+$0x1B010] =	vst v2  }
0x4ba: {  	v2 =	vld.idx.msk [tilespmem:v4+s19+$0x0], $0xffff  }
0x4bb: {  	v3 =	vld.idx.msk [tilespmem:v5+s3+$0x0], $0xffff  }
0x4bc: {  	v4 =	vld [tilespmem:s8+$0x19030]  }
0x4bd: {  	v5 =	vld [tilespmem:s8+$0x1A030];
	_ =	sdelay $0x3  }
0x4be: {  	v2 =	vmul.f32 v3, v2;
	_ =	sdelay $0x1  }
0x4bf: {  	[tilespmem:s8+$0x1B020] =	vst v2  }
0x4c0: {  	v2 =	vld.idx.msk [tilespmem:v4+s19+$0x0], $0xffff  }
0x4c1: {  	v3 =	vld.idx.msk [tilespmem:v5+s3+$0x0], $0xffff  }
0x4c2: {  	v4 =	vld [tilespmem:s8+$0x19040]  }
0x4c3: {  	v5 =	vld [tilespmem:s8+$0x1A040];
	_ =	sdelay $0x3  }
0x4c4: {  	v2 =	vmul.f32 v3, v2;
	_ =	sdelay $0x1  }
0x4c5: {  	[tilespmem:s8+$0x1B030] =	vst v2  }
0x4c6: {  	v4 =	vld.idx.msk [tilespmem:v4+s19+$0x0], $0xffff  }
0x4c7: {  	s10 =	simm.s32 $0x50;
	v5 =	vld.idx.msk [tilespmem:v5+s3+$0x0], $0xffff  }
0x4c8: {  	v2 =	vld [tilespmem:s10+$0x19000]  }
0x4c9: {  	s13 =	simm.s32 $0x280;
	s26 =	smov.u32 s17;
	v3 =	vld [tilespmem:s10+$0x1A000]  }
.LBB2_56:
0x4ca: {  	p4 =	sne.s32 s13, $0x1E00;
	s9 =	smov.u32 s13;
	s13 =	sadd.s32 $0x140, s13  }
0x4cb: {  	_ =	sdelay $0x1  }
0x4cc: {  	v4 =	vmul.f32 v5, v4;
	_ =	sdelay $0x1  }
0x4cd: {  	v5 =	vld [tilespmem:s10+$0x1A010];
	[tilespmem:s8+$0x1B040] =	vst v4;
	s8 =	smov.u32 s10  }
0x4ce: {  	v2 =	vld.idx.msk [tilespmem:v2+s19+$0x0], $0xffff  }
0x4cf: {  	v3 =	vld.idx.msk [tilespmem:v3+s3+$0x0], $0xffff  }
0x4d0: {  	v4 =	vld [tilespmem:s8+$0x19010];
	_ =	sdelay $0x4  }
0x4d1: {  	v2 =	vmul.f32 v3, v2;
	_ =	sdelay $0x1  }
0x4d2: {  	[tilespmem:s8+$0x1B000] =	vst v2;
	v2 =	vld [tilespmem:s8+$0x1A020]  }
0x4d3: {  	v3 =	vld.idx.msk [tilespmem:v4+s19+$0x0], $0xffff  }
0x4d4: {  	v4 =	vld.idx.msk [tilespmem:v5+s3+$0x0], $0xffff  }
0x4d5: {  	v5 =	vld [tilespmem:s8+$0x19020];
	_ =	sdelay $0x4  }
0x4d6: {  	v3 =	vmul.f32 v4, v3;
	_ =	sdelay $0x1  }
0x4d7: {  	[tilespmem:s8+$0x1B010] =	vst v3;
	v3 =	vld [tilespmem:s8+$0x1A030]  }
0x4d8: {  	v4 =	vld.idx.msk [tilespmem:v5+s19+$0x0], $0xffff  }
0x4d9: {  	v2 =	vld.idx.msk [tilespmem:v2+s3+$0x0], $0xffff  }
0x4da: {  	v5 =	vld [tilespmem:s8+$0x19030];
	_ =	sdelay $0x4  }
0x4db: {  	v2 =	vmul.f32 v2, v4;
	_ =	sdelay $0x1  }
0x4dc: {  	[tilespmem:s8+$0x1B020] =	vst v2;
	v2 =	vld [tilespmem:s8+$0x1A040]  }
0x4dd: {  	v4 =	vld.idx.msk [tilespmem:v5+s19+$0x0], $0xffff  }
0x4de: {  	v3 =	vld.idx.msk [tilespmem:v3+s3+$0x0], $0xffff  }
0x4df: {  	v5 =	vld [tilespmem:s8+$0x19040];
	_ =	sdelay $0x4  }
0x4e0: {  	v3 =	vmul.f32 v3, v4;
	_ =	sdelay $0x1  }
.Ltmp28:
0x4e1: {  	[tilespmem:s8+$0x1B030] =	vst v3;
	(pc) =	sbr.rel @p4 .LBB2_56-.Ltmp28, $4  }
0x4e2: {  	v4 =	vld.idx.msk [tilespmem:v5+s19+$0x0], $0xffff  }
0x4e3: {  	s10 =	sshra.s32 s9, $0x2;
	v5 =	vld.idx.msk [tilespmem:v2+s3+$0x0], $0xffff  }
0x4e4: {  	v2 =	vld [tilespmem:s10+$0x19000]  }
0x4e5: {  	v3 =	vld [tilespmem:s10+$0x1A000]  }
0x4e6: {  	_ =	sdelay $0x3  }
0x4e7: {  	v4 =	vmul.f32 v5, v4;
	_ =	sdelay $0x1  }
0x4e8: {  	v57 =	vld [tilespmem:s10+$0x1A010];
	[tilespmem:s8+$0x1B040] =	vst v4  }
0x4e9: {  	v2 =	vld.idx.msk [tilespmem:v2+s19+$0x0], $0xffff  }
0x4ea: {  	v3 =	vld.idx.msk [tilespmem:v3+s3+$0x0], $0xffff  }
0x4eb: {  	v4 =	vld [tilespmem:s10+$0x19010];
	_ =	sdelay $0x4  }
0x4ec: {  	v2 =	vmul.f32 v3, v2;
	_ =	sdelay $0x1  }
0x4ed: {  	v58 =	vld [tilespmem:s10+$0x19020];
	[tilespmem:s10+$0x1B000] =	vst v2  }
0x4ee: {  	v2 =	vld.idx.msk [tilespmem:v4+s19+$0x0], $0xffff  }
0x4ef: {  	v3 =	vld.idx.msk [tilespmem:v57+s3+$0x0], $0xffff  }
0x4f0: {  	v59 =	vld [tilespmem:s10+$0x1A020];
	_ =	sdelay $0x3  }
0x4f1: {  	v2 =	vmul.f32 v3, v2;
	_ =	sdelay $0x1  }
0x4f2: {  	v60 =	vld [tilespmem:s10+$0x19030];
	[tilespmem:s10+$0x1B010] =	vst v2  }
0x4f3: {  	v2 =	vld.idx.msk [tilespmem:v58+s19+$0x0], $0xffff  }
0x4f4: {  	v3 =	vld.idx.msk [tilespmem:v59+s3+$0x0], $0xffff  }
0x4f5: {  	v61 =	vld [tilespmem:s10+$0x1A030];
	_ =	sdelay $0x3  }
0x4f6: {  	v2 =	vmul.f32 v3, v2;
	_ =	sdelay $0x1  }
0x4f7: {  	v62 =	vld [tilespmem:s10+$0x19040];
	[tilespmem:s10+$0x1B020] =	vst v2  }
0x4f8: {  	v2 =	vld.idx.msk [tilespmem:v60+s19+$0x0], $0xffff  }
0x4f9: {  	v3 =	vld.idx.msk [tilespmem:v61+s3+$0x0], $0xffff  }
0x4fa: {  	v63 =	vld [tilespmem:s10+$0x1A040];
	_ =	sdelay $0x3  }
0x4fb: {  	v2 =	vmul.f32 v3, v2;
	_ =	sdelay $0x1  }
0x4fc: {  	[tilespmem:s10+$0x1B030] =	vst v2  }
0x4fd: {  	v2 =	vld.idx.msk [tilespmem:v62+s19+$0x0], $0xffff  }
0x4fe: {  	v3 =	vld.idx.msk [tilespmem:v63+s3+$0x0], $0xffff;
	_ =	sdelay $0x4  }
0x4ff: {  	v2 =	vmul.f32 v3, v2;
	_ =	sdelay $0x1  }
0x500: {  	s17 =	rddreg [dreg:$0xf];
	s9 =	simm.s32 $0x3;
	[tilespmem:s10+$0x1B040] =	vst v2  }
0x501: {  	[hbm4b:s17+s3] =	stream.linear.scatter [tilespmem:s20], [sflag:$0x3], $0x7D0, $0x38;
	[tilespmem:$0x1FE80] =	vst v63  }
0x502: {  	_ =	swait.ge [sflag:s9], $0x7D0  }
0x503: {  	s28 =	sadd.s32 $0x1, s28;
	s25 =	rddreg [dreg:$0x10]  }
0x504: {  	p4 =	sne.s32 s28, s25  }
.Ltmp29:
0x505: {  	_ = 	snop;
	(pc) =	sbr.rel @p4 .LBB2_1-.Ltmp29, $3  }
0x506: {  	_ =	sdelay $0x1  }
0x507: {  	[sflag:s9] =	ssyncset.done $0x0  }
0x508: {  	[sflag:s9] =	ssyncadd.s32 $0xFFFFF830  }
0x509: {  	_ =	sfence.sel $0x180000  }
0x50a: {  	[bflag:$0x0] =	sbarrier.arrive $0xFFFF  }
0x50b: {  	_ =	strace $0x90000047  }
0x50c: {  	s0 =	stileid.u32;
	[bflag:$0x2] =	sbarrier.arrive $0xFFFF  }
0x50d: {  	p0 =	sne.s32 s0, $0x0;
	s0 =	rddreg [dreg:$0x4]  }
0x50e: {  	s0 =	sadd.s32 @!p0 $0x100000, s0  }
0x50f: {  	[sflag:s0] =	ssyncadd.tile.s32 @!p0 $0x1;
	_ =	shalt  }
.Lfunc_end2:
_tile_overlayer_lowered:
.L_overlay_start_2:
0x510: {  	(tag) =	ssettag $0x2  }
0x511: {  	s0 =	rddreg [dreg:$0x0];
	s2 =	stileid.u32  }
0x512: {  	s1 =	rddreg [dreg:$0x1];
	p0 =	sne.s32 s2, $0x0  }
0x513: {  	s3 =	rddreg [dreg:$0x2];
	[bflag:$0x3] =	sbarrier.arrive $0xFFFF;
	s2 =	simm.s32 @!p0 $0x1C05  }
0x514: {  	[timem:s3], [sflag:s2] =	dma.local @!p0 [hbm:s0], s1  }
0x515: {  	s0 =	simm.s32 @!p0 $0x5  }
0x516: {  	_ =	swait.ge @!p0 [sflag:s0], s1  }
0x517: {  	s1 =	ssub.s32 @!p0 $0x0, s1;
	[sflag:s0] =	ssyncset.done @!p0 $0x0  }
0x518: {  	[sflag:s0] =	ssyncadd.s32 @!p0 s1  }
0x519: {  	[bflag:$0x3] =	sbarrier.arrive $0xFFFF  }
0x51a: {  	_ =	shalt  }

</sc_bundles>
